<compile_context>
chip_gen: v7x
topology: tpu7x:2x2x1
jax: 0.10.2.dev20260603
libtpu: 0.0.44.dev20260713+nightly
codegen_flags: <defaults>
</compile_context>

<pallas_src>
import functools
import jax
import jax.numpy as jnp
from jax import lax
from jax.experimental import pallas as pl
from jax.experimental.pallas import tpu as pltpu
from jax.experimental.pallas import tpu_sc as plsc

N = 10000
NP = 10240
E = 320000
D = 128
DH = D // 2
NC = 2
NS = 16
K = 80
EPT = E // NS
NCHUNK = EPT // K
G = 10
PH1 = 130
PH2 = 120
NGROUP = NCHUNK // G
RPT = NP // NS

DCHUNK = NCHUNK // NC
DG = 5
DNGROUP = DCHUNK // DG


def _mesh():
    return plsc.VectorSubcoreMesh(core_axis_name="c", subcore_axis_name="s")


_SC_PARAMS = pltpu.CompilerParams(use_tc_tiling_on_sc=False)


def _deg_body(ei_hbm, ones_hbm, zros_hbm, out_hbm, idx_v, ones_v, acc_sh, sem):
    cid = lax.axis_index("c")
    sid = lax.axis_index("s")
    rs = pl.ds(sid * RPT, RPT)
    pltpu.sync_copy(zros_hbm, acc_sh.at[rs])
    pltpu.sync_copy(ones_hbm, ones_v)
    pltpu.sync_copy(ei_hbm.at[NS + sid, pl.ds(cid * DCHUNK, DCHUNK)], idx_v)
    plsc.subcore_barrier()

    def group(gi, carry):
        c0 = gi * DG
        ds = [
            pltpu.async_copy(ones_v, acc_sh.at[idx_v.at[c0 + j]], sem, add=True)
            for j in range(DG)
        ]
        for d in ds:
            d.wait()
        return carry

    lax.fori_loop(0, DNGROUP, group, 0)
    plsc.subcore_barrier()
    pltpu.sync_copy(acc_sh.at[rs], out_hbm.at[cid, rs])


def _deg_call(ei3, ones_blk, zros16):
    fn = pl.kernel(
        _deg_body,
        out_type=jax.ShapeDtypeStruct((NC, NP, 16), jnp.float32),
        mesh=_mesh(),
        scratch_types=[
            pltpu.VMEM((DCHUNK, K), jnp.int32),
            pltpu.VMEM((K, 16), jnp.float32),
            pltpu.VMEM_SHARED((NP, 16), jnp.float32),
            pltpu.SemaphoreType.DMA,
        ],
        compiler_params=_SC_PARAMS,
    )
    return fn(ei3, ones_blk, zros16)


def _agg_body(g_hbm, ei_hbm, out_hbm,
              sidx_v, didx_v, rows_v, acc_sh, sem_g, sem_s):
    cid = lax.axis_index("c")
    sid = lax.axis_index("s")
    rs = pl.ds(sid * RPT, RPT)

    pltpu.sync_copy(g_hbm.at[cid, rs], acc_sh.at[rs])
    plsc.subcore_barrier()

    def run_phase(c_base, nch):
        pltpu.sync_copy(ei_hbm.at[sid, pl.ds(c_base, nch)],
                        sidx_v.at[pl.ds(0, nch)])
        pltpu.sync_copy(ei_hbm.at[NS + sid, pl.ds(c_base, nch)],
                        didx_v.at[pl.ds(0, nch)])

        def group(gi, carry):
            c0 = gi * G
            gds = [
                pltpu.async_copy(g_hbm.at[cid].at[sidx_v.at[c0 + j]],
                                 rows_v.at[j], sem_g)
                for j in range(G)
            ]
            sds = []
            for j in range(G):
                gds[j].wait()
                sds.append(
                    pltpu.async_copy(rows_v.at[j], acc_sh.at[didx_v.at[c0 + j]],
                                     sem_s, add=True))
            for d in sds:
                d.wait()
            return carry

        lax.fori_loop(0, nch // G, group, 0)

    run_phase(0, PH1)
    run_phase(PH1, PH2)
    plsc.subcore_barrier()
    pltpu.sync_copy(acc_sh.at[rs], out_hbm.at[cid, rs])


def _agg_call(gsplit, ei3):
    fn = pl.kernel(
        _agg_body,
        out_type=jax.ShapeDtypeStruct((NC, NP, DH), jnp.float32),
        mesh=_mesh(),
        scratch_types=[
            pltpu.VMEM((PH1, K), jnp.int32),
            pltpu.VMEM((PH1, K), jnp.int32),
            pltpu.VMEM((G, K, DH), jnp.float32),
            pltpu.VMEM_SHARED((NP, DH), jnp.float32),
            pltpu.SemaphoreType.DMA,
            pltpu.SemaphoreType.DMA,
        ],
        compiler_params=_SC_PARAMS,
    )
    return fn(gsplit, ei3)


def _xw_body(x_ref, w_ref, xw_ref):
    xw_ref[...] = jnp.dot(x_ref[...], w_ref[...],
                          preferred_element_type=jnp.float32)


def _tc1_body(xw_ref, p0_ref, p1_ref, g_ref, dis_ref):
    deg = p0_ref[...] + p1_ref[...] + 1.0
    dis = lax.rsqrt(deg)
    p = dis[:N] * xw_ref[...]
    pad = jnp.zeros((NP - N, DH), jnp.float32)
    g_ref[0] = jnp.concatenate([p[:, :DH], pad], axis=0)
    g_ref[1] = jnp.concatenate([p[:, DH:], pad], axis=0)
    dis_ref[...] = dis


def _tc2_body(agg_ref, dis_ref, b_ref, w_ref, g2_ref):
    dis = dis_ref[...]
    a = jnp.concatenate([agg_ref[0], agg_ref[1]], axis=1)
    h = jnp.maximum(dis * a + b_ref[...], 0.0)
    p = dis * jnp.dot(h, w_ref[...], preferred_element_type=jnp.float32)
    g2_ref[0] = p[:, :DH]
    g2_ref[1] = p[:, DH:]


def _tc3_body(agg_ref, dis_ref, b_ref, wfc_ref, bfc_ref, o_ref):
    dis = dis_ref[...]
    a = jnp.concatenate([agg_ref[0], agg_ref[1]], axis=1)
    h = jnp.maximum(dis * a + b_ref[...], 0.0)
    s = jnp.dot(h, wfc_ref[...], preferred_element_type=jnp.float32) + bfc_ref[...]
    o_ref[...] = jax.nn.sigmoid(s)


def kernel(x, edge_index, W1, b1, W2, b2, Wfc, bfc):
    ei3 = edge_index.reshape(2 * NS, NCHUNK, K)
    ones_blk = jnp.ones((K, 16), jnp.float32)
    zros16 = jnp.zeros((RPT, 16), jnp.float32)

    xw = pl.pallas_call(
        _xw_body,
        out_shape=jax.ShapeDtypeStruct((N, D), jnp.float32),
    )(x, W1)

    degout = _deg_call(ei3, ones_blk, zros16)
    p0 = degout[0, :, 0:1]
    p1 = degout[1, :, 0:1]

    g1, dis = pl.pallas_call(
        _tc1_body,
        out_shape=[
            jax.ShapeDtypeStruct((NC, NP, DH), jnp.float32),
            jax.ShapeDtypeStruct((NP, 1), jnp.float32),
        ],
    )(xw, p0, p1)

    agg1 = _agg_call(g1, ei3)

    g2 = pl.pallas_call(
        _tc2_body,
        out_shape=jax.ShapeDtypeStruct((NC, NP, DH), jnp.float32),
    )(agg1, dis, b1.reshape(1, D), W2)

    agg2 = _agg_call(g2, ei3)

    out = pl.pallas_call(
        _tc3_body,
        out_shape=jax.ShapeDtypeStruct((NP, 1), jnp.float32),
    )(agg2, dis, b2.reshape(1, D), Wfc, bfc.reshape(1, 1))
    return out[:N]

# --- scband reference (transcript-rebuilt; emitter-appended) ---
"""Pipeline reference for scband-mesh-gnn-16003048145307 (READ-ONLY COPY).

The authoritative reference and input builder live on the scoring server;
editing this copy changes nothing except your own understanding.
"""

import jax, jax.numpy as jnp
import numpy as np

N = 10000
E = 320000
D_IN = 128
D_H = 128
D_OUT = 1


def setup_inputs(seed: int = 0):
    key = jax.random.key(seed)
    ks = jax.random.split(key, 8)
    x = jax.random.normal(ks[0], (N, D_IN), dtype=jnp.float32)
    edge_index = jax.random.randint(ks[1], (2, E), 0, N, dtype=jnp.int32)
    W1 = jax.random.normal(ks[2], (D_IN, D_H), dtype=jnp.float32) * (1.0 / np.sqrt(D_IN))
    b1 = jnp.zeros((D_H,), dtype=jnp.float32)
    W2 = jax.random.normal(ks[3], (D_H, D_H), dtype=jnp.float32) * (1.0 / np.sqrt(D_H))
    b2 = jnp.zeros((D_H,), dtype=jnp.float32)
    Wfc = jax.random.normal(ks[4], (D_H, D_OUT), dtype=jnp.float32) * (1.0 / np.sqrt(D_H))
    bfc = jnp.zeros((D_OUT,), dtype=jnp.float32)
    return {"x": x, "edge_index": edge_index, "W1": W1, "b1": b1, "W2": W2, "b2": b2, "Wfc": Wfc, "bfc": bfc}


def gcn_conv(x, edge_index, W, b):
    # PyG-style GCNConv: x' = D^{-1/2} (A + I) D^{-1/2} X W + b
    n = x.shape[0]
    loop = jnp.arange(n, dtype=edge_index.dtype)
    src = jnp.concatenate([edge_index[0], loop])
    dst = jnp.concatenate([edge_index[1], loop])
    deg = jnp.zeros((n,), dtype=x.dtype).at[dst].add(1.0)
    deg_inv_sqrt = jnp.where(deg > 0, deg ** -0.5, 0.0)
    norm = deg_inv_sqrt[src] * deg_inv_sqrt[dst]
    h = x @ W
    msg = jnp.take(h, src, axis=0) * norm[:, None]
    out = jnp.zeros((n, W.shape[1]), dtype=x.dtype).at[dst].add(msg)
    return out + b


def reference(x, edge_index, W1, b1, W2, b2, Wfc, bfc):
    h = jax.nn.relu(gcn_conv(x, edge_index, W1, b1))
    h = jax.nn.relu(gcn_conv(h, edge_index, W2, b2))
    scores = h @ Wfc + bfc
    sampling_prob = jax.nn.sigmoid(scores)
    return sampling_prob

if __name__ == "__main__":
    import jax
    _d = setup_inputs()
    print(jax.jit(kernel)(*tuple(_d.values())))

</pallas_src>

<mosaic_0001>
#map = affine_map<(d0, d1) -> (0, 0, 0)>
module attributes {stable_mosaic.version = 14 : i64} {
  func.func @_agg_body(%arg0: i32, %arg1: i32, %arg2: memref<2x10240x64xf32, #tpu.memory_space<hbm>>, %arg3: memref<32x250x80xi32, #tpu.memory_space<hbm>>, %arg4: memref<2x10240x64xf32, #tpu.memory_space<hbm>>, %arg5: memref<130x80xi32, #tpu.memory_space<vmem>>, %arg6: memref<130x80xi32, #tpu.memory_space<vmem>>, %arg7: memref<10x80x64xf32, #tpu.memory_space<vmem>>, %arg8: memref<10240x64xf32, #tpu.memory_space<vmem_shared>>, %arg9: memref<!tpu.dma_semaphore, #tpu.memory_space<semaphore_mem>>, %arg10: memref<!tpu.dma_semaphore, #tpu.memory_space<semaphore_mem>>) attributes {dimension_semantics = [#tpu.dimension_semantics<core_parallel>, #tpu.dimension_semantics<subcore_parallel>], iteration_bounds = array<i64: 2, 16>, scalar_prefetch = 0 : i64, scratch_operands = 6 : i64, tpu.core_type = #tpu.core_type<sc_vector_subcore>, window_params = [{transform_indices = #map}, {transform_indices = #map}, {transform_indices = #map}]} {
    %mul3A = arith.constant 640 : i32
    %mul3A_0 = arith.muli %arg1, %mul3A : i32
    "tpu.region"() ({
      %run_scoped3A = tpu.sem_alloc : memref<!tpu.dma_semaphore, #tpu.memory_space<semaphore_mem>>
      %dma_start3A = arith.constant 0 : i32
      %dma_start3A_16 = tpu.memref_slice %arg8[%mul3A_0, %dma_start3A] : memref<10240x64xf32, #tpu.memory_space<vmem_shared>> -> memref<640x64xf32, #tpu.memory_space<vmem_shared>>
      %dma_start3A_17 = arith.constant 0 : i32
      %dma_start3A_18 = tpu.memref_slice %arg2[%arg0, %mul3A_0, %dma_start3A_17] : memref<2x10240x64xf32, #tpu.memory_space<hbm>> -> memref<1x640x64xf32, #tpu.memory_space<hbm>>
      %dma_start3A_19 = tpu.memref_squeeze %dma_start3A_18 : memref<1x640x64xf32, #tpu.memory_space<hbm>> -> memref<640x64xf32, #tpu.memory_space<hbm>>
      tpu.enqueue_dma source(%dma_start3A_19 : memref<640x64xf32, #tpu.memory_space<hbm>>) target(%dma_start3A_16 : memref<640x64xf32, #tpu.memory_space<vmem_shared>>) target_semaphore(%run_scoped3A : memref<!tpu.dma_semaphore, #tpu.memory_space<semaphore_mem>>)
      %dma_wait3A = arith.constant 0 : i32
      %dma_wait3A_20 = tpu.memref_slice %arg8[%mul3A_0, %dma_wait3A] : memref<10240x64xf32, #tpu.memory_space<vmem_shared>> -> memref<640x64xf32, #tpu.memory_space<vmem_shared>>
      %dma_wait3A_21 = arith.constant 0 : i32
      %dma_wait3A_22 = tpu.memref_slice %arg2[%arg0, %mul3A_0, %dma_wait3A_21] : memref<2x10240x64xf32, #tpu.memory_space<hbm>> -> memref<1x640x64xf32, #tpu.memory_space<hbm>>
      %dma_wait3A_23 = tpu.memref_squeeze %dma_wait3A_22 : memref<1x640x64xf32, #tpu.memory_space<hbm>> -> memref<640x64xf32, #tpu.memory_space<hbm>>
      tpu.wait_dma2 semaphore(%run_scoped3A : memref<!tpu.dma_semaphore, #tpu.memory_space<semaphore_mem>>) src(%dma_wait3A_23 : memref<640x64xf32, #tpu.memory_space<hbm>>) dst(%dma_wait3A_20 : memref<640x64xf32, #tpu.memory_space<vmem_shared>>)
      tpu.yield
    }) : () -> ()
    %barrier3A = arith.constant 0 : index
    tpu.barrier barrier_id(%barrier3A)
    "tpu.region"() ({
      %run_scoped3A = tpu.sem_alloc : memref<!tpu.dma_semaphore, #tpu.memory_space<semaphore_mem>>
      %dma_start3A = arith.constant 0 : i32
      %dma_start3A_16 = arith.constant 0 : i32
      %dma_start3A_17 = tpu.memref_slice %arg5[%dma_start3A, %dma_start3A_16] : memref<130x80xi32, #tpu.memory_space<vmem>> -> memref<130x80xi32, #tpu.memory_space<vmem>>
      %dma_start3A_18 = arith.constant 0 : i32
      %dma_start3A_19 = arith.constant 0 : i32
      %dma_start3A_20 = tpu.memref_slice %arg3[%arg1, %dma_start3A_18, %dma_start3A_19] : memref<32x250x80xi32, #tpu.memory_space<hbm>> -> memref<1x130x80xi32, #tpu.memory_space<hbm>>
      %dma_start3A_21 = tpu.memref_squeeze %dma_start3A_20 : memref<1x130x80xi32, #tpu.memory_space<hbm>> -> memref<130x80xi32, #tpu.memory_space<hbm>>
      %dma_start3A_22 = arith.constant 0 : i32
      %dma_start3A_23 = arith.constant 0 : i32
      %dma_start3A_24 = tpu.memref_slice %arg5[%dma_start3A_22, %dma_start3A_23] : memref<130x80xi32, #tpu.memory_space<vmem>> -> memref<130x80xi32, #tpu.memory_space<vmem>>
      %dma_start3A_25 = arith.constant 0 : i32
      %dma_start3A_26 = arith.constant 0 : i32
      %dma_start3A_27 = tpu.memref_slice %arg3[%arg1, %dma_start3A_25, %dma_start3A_26] : memref<32x250x80xi32, #tpu.memory_space<hbm>> -> memref<1x130x80xi32, #tpu.memory_space<hbm>>
      %dma_start3A_28 = tpu.memref_squeeze %dma_start3A_27 : memref<1x130x80xi32, #tpu.memory_space<hbm>> -> memref<130x80xi32, #tpu.memory_space<hbm>>
      tpu.enqueue_dma source(%dma_start3A_28 : memref<130x80xi32, #tpu.memory_space<hbm>>) target(%dma_start3A_24 : memref<130x80xi32, #tpu.memory_space<vmem>>) target_semaphore(%run_scoped3A : memref<!tpu.dma_semaphore, #tpu.memory_space<semaphore_mem>>)
      %dma_wait3A = arith.constant 0 : i32
      %dma_wait3A_29 = arith.constant 0 : i32
      %dma_wait3A_30 = tpu.memref_slice %arg5[%dma_wait3A, %dma_wait3A_29] : memref<130x80xi32, #tpu.memory_space<vmem>> -> memref<130x80xi32, #tpu.memory_space<vmem>>
      %dma_wait3A_31 = arith.constant 0 : i32
      %dma_wait3A_32 = arith.constant 0 : i32
      %dma_wait3A_33 = tpu.memref_slice %arg3[%arg1, %dma_wait3A_31, %dma_wait3A_32] : memref<32x250x80xi32, #tpu.memory_space<hbm>> -> memref<1x130x80xi32, #tpu.memory_space<hbm>>
      %dma_wait3A_34 = tpu.memref_squeeze %dma_wait3A_33 : memref<1x130x80xi32, #tpu.memory_space<hbm>> -> memref<130x80xi32, #tpu.memory_space<hbm>>
      %dma_wait3A_35 = arith.constant 0 : i32
      %dma_wait3A_36 = arith.constant 0 : i32
      %dma_wait3A_37 = tpu.memref_slice %arg5[%dma_wait3A_35, %dma_wait3A_36] : memref<130x80xi32, #tpu.memory_space<vmem>> -> memref<130x80xi32, #tpu.memory_space<vmem>>
      %dma_wait3A_38 = arith.constant 0 : i32
      %dma_wait3A_39 = arith.constant 0 : i32
      %dma_wait3A_40 = tpu.memref_slice %arg3[%arg1, %dma_wait3A_38, %dma_wait3A_39] : memref<32x250x80xi32, #tpu.memory_space<hbm>> -> memref<1x130x80xi32, #tpu.memory_space<hbm>>
      %dma_wait3A_41 = tpu.memref_squeeze %dma_wait3A_40 : memref<1x130x80xi32, #tpu.memory_space<hbm>> -> memref<130x80xi32, #tpu.memory_space<hbm>>
      tpu.wait_dma2 semaphore(%run_scoped3A : memref<!tpu.dma_semaphore, #tpu.memory_space<semaphore_mem>>) src(%dma_wait3A_41 : memref<130x80xi32, #tpu.memory_space<hbm>>) dst(%dma_wait3A_37 : memref<130x80xi32, #tpu.memory_space<vmem>>)
      tpu.yield
    }) : () -> ()
    %add3A = arith.constant 16 : i32
    %add3A_1 = arith.addi %add3A, %arg1 : i32
    "tpu.region"() ({
      %run_scoped3A = tpu.sem_alloc : memref<!tpu.dma_semaphore, #tpu.memory_space<semaphore_mem>>
      %dma_start3A = arith.constant 0 : i32
      %dma_start3A_16 = arith.constant 0 : i32
      %dma_start3A_17 = tpu.memref_slice %arg6[%dma_start3A, %dma_start3A_16] : memref<130x80xi32, #tpu.memory_space<vmem>> -> memref<130x80xi32, #tpu.memory_space<vmem>>
      %dma_start3A_18 = arith.constant 0 : i32
      %dma_start3A_19 = arith.constant 0 : i32
      %dma_start3A_20 = tpu.memref_slice %arg3[%add3A_1, %dma_start3A_18, %dma_start3A_19] : memref<32x250x80xi32, #tpu.memory_space<hbm>> -> memref<1x130x80xi32, #tpu.memory_space<hbm>>
      %dma_start3A_21 = tpu.memref_squeeze %dma_start3A_20 : memref<1x130x80xi32, #tpu.memory_space<hbm>> -> memref<130x80xi32, #tpu.memory_space<hbm>>
      %dma_start3A_22 = arith.constant 0 : i32
      %dma_start3A_23 = arith.constant 0 : i32
      %dma_start3A_24 = tpu.memref_slice %arg6[%dma_start3A_22, %dma_start3A_23] : memref<130x80xi32, #tpu.memory_space<vmem>> -> memref<130x80xi32, #tpu.memory_space<vmem>>
      %dma_start3A_25 = arith.constant 0 : i32
      %dma_start3A_26 = arith.constant 0 : i32
      %dma_start3A_27 = tpu.memref_slice %arg3[%add3A_1, %dma_start3A_25, %dma_start3A_26] : memref<32x250x80xi32, #tpu.memory_space<hbm>> -> memref<1x130x80xi32, #tpu.memory_space<hbm>>
      %dma_start3A_28 = tpu.memref_squeeze %dma_start3A_27 : memref<1x130x80xi32, #tpu.memory_space<hbm>> -> memref<130x80xi32, #tpu.memory_space<hbm>>
      tpu.enqueue_dma source(%dma_start3A_28 : memref<130x80xi32, #tpu.memory_space<hbm>>) target(%dma_start3A_24 : memref<130x80xi32, #tpu.memory_space<vmem>>) target_semaphore(%run_scoped3A : memref<!tpu.dma_semaphore, #tpu.memory_space<semaphore_mem>>)
      %dma_wait3A = arith.constant 0 : i32
      %dma_wait3A_29 = arith.constant 0 : i32
      %dma_wait3A_30 = tpu.memref_slice %arg6[%dma_wait3A, %dma_wait3A_29] : memref<130x80xi32, #tpu.memory_space<vmem>> -> memref<130x80xi32, #tpu.memory_space<vmem>>
      %dma_wait3A_31 = arith.constant 0 : i32
      %dma_wait3A_32 = arith.constant 0 : i32
      %dma_wait3A_33 = tpu.memref_slice %arg3[%add3A_1, %dma_wait3A_31, %dma_wait3A_32] : memref<32x250x80xi32, #tpu.memory_space<hbm>> -> memref<1x130x80xi32, #tpu.memory_space<hbm>>
      %dma_wait3A_34 = tpu.memref_squeeze %dma_wait3A_33 : memref<1x130x80xi32, #tpu.memory_space<hbm>> -> memref<130x80xi32, #tpu.memory_space<hbm>>
      %dma_wait3A_35 = arith.constant 0 : i32
      %dma_wait3A_36 = arith.constant 0 : i32
      %dma_wait3A_37 = tpu.memref_slice %arg6[%dma_wait3A_35, %dma_wait3A_36] : memref<130x80xi32, #tpu.memory_space<vmem>> -> memref<130x80xi32, #tpu.memory_space<vmem>>
      %dma_wait3A_38 = arith.constant 0 : i32
      %dma_wait3A_39 = arith.constant 0 : i32
      %dma_wait3A_40 = tpu.memref_slice %arg3[%add3A_1, %dma_wait3A_38, %dma_wait3A_39] : memref<32x250x80xi32, #tpu.memory_space<hbm>> -> memref<1x130x80xi32, #tpu.memory_space<hbm>>
      %dma_wait3A_41 = tpu.memref_squeeze %dma_wait3A_40 : memref<1x130x80xi32, #tpu.memory_space<hbm>> -> memref<130x80xi32, #tpu.memory_space<hbm>>
      tpu.wait_dma2 semaphore(%run_scoped3A : memref<!tpu.dma_semaphore, #tpu.memory_space<semaphore_mem>>) src(%dma_wait3A_41 : memref<130x80xi32, #tpu.memory_space<hbm>>) dst(%dma_wait3A_37 : memref<130x80xi32, #tpu.memory_space<vmem>>)
      tpu.yield
    }) : () -> ()
    %scan3A = arith.constant 0 : i32
    %scan3A_2 = arith.constant 0 : i32
    %scan3A_3 = arith.constant 13 : i32
    %scan3A_4 = arith.addi %scan3A_2, %scan3A_3 : i32
    %scan3A_5 = arith.constant 1 : i32
    scf.for %scan3A_16 = %scan3A_2 to %scan3A_4 step %scan3A_5  : i32 {
      %mul3A_17 = arith.constant 10 : i32
      %mul3A_18 = arith.muli %scan3A_16, %mul3A_17 : i32
      %add3A_19 = arith.constant 0 : i32
      %add3A_20 = arith.addi %mul3A_18, %add3A_19 : i32
      %dma_start3A = arith.constant 0 : i32
      %dma_start3A_21 = arith.constant 0 : i32
      %dma_start3A_22 = arith.constant 0 : i32
      %dma_start3A_23 = tpu.memref_slice %arg7[%dma_start3A, %dma_start3A_21, %dma_start3A_22] : memref<10x80x64xf32, #tpu.memory_space<vmem>> -> memref<1x80x64xf32, #tpu.memory_space<vmem>>
      %dma_start3A_24 = tpu.memref_squeeze %dma_start3A_23 : memref<1x80x64xf32, #tpu.memory_space<vmem>> -> memref<80x64xf32, #tpu.memory_space<vmem>>
      %dma_start3A_25 = arith.constant 0 : i32
      %dma_start3A_26 = tpu.memref_slice %arg5[%add3A_20, %dma_start3A_25] : memref<130x80xi32, #tpu.memory_space<vmem>> -> memref<1x80xi32, #tpu.memory_space<vmem>>
      %dma_start3A_27 = tpu.memref_squeeze %dma_start3A_26 : memref<1x80xi32, #tpu.memory_space<vmem>> -> memref<80xi32, #tpu.memory_space<vmem>>
      %dma_start3A_28 = arith.constant 0 : i32
      %dma_start3A_29 = arith.constant 0 : i32
      %dma_start3A_30 = tpu.memref_slice %arg2[%arg0, %dma_start3A_28, %dma_start3A_29] : memref<2x10240x64xf32, #tpu.memory_space<hbm>> -> memref<1x10240x64xf32, #tpu.memory_space<hbm>>
      %dma_start3A_31 = tpu.memref_squeeze %dma_start3A_30 : memref<1x10240x64xf32, #tpu.memory_space<hbm>> -> memref<10240x64xf32, #tpu.memory_space<hbm>>
      %dma_start3A_32 = arith.constant 0 : i32
      %dma_start3A_33 = arith.constant 0 : i32
      %dma_start3A_34 = tpu.memref_slice %dma_start3A_31[%dma_start3A_32, %dma_start3A_33] : memref<10240x64xf32, #tpu.memory_space<hbm>> -> memref<10240x64xf32, #tpu.memory_space<hbm>>
      tpu.enqueue_indirect_dma source(%dma_start3A_34 : memref<10240x64xf32, #tpu.memory_space<hbm>>) target(%dma_start3A_24 : memref<80x64xf32, #tpu.memory_space<vmem>>) offsets(%dma_start3A_27 : memref<80xi32, #tpu.memory_space<vmem>>) semaphore(%arg9 : memref<!tpu.dma_semaphore, #tpu.memory_space<semaphore_mem>>)
      %add3A_35 = arith.constant 1 : i32
      %add3A_36 = arith.addi %mul3A_18, %add3A_35 : i32
      %dma_start3A_37 = arith.constant 1 : i32
      %dma_start3A_38 = arith.constant 0 : i32
      %dma_start3A_39 = arith.constant 0 : i32
      %dma_start3A_40 = tpu.memref_slice %arg7[%dma_start3A_37, %dma_start3A_38, %dma_start3A_39] : memref<10x80x64xf32, #tpu.memory_space<vmem>> -> memref<1x80x64xf32, #tpu.memory_space<vmem>>
      %dma_start3A_41 = tpu.memref_squeeze %dma_start3A_40 : memref<1x80x64xf32, #tpu.memory_space<vmem>> -> memref<80x64xf32, #tpu.memory_space<vmem>>
      %dma_start3A_42 = arith.constant 0 : i32
      %dma_start3A_43 = tpu.memref_slice %arg5[%add3A_36, %dma_start3A_42] : memref<130x80xi32, #tpu.memory_space<vmem>> -> memref<1x80xi32, #tpu.memory_space<vmem>>
      %dma_start3A_44 = tpu.memref_squeeze %dma_start3A_43 : memref<1x80xi32, #tpu.memory_space<vmem>> -> memref<80xi32, #tpu.memory_space<vmem>>
      %dma_start3A_45 = arith.constant 0 : i32
      %dma_start3A_46 = arith.constant 0 : i32
      %dma_start3A_47 = tpu.memref_slice %arg2[%arg0, %dma_start3A_45, %dma_start3A_46] : memref<2x10240x64xf32, #tpu.memory_space<hbm>> -> memref<1x10240x64xf32, #tpu.memory_space<hbm>>
      %dma_start3A_48 = tpu.memref_squeeze %dma_start3A_47 : memref<1x10240x64xf32, #tpu.memory_space<hbm>> -> memref<10240x64xf32, #tpu.memory_space<hbm>>
      %dma_start3A_49 = arith.constant 0 : i32
      %dma_start3A_50 = arith.constant 0 : i32
      %dma_start3A_51 = tpu.memref_slice %dma_start3A_48[%dma_start3A_49, %dma_start3A_50] : memref<10240x64xf32, #tpu.memory_space<hbm>> -> memref<10240x64xf32, #tpu.memory_space<hbm>>
      tpu.enqueue_indirect_dma source(%dma_start3A_51 : memref<10240x64xf32, #tpu.memory_space<hbm>>) target(%dma_start3A_41 : memref<80x64xf32, #tpu.memory_space<vmem>>) offsets(%dma_start3A_44 : memref<80xi32, #tpu.memory_space<vmem>>) semaphore(%arg9 : memref<!tpu.dma_semaphore, #tpu.memory_space<semaphore_mem>>)
      %add3A_52 = arith.constant 2 : i32
      %add3A_53 = arith.addi %mul3A_18, %add3A_52 : i32
      %dma_start3A_54 = arith.constant 2 : i32
      %dma_start3A_55 = arith.constant 0 : i32
      %dma_start3A_56 = arith.constant 0 : i32
      %dma_start3A_57 = tpu.memref_slice %arg7[%dma_start3A_54, %dma_start3A_55, %dma_start3A_56] : memref<10x80x64xf32, #tpu.memory_space<vmem>> -> memref<1x80x64xf32, #tpu.memory_space<vmem>>
      %dma_start3A_58 = tpu.memref_squeeze %dma_start3A_57 : memref<1x80x64xf32, #tpu.memory_space<vmem>> -> memref<80x64xf32, #tpu.memory_space<vmem>>
      %dma_start3A_59 = arith.constant 0 : i32
      %dma_start3A_60 = tpu.memref_slice %arg5[%add3A_53, %dma_start3A_59] : memref<130x80xi32, #tpu.memory_space<vmem>> -> memref<1x80xi32, #tpu.memory_space<vmem>>
      %dma_start3A_61 = tpu.memref_squeeze %dma_start3A_60 : memref<1x80xi32, #tpu.memory_space<vmem>> -> memref<80xi32, #tpu.memory_space<vmem>>
      %dma_start3A_62 = arith.constant 0 : i32
      %dma_start3A_63 = arith.constant 0 : i32
      %dma_start3A_64 = tpu.memref_slice %arg2[%arg0, %dma_start3A_62, %dma_start3A_63] : memref<2x10240x64xf32, #tpu.memory_space<hbm>> -> memref<1x10240x64xf32, #tpu.memory_space<hbm>>
      %dma_start3A_65 = tpu.memref_squeeze %dma_start3A_64 : memref<1x10240x64xf32, #tpu.memory_space<hbm>> -> memref<10240x64xf32, #tpu.memory_space<hbm>>
      %dma_start3A_66 = arith.constant 0 : i32
      %dma_start3A_67 = arith.constant 0 : i32
      %dma_start3A_68 = tpu.memref_slice %dma_start3A_65[%dma_start3A_66, %dma_start3A_67] : memref<10240x64xf32, #tpu.memory_space<hbm>> -> memref<10240x64xf32, #tpu.memory_space<hbm>>
      tpu.enqueue_indirect_dma source(%dma_start3A_68 : memref<10240x64xf32, #tpu.memory_space<hbm>>) target(%dma_start3A_58 : memref<80x64xf32, #tpu.memory_space<vmem>>) offsets(%dma_start3A_61 : memref<80xi32, #tpu.memory_space<vmem>>) semaphore(%arg9 : memref<!tpu.dma_semaphore, #tpu.memory_space<semaphore_mem>>)
      %add3A_69 = arith.constant 3 : i32
      %add3A_70 = arith.addi %mul3A_18, %add3A_69 : i32
      %dma_start3A_71 = arith.constant 3 : i32
      %dma_start3A_72 = arith.constant 0 : i32
      %dma_start3A_73 = arith.constant 0 : i32
      %dma_start3A_74 = tpu.memref_slice %arg7[%dma_start3A_71, %dma_start3A_72, %dma_start3A_73] : memref<10x80x64xf32, #tpu.memory_space<vmem>> -> memref<1x80x64xf32, #tpu.memory_space<vmem>>
      %dma_start3A_75 = tpu.memref_squeeze %dma_start3A_74 : memref<1x80x64xf32, #tpu.memory_space<vmem>> -> memref<80x64xf32, #tpu.memory_space<vmem>>
      %dma_start3A_76 = arith.constant 0 : i32
      %dma_start3A_77 = tpu.memref_slice %arg5[%add3A_70, %dma_start3A_76] : memref<130x80xi32, #tpu.memory_space<vmem>> -> memref<1x80xi32, #tpu.memory_space<vmem>>
      %dma_start3A_78 = tpu.memref_squeeze %dma_start3A_77 : memref<1x80xi32, #tpu.memory_space<vmem>> -> memref<80xi32, #tpu.memory_space<vmem>>
      %dma_start3A_79 = arith.constant 0 : i32
      %dma_start3A_80 = arith.constant 0 : i32
      %dma_start3A_81 = tpu.memref_slice %arg2[%arg0, %dma_start3A_79, %dma_start3A_80] : memref<2x10240x64xf32, #tpu.memory_space<hbm>> -> memref<1x10240x64xf32, #tpu.memory_space<hbm>>
      %dma_start3A_82 = tpu.memref_squeeze %dma_start3A_81 : memref<1x10240x64xf32, #tpu.memory_space<hbm>> -> memref<10240x64xf32, #tpu.memory_space<hbm>>
      %dma_start3A_83 = arith.constant 0 : i32
      %dma_start3A_84 = arith.constant 0 : i32
      %dma_start3A_85 = tpu.memref_slice %dma_start3A_82[%dma_start3A_83, %dma_start3A_84] : memref<10240x64xf32, #tpu.memory_space<hbm>> -> memref<10240x64xf32, #tpu.memory_space<hbm>>
      tpu.enqueue_indirect_dma source(%dma_start3A_85 : memref<10240x64xf32, #tpu.memory_space<hbm>>) target(%dma_start3A_75 : memref<80x64xf32, #tpu.memory_space<vmem>>) offsets(%dma_start3A_78 : memref<80xi32, #tpu.memory_space<vmem>>) semaphore(%arg9 : memref<!tpu.dma_semaphore, #tpu.memory_space<semaphore_mem>>)
      %add3A_86 = arith.constant 4 : i32
      %add3A_87 = arith.addi %mul3A_18, %add3A_86 : i32
      %dma_start3A_88 = arith.constant 4 : i32
      %dma_start3A_89 = arith.constant 0 : i32
      %dma_start3A_90 = arith.constant 0 : i32
      %dma_start3A_91 = tpu.memref_slice %arg7[%dma_start3A_88, %dma_start3A_89, %dma_start3A_90] : memref<10x80x64xf32, #tpu.memory_space<vmem>> -> memref<1x80x64xf32, #tpu.memory_space<vmem>>
      %dma_start3A_92 = tpu.memref_squeeze %dma_start3A_91 : memref<1x80x64xf32, #tpu.memory_space<vmem>> -> memref<80x64xf32, #tpu.memory_space<vmem>>
      %dma_start3A_93 = arith.constant 0 : i32
      %dma_start3A_94 = tpu.memref_slice %arg5[%add3A_87, %dma_start3A_93] : memref<130x80xi32, #tpu.memory_space<vmem>> -> memref<1x80xi32, #tpu.memory_space<vmem>>
      %dma_start3A_95 = tpu.memref_squeeze %dma_start3A_94 : memref<1x80xi32, #tpu.memory_space<vmem>> -> memref<80xi32, #tpu.memory_space<vmem>>
      %dma_start3A_96 = arith.constant 0 : i32
      %dma_start3A_97 = arith.constant 0 : i32
      %dma_start3A_98 = tpu.memref_slice %arg2[%arg0, %dma_start3A_96, %dma_start3A_97] : memref<2x10240x64xf32, #tpu.memory_space<hbm>> -> memref<1x10240x64xf32, #tpu.memory_space<hbm>>
      %dma_start3A_99 = tpu.memref_squeeze %dma_start3A_98 : memref<1x10240x64xf32, #tpu.memory_space<hbm>> -> memref<10240x64xf32, #tpu.memory_space<hbm>>
      %dma_start3A_100 = arith.constant 0 : i32
      %dma_start3A_101 = arith.constant 0 : i32
      %dma_start3A_102 = tpu.memref_slice %dma_start3A_99[%dma_start3A_100, %dma_start3A_101] : memref<10240x64xf32, #tpu.memory_space<hbm>> -> memref<10240x64xf32, #tpu.memory_space<hbm>>
      tpu.enqueue_indirect_dma source(%dma_start3A_102 : memref<10240x64xf32, #tpu.memory_space<hbm>>) target(%dma_start3A_92 : memref<80x64xf32, #tpu.memory_space<vmem>>) offsets(%dma_start3A_95 : memref<80xi32, #tpu.memory_space<vmem>>) semaphore(%arg9 : memref<!tpu.dma_semaphore, #tpu.memory_space<semaphore_mem>>)
      %add3A_103 = arith.constant 5 : i32
      %add3A_104 = arith.addi %mul3A_18, %add3A_103 : i32
      %dma_start3A_105 = arith.constant 5 : i32
      %dma_start3A_106 = arith.constant 0 : i32
      %dma_start3A_107 = arith.constant 0 : i32
      %dma_start3A_108 = tpu.memref_slice %arg7[%dma_start3A_105, %dma_start3A_106, %dma_start3A_107] : memref<10x80x64xf32, #tpu.memory_space<vmem>> -> memref<1x80x64xf32, #tpu.memory_space<vmem>>
      %dma_start3A_109 = tpu.memref_squeeze %dma_start3A_108 : memref<1x80x64xf32, #tpu.memory_space<vmem>> -> memref<80x64xf32, #tpu.memory_space<vmem>>
      %dma_start3A_110 = arith.constant 0 : i32
      %dma_start3A_111 = tpu.memref_slice %arg5[%add3A_104, %dma_start3A_110] : memref<130x80xi32, #tpu.memory_space<vmem>> -> memref<1x80xi32, #tpu.memory_space<vmem>>
      %dma_start3A_112 = tpu.memref_squeeze %dma_start3A_111 : memref<1x80xi32, #tpu.memory_space<vmem>> -> memref<80xi32, #tpu.memory_space<vmem>>
      %dma_start3A_113 = arith.constant 0 : i32
      %dma_start3A_114 = arith.constant 0 : i32
      %dma_start3A_115 = tpu.memref_slice %arg2[%arg0, %dma_start3A_113, %dma_start3A_114] : memref<2x10240x64xf32, #tpu.memory_space<hbm>> -> memref<1x10240x64xf32, #tpu.memory_space<hbm>>
      %dma_start3A_116 = tpu.memref_squeeze %dma_start3A_115 : memref<1x10240x64xf32, #tpu.memory_space<hbm>> -> memref<10240x64xf32, #tpu.memory_space<hbm>>
      %dma_start3A_117 = arith.constant 0 : i32
      %dma_start3A_118 = arith.constant 0 : i32
      %dma_start3A_119 = tpu.memref_slice %dma_start3A_116[%dma_start3A_117, %dma_start3A_118] : memref<10240x64xf32, #tpu.memory_space<hbm>> -> memref<10240x64xf32, #tpu.memory_space<hbm>>
      tpu.enqueue_indirect_dma source(%dma_start3A_119 : memref<10240x64xf32, #tpu.memory_space<hbm>>) target(%dma_start3A_109 : memref<80x64xf32, #tpu.memory_space<vmem>>) offsets(%dma_start3A_112 : memref<80xi32, #tpu.memory_space<vmem>>) semaphore(%arg9 : memref<!tpu.dma_semaphore, #tpu.memory_space<semaphore_mem>>)
      %add3A_120 = arith.constant 6 : i32
      %add3A_121 = arith.addi %mul3A_18, %add3A_120 : i32
      %dma_start3A_122 = arith.constant 6 : i32
      %dma_start3A_123 = arith.constant 0 : i32
      %dma_start3A_124 = arith.constant 0 : i32
      %dma_start3A_125 = tpu.memref_slice %arg7[%dma_start3A_122, %dma_start3A_123, %dma_start3A_124] : memref<10x80x64xf32, #tpu.memory_space<vmem>> -> memref<1x80x64xf32, #tpu.memory_space<vmem>>
      %dma_start3A_126 = tpu.memref_squeeze %dma_start3A_125 : memref<1x80x64xf32, #tpu.memory_space<vmem>> -> memref<80x64xf32, #tpu.memory_space<vmem>>
      %dma_start3A_127 = arith.constant 0 : i32
      %dma_start3A_128 = tpu.memref_slice %arg5[%add3A_121, %dma_start3A_127] : memref<130x80xi32, #tpu.memory_space<vmem>> -> memref<1x80xi32, #tpu.memory_space<vmem>>
      %dma_start3A_129 = tpu.memref_squeeze %dma_start3A_128 : memref<1x80xi32, #tpu.memory_space<vmem>> -> memref<80xi32, #tpu.memory_space<vmem>>
      %dma_start3A_130 = arith.constant 0 : i32
      %dma_start3A_131 = arith.constant 0 : i32
      %dma_start3A_132 = tpu.memref_slice %arg2[%arg0, %dma_start3A_130, %dma_start3A_131] : memref<2x10240x64xf32, #tpu.memory_space<hbm>> -> memref<1x10240x64xf32, #tpu.memory_space<hbm>>
      %dma_start3A_133 = tpu.memref_squeeze %dma_start3A_132 : memref<1x10240x64xf32, #tpu.memory_space<hbm>> -> memref<10240x64xf32, #tpu.memory_space<hbm>>
      %dma_start3A_134 = arith.constant 0 : i32
      %dma_start3A_135 = arith.constant 0 : i32
      %dma_start3A_136 = tpu.memref_slice %dma_start3A_133[%dma_start3A_134, %dma_start3A_135] : memref<10240x64xf32, #tpu.memory_space<hbm>> -> memref<10240x64xf32, #tpu.memory_space<hbm>>
      tpu.enqueue_indirect_dma source(%dma_start3A_136 : memref<10240x64xf32, #tpu.memory_space<hbm>>) target(%dma_start3A_126 : memref<80x64xf32, #tpu.memory_space<vmem>>) offsets(%dma_start3A_129 : memref<80xi32, #tpu.memory_space<vmem>>) semaphore(%arg9 : memref<!tpu.dma_semaphore, #tpu.memory_space<semaphore_mem>>)
      %add3A_137 = arith.constant 7 : i32
      %add3A_138 = arith.addi %mul3A_18, %add3A_137 : i32
      %dma_start3A_139 = arith.constant 7 : i32
      %dma_start3A_140 = arith.constant 0 : i32
      %dma_start3A_141 = arith.constant 0 : i32
      %dma_start3A_142 = tpu.memref_slice %arg7[%dma_start3A_139, %dma_start3A_140, %dma_start3A_141] : memref<10x80x64xf32, #tpu.memory_space<vmem>> -> memref<1x80x64xf32, #tpu.memory_space<vmem>>
      %dma_start3A_143 = tpu.memref_squeeze %dma_start3A_142 : memref<1x80x64xf32, #tpu.memory_space<vmem>> -> memref<80x64xf32, #tpu.memory_space<vmem>>
      %dma_start3A_144 = arith.constant 0 : i32
      %dma_start3A_145 = tpu.memref_slice %arg5[%add3A_138, %dma_start3A_144] : memref<130x80xi32, #tpu.memory_space<vmem>> -> memref<1x80xi32, #tpu.memory_space<vmem>>
      %dma_start3A_146 = tpu.memref_squeeze %dma_start3A_145 : memref<1x80xi32, #tpu.memory_space<vmem>> -> memref<80xi32, #tpu.memory_space<vmem>>
      %dma_start3A_147 = arith.constant 0 : i32
      %dma_start3A_148 = arith.constant 0 : i32
      %dma_start3A_149 = tpu.memref_slice %arg2[%arg0, %dma_start3A_147, %dma_start3A_148] : memref<2x10240x64xf32, #tpu.memory_space<hbm>> -> memref<1x10240x64xf32, #tpu.memory_space<hbm>>
      %dma_start3A_150 = tpu.memref_squeeze %dma_start3A_149 : memref<1x10240x64xf32, #tpu.memory_space<hbm>> -> memref<10240x64xf32, #tpu.memory_space<hbm>>
      %dma_start3A_151 = arith.constant 0 : i32
      %dma_start3A_152 = arith.constant 0 : i32
      %dma_start3A_153 = tpu.memref_slice %dma_start3A_150[%dma_start3A_151, %dma_start3A_152] : memref<10240x64xf32, #tpu.memory_space<hbm>> -> memref<10240x64xf32, #tpu.memory_space<hbm>>
      tpu.enqueue_indirect_dma source(%dma_start3A_153 : memref<10240x64xf32, #tpu.memory_space<hbm>>) target(%dma_start3A_143 : memref<80x64xf32, #tpu.memory_space<vmem>>) offsets(%dma_start3A_146 : memref<80xi32, #tpu.memory_space<vmem>>) semaphore(%arg9 : memref<!tpu.dma_semaphore, #tpu.memory_space<semaphore_mem>>)
      %add3A_154 = arith.constant 8 : i32
      %add3A_155 = arith.addi %mul3A_18, %add3A_154 : i32
      %dma_start3A_156 = arith.constant 8 : i32
      %dma_start3A_157 = arith.constant 0 : i32
      %dma_start3A_158 = arith.constant 0 : i32
      %dma_start3A_159 = tpu.memref_slice %arg7[%dma_start3A_156, %dma_start3A_157, %dma_start3A_158] : memref<10x80x64xf32, #tpu.memory_space<vmem>> -> memref<1x80x64xf32, #tpu.memory_space<vmem>>
      %dma_start3A_160 = tpu.memref_squeeze %dma_start3A_159 : memref<1x80x64xf32, #tpu.memory_space<vmem>> -> memref<80x64xf32, #tpu.memory_space<vmem>>
      %dma_start3A_161 = arith.constant 0 : i32
      %dma_start3A_162 = tpu.memref_slice %arg5[%add3A_155, %dma_start3A_161] : memref<130x80xi32, #tpu.memory_space<vmem>> -> memref<1x80xi32, #tpu.memory_space<vmem>>
      %dma_start3A_163 = tpu.memref_squeeze %dma_start3A_162 : memref<1x80xi32, #tpu.memory_space<vmem>> -> memref<80xi32, #tpu.memory_space<vmem>>
      %dma_start3A_164 = arith.constant 0 : i32
      %dma_start3A_165 = arith.constant 0 : i32
      %dma_start3A_166 = tpu.memref_slice %arg2[%arg0, %dma_start3A_164, %dma_start3A_165] : memref<2x10240x64xf32, #tpu.memory_space<hbm>> -> memref<1x10240x64xf32, #tpu.memory_space<hbm>>
      %dma_start3A_167 = tpu.memref_squeeze %dma_start3A_166 : memref<1x10240x64xf32, #tpu.memory_space<hbm>> -> memref<10240x64xf32, #tpu.memory_space<hbm>>
      %dma_start3A_168 = arith.constant 0 : i32
      %dma_start3A_169 = arith.constant 0 : i32
      %dma_start3A_170 = tpu.memref_slice %dma_start3A_167[%dma_start3A_168, %dma_start3A_169] : memref<10240x64xf32, #tpu.memory_space<hbm>> -> memref<10240x64xf32, #tpu.memory_space<hbm>>
      tpu.enqueue_indirect_dma source(%dma_start3A_170 : memref<10240x64xf32, #tpu.memory_space<hbm>>) target(%dma_start3A_160 : memref<80x64xf32, #tpu.memory_space<vmem>>) offsets(%dma_start3A_163 : memref<80xi32, #tpu.memory_space<vmem>>) semaphore(%arg9 : memref<!tpu.dma_semaphore, #tpu.memory_space<semaphore_mem>>)
      %add3A_171 = arith.constant 9 : i32
      %add3A_172 = arith.addi %mul3A_18, %add3A_171 : i32
      %dma_start3A_173 = arith.constant 9 : i32
      %dma_start3A_174 = arith.constant 0 : i32
      %dma_start3A_175 = arith.constant 0 : i32
      %dma_start3A_176 = tpu.memref_slice %arg7[%dma_start3A_173, %dma_start3A_174, %dma_start3A_175] : memref<10x80x64xf32, #tpu.memory_space<vmem>> -> memref<1x80x64xf32, #tpu.memory_space<vmem>>
      %dma_start3A_177 = tpu.memref_squeeze %dma_start3A_176 : memref<1x80x64xf32, #tpu.memory_space<vmem>> -> memref<80x64xf32, #tpu.memory_space<vmem>>
      %dma_start3A_178 = arith.constant 0 : i32
      %dma_start3A_179 = tpu.memref_slice %arg5[%add3A_172, %dma_start3A_178] : memref<130x80xi32, #tpu.memory_space<vmem>> -> memref<1x80xi32, #tpu.memory_space<vmem>>
      %dma_start3A_180 = tpu.memref_squeeze %dma_start3A_179 : memref<1x80xi32, #tpu.memory_space<vmem>> -> memref<80xi32, #tpu.memory_space<vmem>>
      %dma_start3A_181 = arith.constant 0 : i32
      %dma_start3A_182 = arith.constant 0 : i32
      %dma_start3A_183 = tpu.memref_slice %arg2[%arg0, %dma_start3A_181, %dma_start3A_182] : memref<2x10240x64xf32, #tpu.memory_space<hbm>> -> memref<1x10240x64xf32, #tpu.memory_space<hbm>>
      %dma_start3A_184 = tpu.memref_squeeze %dma_start3A_183 : memref<1x10240x64xf32, #tpu.memory_space<hbm>> -> memref<10240x64xf32, #tpu.memory_space<hbm>>
      %dma_start3A_185 = arith.constant 0 : i32
      %dma_start3A_186 = arith.constant 0 : i32
      %dma_start3A_187 = tpu.memref_slice %dma_start3A_184[%dma_start3A_185, %dma_start3A_186] : memref<10240x64xf32, #tpu.memory_space<hbm>> -> memref<10240x64xf32, #tpu.memory_space<hbm>>
      tpu.enqueue_indirect_dma source(%dma_start3A_187 : memref<10240x64xf32, #tpu.memory_space<hbm>>) target(%dma_start3A_177 : memref<80x64xf32, #tpu.memory_space<vmem>>) offsets(%dma_start3A_180 : memref<80xi32, #tpu.memory_space<vmem>>) semaphore(%arg9 : memref<!tpu.dma_semaphore, #tpu.memory_space<semaphore_mem>>)
      %dma_wait3A = arith.constant 0 : i32
      %dma_wait3A_188 = arith.constant 0 : i32
      %dma_wait3A_189 = arith.constant 0 : i32
      %dma_wait3A_190 = tpu.memref_slice %arg7[%dma_wait3A, %dma_wait3A_188, %dma_wait3A_189] : memref<10x80x64xf32, #tpu.memory_space<vmem>> -> memref<1x80x64xf32, #tpu.memory_space<vmem>>
      %dma_wait3A_191 = tpu.memref_squeeze %dma_wait3A_190 : memref<1x80x64xf32, #tpu.memory_space<vmem>> -> memref<80x64xf32, #tpu.memory_space<vmem>>
      %dma_wait3A_192 = arith.constant 0 : i32
      %dma_wait3A_193 = tpu.memref_slice %arg5[%add3A_20, %dma_wait3A_192] : memref<130x80xi32, #tpu.memory_space<vmem>> -> memref<1x80xi32, #tpu.memory_space<vmem>>
      %dma_wait3A_194 = tpu.memref_squeeze %dma_wait3A_193 : memref<1x80xi32, #tpu.memory_space<vmem>> -> memref<80xi32, #tpu.memory_space<vmem>>
      %dma_wait3A_195 = arith.constant 0 : i32
      %dma_wait3A_196 = arith.constant 0 : i32
      %dma_wait3A_197 = tpu.memref_slice %arg2[%arg0, %dma_wait3A_195, %dma_wait3A_196] : memref<2x10240x64xf32, #tpu.memory_space<hbm>> -> memref<1x10240x64xf32, #tpu.memory_space<hbm>>
      %dma_wait3A_198 = tpu.memref_squeeze %dma_wait3A_197 : memref<1x10240x64xf32, #tpu.memory_space<hbm>> -> memref<10240x64xf32, #tpu.memory_space<hbm>>
      %dma_wait3A_199 = arith.constant 0 : i32
      %dma_wait3A_200 = arith.constant 0 : i32
      %dma_wait3A_201 = tpu.memref_slice %dma_wait3A_198[%dma_wait3A_199, %dma_wait3A_200] : memref<10240x64xf32, #tpu.memory_space<hbm>> -> memref<10240x64xf32, #tpu.memory_space<hbm>>
      tpu.wait_indirect_dma semaphore(%arg9 : memref<!tpu.dma_semaphore, #tpu.memory_space<semaphore_mem>>) src(%dma_wait3A_201 : memref<10240x64xf32, #tpu.memory_space<hbm>>) dst(%dma_wait3A_191 : memref<80x64xf32, #tpu.memory_space<vmem>>)
      %add3A_202 = arith.constant 0 : i32
      %add3A_203 = arith.addi %mul3A_18, %add3A_202 : i32
      %dma_start3A_204 = arith.constant 0 : i32
      %dma_start3A_205 = arith.constant 0 : i32
      %dma_start3A_206 = arith.constant 0 : i32
      %dma_start3A_207 = tpu.memref_slice %arg7[%dma_start3A_204, %dma_start3A_205, %dma_start3A_206] : memref<10x80x64xf32, #tpu.memory_space<vmem>> -> memref<1x80x64xf32, #tpu.memory_space<vmem>>
      %dma_start3A_208 = tpu.memref_squeeze %dma_start3A_207 : memref<1x80x64xf32, #tpu.memory_space<vmem>> -> memref<80x64xf32, #tpu.memory_space<vmem>>
      %dma_start3A_209 = arith.constant 0 : i32
      %dma_start3A_210 = tpu.memref_slice %arg6[%add3A_203, %dma_start3A_209] : memref<130x80xi32, #tpu.memory_space<vmem>> -> memref<1x80xi32, #tpu.memory_space<vmem>>
      %dma_start3A_211 = tpu.memref_squeeze %dma_start3A_210 : memref<1x80xi32, #tpu.memory_space<vmem>> -> memref<80xi32, #tpu.memory_space<vmem>>
      %dma_start3A_212 = arith.constant 0 : i32
      %dma_start3A_213 = arith.constant 0 : i32
      %dma_start3A_214 = tpu.memref_slice %arg8[%dma_start3A_212, %dma_start3A_213] : memref<10240x64xf32, #tpu.memory_space<vmem_shared>> -> memref<10240x64xf32, #tpu.memory_space<vmem_shared>>
      tpu.enqueue_indirect_dma source(%dma_start3A_208 : memref<80x64xf32, #tpu.memory_space<vmem>>) target(%dma_start3A_214 : memref<10240x64xf32, #tpu.memory_space<vmem_shared>>) offsets(%dma_start3A_211 : memref<80xi32, #tpu.memory_space<vmem>>) semaphore(%arg10 : memref<!tpu.dma_semaphore, #tpu.memory_space<semaphore_mem>>) {add = true}
      %dma_wait3A_215 = arith.constant 1 : i32
      %dma_wait3A_216 = arith.constant 0 : i32
      %dma_wait3A_217 = arith.constant 0 : i32
      %dma_wait3A_218 = tpu.memref_slice %arg7[%dma_wait3A_215, %dma_wait3A_216, %dma_wait3A_217] : memref<10x80x64xf32, #tpu.memory_space<vmem>> -> memref<1x80x64xf32, #tpu.memory_space<vmem>>
      %dma_wait3A_219 = tpu.memref_squeeze %dma_wait3A_218 : memref<1x80x64xf32, #tpu.memory_space<vmem>> -> memref<80x64xf32, #tpu.memory_space<vmem>>
      %dma_wait3A_220 = arith.constant 0 : i32
      %dma_wait3A_221 = tpu.memref_slice %arg5[%add3A_36, %dma_wait3A_220] : memref<130x80xi32, #tpu.memory_space<vmem>> -> memref<1x80xi32, #tpu.memory_space<vmem>>
      %dma_wait3A_222 = tpu.memref_squeeze %dma_wait3A_221 : memref<1x80xi32, #tpu.memory_space<vmem>> -> memref<80xi32, #tpu.memory_space<vmem>>
      %dma_wait3A_223 = arith.constant 0 : i32
      %dma_wait3A_224 = arith.constant 0 : i32
      %dma_wait3A_225 = tpu.memref_slice %arg2[%arg0, %dma_wait3A_223, %dma_wait3A_224] : memref<2x10240x64xf32, #tpu.memory_space<hbm>> -> memref<1x10240x64xf32, #tpu.memory_space<hbm>>
      %dma_wait3A_226 = tpu.memref_squeeze %dma_wait3A_225 : memref<1x10240x64xf32, #tpu.memory_space<hbm>> -> memref<10240x64xf32, #tpu.memory_space<hbm>>
      %dma_wait3A_227 = arith.constant 0 : i32
      %dma_wait3A_228 = arith.constant 0 : i32
      %dma_wait3A_229 = tpu.memref_slice %dma_wait3A_226[%dma_wait3A_227, %dma_wait3A_228] : memref<10240x64xf32, #tpu.memory_space<hbm>> -> memref<10240x64xf32, #tpu.memory_space<hbm>>
      tpu.wait_indirect_dma semaphore(%arg9 : memref<!tpu.dma_semaphore, #tpu.memory_space<semaphore_mem>>) src(%dma_wait3A_229 : memref<10240x64xf32, #tpu.memory_space<hbm>>) dst(%dma_wait3A_219 : memref<80x64xf32, #tpu.memory_space<vmem>>)
      %add3A_230 = arith.constant 1 : i32
      %add3A_231 = arith.addi %mul3A_18, %add3A_230 : i32
      %dma_start3A_232 = arith.constant 1 : i32
      %dma_start3A_233 = arith.constant 0 : i32
      %dma_start3A_234 = arith.constant 0 : i32
      %dma_start3A_235 = tpu.memref_slice %arg7[%dma_start3A_232, %dma_start3A_233, %dma_start3A_234] : memref<10x80x64xf32, #tpu.memory_space<vmem>> -> memref<1x80x64xf32, #tpu.memory_space<vmem>>
      %dma_start3A_236 = tpu.memref_squeeze %dma_start3A_235 : memref<1x80x64xf32, #tpu.memory_space<vmem>> -> memref<80x64xf32, #tpu.memory_space<vmem>>
      %dma_start3A_237 = arith.constant 0 : i32
      %dma_start3A_238 = tpu.memref_slice %arg6[%add3A_231, %dma_start3A_237] : memref<130x80xi32, #tpu.memory_space<vmem>> -> memref<1x80xi32, #tpu.memory_space<vmem>>
      %dma_start3A_239 = tpu.memref_squeeze %dma_start3A_238 : memref<1x80xi32, #tpu.memory_space<vmem>> -> memref<80xi32, #tpu.memory_space<vmem>>
      %dma_start3A_240 = arith.constant 0 : i32
      %dma_start3A_241 = arith.constant 0 : i32
      %dma_start3A_242 = tpu.memref_slice %arg8[%dma_start3A_240, %dma_start3A_241] : memref<10240x64xf32, #tpu.memory_space<vmem_shared>> -> memref<10240x64xf32, #tpu.memory_space<vmem_shared>>
      tpu.enqueue_indirect_dma source(%dma_start3A_236 : memref<80x64xf32, #tpu.memory_space<vmem>>) target(%dma_start3A_242 : memref<10240x64xf32, #tpu.memory_space<vmem_shared>>) offsets(%dma_start3A_239 : memref<80xi32, #tpu.memory_space<vmem>>) semaphore(%arg10 : memref<!tpu.dma_semaphore, #tpu.memory_space<semaphore_mem>>) {add = true}
      %dma_wait3A_243 = arith.constant 2 : i32
      %dma_wait3A_244 = arith.constant 0 : i32
      %dma_wait3A_245 = arith.constant 0 : i32
      %dma_wait3A_246 = tpu.memref_slice %arg7[%dma_wait3A_243, %dma_wait3A_244, %dma_wait3A_245] : memref<10x80x64xf32, #tpu.memory_space<vmem>> -> memref<1x80x64xf32, #tpu.memory_space<vmem>>
      %dma_wait3A_247 = tpu.memref_squeeze %dma_wait3A_246 : memref<1x80x64xf32, #tpu.memory_space<vmem>> -> memref<80x64xf32, #tpu.memory_space<vmem>>
      %dma_wait3A_248 = arith.constant 0 : i32
      %dma_wait3A_249 = tpu.memref_slice %arg5[%add3A_53, %dma_wait3A_248] : memref<130x80xi32, #tpu.memory_space<vmem>> -> memref<1x80xi32, #tpu.memory_space<vmem>>
      %dma_wait3A_250 = tpu.memref_squeeze %dma_wait3A_249 : memref<1x80xi32, #tpu.memory_space<vmem>> -> memref<80xi32, #tpu.memory_space<vmem>>
      %dma_wait3A_251 = arith.constant 0 : i32
      %dma_wait3A_252 = arith.constant 0 : i32
      %dma_wait3A_253 = tpu.memref_slice %arg2[%arg0, %dma_wait3A_251, %dma_wait3A_252] : memref<2x10240x64xf32, #tpu.memory_space<hbm>> -> memref<1x10240x64xf32, #tpu.memory_space<hbm>>
      %dma_wait3A_254 = tpu.memref_squeeze %dma_wait3A_253 : memref<1x10240x64xf32, #tpu.memory_space<hbm>> -> memref<10240x64xf32, #tpu.memory_space<hbm>>
      %dma_wait3A_255 = arith.constant 0 : i32
      %dma_wait3A_256 = arith.constant 0 : i32
      %dma_wait3A_257 = tpu.memref_slice %dma_wait3A_254[%dma_wait3A_255, %dma_wait3A_256] : memref<10240x64xf32, #tpu.memory_space<hbm>> -> memref<10240x64xf32, #tpu.memory_space<hbm>>
      tpu.wait_indirect_dma semaphore(%arg9 : memref<!tpu.dma_semaphore, #tpu.memory_space<semaphore_mem>>) src(%dma_wait3A_257 : memref<10240x64xf32, #tpu.memory_space<hbm>>) dst(%dma_wait3A_247 : memref<80x64xf32, #tpu.memory_space<vmem>>)
      %add3A_258 = arith.constant 2 : i32
      %add3A_259 = arith.addi %mul3A_18, %add3A_258 : i32
      %dma_start3A_260 = arith.constant 2 : i32
      %dma_start3A_261 = arith.constant 0 : i32
      %dma_start3A_262 = arith.constant 0 : i32
      %dma_start3A_263 = tpu.memref_slice %arg7[%dma_start3A_260, %dma_start3A_261, %dma_start3A_262] : memref<10x80x64xf32, #tpu.memory_space<vmem>> -> memref<1x80x64xf32, #tpu.memory_space<vmem>>
      %dma_start3A_264 = tpu.memref_squeeze %dma_start3A_263 : memref<1x80x64xf32, #tpu.memory_space<vmem>> -> memref<80x64xf32, #tpu.memory_space<vmem>>
      %dma_start3A_265 = arith.constant 0 : i32
      %dma_start3A_266 = tpu.memref_slice %arg6[%add3A_259, %dma_start3A_265] : memref<130x80xi32, #tpu.memory_space<vmem>> -> memref<1x80xi32, #tpu.memory_space<vmem>>
      %dma_start3A_267 = tpu.memref_squeeze %dma_start3A_266 : memref<1x80xi32, #tpu.memory_space<vmem>> -> memref<80xi32, #tpu.memory_space<vmem>>
      %dma_start3A_268 = arith.constant 0 : i32
      %dma_start3A_269 = arith.constant 0 : i32
      %dma_start3A_270 = tpu.memref_slice %arg8[%dma_start3A_268, %dma_start3A_269] : memref<10240x64xf32, #tpu.memory_space<vmem_shared>> -> memref<10240x64xf32, #tpu.memory_space<vmem_shared>>
      tpu.enqueue_indirect_dma source(%dma_start3A_264 : memref<80x64xf32, #tpu.memory_space<vmem>>) target(%dma_start3A_270 : memref<10240x64xf32, #tpu.memory_space<vmem_shared>>) offsets(%dma_start3A_267 : memref<80xi32, #tpu.memory_space<vmem>>) semaphore(%arg10 : memref<!tpu.dma_semaphore, #tpu.memory_space<semaphore_mem>>) {add = true}
      %dma_wait3A_271 = arith.constant 3 : i32
      %dma_wait3A_272 = arith.constant 0 : i32
      %dma_wait3A_273 = arith.constant 0 : i32
      %dma_wait3A_274 = tpu.memref_slice %arg7[%dma_wait3A_271, %dma_wait3A_272, %dma_wait3A_273] : memref<10x80x64xf32, #tpu.memory_space<vmem>> -> memref<1x80x64xf32, #tpu.memory_space<vmem>>
      %dma_wait3A_275 = tpu.memref_squeeze %dma_wait3A_274 : memref<1x80x64xf32, #tpu.memory_space<vmem>> -> memref<80x64xf32, #tpu.memory_space<vmem>>
      %dma_wait3A_276 = arith.constant 0 : i32
      %dma_wait3A_277 = tpu.memref_slice %arg5[%add3A_70, %dma_wait3A_276] : memref<130x80xi32, #tpu.memory_space<vmem>> -> memref<1x80xi32, #tpu.memory_space<vmem>>
      %dma_wait3A_278 = tpu.memref_squeeze %dma_wait3A_277 : memref<1x80xi32, #tpu.memory_space<vmem>> -> memref<80xi32, #tpu.memory_space<vmem>>
      %dma_wait3A_279 = arith.constant 0 : i32
      %dma_wait3A_280 = arith.constant 0 : i32
      %dma_wait3A_281 = tpu.memref_slice %arg2[%arg0, %dma_wait3A_279, %dma_wait3A_280] : memref<2x10240x64xf32, #tpu.memory_space<hbm>> -> memref<1x10240x64xf32, #tpu.memory_space<hbm>>
      %dma_wait3A_282 = tpu.memref_squeeze %dma_wait3A_281 : memref<1x10240x64xf32, #tpu.memory_space<hbm>> -> memref<10240x64xf32, #tpu.memory_space<hbm>>
      %dma_wait3A_283 = arith.constant 0 : i32
      %dma_wait3A_284 = arith.constant 0 : i32
      %dma_wait3A_285 = tpu.memref_slice %dma_wait3A_282[%dma_wait3A_283, %dma_wait3A_284] : memref<10240x64xf32, #tpu.memory_space<hbm>> -> memref<10240x64xf32, #tpu.memory_space<hbm>>
      tpu.wait_indirect_dma semaphore(%arg9 : memref<!tpu.dma_semaphore, #tpu.memory_space<semaphore_mem>>) src(%dma_wait3A_285 : memref<10240x64xf32, #tpu.memory_space<hbm>>) dst(%dma_wait3A_275 : memref<80x64xf32, #tpu.memory_space<vmem>>)
      %add3A_286 = arith.constant 3 : i32
      %add3A_287 = arith.addi %mul3A_18, %add3A_286 : i32
      %dma_start3A_288 = arith.constant 3 : i32
      %dma_start3A_289 = arith.constant 0 : i32
      %dma_start3A_290 = arith.constant 0 : i32
      %dma_start3A_291 = tpu.memref_slice %arg7[%dma_start3A_288, %dma_start3A_289, %dma_start3A_290] : memref<10x80x64xf32, #tpu.memory_space<vmem>> -> memref<1x80x64xf32, #tpu.memory_space<vmem>>
      %dma_start3A_292 = tpu.memref_squeeze %dma_start3A_291 : memref<1x80x64xf32, #tpu.memory_space<vmem>> -> memref<80x64xf32, #tpu.memory_space<vmem>>
      %dma_start3A_293 = arith.constant 0 : i32
      %dma_start3A_294 = tpu.memref_slice %arg6[%add3A_287, %dma_start3A_293] : memref<130x80xi32, #tpu.memory_space<vmem>> -> memref<1x80xi32, #tpu.memory_space<vmem>>
      %dma_start3A_295 = tpu.memref_squeeze %dma_start3A_294 : memref<1x80xi32, #tpu.memory_space<vmem>> -> memref<80xi32, #tpu.memory_space<vmem>>
      %dma_start3A_296 = arith.constant 0 : i32
      %dma_start3A_297 = arith.constant 0 : i32
      %dma_start3A_298 = tpu.memref_slice %arg8[%dma_start3A_296, %dma_start3A_297] : memref<10240x64xf32, #tpu.memory_space<vmem_shared>> -> memref<10240x64xf32, #tpu.memory_space<vmem_shared>>
      tpu.enqueue_indirect_dma source(%dma_start3A_292 : memref<80x64xf32, #tpu.memory_space<vmem>>) target(%dma_start3A_298 : memref<10240x64xf32, #tpu.memory_space<vmem_shared>>) offsets(%dma_start3A_295 : memref<80xi32, #tpu.memory_space<vmem>>) semaphore(%arg10 : memref<!tpu.dma_semaphore, #tpu.memory_space<semaphore_mem>>) {add = true}
      %dma_wait3A_299 = arith.constant 4 : i32
      %dma_wait3A_300 = arith.constant 0 : i32
      %dma_wait3A_301 = arith.constant 0 : i32
      %dma_wait3A_302 = tpu.memref_slice %arg7[%dma_wait3A_299, %dma_wait3A_300, %dma_wait3A_301] : memref<10x80x64xf32, #tpu.memory_space<vmem>> -> memref<1x80x64xf32, #tpu.memory_space<vmem>>
      %dma_wait3A_303 = tpu.memref_squeeze %dma_wait3A_302 : memref<1x80x64xf32, #tpu.memory_space<vmem>> -> memref<80x64xf32, #tpu.memory_space<vmem>>
      %dma_wait3A_304 = arith.constant 0 : i32
      %dma_wait3A_305 = tpu.memref_slice %arg5[%add3A_87, %dma_wait3A_304] : memref<130x80xi32, #tpu.memory_space<vmem>> -> memref<1x80xi32, #tpu.memory_space<vmem>>
      %dma_wait3A_306 = tpu.memref_squeeze %dma_wait3A_305 : memref<1x80xi32, #tpu.memory_space<vmem>> -> memref<80xi32, #tpu.memory_space<vmem>>
      %dma_wait3A_307 = arith.constant 0 : i32
      %dma_wait3A_308 = arith.constant 0 : i32
      %dma_wait3A_309 = tpu.memref_slice %arg2[%arg0, %dma_wait3A_307, %dma_wait3A_308] : memref<2x10240x64xf32, #tpu.memory_space<hbm>> -> memref<1x10240x64xf32, #tpu.memory_space<hbm>>
      %dma_wait3A_310 = tpu.memref_squeeze %dma_wait3A_309 : memref<1x10240x64xf32, #tpu.memory_space<hbm>> -> memref<10240x64xf32, #tpu.memory_space<hbm>>
      %dma_wait3A_311 = arith.constant 0 : i32
      %dma_wait3A_312 = arith.constant 0 : i32
      %dma_wait3A_313 = tpu.memref_slice %dma_wait3A_310[%dma_wait3A_311, %dma_wait3A_312] : memref<10240x64xf32, #tpu.memory_space<hbm>> -> memref<10240x64xf32, #tpu.memory_space<hbm>>
      tpu.wait_indirect_dma semaphore(%arg9 : memref<!tpu.dma_semaphore, #tpu.memory_space<semaphore_mem>>) src(%dma_wait3A_313 : memref<10240x64xf32, #tpu.memory_space<hbm>>) dst(%dma_wait3A_303 : memref<80x64xf32, #tpu.memory_space<vmem>>)
      %add3A_314 = arith.constant 4 : i32
      %add3A_315 = arith.addi %mul3A_18, %add3A_314 : i32
      %dma_start3A_316 = arith.constant 4 : i32
      %dma_start3A_317 = arith.constant 0 : i32
      %dma_start3A_318 = arith.constant 0 : i32
      %dma_start3A_319 = tpu.memref_slice %arg7[%dma_start3A_316, %dma_start3A_317, %dma_start3A_318] : memref<10x80x64xf32, #tpu.memory_space<vmem>> -> memref<1x80x64xf32, #tpu.memory_space<vmem>>
      %dma_start3A_320 = tpu.memref_squeeze %dma_start3A_319 : memref<1x80x64xf32, #tpu.memory_space<vmem>> -> memref<80x64xf32, #tpu.memory_space<vmem>>
      %dma_start3A_321 = arith.constant 0 : i32
      %dma_start3A_322 = tpu.memref_slice %arg6[%add3A_315, %dma_start3A_321] : memref<130x80xi32, #tpu.memory_space<vmem>> -> memref<1x80xi32, #tpu.memory_space<vmem>>
      %dma_start3A_323 = tpu.memref_squeeze %dma_start3A_322 : memref<1x80xi32, #tpu.memory_space<vmem>> -> memref<80xi32, #tpu.memory_space<vmem>>
      %dma_start3A_324 = arith.constant 0 : i32
      %dma_start3A_325 = arith.constant 0 : i32
      %dma_start3A_326 = tpu.memref_slice %arg8[%dma_start3A_324, %dma_start3A_325] : memref<10240x64xf32, #tpu.memory_space<vmem_shared>> -> memref<10240x64xf32, #tpu.memory_space<vmem_shared>>
      tpu.enqueue_indirect_dma source(%dma_start3A_320 : memref<80x64xf32, #tpu.memory_space<vmem>>) target(%dma_start3A_326 : memref<10240x64xf32, #tpu.memory_space<vmem_shared>>) offsets(%dma_start3A_323 : memref<80xi32, #tpu.memory_space<vmem>>) semaphore(%arg10 : memref<!tpu.dma_semaphore, #tpu.memory_space<semaphore_mem>>) {add = true}
      %dma_wait3A_327 = arith.constant 5 : i32
      %dma_wait3A_328 = arith.constant 0 : i32
      %dma_wait3A_329 = arith.constant 0 : i32
      %dma_wait3A_330 = tpu.memref_slice %arg7[%dma_wait3A_327, %dma_wait3A_328, %dma_wait3A_329] : memref<10x80x64xf32, #tpu.memory_space<vmem>> -> memref<1x80x64xf32, #tpu.memory_space<vmem>>
      %dma_wait3A_331 = tpu.memref_squeeze %dma_wait3A_330 : memref<1x80x64xf32, #tpu.memory_space<vmem>> -> memref<80x64xf32, #tpu.memory_space<vmem>>
      %dma_wait3A_332 = arith.constant 0 : i32
      %dma_wait3A_333 = tpu.memref_slice %arg5[%add3A_104, %dma_wait3A_332] : memref<130x80xi32, #tpu.memory_space<vmem>> -> memref<1x80xi32, #tpu.memory_space<vmem>>
      %dma_wait3A_334 = tpu.memref_squeeze %dma_wait3A_333 : memref<1x80xi32, #tpu.memory_space<vmem>> -> memref<80xi32, #tpu.memory_space<vmem>>
      %dma_wait3A_335 = arith.constant 0 : i32
      %dma_wait3A_336 = arith.constant 0 : i32
      %dma_wait3A_337 = tpu.memref_slice %arg2[%arg0, %dma_wait3A_335, %dma_wait3A_336] : memref<2x10240x64xf32, #tpu.memory_space<hbm>> -> memref<1x10240x64xf32, #tpu.memory_space<hbm>>
      %dma_wait3A_338 = tpu.memref_squeeze %dma_wait3A_337 : memref<1x10240x64xf32, #tpu.memory_space<hbm>> -> memref<10240x64xf32, #tpu.memory_space<hbm>>
      %dma_wait3A_339 = arith.constant 0 : i32
      %dma_wait3A_340 = arith.constant 0 : i32
      %dma_wait3A_341 = tpu.memref_slice %dma_wait3A_338[%dma_wait3A_339, %dma_wait3A_340] : memref<10240x64xf32, #tpu.memory_space<hbm>> -> memref<10240x64xf32, #tpu.memory_space<hbm>>
      tpu.wait_indirect_dma semaphore(%arg9 : memref<!tpu.dma_semaphore, #tpu.memory_space<semaphore_mem>>) src(%dma_wait3A_341 : memref<10240x64xf32, #tpu.memory_space<hbm>>) dst(%dma_wait3A_331 : memref<80x64xf32, #tpu.memory_space<vmem>>)
      %add3A_342 = arith.constant 5 : i32
      %add3A_343 = arith.addi %mul3A_18, %add3A_342 : i32
      %dma_start3A_344 = arith.constant 5 : i32
      %dma_start3A_345 = arith.constant 0 : i32
      %dma_start3A_346 = arith.constant 0 : i32
      %dma_start3A_347 = tpu.memref_slice %arg7[%dma_start3A_344, %dma_start3A_345, %dma_start3A_346] : memref<10x80x64xf32, #tpu.memory_space<vmem>> -> memref<1x80x64xf32, #tpu.memory_space<vmem>>
      %dma_start3A_348 = tpu.memref_squeeze %dma_start3A_347 : memref<1x80x64xf32, #tpu.memory_space<vmem>> -> memref<80x64xf32, #tpu.memory_space<vmem>>
      %dma_start3A_349 = arith.constant 0 : i32
      %dma_start3A_350 = tpu.memref_slice %arg6[%add3A_343, %dma_start3A_349] : memref<130x80xi32, #tpu.memory_space<vmem>> -> memref<1x80xi32, #tpu.memory_space<vmem>>
      %dma_start3A_351 = tpu.memref_squeeze %dma_start3A_350 : memref<1x80xi32, #tpu.memory_space<vmem>> -> memref<80xi32, #tpu.memory_space<vmem>>
      %dma_start3A_352 = arith.constant 0 : i32
      %dma_start3A_353 = arith.constant 0 : i32
      %dma_start3A_354 = tpu.memref_slice %arg8[%dma_start3A_352, %dma_start3A_353] : memref<10240x64xf32, #tpu.memory_space<vmem_shared>> -> memref<10240x64xf32, #tpu.memory_space<vmem_shared>>
      tpu.enqueue_indirect_dma source(%dma_start3A_348 : memref<80x64xf32, #tpu.memory_space<vmem>>) target(%dma_start3A_354 : memref<10240x64xf32, #tpu.memory_space<vmem_shared>>) offsets(%dma_start3A_351 : memref<80xi32, #tpu.memory_space<vmem>>) semaphore(%arg10 : memref<!tpu.dma_semaphore, #tpu.memory_space<semaphore_mem>>) {add = true}
      %dma_wait3A_355 = arith.constant 6 : i32
      %dma_wait3A_356 = arith.constant 0 : i32
      %dma_wait3A_357 = arith.constant 0 : i32
      %dma_wait3A_358 = tpu.memref_slice %arg7[%dma_wait3A_355, %dma_wait3A_356, %dma_wait3A_357] : memref<10x80x64xf32, #tpu.memory_space<vmem>> -> memref<1x80x64xf32, #tpu.memory_space<vmem>>
      %dma_wait3A_359 = tpu.memref_squeeze %dma_wait3A_358 : memref<1x80x64xf32, #tpu.memory_space<vmem>> -> memref<80x64xf32, #tpu.memory_space<vmem>>
      %dma_wait3A_360 = arith.constant 0 : i32
      %dma_wait3A_361 = tpu.memref_slice %arg5[%add3A_121, %dma_wait3A_360] : memref<130x80xi32, #tpu.memory_space<vmem>> -> memref<1x80xi32, #tpu.memory_space<vmem>>
      %dma_wait3A_362 = tpu.memref_squeeze %dma_wait3A_361 : memref<1x80xi32, #tpu.memory_space<vmem>> -> memref<80xi32, #tpu.memory_space<vmem>>
      %dma_wait3A_363 = arith.constant 0 : i32
      %dma_wait3A_364 = arith.constant 0 : i32
      %dma_wait3A_365 = tpu.memref_slice %arg2[%arg0, %dma_wait3A_363, %dma_wait3A_364] : memref<2x10240x64xf32, #tpu.memory_space<hbm>> -> memref<1x10240x64xf32, #tpu.memory_space<hbm>>
      %dma_wait3A_366 = tpu.memref_squeeze %dma_wait3A_365 : memref<1x10240x64xf32, #tpu.memory_space<hbm>> -> memref<10240x64xf32, #tpu.memory_space<hbm>>
      %dma_wait3A_367 = arith.constant 0 : i32
      %dma_wait3A_368 = arith.constant 0 : i32
      %dma_wait3A_369 = tpu.memref_slice %dma_wait3A_366[%dma_wait3A_367, %dma_wait3A_368] : memref<10240x64xf32, #tpu.memory_space<hbm>> -> memref<10240x64xf32, #tpu.memory_space<hbm>>
      tpu.wait_indirect_dma semaphore(%arg9 : memref<!tpu.dma_semaphore, #tpu.memory_space<semaphore_mem>>) src(%dma_wait3A_369 : memref<10240x64xf32, #tpu.memory_space<hbm>>) dst(%dma_wait3A_359 : memref<80x64xf32, #tpu.memory_space<vmem>>)
      %add3A_370 = arith.constant 6 : i32
      %add3A_371 = arith.addi %mul3A_18, %add3A_370 : i32
      %dma_start3A_372 = arith.constant 6 : i32
      %dma_start3A_373 = arith.constant 0 : i32
      %dma_start3A_374 = arith.constant 0 : i32
      %dma_start3A_375 = tpu.memref_slice %arg7[%dma_start3A_372, %dma_start3A_373, %dma_start3A_374] : memref<10x80x64xf32, #tpu.memory_space<vmem>> -> memref<1x80x64xf32, #tpu.memory_space<vmem>>
      %dma_start3A_376 = tpu.memref_squeeze %dma_start3A_375 : memref<1x80x64xf32, #tpu.memory_space<vmem>> -> memref<80x64xf32, #tpu.memory_space<vmem>>
      %dma_start3A_377 = arith.constant 0 : i32
      %dma_start3A_378 = tpu.memref_slice %arg6[%add3A_371, %dma_start3A_377] : memref<130x80xi32, #tpu.memory_space<vmem>> -> memref<1x80xi32, #tpu.memory_space<vmem>>
      %dma_start3A_379 = tpu.memref_squeeze %dma_start3A_378 : memref<1x80xi32, #tpu.memory_space<vmem>> -> memref<80xi32, #tpu.memory_space<vmem>>
      %dma_start3A_380 = arith.constant 0 : i32
      %dma_start3A_381 = arith.constant 0 : i32
      %dma_start3A_382 = tpu.memref_slice %arg8[%dma_start3A_380, %dma_start3A_381] : memref<10240x64xf32, #tpu.memory_space<vmem_shared>> -> memref<10240x64xf32, #tpu.memory_space<vmem_shared>>
      tpu.enqueue_indirect_dma source(%dma_start3A_376 : memref<80x64xf32, #tpu.memory_space<vmem>>) target(%dma_start3A_382 : memref<10240x64xf32, #tpu.memory_space<vmem_shared>>) offsets(%dma_start3A_379 : memref<80xi32, #tpu.memory_space<vmem>>) semaphore(%arg10 : memref<!tpu.dma_semaphore, #tpu.memory_space<semaphore_mem>>) {add = true}
      %dma_wait3A_383 = arith.constant 7 : i32
      %dma_wait3A_384 = arith.constant 0 : i32
      %dma_wait3A_385 = arith.constant 0 : i32
      %dma_wait3A_386 = tpu.memref_slice %arg7[%dma_wait3A_383, %dma_wait3A_384, %dma_wait3A_385] : memref<10x80x64xf32, #tpu.memory_space<vmem>> -> memref<1x80x64xf32, #tpu.memory_space<vmem>>
      %dma_wait3A_387 = tpu.memref_squeeze %dma_wait3A_386 : memref<1x80x64xf32, #tpu.memory_space<vmem>> -> memref<80x64xf32, #tpu.memory_space<vmem>>
      %dma_wait3A_388 = arith.constant 0 : i32
      %dma_wait3A_389 = tpu.memref_slice %arg5[%add3A_138, %dma_wait3A_388] : memref<130x80xi32, #tpu.memory_space<vmem>> -> memref<1x80xi32, #tpu.memory_space<vmem>>
      %dma_wait3A_390 = tpu.memref_squeeze %dma_wait3A_389 : memref<1x80xi32, #tpu.memory_space<vmem>> -> memref<80xi32, #tpu.memory_space<vmem>>
      %dma_wait3A_391 = arith.constant 0 : i32
      %dma_wait3A_392 = arith.constant 0 : i32
      %dma_wait3A_393 = tpu.memref_slice %arg2[%arg0, %dma_wait3A_391, %dma_wait3A_392] : memref<2x10240x64xf32, #tpu.memory_space<hbm>> -> memref<1x10240x64xf32, #tpu.memory_space<hbm>>
      %dma_wait3A_394 = tpu.memref_squeeze %dma_wait3A_393 : memref<1x10240x64xf32, #tpu.memory_space<hbm>> -> memref<10240x64xf32, #tpu.memory_space<hbm>>
      %dma_wait3A_395 = arith.constant 0 : i32
      %dma_wait3A_396 = arith.constant 0 : i32
      %dma_wait3A_397 = tpu.memref_slice %dma_wait3A_394[%dma_wait3A_395, %dma_wait3A_396] : memref<10240x64xf32, #tpu.memory_space<hbm>> -> memref<10240x64xf32, #tpu.memory_space<hbm>>
      tpu.wait_indirect_dma semaphore(%arg9 : memref<!tpu.dma_semaphore, #tpu.memory_space<semaphore_mem>>) src(%dma_wait3A_397 : memref<10240x64xf32, #tpu.memory_space<hbm>>) dst(%dma_wait3A_387 : memref<80x64xf32, #tpu.memory_space<vmem>>)
      %add3A_398 = arith.constant 7 : i32
      %add3A_399 = arith.addi %mul3A_18, %add3A_398 : i32
      %dma_start3A_400 = arith.constant 7 : i32
      %dma_start3A_401 = arith.constant 0 : i32
      %dma_start3A_402 = arith.constant 0 : i32
      %dma_start3A_403 = tpu.memref_slice %arg7[%dma_start3A_400, %dma_start3A_401, %dma_start3A_402] : memref<10x80x64xf32, #tpu.memory_space<vmem>> -> memref<1x80x64xf32, #tpu.memory_space<vmem>>
      %dma_start3A_404 = tpu.memref_squeeze %dma_start3A_403 : memref<1x80x64xf32, #tpu.memory_space<vmem>> -> memref<80x64xf32, #tpu.memory_space<vmem>>
      %dma_start3A_405 = arith.constant 0 : i32
      %dma_start3A_406 = tpu.memref_slice %arg6[%add3A_399, %dma_start3A_405] : memref<130x80xi32, #tpu.memory_space<vmem>> -> memref<1x80xi32, #tpu.memory_space<vmem>>
      %dma_start3A_407 = tpu.memref_squeeze %dma_start3A_406 : memref<1x80xi32, #tpu.memory_space<vmem>> -> memref<80xi32, #tpu.memory_space<vmem>>
      %dma_start3A_408 = arith.constant 0 : i32
      %dma_start3A_409 = arith.constant 0 : i32
      %dma_start3A_410 = tpu.memref_slice %arg8[%dma_start3A_408, %dma_start3A_409] : memref<10240x64xf32, #tpu.memory_space<vmem_shared>> -> memref<10240x64xf32, #tpu.memory_space<vmem_shared>>
      tpu.enqueue_indirect_dma source(%dma_start3A_404 : memref<80x64xf32, #tpu.memory_space<vmem>>) target(%dma_start3A_410 : memref<10240x64xf32, #tpu.memory_space<vmem_shared>>) offsets(%dma_start3A_407 : memref<80xi32, #tpu.memory_space<vmem>>) semaphore(%arg10 : memref<!tpu.dma_semaphore, #tpu.memory_space<semaphore_mem>>) {add = true}
      %dma_wait3A_411 = arith.constant 8 : i32
      %dma_wait3A_412 = arith.constant 0 : i32
      %dma_wait3A_413 = arith.constant 0 : i32
      %dma_wait3A_414 = tpu.memref_slice %arg7[%dma_wait3A_411, %dma_wait3A_412, %dma_wait3A_413] : memref<10x80x64xf32, #tpu.memory_space<vmem>> -> memref<1x80x64xf32, #tpu.memory_space<vmem>>
      %dma_wait3A_415 = tpu.memref_squeeze %dma_wait3A_414 : memref<1x80x64xf32, #tpu.memory_space<vmem>> -> memref<80x64xf32, #tpu.memory_space<vmem>>
      %dma_wait3A_416 = arith.constant 0 : i32
      %dma_wait3A_417 = tpu.memref_slice %arg5[%add3A_155, %dma_wait3A_416] : memref<130x80xi32, #tpu.memory_space<vmem>> -> memref<1x80xi32, #tpu.memory_space<vmem>>
      %dma_wait3A_418 = tpu.memref_squeeze %dma_wait3A_417 : memref<1x80xi32, #tpu.memory_space<vmem>> -> memref<80xi32, #tpu.memory_space<vmem>>
      %dma_wait3A_419 = arith.constant 0 : i32
      %dma_wait3A_420 = arith.constant 0 : i32
      %dma_wait3A_421 = tpu.memref_slice %arg2[%arg0, %dma_wait3A_419, %dma_wait3A_420] : memref<2x10240x64xf32, #tpu.memory_space<hbm>> -> memref<1x10240x64xf32, #tpu.memory_space<hbm>>
      %dma_wait3A_422 = tpu.memref_squeeze %dma_wait3A_421 : memref<1x10240x64xf32, #tpu.memory_space<hbm>> -> memref<10240x64xf32, #tpu.memory_space<hbm>>
      %dma_wait3A_423 = arith.constant 0 : i32
      %dma_wait3A_424 = arith.constant 0 : i32
      %dma_wait3A_425 = tpu.memref_slice %dma_wait3A_422[%dma_wait3A_423, %dma_wait3A_424] : memref<10240x64xf32, #tpu.memory_space<hbm>> -> memref<10240x64xf32, #tpu.memory_space<hbm>>
      tpu.wait_indirect_dma semaphore(%arg9 : memref<!tpu.dma_semaphore, #tpu.memory_space<semaphore_mem>>) src(%dma_wait3A_425 : memref<10240x64xf32, #tpu.memory_space<hbm>>) dst(%dma_wait3A_415 : memref<80x64xf32, #tpu.memory_space<vmem>>)
      %add3A_426 = arith.constant 8 : i32
      %add3A_427 = arith.addi %mul3A_18, %add3A_426 : i32
      %dma_start3A_428 = arith.constant 8 : i32
      %dma_start3A_429 = arith.constant 0 : i32
      %dma_start3A_430 = arith.constant 0 : i32
      %dma_start3A_431 = tpu.memref_slice %arg7[%dma_start3A_428, %dma_start3A_429, %dma_start3A_430] : memref<10x80x64xf32, #tpu.memory_space<vmem>> -> memref<1x80x64xf32, #tpu.memory_space<vmem>>
      %dma_start3A_432 = tpu.memref_squeeze %dma_start3A_431 : memref<1x80x64xf32, #tpu.memory_space<vmem>> -> memref<80x64xf32, #tpu.memory_space<vmem>>
      %dma_start3A_433 = arith.constant 0 : i32
      %dma_start3A_434 = tpu.memref_slice %arg6[%add3A_427, %dma_start3A_433] : memref<130x80xi32, #tpu.memory_space<vmem>> -> memref<1x80xi32, #tpu.memory_space<vmem>>
      %dma_start3A_435 = tpu.memref_squeeze %dma_start3A_434 : memref<1x80xi32, #tpu.memory_space<vmem>> -> memref<80xi32, #tpu.memory_space<vmem>>
      %dma_start3A_436 = arith.constant 0 : i32
      %dma_start3A_437 = arith.constant 0 : i32
      %dma_start3A_438 = tpu.memref_slice %arg8[%dma_start3A_436, %dma_start3A_437] : memref<10240x64xf32, #tpu.memory_space<vmem_shared>> -> memref<10240x64xf32, #tpu.memory_space<vmem_shared>>
      tpu.enqueue_indirect_dma source(%dma_start3A_432 : memref<80x64xf32, #tpu.memory_space<vmem>>) target(%dma_start3A_438 : memref<10240x64xf32, #tpu.memory_space<vmem_shared>>) offsets(%dma_start3A_435 : memref<80xi32, #tpu.memory_space<vmem>>) semaphore(%arg10 : memref<!tpu.dma_semaphore, #tpu.memory_space<semaphore_mem>>) {add = true}
      %dma_wait3A_439 = arith.constant 9 : i32
      %dma_wait3A_440 = arith.constant 0 : i32
      %dma_wait3A_441 = arith.constant 0 : i32
      %dma_wait3A_442 = tpu.memref_slice %arg7[%dma_wait3A_439, %dma_wait3A_440, %dma_wait3A_441] : memref<10x80x64xf32, #tpu.memory_space<vmem>> -> memref<1x80x64xf32, #tpu.memory_space<vmem>>
      %dma_wait3A_443 = tpu.memref_squeeze %dma_wait3A_442 : memref<1x80x64xf32, #tpu.memory_space<vmem>> -> memref<80x64xf32, #tpu.memory_space<vmem>>
      %dma_wait3A_444 = arith.constant 0 : i32
      %dma_wait3A_445 = tpu.memref_slice %arg5[%add3A_172, %dma_wait3A_444] : memref<130x80xi32, #tpu.memory_space<vmem>> -> memref<1x80xi32, #tpu.memory_space<vmem>>
      %dma_wait3A_446 = tpu.memref_squeeze %dma_wait3A_445 : memref<1x80xi32, #tpu.memory_space<vmem>> -> memref<80xi32, #tpu.memory_space<vmem>>
      %dma_wait3A_447 = arith.constant 0 : i32
      %dma_wait3A_448 = arith.constant 0 : i32
      %dma_wait3A_449 = tpu.memref_slice %arg2[%arg0, %dma_wait3A_447, %dma_wait3A_448] : memref<2x10240x64xf32, #tpu.memory_space<hbm>> -> memref<1x10240x64xf32, #tpu.memory_space<hbm>>
      %dma_wait3A_450 = tpu.memref_squeeze %dma_wait3A_449 : memref<1x10240x64xf32, #tpu.memory_space<hbm>> -> memref<10240x64xf32, #tpu.memory_space<hbm>>
      %dma_wait3A_451 = arith.constant 0 : i32
      %dma_wait3A_452 = arith.constant 0 : i32
      %dma_wait3A_453 = tpu.memref_slice %dma_wait3A_450[%dma_wait3A_451, %dma_wait3A_452] : memref<10240x64xf32, #tpu.memory_space<hbm>> -> memref<10240x64xf32, #tpu.memory_space<hbm>>
      tpu.wait_indirect_dma semaphore(%arg9 : memref<!tpu.dma_semaphore, #tpu.memory_space<semaphore_mem>>) src(%dma_wait3A_453 : memref<10240x64xf32, #tpu.memory_space<hbm>>) dst(%dma_wait3A_443 : memref<80x64xf32, #tpu.memory_space<vmem>>)
      %add3A_454 = arith.constant 9 : i32
      %add3A_455 = arith.addi %mul3A_18, %add3A_454 : i32
      %dma_start3A_456 = arith.constant 9 : i32
      %dma_start3A_457 = arith.constant 0 : i32
      %dma_start3A_458 = arith.constant 0 : i32
      %dma_start3A_459 = tpu.memref_slice %arg7[%dma_start3A_456, %dma_start3A_457, %dma_start3A_458] : memref<10x80x64xf32, #tpu.memory_space<vmem>> -> memref<1x80x64xf32, #tpu.memory_space<vmem>>
      %dma_start3A_460 = tpu.memref_squeeze %dma_start3A_459 : memref<1x80x64xf32, #tpu.memory_space<vmem>> -> memref<80x64xf32, #tpu.memory_space<vmem>>
      %dma_start3A_461 = arith.constant 0 : i32
      %dma_start3A_462 = tpu.memref_slice %arg6[%add3A_455, %dma_start3A_461] : memref<130x80xi32, #tpu.memory_space<vmem>> -> memref<1x80xi32, #tpu.memory_space<vmem>>
      %dma_start3A_463 = tpu.memref_squeeze %dma_start3A_462 : memref<1x80xi32, #tpu.memory_space<vmem>> -> memref<80xi32, #tpu.memory_space<vmem>>
      %dma_start3A_464 = arith.constant 0 : i32
      %dma_start3A_465 = arith.constant 0 : i32
      %dma_start3A_466 = tpu.memref_slice %arg8[%dma_start3A_464, %dma_start3A_465] : memref<10240x64xf32, #tpu.memory_space<vmem_shared>> -> memref<10240x64xf32, #tpu.memory_space<vmem_shared>>
      tpu.enqueue_indirect_dma source(%dma_start3A_460 : memref<80x64xf32, #tpu.memory_space<vmem>>) target(%dma_start3A_466 : memref<10240x64xf32, #tpu.memory_space<vmem_shared>>) offsets(%dma_start3A_463 : memref<80xi32, #tpu.memory_space<vmem>>) semaphore(%arg10 : memref<!tpu.dma_semaphore, #tpu.memory_space<semaphore_mem>>) {add = true}
      %dma_wait3A_467 = arith.constant 0 : i32
      %dma_wait3A_468 = arith.constant 0 : i32
      %dma_wait3A_469 = arith.constant 0 : i32
      %dma_wait3A_470 = tpu.memref_slice %arg7[%dma_wait3A_467, %dma_wait3A_468, %dma_wait3A_469] : memref<10x80x64xf32, #tpu.memory_space<vmem>> -> memref<1x80x64xf32, #tpu.memory_space<vmem>>
      %dma_wait3A_471 = tpu.memref_squeeze %dma_wait3A_470 : memref<1x80x64xf32, #tpu.memory_space<vmem>> -> memref<80x64xf32, #tpu.memory_space<vmem>>
      %dma_wait3A_472 = arith.constant 0 : i32
      %dma_wait3A_473 = tpu.memref_slice %arg6[%add3A_203, %dma_wait3A_472] : memref<130x80xi32, #tpu.memory_space<vmem>> -> memref<1x80xi32, #tpu.memory_space<vmem>>
      %dma_wait3A_474 = tpu.memref_squeeze %dma_wait3A_473 : memref<1x80xi32, #tpu.memory_space<vmem>> -> memref<80xi32, #tpu.memory_space<vmem>>
      %dma_wait3A_475 = arith.constant 0 : i32
      %dma_wait3A_476 = arith.constant 0 : i32
      %dma_wait3A_477 = tpu.memref_slice %arg8[%dma_wait3A_475, %dma_wait3A_476] : memref<10240x64xf32, #tpu.memory_space<vmem_shared>> -> memref<10240x64xf32, #tpu.memory_space<vmem_shared>>
      tpu.wait_indirect_dma semaphore(%arg10 : memref<!tpu.dma_semaphore, #tpu.memory_space<semaphore_mem>>) src(%dma_wait3A_471 : memref<80x64xf32, #tpu.memory_space<vmem>>) dst(%dma_wait3A_477 : memref<10240x64xf32, #tpu.memory_space<vmem_shared>>)
      %dma_wait3A_478 = arith.constant 1 : i32
      %dma_wait3A_479 = arith.constant 0 : i32
      %dma_wait3A_480 = arith.constant 0 : i32
      %dma_wait3A_481 = tpu.memref_slice %arg7[%dma_wait3A_478, %dma_wait3A_479, %dma_wait3A_480] : memref<10x80x64xf32, #tpu.memory_space<vmem>> -> memref<1x80x64xf32, #tpu.memory_space<vmem>>
      %dma_wait3A_482 = tpu.memref_squeeze %dma_wait3A_481 : memref<1x80x64xf32, #tpu.memory_space<vmem>> -> memref<80x64xf32, #tpu.memory_space<vmem>>
      %dma_wait3A_483 = arith.constant 0 : i32
      %dma_wait3A_484 = tpu.memref_slice %arg6[%add3A_231, %dma_wait3A_483] : memref<130x80xi32, #tpu.memory_space<vmem>> -> memref<1x80xi32, #tpu.memory_space<vmem>>
      %dma_wait3A_485 = tpu.memref_squeeze %dma_wait3A_484 : memref<1x80xi32, #tpu.memory_space<vmem>> -> memref<80xi32, #tpu.memory_space<vmem>>
      %dma_wait3A_486 = arith.constant 0 : i32
      %dma_wait3A_487 = arith.constant 0 : i32
      %dma_wait3A_488 = tpu.memref_slice %arg8[%dma_wait3A_486, %dma_wait3A_487] : memref<10240x64xf32, #tpu.memory_space<vmem_shared>> -> memref<10240x64xf32, #tpu.memory_space<vmem_shared>>
      tpu.wait_indirect_dma semaphore(%arg10 : memref<!tpu.dma_semaphore, #tpu.memory_space<semaphore_mem>>) src(%dma_wait3A_482 : memref<80x64xf32, #tpu.memory_space<vmem>>) dst(%dma_wait3A_488 : memref<10240x64xf32, #tpu.memory_space<vmem_shared>>)
      %dma_wait3A_489 = arith.constant 2 : i32
      %dma_wait3A_490 = arith.constant 0 : i32
      %dma_wait3A_491 = arith.constant 0 : i32
      %dma_wait3A_492 = tpu.memref_slice %arg7[%dma_wait3A_489, %dma_wait3A_490, %dma_wait3A_491] : memref<10x80x64xf32, #tpu.memory_space<vmem>> -> memref<1x80x64xf32, #tpu.memory_space<vmem>>
      %dma_wait3A_493 = tpu.memref_squeeze %dma_wait3A_492 : memref<1x80x64xf32, #tpu.memory_space<vmem>> -> memref<80x64xf32, #tpu.memory_space<vmem>>
      %dma_wait3A_494 = arith.constant 0 : i32
      %dma_wait3A_495 = tpu.memref_slice %arg6[%add3A_259, %dma_wait3A_494] : memref<130x80xi32, #tpu.memory_space<vmem>> -> memref<1x80xi32, #tpu.memory_space<vmem>>
      %dma_wait3A_496 = tpu.memref_squeeze %dma_wait3A_495 : memref<1x80xi32, #tpu.memory_space<vmem>> -> memref<80xi32, #tpu.memory_space<vmem>>
      %dma_wait3A_497 = arith.constant 0 : i32
      %dma_wait3A_498 = arith.constant 0 : i32
      %dma_wait3A_499 = tpu.memref_slice %arg8[%dma_wait3A_497, %dma_wait3A_498] : memref<10240x64xf32, #tpu.memory_space<vmem_shared>> -> memref<10240x64xf32, #tpu.memory_space<vmem_shared>>
      tpu.wait_indirect_dma semaphore(%arg10 : memref<!tpu.dma_semaphore, #tpu.memory_space<semaphore_mem>>) src(%dma_wait3A_493 : memref<80x64xf32, #tpu.memory_space<vmem>>) dst(%dma_wait3A_499 : memref<10240x64xf32, #tpu.memory_space<vmem_shared>>)
      %dma_wait3A_500 = arith.constant 3 : i32
      %dma_wait3A_501 = arith.constant 0 : i32
      %dma_wait3A_502 = arith.constant 0 : i32
      %dma_wait3A_503 = tpu.memref_slice %arg7[%dma_wait3A_500, %dma_wait3A_501, %dma_wait3A_502] : memref<10x80x64xf32, #tpu.memory_space<vmem>> -> memref<1x80x64xf32, #tpu.memory_space<vmem>>
      %dma_wait3A_504 = tpu.memref_squeeze %dma_wait3A_503 : memref<1x80x64xf32, #tpu.memory_space<vmem>> -> memref<80x64xf32, #tpu.memory_space<vmem>>
      %dma_wait3A_505 = arith.constant 0 : i32
      %dma_wait3A_506 = tpu.memref_slice %arg6[%add3A_287, %dma_wait3A_505] : memref<130x80xi32, #tpu.memory_space<vmem>> -> memref<1x80xi32, #tpu.memory_space<vmem>>
      %dma_wait3A_507 = tpu.memref_squeeze %dma_wait3A_506 : memref<1x80xi32, #tpu.memory_space<vmem>> -> memref<80xi32, #tpu.memory_space<vmem>>
      %dma_wait3A_508 = arith.constant 0 : i32
      %dma_wait3A_509 = arith.constant 0 : i32
      %dma_wait3A_510 = tpu.memref_slice %arg8[%dma_wait3A_508, %dma_wait3A_509] : memref<10240x64xf32, #tpu.memory_space<vmem_shared>> -> memref<10240x64xf32, #tpu.memory_space<vmem_shared>>
      tpu.wait_indirect_dma semaphore(%arg10 : memref<!tpu.dma_semaphore, #tpu.memory_space<semaphore_mem>>) src(%dma_wait3A_504 : memref<80x64xf32, #tpu.memory_space<vmem>>) dst(%dma_wait3A_510 : memref<10240x64xf32, #tpu.memory_space<vmem_shared>>)
      %dma_wait3A_511 = arith.constant 4 : i32
      %dma_wait3A_512 = arith.constant 0 : i32
      %dma_wait3A_513 = arith.constant 0 : i32
      %dma_wait3A_514 = tpu.memref_slice %arg7[%dma_wait3A_511, %dma_wait3A_512, %dma_wait3A_513] : memref<10x80x64xf32, #tpu.memory_space<vmem>> -> memref<1x80x64xf32, #tpu.memory_space<vmem>>
      %dma_wait3A_515 = tpu.memref_squeeze %dma_wait3A_514 : memref<1x80x64xf32, #tpu.memory_space<vmem>> -> memref<80x64xf32, #tpu.memory_space<vmem>>
      %dma_wait3A_516 = arith.constant 0 : i32
      %dma_wait3A_517 = tpu.memref_slice %arg6[%add3A_315, %dma_wait3A_516] : memref<130x80xi32, #tpu.memory_space<vmem>> -> memref<1x80xi32, #tpu.memory_space<vmem>>
      %dma_wait3A_518 = tpu.memref_squeeze %dma_wait3A_517 : memref<1x80xi32, #tpu.memory_space<vmem>> -> memref<80xi32, #tpu.memory_space<vmem>>
      %dma_wait3A_519 = arith.constant 0 : i32
      %dma_wait3A_520 = arith.constant 0 : i32
      %dma_wait3A_521 = tpu.memref_slice %arg8[%dma_wait3A_519, %dma_wait3A_520] : memref<10240x64xf32, #tpu.memory_space<vmem_shared>> -> memref<10240x64xf32, #tpu.memory_space<vmem_shared>>
      tpu.wait_indirect_dma semaphore(%arg10 : memref<!tpu.dma_semaphore, #tpu.memory_space<semaphore_mem>>) src(%dma_wait3A_515 : memref<80x64xf32, #tpu.memory_space<vmem>>) dst(%dma_wait3A_521 : memref<10240x64xf32, #tpu.memory_space<vmem_shared>>)
      %dma_wait3A_522 = arith.constant 5 : i32
      %dma_wait3A_523 = arith.constant 0 : i32
      %dma_wait3A_524 = arith.constant 0 : i32
      %dma_wait3A_525 = tpu.memref_slice %arg7[%dma_wait3A_522, %dma_wait3A_523, %dma_wait3A_524] : memref<10x80x64xf32, #tpu.memory_space<vmem>> -> memref<1x80x64xf32, #tpu.memory_space<vmem>>
      %dma_wait3A_526 = tpu.memref_squeeze %dma_wait3A_525 : memref<1x80x64xf32, #tpu.memory_space<vmem>> -> memref<80x64xf32, #tpu.memory_space<vmem>>
      %dma_wait3A_527 = arith.constant 0 : i32
      %dma_wait3A_528 = tpu.memref_slice %arg6[%add3A_343, %dma_wait3A_527] : memref<130x80xi32, #tpu.memory_space<vmem>> -> memref<1x80xi32, #tpu.memory_space<vmem>>
      %dma_wait3A_529 = tpu.memref_squeeze %dma_wait3A_528 : memref<1x80xi32, #tpu.memory_space<vmem>> -> memref<80xi32, #tpu.memory_space<vmem>>
      %dma_wait3A_530 = arith.constant 0 : i32
      %dma_wait3A_531 = arith.constant 0 : i32
      %dma_wait3A_532 = tpu.memref_slice %arg8[%dma_wait3A_530, %dma_wait3A_531] : memref<10240x64xf32, #tpu.memory_space<vmem_shared>> -> memref<10240x64xf32, #tpu.memory_space<vmem_shared>>
      tpu.wait_indirect_dma semaphore(%arg10 : memref<!tpu.dma_semaphore, #tpu.memory_space<semaphore_mem>>) src(%dma_wait3A_526 : memref<80x64xf32, #tpu.memory_space<vmem>>) dst(%dma_wait3A_532 : memref<10240x64xf32, #tpu.memory_space<vmem_shared>>)
      %dma_wait3A_533 = arith.constant 6 : i32
      %dma_wait3A_534 = arith.constant 0 : i32
      %dma_wait3A_535 = arith.constant 0 : i32
      %dma_wait3A_536 = tpu.memref_slice %arg7[%dma_wait3A_533, %dma_wait3A_534, %dma_wait3A_535] : memref<10x80x64xf32, #tpu.memory_space<vmem>> -> memref<1x80x64xf32, #tpu.memory_space<vmem>>
      %dma_wait3A_537 = tpu.memref_squeeze %dma_wait3A_536 : memref<1x80x64xf32, #tpu.memory_space<vmem>> -> memref<80x64xf32, #tpu.memory_space<vmem>>
      %dma_wait3A_538 = arith.constant 0 : i32
      %dma_wait3A_539 = tpu.memref_slice %arg6[%add3A_371, %dma_wait3A_538] : memref<130x80xi32, #tpu.memory_space<vmem>> -> memref<1x80xi32, #tpu.memory_space<vmem>>
      %dma_wait3A_540 = tpu.memref_squeeze %dma_wait3A_539 : memref<1x80xi32, #tpu.memory_space<vmem>> -> memref<80xi32, #tpu.memory_space<vmem>>
      %dma_wait3A_541 = arith.constant 0 : i32
      %dma_wait3A_542 = arith.constant 0 : i32
      %dma_wait3A_543 = tpu.memref_slice %arg8[%dma_wait3A_541, %dma_wait3A_542] : memref<10240x64xf32, #tpu.memory_space<vmem_shared>> -> memref<10240x64xf32, #tpu.memory_space<vmem_shared>>
      tpu.wait_indirect_dma semaphore(%arg10 : memref<!tpu.dma_semaphore, #tpu.memory_space<semaphore_mem>>) src(%dma_wait3A_537 : memref<80x64xf32, #tpu.memory_space<vmem>>) dst(%dma_wait3A_543 : memref<10240x64xf32, #tpu.memory_space<vmem_shared>>)
      %dma_wait3A_544 = arith.constant 7 : i32
      %dma_wait3A_545 = arith.constant 0 : i32
      %dma_wait3A_546 = arith.constant 0 : i32
      %dma_wait3A_547 = tpu.memref_slice %arg7[%dma_wait3A_544, %dma_wait3A_545, %dma_wait3A_546] : memref<10x80x64xf32, #tpu.memory_space<vmem>> -> memref<1x80x64xf32, #tpu.memory_space<vmem>>
      %dma_wait3A_548 = tpu.memref_squeeze %dma_wait3A_547 : memref<1x80x64xf32, #tpu.memory_space<vmem>> -> memref<80x64xf32, #tpu.memory_space<vmem>>
      %dma_wait3A_549 = arith.constant 0 : i32
      %dma_wait3A_550 = tpu.memref_slice %arg6[%add3A_399, %dma_wait3A_549] : memref<130x80xi32, #tpu.memory_space<vmem>> -> memref<1x80xi32, #tpu.memory_space<vmem>>
      %dma_wait3A_551 = tpu.memref_squeeze %dma_wait3A_550 : memref<1x80xi32, #tpu.memory_space<vmem>> -> memref<80xi32, #tpu.memory_space<vmem>>
      %dma_wait3A_552 = arith.constant 0 : i32
      %dma_wait3A_553 = arith.constant 0 : i32
      %dma_wait3A_554 = tpu.memref_slice %arg8[%dma_wait3A_552, %dma_wait3A_553] : memref<10240x64xf32, #tpu.memory_space<vmem_shared>> -> memref<10240x64xf32, #tpu.memory_space<vmem_shared>>
      tpu.wait_indirect_dma semaphore(%arg10 : memref<!tpu.dma_semaphore, #tpu.memory_space<semaphore_mem>>) src(%dma_wait3A_548 : memref<80x64xf32, #tpu.memory_space<vmem>>) dst(%dma_wait3A_554 : memref<10240x64xf32, #tpu.memory_space<vmem_shared>>)
      %dma_wait3A_555 = arith.constant 8 : i32
      %dma_wait3A_556 = arith.constant 0 : i32
      %dma_wait3A_557 = arith.constant 0 : i32
      %dma_wait3A_558 = tpu.memref_slice %arg7[%dma_wait3A_555, %dma_wait3A_556, %dma_wait3A_557] : memref<10x80x64xf32, #tpu.memory_space<vmem>> -> memref<1x80x64xf32, #tpu.memory_space<vmem>>
      %dma_wait3A_559 = tpu.memref_squeeze %dma_wait3A_558 : memref<1x80x64xf32, #tpu.memory_space<vmem>> -> memref<80x64xf32, #tpu.memory_space<vmem>>
      %dma_wait3A_560 = arith.constant 0 : i32
      %dma_wait3A_561 = tpu.memref_slice %arg6[%add3A_427, %dma_wait3A_560] : memref<130x80xi32, #tpu.memory_space<vmem>> -> memref<1x80xi32, #tpu.memory_space<vmem>>
      %dma_wait3A_562 = tpu.memref_squeeze %dma_wait3A_561 : memref<1x80xi32, #tpu.memory_space<vmem>> -> memref<80xi32, #tpu.memory_space<vmem>>
      %dma_wait3A_563 = arith.constant 0 : i32
      %dma_wait3A_564 = arith.constant 0 : i32
      %dma_wait3A_565 = tpu.memref_slice %arg8[%dma_wait3A_563, %dma_wait3A_564] : memref<10240x64xf32, #tpu.memory_space<vmem_shared>> -> memref<10240x64xf32, #tpu.memory_space<vmem_shared>>
      tpu.wait_indirect_dma semaphore(%arg10 : memref<!tpu.dma_semaphore, #tpu.memory_space<semaphore_mem>>) src(%dma_wait3A_559 : memref<80x64xf32, #tpu.memory_space<vmem>>) dst(%dma_wait3A_565 : memref<10240x64xf32, #tpu.memory_space<vmem_shared>>)
      %dma_wait3A_566 = arith.constant 9 : i32
      %dma_wait3A_567 = arith.constant 0 : i32
      %dma_wait3A_568 = arith.constant 0 : i32
      %dma_wait3A_569 = tpu.memref_slice %arg7[%dma_wait3A_566, %dma_wait3A_567, %dma_wait3A_568] : memref<10x80x64xf32, #tpu.memory_space<vmem>> -> memref<1x80x64xf32, #tpu.memory_space<vmem>>
      %dma_wait3A_570 = tpu.memref_squeeze %dma_wait3A_569 : memref<1x80x64xf32, #tpu.memory_space<vmem>> -> memref<80x64xf32, #tpu.memory_space<vmem>>
      %dma_wait3A_571 = arith.constant 0 : i32
      %dma_wait3A_572 = tpu.memref_slice %arg6[%add3A_455, %dma_wait3A_571] : memref<130x80xi32, #tpu.memory_space<vmem>> -> memref<1x80xi32, #tpu.memory_space<vmem>>
      %dma_wait3A_573 = tpu.memref_squeeze %dma_wait3A_572 : memref<1x80xi32, #tpu.memory_space<vmem>> -> memref<80xi32, #tpu.memory_space<vmem>>
      %dma_wait3A_574 = arith.constant 0 : i32
      %dma_wait3A_575 = arith.constant 0 : i32
      %dma_wait3A_576 = tpu.memref_slice %arg8[%dma_wait3A_574, %dma_wait3A_575] : memref<10240x64xf32, #tpu.memory_space<vmem_shared>> -> memref<10240x64xf32, #tpu.memory_space<vmem_shared>>
      tpu.wait_indirect_dma semaphore(%arg10 : memref<!tpu.dma_semaphore, #tpu.memory_space<semaphore_mem>>) src(%dma_wait3A_570 : memref<80x64xf32, #tpu.memory_space<vmem>>) dst(%dma_wait3A_576 : memref<10240x64xf32, #tpu.memory_space<vmem_shared>>)
    }
    %scan3A_6 = arith.constant 13 : i32
    "tpu.region"() ({
      %run_scoped3A = tpu.sem_alloc : memref<!tpu.dma_semaphore, #tpu.memory_space<semaphore_mem>>
      %dma_start3A = arith.constant 0 : i32
      %dma_start3A_16 = arith.constant 0 : i32
      %dma_start3A_17 = tpu.memref_slice %arg5[%dma_start3A, %dma_start3A_16] : memref<130x80xi32, #tpu.memory_space<vmem>> -> memref<120x80xi32, #tpu.memory_space<vmem>>
      %dma_start3A_18 = arith.constant 130 : i32
      %dma_start3A_19 = arith.constant 0 : i32
      %dma_start3A_20 = tpu.memref_slice %arg3[%arg1, %dma_start3A_18, %dma_start3A_19] : memref<32x250x80xi32, #tpu.memory_space<hbm>> -> memref<1x120x80xi32, #tpu.memory_space<hbm>>
      %dma_start3A_21 = tpu.memref_squeeze %dma_start3A_20 : memref<1x120x80xi32, #tpu.memory_space<hbm>> -> memref<120x80xi32, #tpu.memory_space<hbm>>
      %dma_start3A_22 = arith.constant 0 : i32
      %dma_start3A_23 = arith.constant 0 : i32
      %dma_start3A_24 = tpu.memref_slice %arg5[%dma_start3A_22, %dma_start3A_23] : memref<130x80xi32, #tpu.memory_space<vmem>> -> memref<120x80xi32, #tpu.memory_space<vmem>>
      %dma_start3A_25 = arith.constant 130 : i32
      %dma_start3A_26 = arith.constant 0 : i32
      %dma_start3A_27 = tpu.memref_slice %arg3[%arg1, %dma_start3A_25, %dma_start3A_26] : memref<32x250x80xi32, #tpu.memory_space<hbm>> -> memref<1x120x80xi32, #tpu.memory_space<hbm>>
      %dma_start3A_28 = tpu.memref_squeeze %dma_start3A_27 : memref<1x120x80xi32, #tpu.memory_space<hbm>> -> memref<120x80xi32, #tpu.memory_space<hbm>>
      tpu.enqueue_dma source(%dma_start3A_28 : memref<120x80xi32, #tpu.memory_space<hbm>>) target(%dma_start3A_24 : memref<120x80xi32, #tpu.memory_space<vmem>>) target_semaphore(%run_scoped3A : memref<!tpu.dma_semaphore, #tpu.memory_space<semaphore_mem>>)
      %dma_wait3A = arith.constant 0 : i32
      %dma_wait3A_29 = arith.constant 0 : i32
      %dma_wait3A_30 = tpu.memref_slice %arg5[%dma_wait3A, %dma_wait3A_29] : memref<130x80xi32, #tpu.memory_space<vmem>> -> memref<120x80xi32, #tpu.memory_space<vmem>>
      %dma_wait3A_31 = arith.constant 130 : i32
      %dma_wait3A_32 = arith.constant 0 : i32
      %dma_wait3A_33 = tpu.memref_slice %arg3[%arg1, %dma_wait3A_31, %dma_wait3A_32] : memref<32x250x80xi32, #tpu.memory_space<hbm>> -> memref<1x120x80xi32, #tpu.memory_space<hbm>>
      %dma_wait3A_34 = tpu.memref_squeeze %dma_wait3A_33 : memref<1x120x80xi32, #tpu.memory_space<hbm>> -> memref<120x80xi32, #tpu.memory_space<hbm>>
      %dma_wait3A_35 = arith.constant 0 : i32
      %dma_wait3A_36 = arith.constant 0 : i32
      %dma_wait3A_37 = tpu.memref_slice %arg5[%dma_wait3A_35, %dma_wait3A_36] : memref<130x80xi32, #tpu.memory_space<vmem>> -> memref<120x80xi32, #tpu.memory_space<vmem>>
      %dma_wait3A_38 = arith.constant 130 : i32
      %dma_wait3A_39 = arith.constant 0 : i32
      %dma_wait3A_40 = tpu.memref_slice %arg3[%arg1, %dma_wait3A_38, %dma_wait3A_39] : memref<32x250x80xi32, #tpu.memory_space<hbm>> -> memref<1x120x80xi32, #tpu.memory_space<hbm>>
      %dma_wait3A_41 = tpu.memref_squeeze %dma_wait3A_40 : memref<1x120x80xi32, #tpu.memory_space<hbm>> -> memref<120x80xi32, #tpu.memory_space<hbm>>
      tpu.wait_dma2 semaphore(%run_scoped3A : memref<!tpu.dma_semaphore, #tpu.memory_space<semaphore_mem>>) src(%dma_wait3A_41 : memref<120x80xi32, #tpu.memory_space<hbm>>) dst(%dma_wait3A_37 : memref<120x80xi32, #tpu.memory_space<vmem>>)
      tpu.yield
    }) : () -> ()
    %add3A_7 = arith.constant 16 : i32
    %add3A_8 = arith.addi %add3A_7, %arg1 : i32
    "tpu.region"() ({
      %run_scoped3A = tpu.sem_alloc : memref<!tpu.dma_semaphore, #tpu.memory_space<semaphore_mem>>
      %dma_start3A = arith.constant 0 : i32
      %dma_start3A_16 = arith.constant 0 : i32
      %dma_start3A_17 = tpu.memref_slice %arg6[%dma_start3A, %dma_start3A_16] : memref<130x80xi32, #tpu.memory_space<vmem>> -> memref<120x80xi32, #tpu.memory_space<vmem>>
      %dma_start3A_18 = arith.constant 130 : i32
      %dma_start3A_19 = arith.constant 0 : i32
      %dma_start3A_20 = tpu.memref_slice %arg3[%add3A_8, %dma_start3A_18, %dma_start3A_19] : memref<32x250x80xi32, #tpu.memory_space<hbm>> -> memref<1x120x80xi32, #tpu.memory_space<hbm>>
      %dma_start3A_21 = tpu.memref_squeeze %dma_start3A_20 : memref<1x120x80xi32, #tpu.memory_space<hbm>> -> memref<120x80xi32, #tpu.memory_space<hbm>>
      %dma_start3A_22 = arith.constant 0 : i32
      %dma_start3A_23 = arith.constant 0 : i32
      %dma_start3A_24 = tpu.memref_slice %arg6[%dma_start3A_22, %dma_start3A_23] : memref<130x80xi32, #tpu.memory_space<vmem>> -> memref<120x80xi32, #tpu.memory_space<vmem>>
      %dma_start3A_25 = arith.constant 130 : i32
      %dma_start3A_26 = arith.constant 0 : i32
      %dma_start3A_27 = tpu.memref_slice %arg3[%add3A_8, %dma_start3A_25, %dma_start3A_26] : memref<32x250x80xi32, #tpu.memory_space<hbm>> -> memref<1x120x80xi32, #tpu.memory_space<hbm>>
      %dma_start3A_28 = tpu.memref_squeeze %dma_start3A_27 : memref<1x120x80xi32, #tpu.memory_space<hbm>> -> memref<120x80xi32, #tpu.memory_space<hbm>>
      tpu.enqueue_dma source(%dma_start3A_28 : memref<120x80xi32, #tpu.memory_space<hbm>>) target(%dma_start3A_24 : memref<120x80xi32, #tpu.memory_space<vmem>>) target_semaphore(%run_scoped3A : memref<!tpu.dma_semaphore, #tpu.memory_space<semaphore_mem>>)
      %dma_wait3A = arith.constant 0 : i32
      %dma_wait3A_29 = arith.constant 0 : i32
      %dma_wait3A_30 = tpu.memref_slice %arg6[%dma_wait3A, %dma_wait3A_29] : memref<130x80xi32, #tpu.memory_space<vmem>> -> memref<120x80xi32, #tpu.memory_space<vmem>>
      %dma_wait3A_31 = arith.constant 130 : i32
      %dma_wait3A_32 = arith.constant 0 : i32
      %dma_wait3A_33 = tpu.memref_slice %arg3[%add3A_8, %dma_wait3A_31, %dma_wait3A_32] : memref<32x250x80xi32, #tpu.memory_space<hbm>> -> memref<1x120x80xi32, #tpu.memory_space<hbm>>
      %dma_wait3A_34 = tpu.memref_squeeze %dma_wait3A_33 : memref<1x120x80xi32, #tpu.memory_space<hbm>> -> memref<120x80xi32, #tpu.memory_space<hbm>>
      %dma_wait3A_35 = arith.constant 0 : i32
      %dma_wait3A_36 = arith.constant 0 : i32
      %dma_wait3A_37 = tpu.memref_slice %arg6[%dma_wait3A_35, %dma_wait3A_36] : memref<130x80xi32, #tpu.memory_space<vmem>> -> memref<120x80xi32, #tpu.memory_space<vmem>>
      %dma_wait3A_38 = arith.constant 130 : i32
      %dma_wait3A_39 = arith.constant 0 : i32
      %dma_wait3A_40 = tpu.memref_slice %arg3[%add3A_8, %dma_wait3A_38, %dma_wait3A_39] : memref<32x250x80xi32, #tpu.memory_space<hbm>> -> memref<1x120x80xi32, #tpu.memory_space<hbm>>
      %dma_wait3A_41 = tpu.memref_squeeze %dma_wait3A_40 : memref<1x120x80xi32, #tpu.memory_space<hbm>> -> memref<120x80xi32, #tpu.memory_space<hbm>>
      tpu.wait_dma2 semaphore(%run_scoped3A : memref<!tpu.dma_semaphore, #tpu.memory_space<semaphore_mem>>) src(%dma_wait3A_41 : memref<120x80xi32, #tpu.memory_space<hbm>>) dst(%dma_wait3A_37 : memref<120x80xi32, #tpu.memory_space<vmem>>)
      tpu.yield
    }) : () -> ()
    %scan3A_9 = arith.constant 0 : i32
    %scan3A_10 = arith.constant 0 : i32
    %scan3A_11 = arith.constant 12 : i32
    %scan3A_12 = arith.addi %scan3A_10, %scan3A_11 : i32
    %scan3A_13 = arith.constant 1 : i32
    scf.for %scan3A_16 = %scan3A_10 to %scan3A_12 step %scan3A_13  : i32 {
      %mul3A_17 = arith.constant 10 : i32
      %mul3A_18 = arith.muli %scan3A_16, %mul3A_17 : i32
      %add3A_19 = arith.constant 0 : i32
      %add3A_20 = arith.addi %mul3A_18, %add3A_19 : i32
      %dma_start3A = arith.constant 0 : i32
      %dma_start3A_21 = arith.constant 0 : i32
      %dma_start3A_22 = arith.constant 0 : i32
      %dma_start3A_23 = tpu.memref_slice %arg7[%dma_start3A, %dma_start3A_21, %dma_start3A_22] : memref<10x80x64xf32, #tpu.memory_space<vmem>> -> memref<1x80x64xf32, #tpu.memory_space<vmem>>
      %dma_start3A_24 = tpu.memref_squeeze %dma_start3A_23 : memref<1x80x64xf32, #tpu.memory_space<vmem>> -> memref<80x64xf32, #tpu.memory_space<vmem>>
      %dma_start3A_25 = arith.constant 0 : i32
      %dma_start3A_26 = tpu.memref_slice %arg5[%add3A_20, %dma_start3A_25] : memref<130x80xi32, #tpu.memory_space<vmem>> -> memref<1x80xi32, #tpu.memory_space<vmem>>
      %dma_start3A_27 = tpu.memref_squeeze %dma_start3A_26 : memref<1x80xi32, #tpu.memory_space<vmem>> -> memref<80xi32, #tpu.memory_space<vmem>>
      %dma_start3A_28 = arith.constant 0 : i32
      %dma_start3A_29 = arith.constant 0 : i32
      %dma_start3A_30 = tpu.memref_slice %arg2[%arg0, %dma_start3A_28, %dma_start3A_29] : memref<2x10240x64xf32, #tpu.memory_space<hbm>> -> memref<1x10240x64xf32, #tpu.memory_space<hbm>>
      %dma_start3A_31 = tpu.memref_squeeze %dma_start3A_30 : memref<1x10240x64xf32, #tpu.memory_space<hbm>> -> memref<10240x64xf32, #tpu.memory_space<hbm>>
      %dma_start3A_32 = arith.constant 0 : i32
      %dma_start3A_33 = arith.constant 0 : i32
      %dma_start3A_34 = tpu.memref_slice %dma_start3A_31[%dma_start3A_32, %dma_start3A_33] : memref<10240x64xf32, #tpu.memory_space<hbm>> -> memref<10240x64xf32, #tpu.memory_space<hbm>>
      tpu.enqueue_indirect_dma source(%dma_start3A_34 : memref<10240x64xf32, #tpu.memory_space<hbm>>) target(%dma_start3A_24 : memref<80x64xf32, #tpu.memory_space<vmem>>) offsets(%dma_start3A_27 : memref<80xi32, #tpu.memory_space<vmem>>) semaphore(%arg9 : memref<!tpu.dma_semaphore, #tpu.memory_space<semaphore_mem>>)
      %add3A_35 = arith.constant 1 : i32
      %add3A_36 = arith.addi %mul3A_18, %add3A_35 : i32
      %dma_start3A_37 = arith.constant 1 : i32
      %dma_start3A_38 = arith.constant 0 : i32
      %dma_start3A_39 = arith.constant 0 : i32
      %dma_start3A_40 = tpu.memref_slice %arg7[%dma_start3A_37, %dma_start3A_38, %dma_start3A_39] : memref<10x80x64xf32, #tpu.memory_space<vmem>> -> memref<1x80x64xf32, #tpu.memory_space<vmem>>
      %dma_start3A_41 = tpu.memref_squeeze %dma_start3A_40 : memref<1x80x64xf32, #tpu.memory_space<vmem>> -> memref<80x64xf32, #tpu.memory_space<vmem>>
      %dma_start3A_42 = arith.constant 0 : i32
      %dma_start3A_43 = tpu.memref_slice %arg5[%add3A_36, %dma_start3A_42] : memref<130x80xi32, #tpu.memory_space<vmem>> -> memref<1x80xi32, #tpu.memory_space<vmem>>
      %dma_start3A_44 = tpu.memref_squeeze %dma_start3A_43 : memref<1x80xi32, #tpu.memory_space<vmem>> -> memref<80xi32, #tpu.memory_space<vmem>>
      %dma_start3A_45 = arith.constant 0 : i32
      %dma_start3A_46 = arith.constant 0 : i32
      %dma_start3A_47 = tpu.memref_slice %arg2[%arg0, %dma_start3A_45, %dma_start3A_46] : memref<2x10240x64xf32, #tpu.memory_space<hbm>> -> memref<1x10240x64xf32, #tpu.memory_space<hbm>>
      %dma_start3A_48 = tpu.memref_squeeze %dma_start3A_47 : memref<1x10240x64xf32, #tpu.memory_space<hbm>> -> memref<10240x64xf32, #tpu.memory_space<hbm>>
      %dma_start3A_49 = arith.constant 0 : i32
      %dma_start3A_50 = arith.constant 0 : i32
      %dma_start3A_51 = tpu.memref_slice %dma_start3A_48[%dma_start3A_49, %dma_start3A_50] : memref<10240x64xf32, #tpu.memory_space<hbm>> -> memref<10240x64xf32, #tpu.memory_space<hbm>>
      tpu.enqueue_indirect_dma source(%dma_start3A_51 : memref<10240x64xf32, #tpu.memory_space<hbm>>) target(%dma_start3A_41 : memref<80x64xf32, #tpu.memory_space<vmem>>) offsets(%dma_start3A_44 : memref<80xi32, #tpu.memory_space<vmem>>) semaphore(%arg9 : memref<!tpu.dma_semaphore, #tpu.memory_space<semaphore_mem>>)
      %add3A_52 = arith.constant 2 : i32
      %add3A_53 = arith.addi %mul3A_18, %add3A_52 : i32
      %dma_start3A_54 = arith.constant 2 : i32
      %dma_start3A_55 = arith.constant 0 : i32
      %dma_start3A_56 = arith.constant 0 : i32
      %dma_start3A_57 = tpu.memref_slice %arg7[%dma_start3A_54, %dma_start3A_55, %dma_start3A_56] : memref<10x80x64xf32, #tpu.memory_space<vmem>> -> memref<1x80x64xf32, #tpu.memory_space<vmem>>
      %dma_start3A_58 = tpu.memref_squeeze %dma_start3A_57 : memref<1x80x64xf32, #tpu.memory_space<vmem>> -> memref<80x64xf32, #tpu.memory_space<vmem>>
      %dma_start3A_59 = arith.constant 0 : i32
      %dma_start3A_60 = tpu.memref_slice %arg5[%add3A_53, %dma_start3A_59] : memref<130x80xi32, #tpu.memory_space<vmem>> -> memref<1x80xi32, #tpu.memory_space<vmem>>
      %dma_start3A_61 = tpu.memref_squeeze %dma_start3A_60 : memref<1x80xi32, #tpu.memory_space<vmem>> -> memref<80xi32, #tpu.memory_space<vmem>>
      %dma_start3A_62 = arith.constant 0 : i32
      %dma_start3A_63 = arith.constant 0 : i32
      %dma_start3A_64 = tpu.memref_slice %arg2[%arg0, %dma_start3A_62, %dma_start3A_63] : memref<2x10240x64xf32, #tpu.memory_space<hbm>> -> memref<1x10240x64xf32, #tpu.memory_space<hbm>>
      %dma_start3A_65 = tpu.memref_squeeze %dma_start3A_64 : memref<1x10240x64xf32, #tpu.memory_space<hbm>> -> memref<10240x64xf32, #tpu.memory_space<hbm>>
      %dma_start3A_66 = arith.constant 0 : i32
      %dma_start3A_67 = arith.constant 0 : i32
      %dma_start3A_68 = tpu.memref_slice %dma_start3A_65[%dma_start3A_66, %dma_start3A_67] : memref<10240x64xf32, #tpu.memory_space<hbm>> -> memref<10240x64xf32, #tpu.memory_space<hbm>>
      tpu.enqueue_indirect_dma source(%dma_start3A_68 : memref<10240x64xf32, #tpu.memory_space<hbm>>) target(%dma_start3A_58 : memref<80x64xf32, #tpu.memory_space<vmem>>) offsets(%dma_start3A_61 : memref<80xi32, #tpu.memory_space<vmem>>) semaphore(%arg9 : memref<!tpu.dma_semaphore, #tpu.memory_space<semaphore_mem>>)
      %add3A_69 = arith.constant 3 : i32
      %add3A_70 = arith.addi %mul3A_18, %add3A_69 : i32
      %dma_start3A_71 = arith.constant 3 : i32
      %dma_start3A_72 = arith.constant 0 : i32
      %dma_start3A_73 = arith.constant 0 : i32
      %dma_start3A_74 = tpu.memref_slice %arg7[%dma_start3A_71, %dma_start3A_72, %dma_start3A_73] : memref<10x80x64xf32, #tpu.memory_space<vmem>> -> memref<1x80x64xf32, #tpu.memory_space<vmem>>
      %dma_start3A_75 = tpu.memref_squeeze %dma_start3A_74 : memref<1x80x64xf32, #tpu.memory_space<vmem>> -> memref<80x64xf32, #tpu.memory_space<vmem>>
      %dma_start3A_76 = arith.constant 0 : i32
      %dma_start3A_77 = tpu.memref_slice %arg5[%add3A_70, %dma_start3A_76] : memref<130x80xi32, #tpu.memory_space<vmem>> -> memref<1x80xi32, #tpu.memory_space<vmem>>
      %dma_start3A_78 = tpu.memref_squeeze %dma_start3A_77 : memref<1x80xi32, #tpu.memory_space<vmem>> -> memref<80xi32, #tpu.memory_space<vmem>>
      %dma_start3A_79 = arith.constant 0 : i32
      %dma_start3A_80 = arith.constant 0 : i32
      %dma_start3A_81 = tpu.memref_slice %arg2[%arg0, %dma_start3A_79, %dma_start3A_80] : memref<2x10240x64xf32, #tpu.memory_space<hbm>> -> memref<1x10240x64xf32, #tpu.memory_space<hbm>>
      %dma_start3A_82 = tpu.memref_squeeze %dma_start3A_81 : memref<1x10240x64xf32, #tpu.memory_space<hbm>> -> memref<10240x64xf32, #tpu.memory_space<hbm>>
      %dma_start3A_83 = arith.constant 0 : i32
      %dma_start3A_84 = arith.constant 0 : i32
      %dma_start3A_85 = tpu.memref_slice %dma_start3A_82[%dma_start3A_83, %dma_start3A_84] : memref<10240x64xf32, #tpu.memory_space<hbm>> -> memref<10240x64xf32, #tpu.memory_space<hbm>>
      tpu.enqueue_indirect_dma source(%dma_start3A_85 : memref<10240x64xf32, #tpu.memory_space<hbm>>) target(%dma_start3A_75 : memref<80x64xf32, #tpu.memory_space<vmem>>) offsets(%dma_start3A_78 : memref<80xi32, #tpu.memory_space<vmem>>) semaphore(%arg9 : memref<!tpu.dma_semaphore, #tpu.memory_space<semaphore_mem>>)
      %add3A_86 = arith.constant 4 : i32
      %add3A_87 = arith.addi %mul3A_18, %add3A_86 : i32
      %dma_start3A_88 = arith.constant 4 : i32
      %dma_start3A_89 = arith.constant 0 : i32
      %dma_start3A_90 = arith.constant 0 : i32
      %dma_start3A_91 = tpu.memref_slice %arg7[%dma_start3A_88, %dma_start3A_89, %dma_start3A_90] : memref<10x80x64xf32, #tpu.memory_space<vmem>> -> memref<1x80x64xf32, #tpu.memory_space<vmem>>
      %dma_start3A_92 = tpu.memref_squeeze %dma_start3A_91 : memref<1x80x64xf32, #tpu.memory_space<vmem>> -> memref<80x64xf32, #tpu.memory_space<vmem>>
      %dma_start3A_93 = arith.constant 0 : i32
      %dma_start3A_94 = tpu.memref_slice %arg5[%add3A_87, %dma_start3A_93] : memref<130x80xi32, #tpu.memory_space<vmem>> -> memref<1x80xi32, #tpu.memory_space<vmem>>
      %dma_start3A_95 = tpu.memref_squeeze %dma_start3A_94 : memref<1x80xi32, #tpu.memory_space<vmem>> -> memref<80xi32, #tpu.memory_space<vmem>>
      %dma_start3A_96 = arith.constant 0 : i32
      %dma_start3A_97 = arith.constant 0 : i32
      %dma_start3A_98 = tpu.memref_slice %arg2[%arg0, %dma_start3A_96, %dma_start3A_97] : memref<2x10240x64xf32, #tpu.memory_space<hbm>> -> memref<1x10240x64xf32, #tpu.memory_space<hbm>>
      %dma_start3A_99 = tpu.memref_squeeze %dma_start3A_98 : memref<1x10240x64xf32, #tpu.memory_space<hbm>> -> memref<10240x64xf32, #tpu.memory_space<hbm>>
      %dma_start3A_100 = arith.constant 0 : i32
      %dma_start3A_101 = arith.constant 0 : i32
      %dma_start3A_102 = tpu.memref_slice %dma_start3A_99[%dma_start3A_100, %dma_start3A_101] : memref<10240x64xf32, #tpu.memory_space<hbm>> -> memref<10240x64xf32, #tpu.memory_space<hbm>>
      tpu.enqueue_indirect_dma source(%dma_start3A_102 : memref<10240x64xf32, #tpu.memory_space<hbm>>) target(%dma_start3A_92 : memref<80x64xf32, #tpu.memory_space<vmem>>) offsets(%dma_start3A_95 : memref<80xi32, #tpu.memory_space<vmem>>) semaphore(%arg9 : memref<!tpu.dma_semaphore, #tpu.memory_space<semaphore_mem>>)
      %add3A_103 = arith.constant 5 : i32
      %add3A_104 = arith.addi %mul3A_18, %add3A_103 : i32
      %dma_start3A_105 = arith.constant 5 : i32
      %dma_start3A_106 = arith.constant 0 : i32
      %dma_start3A_107 = arith.constant 0 : i32
      %dma_start3A_108 = tpu.memref_slice %arg7[%dma_start3A_105, %dma_start3A_106, %dma_start3A_107] : memref<10x80x64xf32, #tpu.memory_space<vmem>> -> memref<1x80x64xf32, #tpu.memory_space<vmem>>
      %dma_start3A_109 = tpu.memref_squeeze %dma_start3A_108 : memref<1x80x64xf32, #tpu.memory_space<vmem>> -> memref<80x64xf32, #tpu.memory_space<vmem>>
      %dma_start3A_110 = arith.constant 0 : i32
      %dma_start3A_111 = tpu.memref_slice %arg5[%add3A_104, %dma_start3A_110] : memref<130x80xi32, #tpu.memory_space<vmem>> -> memref<1x80xi32, #tpu.memory_space<vmem>>
      %dma_start3A_112 = tpu.memref_squeeze %dma_start3A_111 : memref<1x80xi32, #tpu.memory_space<vmem>> -> memref<80xi32, #tpu.memory_space<vmem>>
      %dma_start3A_113 = arith.constant 0 : i32
      %dma_start3A_114 = arith.constant 0 : i32
      %dma_start3A_115 = tpu.memref_slice %arg2[%arg0, %dma_start3A_113, %dma_start3A_114] : memref<2x10240x64xf32, #tpu.memory_space<hbm>> -> memref<1x10240x64xf32, #tpu.memory_space<hbm>>
      %dma_start3A_116 = tpu.memref_squeeze %dma_start3A_115 : memref<1x10240x64xf32, #tpu.memory_space<hbm>> -> memref<10240x64xf32, #tpu.memory_space<hbm>>
      %dma_start3A_117 = arith.constant 0 : i32
      %dma_start3A_118 = arith.constant 0 : i32
      %dma_start3A_119 = tpu.memref_slice %dma_start3A_116[%dma_start3A_117, %dma_start3A_118] : memref<10240x64xf32, #tpu.memory_space<hbm>> -> memref<10240x64xf32, #tpu.memory_space<hbm>>
      tpu.enqueue_indirect_dma source(%dma_start3A_119 : memref<10240x64xf32, #tpu.memory_space<hbm>>) target(%dma_start3A_109 : memref<80x64xf32, #tpu.memory_space<vmem>>) offsets(%dma_start3A_112 : memref<80xi32, #tpu.memory_space<vmem>>) semaphore(%arg9 : memref<!tpu.dma_semaphore, #tpu.memory_space<semaphore_mem>>)
      %add3A_120 = arith.constant 6 : i32
      %add3A_121 = arith.addi %mul3A_18, %add3A_120 : i32
      %dma_start3A_122 = arith.constant 6 : i32
      %dma_start3A_123 = arith.constant 0 : i32
      %dma_start3A_124 = arith.constant 0 : i32
      %dma_start3A_125 = tpu.memref_slice %arg7[%dma_start3A_122, %dma_start3A_123, %dma_start3A_124] : memref<10x80x64xf32, #tpu.memory_space<vmem>> -> memref<1x80x64xf32, #tpu.memory_space<vmem>>
      %dma_start3A_126 = tpu.memref_squeeze %dma_start3A_125 : memref<1x80x64xf32, #tpu.memory_space<vmem>> -> memref<80x64xf32, #tpu.memory_space<vmem>>
      %dma_start3A_127 = arith.constant 0 : i32
      %dma_start3A_128 = tpu.memref_slice %arg5[%add3A_121, %dma_start3A_127] : memref<130x80xi32, #tpu.memory_space<vmem>> -> memref<1x80xi32, #tpu.memory_space<vmem>>
      %dma_start3A_129 = tpu.memref_squeeze %dma_start3A_128 : memref<1x80xi32, #tpu.memory_space<vmem>> -> memref<80xi32, #tpu.memory_space<vmem>>
      %dma_start3A_130 = arith.constant 0 : i32
      %dma_start3A_131 = arith.constant 0 : i32
      %dma_start3A_132 = tpu.memref_slice %arg2[%arg0, %dma_start3A_130, %dma_start3A_131] : memref<2x10240x64xf32, #tpu.memory_space<hbm>> -> memref<1x10240x64xf32, #tpu.memory_space<hbm>>
      %dma_start3A_133 = tpu.memref_squeeze %dma_start3A_132 : memref<1x10240x64xf32, #tpu.memory_space<hbm>> -> memref<10240x64xf32, #tpu.memory_space<hbm>>
      %dma_start3A_134 = arith.constant 0 : i32
      %dma_start3A_135 = arith.constant 0 : i32
      %dma_start3A_136 = tpu.memref_slice %dma_start3A_133[%dma_start3A_134, %dma_start3A_135] : memref<10240x64xf32, #tpu.memory_space<hbm>> -> memref<10240x64xf32, #tpu.memory_space<hbm>>
      tpu.enqueue_indirect_dma source(%dma_start3A_136 : memref<10240x64xf32, #tpu.memory_space<hbm>>) target(%dma_start3A_126 : memref<80x64xf32, #tpu.memory_space<vmem>>) offsets(%dma_start3A_129 : memref<80xi32, #tpu.memory_space<vmem>>) semaphore(%arg9 : memref<!tpu.dma_semaphore, #tpu.memory_space<semaphore_mem>>)
      %add3A_137 = arith.constant 7 : i32
      %add3A_138 = arith.addi %mul3A_18, %add3A_137 : i32
      %dma_start3A_139 = arith.constant 7 : i32
      %dma_start3A_140 = arith.constant 0 : i32
      %dma_start3A_141 = arith.constant 0 : i32
      %dma_start3A_142 = tpu.memref_slice %arg7[%dma_start3A_139, %dma_start3A_140, %dma_start3A_141] : memref<10x80x64xf32, #tpu.memory_space<vmem>> -> memref<1x80x64xf32, #tpu.memory_space<vmem>>
      %dma_start3A_143 = tpu.memref_squeeze %dma_start3A_142 : memref<1x80x64xf32, #tpu.memory_space<vmem>> -> memref<80x64xf32, #tpu.memory_space<vmem>>
      %dma_start3A_144 = arith.constant 0 : i32
      %dma_start3A_145 = tpu.memref_slice %arg5[%add3A_138, %dma_start3A_144] : memref<130x80xi32, #tpu.memory_space<vmem>> -> memref<1x80xi32, #tpu.memory_space<vmem>>
      %dma_start3A_146 = tpu.memref_squeeze %dma_start3A_145 : memref<1x80xi32, #tpu.memory_space<vmem>> -> memref<80xi32, #tpu.memory_space<vmem>>
      %dma_start3A_147 = arith.constant 0 : i32
      %dma_start3A_148 = arith.constant 0 : i32
      %dma_start3A_149 = tpu.memref_slice %arg2[%arg0, %dma_start3A_147, %dma_start3A_148] : memref<2x10240x64xf32, #tpu.memory_space<hbm>> -> memref<1x10240x64xf32, #tpu.memory_space<hbm>>
      %dma_start3A_150 = tpu.memref_squeeze %dma_start3A_149 : memref<1x10240x64xf32, #tpu.memory_space<hbm>> -> memref<10240x64xf32, #tpu.memory_space<hbm>>
      %dma_start3A_151 = arith.constant 0 : i32
      %dma_start3A_152 = arith.constant 0 : i32
      %dma_start3A_153 = tpu.memref_slice %dma_start3A_150[%dma_start3A_151, %dma_start3A_152] : memref<10240x64xf32, #tpu.memory_space<hbm>> -> memref<10240x64xf32, #tpu.memory_space<hbm>>
      tpu.enqueue_indirect_dma source(%dma_start3A_153 : memref<10240x64xf32, #tpu.memory_space<hbm>>) target(%dma_start3A_143 : memref<80x64xf32, #tpu.memory_space<vmem>>) offsets(%dma_start3A_146 : memref<80xi32, #tpu.memory_space<vmem>>) semaphore(%arg9 : memref<!tpu.dma_semaphore, #tpu.memory_space<semaphore_mem>>)
      %add3A_154 = arith.constant 8 : i32
      %add3A_155 = arith.addi %mul3A_18, %add3A_154 : i32
      %dma_start3A_156 = arith.constant 8 : i32
      %dma_start3A_157 = arith.constant 0 : i32
      %dma_start3A_158 = arith.constant 0 : i32
      %dma_start3A_159 = tpu.memref_slice %arg7[%dma_start3A_156, %dma_start3A_157, %dma_start3A_158] : memref<10x80x64xf32, #tpu.memory_space<vmem>> -> memref<1x80x64xf32, #tpu.memory_space<vmem>>
      %dma_start3A_160 = tpu.memref_squeeze %dma_start3A_159 : memref<1x80x64xf32, #tpu.memory_space<vmem>> -> memref<80x64xf32, #tpu.memory_space<vmem>>
      %dma_start3A_161 = arith.constant 0 : i32
      %dma_start3A_162 = tpu.memref_slice %arg5[%add3A_155, %dma_start3A_161] : memref<130x80xi32, #tpu.memory_space<vmem>> -> memref<1x80xi32, #tpu.memory_space<vmem>>
      %dma_start3A_163 = tpu.memref_squeeze %dma_start3A_162 : memref<1x80xi32, #tpu.memory_space<vmem>> -> memref<80xi32, #tpu.memory_space<vmem>>
      %dma_start3A_164 = arith.constant 0 : i32
      %dma_start3A_165 = arith.constant 0 : i32
      %dma_start3A_166 = tpu.memref_slice %arg2[%arg0, %dma_start3A_164, %dma_start3A_165] : memref<2x10240x64xf32, #tpu.memory_space<hbm>> -> memref<1x10240x64xf32, #tpu.memory_space<hbm>>
      %dma_start3A_167 = tpu.memref_squeeze %dma_start3A_166 : memref<1x10240x64xf32, #tpu.memory_space<hbm>> -> memref<10240x64xf32, #tpu.memory_space<hbm>>
      %dma_start3A_168 = arith.constant 0 : i32
      %dma_start3A_169 = arith.constant 0 : i32
      %dma_start3A_170 = tpu.memref_slice %dma_start3A_167[%dma_start3A_168, %dma_start3A_169] : memref<10240x64xf32, #tpu.memory_space<hbm>> -> memref<10240x64xf32, #tpu.memory_space<hbm>>
      tpu.enqueue_indirect_dma source(%dma_start3A_170 : memref<10240x64xf32, #tpu.memory_space<hbm>>) target(%dma_start3A_160 : memref<80x64xf32, #tpu.memory_space<vmem>>) offsets(%dma_start3A_163 : memref<80xi32, #tpu.memory_space<vmem>>) semaphore(%arg9 : memref<!tpu.dma_semaphore, #tpu.memory_space<semaphore_mem>>)
      %add3A_171 = arith.constant 9 : i32
      %add3A_172 = arith.addi %mul3A_18, %add3A_171 : i32
      %dma_start3A_173 = arith.constant 9 : i32
      %dma_start3A_174 = arith.constant 0 : i32
      %dma_start3A_175 = arith.constant 0 : i32
      %dma_start3A_176 = tpu.memref_slice %arg7[%dma_start3A_173, %dma_start3A_174, %dma_start3A_175] : memref<10x80x64xf32, #tpu.memory_space<vmem>> -> memref<1x80x64xf32, #tpu.memory_space<vmem>>
      %dma_start3A_177 = tpu.memref_squeeze %dma_start3A_176 : memref<1x80x64xf32, #tpu.memory_space<vmem>> -> memref<80x64xf32, #tpu.memory_space<vmem>>
      %dma_start3A_178 = arith.constant 0 : i32
      %dma_start3A_179 = tpu.memref_slice %arg5[%add3A_172, %dma_start3A_178] : memref<130x80xi32, #tpu.memory_space<vmem>> -> memref<1x80xi32, #tpu.memory_space<vmem>>
      %dma_start3A_180 = tpu.memref_squeeze %dma_start3A_179 : memref<1x80xi32, #tpu.memory_space<vmem>> -> memref<80xi32, #tpu.memory_space<vmem>>
      %dma_start3A_181 = arith.constant 0 : i32
      %dma_start3A_182 = arith.constant 0 : i32
      %dma_start3A_183 = tpu.memref_slice %arg2[%arg0, %dma_start3A_181, %dma_start3A_182] : memref<2x10240x64xf32, #tpu.memory_space<hbm>> -> memref<1x10240x64xf32, #tpu.memory_space<hbm>>
      %dma_start3A_184 = tpu.memref_squeeze %dma_start3A_183 : memref<1x10240x64xf32, #tpu.memory_space<hbm>> -> memref<10240x64xf32, #tpu.memory_space<hbm>>
      %dma_start3A_185 = arith.constant 0 : i32
      %dma_start3A_186 = arith.constant 0 : i32
      %dma_start3A_187 = tpu.memref_slice %dma_start3A_184[%dma_start3A_185, %dma_start3A_186] : memref<10240x64xf32, #tpu.memory_space<hbm>> -> memref<10240x64xf32, #tpu.memory_space<hbm>>
      tpu.enqueue_indirect_dma source(%dma_start3A_187 : memref<10240x64xf32, #tpu.memory_space<hbm>>) target(%dma_start3A_177 : memref<80x64xf32, #tpu.memory_space<vmem>>) offsets(%dma_start3A_180 : memref<80xi32, #tpu.memory_space<vmem>>) semaphore(%arg9 : memref<!tpu.dma_semaphore, #tpu.memory_space<semaphore_mem>>)
      %dma_wait3A = arith.constant 0 : i32
      %dma_wait3A_188 = arith.constant 0 : i32
      %dma_wait3A_189 = arith.constant 0 : i32
      %dma_wait3A_190 = tpu.memref_slice %arg7[%dma_wait3A, %dma_wait3A_188, %dma_wait3A_189] : memref<10x80x64xf32, #tpu.memory_space<vmem>> -> memref<1x80x64xf32, #tpu.memory_space<vmem>>
      %dma_wait3A_191 = tpu.memref_squeeze %dma_wait3A_190 : memref<1x80x64xf32, #tpu.memory_space<vmem>> -> memref<80x64xf32, #tpu.memory_space<vmem>>
      %dma_wait3A_192 = arith.constant 0 : i32
      %dma_wait3A_193 = tpu.memref_slice %arg5[%add3A_20, %dma_wait3A_192] : memref<130x80xi32, #tpu.memory_space<vmem>> -> memref<1x80xi32, #tpu.memory_space<vmem>>
      %dma_wait3A_194 = tpu.memref_squeeze %dma_wait3A_193 : memref<1x80xi32, #tpu.memory_space<vmem>> -> memref<80xi32, #tpu.memory_space<vmem>>
      %dma_wait3A_195 = arith.constant 0 : i32
      %dma_wait3A_196 = arith.constant 0 : i32
      %dma_wait3A_197 = tpu.memref_slice %arg2[%arg0, %dma_wait3A_195, %dma_wait3A_196] : memref<2x10240x64xf32, #tpu.memory_space<hbm>> -> memref<1x10240x64xf32, #tpu.memory_space<hbm>>
      %dma_wait3A_198 = tpu.memref_squeeze %dma_wait3A_197 : memref<1x10240x64xf32, #tpu.memory_space<hbm>> -> memref<10240x64xf32, #tpu.memory_space<hbm>>
      %dma_wait3A_199 = arith.constant 0 : i32
      %dma_wait3A_200 = arith.constant 0 : i32
      %dma_wait3A_201 = tpu.memref_slice %dma_wait3A_198[%dma_wait3A_199, %dma_wait3A_200] : memref<10240x64xf32, #tpu.memory_space<hbm>> -> memref<10240x64xf32, #tpu.memory_space<hbm>>
      tpu.wait_indirect_dma semaphore(%arg9 : memref<!tpu.dma_semaphore, #tpu.memory_space<semaphore_mem>>) src(%dma_wait3A_201 : memref<10240x64xf32, #tpu.memory_space<hbm>>) dst(%dma_wait3A_191 : memref<80x64xf32, #tpu.memory_space<vmem>>)
      %add3A_202 = arith.constant 0 : i32
      %add3A_203 = arith.addi %mul3A_18, %add3A_202 : i32
      %dma_start3A_204 = arith.constant 0 : i32
      %dma_start3A_205 = arith.constant 0 : i32
      %dma_start3A_206 = arith.constant 0 : i32
      %dma_start3A_207 = tpu.memref_slice %arg7[%dma_start3A_204, %dma_start3A_205, %dma_start3A_206] : memref<10x80x64xf32, #tpu.memory_space<vmem>> -> memref<1x80x64xf32, #tpu.memory_space<vmem>>
      %dma_start3A_208 = tpu.memref_squeeze %dma_start3A_207 : memref<1x80x64xf32, #tpu.memory_space<vmem>> -> memref<80x64xf32, #tpu.memory_space<vmem>>
      %dma_start3A_209 = arith.constant 0 : i32
      %dma_start3A_210 = tpu.memref_slice %arg6[%add3A_203, %dma_start3A_209] : memref<130x80xi32, #tpu.memory_space<vmem>> -> memref<1x80xi32, #tpu.memory_space<vmem>>
      %dma_start3A_211 = tpu.memref_squeeze %dma_start3A_210 : memref<1x80xi32, #tpu.memory_space<vmem>> -> memref<80xi32, #tpu.memory_space<vmem>>
      %dma_start3A_212 = arith.constant 0 : i32
      %dma_start3A_213 = arith.constant 0 : i32
      %dma_start3A_214 = tpu.memref_slice %arg8[%dma_start3A_212, %dma_start3A_213] : memref<10240x64xf32, #tpu.memory_space<vmem_shared>> -> memref<10240x64xf32, #tpu.memory_space<vmem_shared>>
      tpu.enqueue_indirect_dma source(%dma_start3A_208 : memref<80x64xf32, #tpu.memory_space<vmem>>) target(%dma_start3A_214 : memref<10240x64xf32, #tpu.memory_space<vmem_shared>>) offsets(%dma_start3A_211 : memref<80xi32, #tpu.memory_space<vmem>>) semaphore(%arg10 : memref<!tpu.dma_semaphore, #tpu.memory_space<semaphore_mem>>) {add = true}
      %dma_wait3A_215 = arith.constant 1 : i32
      %dma_wait3A_216 = arith.constant 0 : i32
      %dma_wait3A_217 = arith.constant 0 : i32
      %dma_wait3A_218 = tpu.memref_slice %arg7[%dma_wait3A_215, %dma_wait3A_216, %dma_wait3A_217] : memref<10x80x64xf32, #tpu.memory_space<vmem>> -> memref<1x80x64xf32, #tpu.memory_space<vmem>>
      %dma_wait3A_219 = tpu.memref_squeeze %dma_wait3A_218 : memref<1x80x64xf32, #tpu.memory_space<vmem>> -> memref<80x64xf32, #tpu.memory_space<vmem>>
      %dma_wait3A_220 = arith.constant 0 : i32
      %dma_wait3A_221 = tpu.memref_slice %arg5[%add3A_36, %dma_wait3A_220] : memref<130x80xi32, #tpu.memory_space<vmem>> -> memref<1x80xi32, #tpu.memory_space<vmem>>
      %dma_wait3A_222 = tpu.memref_squeeze %dma_wait3A_221 : memref<1x80xi32, #tpu.memory_space<vmem>> -> memref<80xi32, #tpu.memory_space<vmem>>
      %dma_wait3A_223 = arith.constant 0 : i32
      %dma_wait3A_224 = arith.constant 0 : i32
      %dma_wait3A_225 = tpu.memref_slice %arg2[%arg0, %dma_wait3A_223, %dma_wait3A_224] : memref<2x10240x64xf32, #tpu.memory_space<hbm>> -> memref<1x10240x64xf32, #tpu.memory_space<hbm>>
      %dma_wait3A_226 = tpu.memref_squeeze %dma_wait3A_225 : memref<1x10240x64xf32, #tpu.memory_space<hbm>> -> memref<10240x64xf32, #tpu.memory_space<hbm>>
      %dma_wait3A_227 = arith.constant 0 : i32
      %dma_wait3A_228 = arith.constant 0 : i32
      %dma_wait3A_229 = tpu.memref_slice %dma_wait3A_226[%dma_wait3A_227, %dma_wait3A_228] : memref<10240x64xf32, #tpu.memory_space<hbm>> -> memref<10240x64xf32, #tpu.memory_space<hbm>>
      tpu.wait_indirect_dma semaphore(%arg9 : memref<!tpu.dma_semaphore, #tpu.memory_space<semaphore_mem>>) src(%dma_wait3A_229 : memref<10240x64xf32, #tpu.memory_space<hbm>>) dst(%dma_wait3A_219 : memref<80x64xf32, #tpu.memory_space<vmem>>)
      %add3A_230 = arith.constant 1 : i32
      %add3A_231 = arith.addi %mul3A_18, %add3A_230 : i32
      %dma_start3A_232 = arith.constant 1 : i32
      %dma_start3A_233 = arith.constant 0 : i32
      %dma_start3A_234 = arith.constant 0 : i32
      %dma_start3A_235 = tpu.memref_slice %arg7[%dma_start3A_232, %dma_start3A_233, %dma_start3A_234] : memref<10x80x64xf32, #tpu.memory_space<vmem>> -> memref<1x80x64xf32, #tpu.memory_space<vmem>>
      %dma_start3A_236 = tpu.memref_squeeze %dma_start3A_235 : memref<1x80x64xf32, #tpu.memory_space<vmem>> -> memref<80x64xf32, #tpu.memory_space<vmem>>
      %dma_start3A_237 = arith.constant 0 : i32
      %dma_start3A_238 = tpu.memref_slice %arg6[%add3A_231, %dma_start3A_237] : memref<130x80xi32, #tpu.memory_space<vmem>> -> memref<1x80xi32, #tpu.memory_space<vmem>>
      %dma_start3A_239 = tpu.memref_squeeze %dma_start3A_238 : memref<1x80xi32, #tpu.memory_space<vmem>> -> memref<80xi32, #tpu.memory_space<vmem>>
      %dma_start3A_240 = arith.constant 0 : i32
      %dma_start3A_241 = arith.constant 0 : i32
      %dma_start3A_242 = tpu.memref_slice %arg8[%dma_start3A_240, %dma_start3A_241] : memref<10240x64xf32, #tpu.memory_space<vmem_shared>> -> memref<10240x64xf32, #tpu.memory_space<vmem_shared>>
      tpu.enqueue_indirect_dma source(%dma_start3A_236 : memref<80x64xf32, #tpu.memory_space<vmem>>) target(%dma_start3A_242 : memref<10240x64xf32, #tpu.memory_space<vmem_shared>>) offsets(%dma_start3A_239 : memref<80xi32, #tpu.memory_space<vmem>>) semaphore(%arg10 : memref<!tpu.dma_semaphore, #tpu.memory_space<semaphore_mem>>) {add = true}
      %dma_wait3A_243 = arith.constant 2 : i32
      %dma_wait3A_244 = arith.constant 0 : i32
      %dma_wait3A_245 = arith.constant 0 : i32
      %dma_wait3A_246 = tpu.memref_slice %arg7[%dma_wait3A_243, %dma_wait3A_244, %dma_wait3A_245] : memref<10x80x64xf32, #tpu.memory_space<vmem>> -> memref<1x80x64xf32, #tpu.memory_space<vmem>>
      %dma_wait3A_247 = tpu.memref_squeeze %dma_wait3A_246 : memref<1x80x64xf32, #tpu.memory_space<vmem>> -> memref<80x64xf32, #tpu.memory_space<vmem>>
      %dma_wait3A_248 = arith.constant 0 : i32
      %dma_wait3A_249 = tpu.memref_slice %arg5[%add3A_53, %dma_wait3A_248] : memref<130x80xi32, #tpu.memory_space<vmem>> -> memref<1x80xi32, #tpu.memory_space<vmem>>
      %dma_wait3A_250 = tpu.memref_squeeze %dma_wait3A_249 : memref<1x80xi32, #tpu.memory_space<vmem>> -> memref<80xi32, #tpu.memory_space<vmem>>
      %dma_wait3A_251 = arith.constant 0 : i32
      %dma_wait3A_252 = arith.constant 0 : i32
      %dma_wait3A_253 = tpu.memref_slice %arg2[%arg0, %dma_wait3A_251, %dma_wait3A_252] : memref<2x10240x64xf32, #tpu.memory_space<hbm>> -> memref<1x10240x64xf32, #tpu.memory_space<hbm>>
      %dma_wait3A_254 = tpu.memref_squeeze %dma_wait3A_253 : memref<1x10240x64xf32, #tpu.memory_space<hbm>> -> memref<10240x64xf32, #tpu.memory_space<hbm>>
      %dma_wait3A_255 = arith.constant 0 : i32
      %dma_wait3A_256 = arith.constant 0 : i32
      %dma_wait3A_257 = tpu.memref_slice %dma_wait3A_254[%dma_wait3A_255, %dma_wait3A_256] : memref<10240x64xf32, #tpu.memory_space<hbm>> -> memref<10240x64xf32, #tpu.memory_space<hbm>>
      tpu.wait_indirect_dma semaphore(%arg9 : memref<!tpu.dma_semaphore, #tpu.memory_space<semaphore_mem>>) src(%dma_wait3A_257 : memref<10240x64xf32, #tpu.memory_space<hbm>>) dst(%dma_wait3A_247 : memref<80x64xf32, #tpu.memory_space<vmem>>)
      %add3A_258 = arith.constant 2 : i32
      %add3A_259 = arith.addi %mul3A_18, %add3A_258 : i32
      %dma_start3A_260 = arith.constant 2 : i32
      %dma_start3A_261 = arith.constant 0 : i32
      %dma_start3A_262 = arith.constant 0 : i32
      %dma_start3A_263 = tpu.memref_slice %arg7[%dma_start3A_260, %dma_start3A_261, %dma_start3A_262] : memref<10x80x64xf32, #tpu.memory_space<vmem>> -> memref<1x80x64xf32, #tpu.memory_space<vmem>>
      %dma_start3A_264 = tpu.memref_squeeze %dma_start3A_263 : memref<1x80x64xf32, #tpu.memory_space<vmem>> -> memref<80x64xf32, #tpu.memory_space<vmem>>
      %dma_start3A_265 = arith.constant 0 : i32
      %dma_start3A_266 = tpu.memref_slice %arg6[%add3A_259, %dma_start3A_265] : memref<130x80xi32, #tpu.memory_space<vmem>> -> memref<1x80xi32, #tpu.memory_space<vmem>>
      %dma_start3A_267 = tpu.memref_squeeze %dma_start3A_266 : memref<1x80xi32, #tpu.memory_space<vmem>> -> memref<80xi32, #tpu.memory_space<vmem>>
      %dma_start3A_268 = arith.constant 0 : i32
      %dma_start3A_269 = arith.constant 0 : i32
      %dma_start3A_270 = tpu.memref_slice %arg8[%dma_start3A_268, %dma_start3A_269] : memref<10240x64xf32, #tpu.memory_space<vmem_shared>> -> memref<10240x64xf32, #tpu.memory_space<vmem_shared>>
      tpu.enqueue_indirect_dma source(%dma_start3A_264 : memref<80x64xf32, #tpu.memory_space<vmem>>) target(%dma_start3A_270 : memref<10240x64xf32, #tpu.memory_space<vmem_shared>>) offsets(%dma_start3A_267 : memref<80xi32, #tpu.memory_space<vmem>>) semaphore(%arg10 : memref<!tpu.dma_semaphore, #tpu.memory_space<semaphore_mem>>) {add = true}
      %dma_wait3A_271 = arith.constant 3 : i32
      %dma_wait3A_272 = arith.constant 0 : i32
      %dma_wait3A_273 = arith.constant 0 : i32
      %dma_wait3A_274 = tpu.memref_slice %arg7[%dma_wait3A_271, %dma_wait3A_272, %dma_wait3A_273] : memref<10x80x64xf32, #tpu.memory_space<vmem>> -> memref<1x80x64xf32, #tpu.memory_space<vmem>>
      %dma_wait3A_275 = tpu.memref_squeeze %dma_wait3A_274 : memref<1x80x64xf32, #tpu.memory_space<vmem>> -> memref<80x64xf32, #tpu.memory_space<vmem>>
      %dma_wait3A_276 = arith.constant 0 : i32
      %dma_wait3A_277 = tpu.memref_slice %arg5[%add3A_70, %dma_wait3A_276] : memref<130x80xi32, #tpu.memory_space<vmem>> -> memref<1x80xi32, #tpu.memory_space<vmem>>
      %dma_wait3A_278 = tpu.memref_squeeze %dma_wait3A_277 : memref<1x80xi32, #tpu.memory_space<vmem>> -> memref<80xi32, #tpu.memory_space<vmem>>
      %dma_wait3A_279 = arith.constant 0 : i32
      %dma_wait3A_280 = arith.constant 0 : i32
      %dma_wait3A_281 = tpu.memref_slice %arg2[%arg0, %dma_wait3A_279, %dma_wait3A_280] : memref<2x10240x64xf32, #tpu.memory_space<hbm>> -> memref<1x10240x64xf32, #tpu.memory_space<hbm>>
      %dma_wait3A_282 = tpu.memref_squeeze %dma_wait3A_281 : memref<1x10240x64xf32, #tpu.memory_space<hbm>> -> memref<10240x64xf32, #tpu.memory_space<hbm>>
      %dma_wait3A_283 = arith.constant 0 : i32
      %dma_wait3A_284 = arith.constant 0 : i32
      %dma_wait3A_285 = tpu.memref_slice %dma_wait3A_282[%dma_wait3A_283, %dma_wait3A_284] : memref<10240x64xf32, #tpu.memory_space<hbm>> -> memref<10240x64xf32, #tpu.memory_space<hbm>>
      tpu.wait_indirect_dma semaphore(%arg9 : memref<!tpu.dma_semaphore, #tpu.memory_space<semaphore_mem>>) src(%dma_wait3A_285 : memref<10240x64xf32, #tpu.memory_space<hbm>>) dst(%dma_wait3A_275 : memref<80x64xf32, #tpu.memory_space<vmem>>)
      %add3A_286 = arith.constant 3 : i32
      %add3A_287 = arith.addi %mul3A_18, %add3A_286 : i32
      %dma_start3A_288 = arith.constant 3 : i32
      %dma_start3A_289 = arith.constant 0 : i32
      %dma_start3A_290 = arith.constant 0 : i32
      %dma_start3A_291 = tpu.memref_slice %arg7[%dma_start3A_288, %dma_start3A_289, %dma_start3A_290] : memref<10x80x64xf32, #tpu.memory_space<vmem>> -> memref<1x80x64xf32, #tpu.memory_space<vmem>>
      %dma_start3A_292 = tpu.memref_squeeze %dma_start3A_291 : memref<1x80x64xf32, #tpu.memory_space<vmem>> -> memref<80x64xf32, #tpu.memory_space<vmem>>
      %dma_start3A_293 = arith.constant 0 : i32
      %dma_start3A_294 = tpu.memref_slice %arg6[%add3A_287, %dma_start3A_293] : memref<130x80xi32, #tpu.memory_space<vmem>> -> memref<1x80xi32, #tpu.memory_space<vmem>>
      %dma_start3A_295 = tpu.memref_squeeze %dma_start3A_294 : memref<1x80xi32, #tpu.memory_space<vmem>> -> memref<80xi32, #tpu.memory_space<vmem>>
      %dma_start3A_296 = arith.constant 0 : i32
      %dma_start3A_297 = arith.constant 0 : i32
      %dma_start3A_298 = tpu.memref_slice %arg8[%dma_start3A_296, %dma_start3A_297] : memref<10240x64xf32, #tpu.memory_space<vmem_shared>> -> memref<10240x64xf32, #tpu.memory_space<vmem_shared>>
      tpu.enqueue_indirect_dma source(%dma_start3A_292 : memref<80x64xf32, #tpu.memory_space<vmem>>) target(%dma_start3A_298 : memref<10240x64xf32, #tpu.memory_space<vmem_shared>>) offsets(%dma_start3A_295 : memref<80xi32, #tpu.memory_space<vmem>>) semaphore(%arg10 : memref<!tpu.dma_semaphore, #tpu.memory_space<semaphore_mem>>) {add = true}
      %dma_wait3A_299 = arith.constant 4 : i32
      %dma_wait3A_300 = arith.constant 0 : i32
      %dma_wait3A_301 = arith.constant 0 : i32
      %dma_wait3A_302 = tpu.memref_slice %arg7[%dma_wait3A_299, %dma_wait3A_300, %dma_wait3A_301] : memref<10x80x64xf32, #tpu.memory_space<vmem>> -> memref<1x80x64xf32, #tpu.memory_space<vmem>>
      %dma_wait3A_303 = tpu.memref_squeeze %dma_wait3A_302 : memref<1x80x64xf32, #tpu.memory_space<vmem>> -> memref<80x64xf32, #tpu.memory_space<vmem>>
      %dma_wait3A_304 = arith.constant 0 : i32
      %dma_wait3A_305 = tpu.memref_slice %arg5[%add3A_87, %dma_wait3A_304] : memref<130x80xi32, #tpu.memory_space<vmem>> -> memref<1x80xi32, #tpu.memory_space<vmem>>
      %dma_wait3A_306 = tpu.memref_squeeze %dma_wait3A_305 : memref<1x80xi32, #tpu.memory_space<vmem>> -> memref<80xi32, #tpu.memory_space<vmem>>
      %dma_wait3A_307 = arith.constant 0 : i32
      %dma_wait3A_308 = arith.constant 0 : i32
      %dma_wait3A_309 = tpu.memref_slice %arg2[%arg0, %dma_wait3A_307, %dma_wait3A_308] : memref<2x10240x64xf32, #tpu.memory_space<hbm>> -> memref<1x10240x64xf32, #tpu.memory_space<hbm>>
      %dma_wait3A_310 = tpu.memref_squeeze %dma_wait3A_309 : memref<1x10240x64xf32, #tpu.memory_space<hbm>> -> memref<10240x64xf32, #tpu.memory_space<hbm>>
      %dma_wait3A_311 = arith.constant 0 : i32
      %dma_wait3A_312 = arith.constant 0 : i32
      %dma_wait3A_313 = tpu.memref_slice %dma_wait3A_310[%dma_wait3A_311, %dma_wait3A_312] : memref<10240x64xf32, #tpu.memory_space<hbm>> -> memref<10240x64xf32, #tpu.memory_space<hbm>>
      tpu.wait_indirect_dma semaphore(%arg9 : memref<!tpu.dma_semaphore, #tpu.memory_space<semaphore_mem>>) src(%dma_wait3A_313 : memref<10240x64xf32, #tpu.memory_space<hbm>>) dst(%dma_wait3A_303 : memref<80x64xf32, #tpu.memory_space<vmem>>)
      %add3A_314 = arith.constant 4 : i32
      %add3A_315 = arith.addi %mul3A_18, %add3A_314 : i32
      %dma_start3A_316 = arith.constant 4 : i32
      %dma_start3A_317 = arith.constant 0 : i32
      %dma_start3A_318 = arith.constant 0 : i32
      %dma_start3A_319 = tpu.memref_slice %arg7[%dma_start3A_316, %dma_start3A_317, %dma_start3A_318] : memref<10x80x64xf32, #tpu.memory_space<vmem>> -> memref<1x80x64xf32, #tpu.memory_space<vmem>>
      %dma_start3A_320 = tpu.memref_squeeze %dma_start3A_319 : memref<1x80x64xf32, #tpu.memory_space<vmem>> -> memref<80x64xf32, #tpu.memory_space<vmem>>
      %dma_start3A_321 = arith.constant 0 : i32
      %dma_start3A_322 = tpu.memref_slice %arg6[%add3A_315, %dma_start3A_321] : memref<130x80xi32, #tpu.memory_space<vmem>> -> memref<1x80xi32, #tpu.memory_space<vmem>>
      %dma_start3A_323 = tpu.memref_squeeze %dma_start3A_322 : memref<1x80xi32, #tpu.memory_space<vmem>> -> memref<80xi32, #tpu.memory_space<vmem>>
      %dma_start3A_324 = arith.constant 0 : i32
      %dma_start3A_325 = arith.constant 0 : i32
      %dma_start3A_326 = tpu.memref_slice %arg8[%dma_start3A_324, %dma_start3A_325] : memref<10240x64xf32, #tpu.memory_space<vmem_shared>> -> memref<10240x64xf32, #tpu.memory_space<vmem_shared>>
      tpu.enqueue_indirect_dma source(%dma_start3A_320 : memref<80x64xf32, #tpu.memory_space<vmem>>) target(%dma_start3A_326 : memref<10240x64xf32, #tpu.memory_space<vmem_shared>>) offsets(%dma_start3A_323 : memref<80xi32, #tpu.memory_space<vmem>>) semaphore(%arg10 : memref<!tpu.dma_semaphore, #tpu.memory_space<semaphore_mem>>) {add = true}
      %dma_wait3A_327 = arith.constant 5 : i32
      %dma_wait3A_328 = arith.constant 0 : i32
      %dma_wait3A_329 = arith.constant 0 : i32
      %dma_wait3A_330 = tpu.memref_slice %arg7[%dma_wait3A_327, %dma_wait3A_328, %dma_wait3A_329] : memref<10x80x64xf32, #tpu.memory_space<vmem>> -> memref<1x80x64xf32, #tpu.memory_space<vmem>>
      %dma_wait3A_331 = tpu.memref_squeeze %dma_wait3A_330 : memref<1x80x64xf32, #tpu.memory_space<vmem>> -> memref<80x64xf32, #tpu.memory_space<vmem>>
      %dma_wait3A_332 = arith.constant 0 : i32
      %dma_wait3A_333 = tpu.memref_slice %arg5[%add3A_104, %dma_wait3A_332] : memref<130x80xi32, #tpu.memory_space<vmem>> -> memref<1x80xi32, #tpu.memory_space<vmem>>
      %dma_wait3A_334 = tpu.memref_squeeze %dma_wait3A_333 : memref<1x80xi32, #tpu.memory_space<vmem>> -> memref<80xi32, #tpu.memory_space<vmem>>
      %dma_wait3A_335 = arith.constant 0 : i32
      %dma_wait3A_336 = arith.constant 0 : i32
      %dma_wait3A_337 = tpu.memref_slice %arg2[%arg0, %dma_wait3A_335, %dma_wait3A_336] : memref<2x10240x64xf32, #tpu.memory_space<hbm>> -> memref<1x10240x64xf32, #tpu.memory_space<hbm>>
      %dma_wait3A_338 = tpu.memref_squeeze %dma_wait3A_337 : memref<1x10240x64xf32, #tpu.memory_space<hbm>> -> memref<10240x64xf32, #tpu.memory_space<hbm>>
      %dma_wait3A_339 = arith.constant 0 : i32
      %dma_wait3A_340 = arith.constant 0 : i32
      %dma_wait3A_341 = tpu.memref_slice %dma_wait3A_338[%dma_wait3A_339, %dma_wait3A_340] : memref<10240x64xf32, #tpu.memory_space<hbm>> -> memref<10240x64xf32, #tpu.memory_space<hbm>>
      tpu.wait_indirect_dma semaphore(%arg9 : memref<!tpu.dma_semaphore, #tpu.memory_space<semaphore_mem>>) src(%dma_wait3A_341 : memref<10240x64xf32, #tpu.memory_space<hbm>>) dst(%dma_wait3A_331 : memref<80x64xf32, #tpu.memory_space<vmem>>)
      %add3A_342 = arith.constant 5 : i32
      %add3A_343 = arith.addi %mul3A_18, %add3A_342 : i32
      %dma_start3A_344 = arith.constant 5 : i32
      %dma_start3A_345 = arith.constant 0 : i32
      %dma_start3A_346 = arith.constant 0 : i32
      %dma_start3A_347 = tpu.memref_slice %arg7[%dma_start3A_344, %dma_start3A_345, %dma_start3A_346] : memref<10x80x64xf32, #tpu.memory_space<vmem>> -> memref<1x80x64xf32, #tpu.memory_space<vmem>>
      %dma_start3A_348 = tpu.memref_squeeze %dma_start3A_347 : memref<1x80x64xf32, #tpu.memory_space<vmem>> -> memref<80x64xf32, #tpu.memory_space<vmem>>
      %dma_start3A_349 = arith.constant 0 : i32
      %dma_start3A_350 = tpu.memref_slice %arg6[%add3A_343, %dma_start3A_349] : memref<130x80xi32, #tpu.memory_space<vmem>> -> memref<1x80xi32, #tpu.memory_space<vmem>>
      %dma_start3A_351 = tpu.memref_squeeze %dma_start3A_350 : memref<1x80xi32, #tpu.memory_space<vmem>> -> memref<80xi32, #tpu.memory_space<vmem>>
      %dma_start3A_352 = arith.constant 0 : i32
      %dma_start3A_353 = arith.constant 0 : i32
      %dma_start3A_354 = tpu.memref_slice %arg8[%dma_start3A_352, %dma_start3A_353] : memref<10240x64xf32, #tpu.memory_space<vmem_shared>> -> memref<10240x64xf32, #tpu.memory_space<vmem_shared>>
      tpu.enqueue_indirect_dma source(%dma_start3A_348 : memref<80x64xf32, #tpu.memory_space<vmem>>) target(%dma_start3A_354 : memref<10240x64xf32, #tpu.memory_space<vmem_shared>>) offsets(%dma_start3A_351 : memref<80xi32, #tpu.memory_space<vmem>>) semaphore(%arg10 : memref<!tpu.dma_semaphore, #tpu.memory_space<semaphore_mem>>) {add = true}
      %dma_wait3A_355 = arith.constant 6 : i32
      %dma_wait3A_356 = arith.constant 0 : i32
      %dma_wait3A_357 = arith.constant 0 : i32
      %dma_wait3A_358 = tpu.memref_slice %arg7[%dma_wait3A_355, %dma_wait3A_356, %dma_wait3A_357] : memref<10x80x64xf32, #tpu.memory_space<vmem>> -> memref<1x80x64xf32, #tpu.memory_space<vmem>>
      %dma_wait3A_359 = tpu.memref_squeeze %dma_wait3A_358 : memref<1x80x64xf32, #tpu.memory_space<vmem>> -> memref<80x64xf32, #tpu.memory_space<vmem>>
      %dma_wait3A_360 = arith.constant 0 : i32
      %dma_wait3A_361 = tpu.memref_slice %arg5[%add3A_121, %dma_wait3A_360] : memref<130x80xi32, #tpu.memory_space<vmem>> -> memref<1x80xi32, #tpu.memory_space<vmem>>
      %dma_wait3A_362 = tpu.memref_squeeze %dma_wait3A_361 : memref<1x80xi32, #tpu.memory_space<vmem>> -> memref<80xi32, #tpu.memory_space<vmem>>
      %dma_wait3A_363 = arith.constant 0 : i32
      %dma_wait3A_364 = arith.constant 0 : i32
      %dma_wait3A_365 = tpu.memref_slice %arg2[%arg0, %dma_wait3A_363, %dma_wait3A_364] : memref<2x10240x64xf32, #tpu.memory_space<hbm>> -> memref<1x10240x64xf32, #tpu.memory_space<hbm>>
      %dma_wait3A_366 = tpu.memref_squeeze %dma_wait3A_365 : memref<1x10240x64xf32, #tpu.memory_space<hbm>> -> memref<10240x64xf32, #tpu.memory_space<hbm>>
      %dma_wait3A_367 = arith.constant 0 : i32
      %dma_wait3A_368 = arith.constant 0 : i32
      %dma_wait3A_369 = tpu.memref_slice %dma_wait3A_366[%dma_wait3A_367, %dma_wait3A_368] : memref<10240x64xf32, #tpu.memory_space<hbm>> -> memref<10240x64xf32, #tpu.memory_space<hbm>>
      tpu.wait_indirect_dma semaphore(%arg9 : memref<!tpu.dma_semaphore, #tpu.memory_space<semaphore_mem>>) src(%dma_wait3A_369 : memref<10240x64xf32, #tpu.memory_space<hbm>>) dst(%dma_wait3A_359 : memref<80x64xf32, #tpu.memory_space<vmem>>)
      %add3A_370 = arith.constant 6 : i32
      %add3A_371 = arith.addi %mul3A_18, %add3A_370 : i32
      %dma_start3A_372 = arith.constant 6 : i32
      %dma_start3A_373 = arith.constant 0 : i32
      %dma_start3A_374 = arith.constant 0 : i32
      %dma_start3A_375 = tpu.memref_slice %arg7[%dma_start3A_372, %dma_start3A_373, %dma_start3A_374] : memref<10x80x64xf32, #tpu.memory_space<vmem>> -> memref<1x80x64xf32, #tpu.memory_space<vmem>>
      %dma_start3A_376 = tpu.memref_squeeze %dma_start3A_375 : memref<1x80x64xf32, #tpu.memory_space<vmem>> -> memref<80x64xf32, #tpu.memory_space<vmem>>
      %dma_start3A_377 = arith.constant 0 : i32
      %dma_start3A_378 = tpu.memref_slice %arg6[%add3A_371, %dma_start3A_377] : memref<130x80xi32, #tpu.memory_space<vmem>> -> memref<1x80xi32, #tpu.memory_space<vmem>>
      %dma_start3A_379 = tpu.memref_squeeze %dma_start3A_378 : memref<1x80xi32, #tpu.memory_space<vmem>> -> memref<80xi32, #tpu.memory_space<vmem>>
      %dma_start3A_380 = arith.constant 0 : i32
      %dma_start3A_381 = arith.constant 0 : i32
      %dma_start3A_382 = tpu.memref_slice %arg8[%dma_start3A_380, %dma_start3A_381] : memref<10240x64xf32, #tpu.memory_space<vmem_shared>> -> memref<10240x64xf32, #tpu.memory_space<vmem_shared>>
      tpu.enqueue_indirect_dma source(%dma_start3A_376 : memref<80x64xf32, #tpu.memory_space<vmem>>) target(%dma_start3A_382 : memref<10240x64xf32, #tpu.memory_space<vmem_shared>>) offsets(%dma_start3A_379 : memref<80xi32, #tpu.memory_space<vmem>>) semaphore(%arg10 : memref<!tpu.dma_semaphore, #tpu.memory_space<semaphore_mem>>) {add = true}
      %dma_wait3A_383 = arith.constant 7 : i32
      %dma_wait3A_384 = arith.constant 0 : i32
      %dma_wait3A_385 = arith.constant 0 : i32
      %dma_wait3A_386 = tpu.memref_slice %arg7[%dma_wait3A_383, %dma_wait3A_384, %dma_wait3A_385] : memref<10x80x64xf32, #tpu.memory_space<vmem>> -> memref<1x80x64xf32, #tpu.memory_space<vmem>>
      %dma_wait3A_387 = tpu.memref_squeeze %dma_wait3A_386 : memref<1x80x64xf32, #tpu.memory_space<vmem>> -> memref<80x64xf32, #tpu.memory_space<vmem>>
      %dma_wait3A_388 = arith.constant 0 : i32
      %dma_wait3A_389 = tpu.memref_slice %arg5[%add3A_138, %dma_wait3A_388] : memref<130x80xi32, #tpu.memory_space<vmem>> -> memref<1x80xi32, #tpu.memory_space<vmem>>
      %dma_wait3A_390 = tpu.memref_squeeze %dma_wait3A_389 : memref<1x80xi32, #tpu.memory_space<vmem>> -> memref<80xi32, #tpu.memory_space<vmem>>
      %dma_wait3A_391 = arith.constant 0 : i32
      %dma_wait3A_392 = arith.constant 0 : i32
      %dma_wait3A_393 = tpu.memref_slice %arg2[%arg0, %dma_wait3A_391, %dma_wait3A_392] : memref<2x10240x64xf32, #tpu.memory_space<hbm>> -> memref<1x10240x64xf32, #tpu.memory_space<hbm>>
      %dma_wait3A_394 = tpu.memref_squeeze %dma_wait3A_393 : memref<1x10240x64xf32, #tpu.memory_space<hbm>> -> memref<10240x64xf32, #tpu.memory_space<hbm>>
      %dma_wait3A_395 = arith.constant 0 : i32
      %dma_wait3A_396 = arith.constant 0 : i32
      %dma_wait3A_397 = tpu.memref_slice %dma_wait3A_394[%dma_wait3A_395, %dma_wait3A_396] : memref<10240x64xf32, #tpu.memory_space<hbm>> -> memref<10240x64xf32, #tpu.memory_space<hbm>>
      tpu.wait_indirect_dma semaphore(%arg9 : memref<!tpu.dma_semaphore, #tpu.memory_space<semaphore_mem>>) src(%dma_wait3A_397 : memref<10240x64xf32, #tpu.memory_space<hbm>>) dst(%dma_wait3A_387 : memref<80x64xf32, #tpu.memory_space<vmem>>)
      %add3A_398 = arith.constant 7 : i32
      %add3A_399 = arith.addi %mul3A_18, %add3A_398 : i32
      %dma_start3A_400 = arith.constant 7 : i32
      %dma_start3A_401 = arith.constant 0 : i32
      %dma_start3A_402 = arith.constant 0 : i32
      %dma_start3A_403 = tpu.memref_slice %arg7[%dma_start3A_400, %dma_start3A_401, %dma_start3A_402] : memref<10x80x64xf32, #tpu.memory_space<vmem>> -> memref<1x80x64xf32, #tpu.memory_space<vmem>>
      %dma_start3A_404 = tpu.memref_squeeze %dma_start3A_403 : memref<1x80x64xf32, #tpu.memory_space<vmem>> -> memref<80x64xf32, #tpu.memory_space<vmem>>
      %dma_start3A_405 = arith.constant 0 : i32
      %dma_start3A_406 = tpu.memref_slice %arg6[%add3A_399, %dma_start3A_405] : memref<130x80xi32, #tpu.memory_space<vmem>> -> memref<1x80xi32, #tpu.memory_space<vmem>>
      %dma_start3A_407 = tpu.memref_squeeze %dma_start3A_406 : memref<1x80xi32, #tpu.memory_space<vmem>> -> memref<80xi32, #tpu.memory_space<vmem>>
      %dma_start3A_408 = arith.constant 0 : i32
      %dma_start3A_409 = arith.constant 0 : i32
      %dma_start3A_410 = tpu.memref_slice %arg8[%dma_start3A_408, %dma_start3A_409] : memref<10240x64xf32, #tpu.memory_space<vmem_shared>> -> memref<10240x64xf32, #tpu.memory_space<vmem_shared>>
      tpu.enqueue_indirect_dma source(%dma_start3A_404 : memref<80x64xf32, #tpu.memory_space<vmem>>) target(%dma_start3A_410 : memref<10240x64xf32, #tpu.memory_space<vmem_shared>>) offsets(%dma_start3A_407 : memref<80xi32, #tpu.memory_space<vmem>>) semaphore(%arg10 : memref<!tpu.dma_semaphore, #tpu.memory_space<semaphore_mem>>) {add = true}
      %dma_wait3A_411 = arith.constant 8 : i32
      %dma_wait3A_412 = arith.constant 0 : i32
      %dma_wait3A_413 = arith.constant 0 : i32
      %dma_wait3A_414 = tpu.memref_slice %arg7[%dma_wait3A_411, %dma_wait3A_412, %dma_wait3A_413] : memref<10x80x64xf32, #tpu.memory_space<vmem>> -> memref<1x80x64xf32, #tpu.memory_space<vmem>>
      %dma_wait3A_415 = tpu.memref_squeeze %dma_wait3A_414 : memref<1x80x64xf32, #tpu.memory_space<vmem>> -> memref<80x64xf32, #tpu.memory_space<vmem>>
      %dma_wait3A_416 = arith.constant 0 : i32
      %dma_wait3A_417 = tpu.memref_slice %arg5[%add3A_155, %dma_wait3A_416] : memref<130x80xi32, #tpu.memory_space<vmem>> -> memref<1x80xi32, #tpu.memory_space<vmem>>
      %dma_wait3A_418 = tpu.memref_squeeze %dma_wait3A_417 : memref<1x80xi32, #tpu.memory_space<vmem>> -> memref<80xi32, #tpu.memory_space<vmem>>
      %dma_wait3A_419 = arith.constant 0 : i32
      %dma_wait3A_420 = arith.constant 0 : i32
      %dma_wait3A_421 = tpu.memref_slice %arg2[%arg0, %dma_wait3A_419, %dma_wait3A_420] : memref<2x10240x64xf32, #tpu.memory_space<hbm>> -> memref<1x10240x64xf32, #tpu.memory_space<hbm>>
      %dma_wait3A_422 = tpu.memref_squeeze %dma_wait3A_421 : memref<1x10240x64xf32, #tpu.memory_space<hbm>> -> memref<10240x64xf32, #tpu.memory_space<hbm>>
      %dma_wait3A_423 = arith.constant 0 : i32
      %dma_wait3A_424 = arith.constant 0 : i32
      %dma_wait3A_425 = tpu.memref_slice %dma_wait3A_422[%dma_wait3A_423, %dma_wait3A_424] : memref<10240x64xf32, #tpu.memory_space<hbm>> -> memref<10240x64xf32, #tpu.memory_space<hbm>>
      tpu.wait_indirect_dma semaphore(%arg9 : memref<!tpu.dma_semaphore, #tpu.memory_space<semaphore_mem>>) src(%dma_wait3A_425 : memref<10240x64xf32, #tpu.memory_space<hbm>>) dst(%dma_wait3A_415 : memref<80x64xf32, #tpu.memory_space<vmem>>)
      %add3A_426 = arith.constant 8 : i32
      %add3A_427 = arith.addi %mul3A_18, %add3A_426 : i32
      %dma_start3A_428 = arith.constant 8 : i32
      %dma_start3A_429 = arith.constant 0 : i32
      %dma_start3A_430 = arith.constant 0 : i32
      %dma_start3A_431 = tpu.memref_slice %arg7[%dma_start3A_428, %dma_start3A_429, %dma_start3A_430] : memref<10x80x64xf32, #tpu.memory_space<vmem>> -> memref<1x80x64xf32, #tpu.memory_space<vmem>>
      %dma_start3A_432 = tpu.memref_squeeze %dma_start3A_431 : memref<1x80x64xf32, #tpu.memory_space<vmem>> -> memref<80x64xf32, #tpu.memory_space<vmem>>
      %dma_start3A_433 = arith.constant 0 : i32
      %dma_start3A_434 = tpu.memref_slice %arg6[%add3A_427, %dma_start3A_433] : memref<130x80xi32, #tpu.memory_space<vmem>> -> memref<1x80xi32, #tpu.memory_space<vmem>>
      %dma_start3A_435 = tpu.memref_squeeze %dma_start3A_434 : memref<1x80xi32, #tpu.memory_space<vmem>> -> memref<80xi32, #tpu.memory_space<vmem>>
      %dma_start3A_436 = arith.constant 0 : i32
      %dma_start3A_437 = arith.constant 0 : i32
      %dma_start3A_438 = tpu.memref_slice %arg8[%dma_start3A_436, %dma_start3A_437] : memref<10240x64xf32, #tpu.memory_space<vmem_shared>> -> memref<10240x64xf32, #tpu.memory_space<vmem_shared>>
      tpu.enqueue_indirect_dma source(%dma_start3A_432 : memref<80x64xf32, #tpu.memory_space<vmem>>) target(%dma_start3A_438 : memref<10240x64xf32, #tpu.memory_space<vmem_shared>>) offsets(%dma_start3A_435 : memref<80xi32, #tpu.memory_space<vmem>>) semaphore(%arg10 : memref<!tpu.dma_semaphore, #tpu.memory_space<semaphore_mem>>) {add = true}
      %dma_wait3A_439 = arith.constant 9 : i32
      %dma_wait3A_440 = arith.constant 0 : i32
      %dma_wait3A_441 = arith.constant 0 : i32
      %dma_wait3A_442 = tpu.memref_slice %arg7[%dma_wait3A_439, %dma_wait3A_440, %dma_wait3A_441] : memref<10x80x64xf32, #tpu.memory_space<vmem>> -> memref<1x80x64xf32, #tpu.memory_space<vmem>>
      %dma_wait3A_443 = tpu.memref_squeeze %dma_wait3A_442 : memref<1x80x64xf32, #tpu.memory_space<vmem>> -> memref<80x64xf32, #tpu.memory_space<vmem>>
      %dma_wait3A_444 = arith.constant 0 : i32
      %dma_wait3A_445 = tpu.memref_slice %arg5[%add3A_172, %dma_wait3A_444] : memref<130x80xi32, #tpu.memory_space<vmem>> -> memref<1x80xi32, #tpu.memory_space<vmem>>
      %dma_wait3A_446 = tpu.memref_squeeze %dma_wait3A_445 : memref<1x80xi32, #tpu.memory_space<vmem>> -> memref<80xi32, #tpu.memory_space<vmem>>
      %dma_wait3A_447 = arith.constant 0 : i32
      %dma_wait3A_448 = arith.constant 0 : i32
      %dma_wait3A_449 = tpu.memref_slice %arg2[%arg0, %dma_wait3A_447, %dma_wait3A_448] : memref<2x10240x64xf32, #tpu.memory_space<hbm>> -> memref<1x10240x64xf32, #tpu.memory_space<hbm>>
      %dma_wait3A_450 = tpu.memref_squeeze %dma_wait3A_449 : memref<1x10240x64xf32, #tpu.memory_space<hbm>> -> memref<10240x64xf32, #tpu.memory_space<hbm>>
      %dma_wait3A_451 = arith.constant 0 : i32
      %dma_wait3A_452 = arith.constant 0 : i32
      %dma_wait3A_453 = tpu.memref_slice %dma_wait3A_450[%dma_wait3A_451, %dma_wait3A_452] : memref<10240x64xf32, #tpu.memory_space<hbm>> -> memref<10240x64xf32, #tpu.memory_space<hbm>>
      tpu.wait_indirect_dma semaphore(%arg9 : memref<!tpu.dma_semaphore, #tpu.memory_space<semaphore_mem>>) src(%dma_wait3A_453 : memref<10240x64xf32, #tpu.memory_space<hbm>>) dst(%dma_wait3A_443 : memref<80x64xf32, #tpu.memory_space<vmem>>)
      %add3A_454 = arith.constant 9 : i32
      %add3A_455 = arith.addi %mul3A_18, %add3A_454 : i32
      %dma_start3A_456 = arith.constant 9 : i32
      %dma_start3A_457 = arith.constant 0 : i32
      %dma_start3A_458 = arith.constant 0 : i32
      %dma_start3A_459 = tpu.memref_slice %arg7[%dma_start3A_456, %dma_start3A_457, %dma_start3A_458] : memref<10x80x64xf32, #tpu.memory_space<vmem>> -> memref<1x80x64xf32, #tpu.memory_space<vmem>>
      %dma_start3A_460 = tpu.memref_squeeze %dma_start3A_459 : memref<1x80x64xf32, #tpu.memory_space<vmem>> -> memref<80x64xf32, #tpu.memory_space<vmem>>
      %dma_start3A_461 = arith.constant 0 : i32
      %dma_start3A_462 = tpu.memref_slice %arg6[%add3A_455, %dma_start3A_461] : memref<130x80xi32, #tpu.memory_space<vmem>> -> memref<1x80xi32, #tpu.memory_space<vmem>>
      %dma_start3A_463 = tpu.memref_squeeze %dma_start3A_462 : memref<1x80xi32, #tpu.memory_space<vmem>> -> memref<80xi32, #tpu.memory_space<vmem>>
      %dma_start3A_464 = arith.constant 0 : i32
      %dma_start3A_465 = arith.constant 0 : i32
      %dma_start3A_466 = tpu.memref_slice %arg8[%dma_start3A_464, %dma_start3A_465] : memref<10240x64xf32, #tpu.memory_space<vmem_shared>> -> memref<10240x64xf32, #tpu.memory_space<vmem_shared>>
      tpu.enqueue_indirect_dma source(%dma_start3A_460 : memref<80x64xf32, #tpu.memory_space<vmem>>) target(%dma_start3A_466 : memref<10240x64xf32, #tpu.memory_space<vmem_shared>>) offsets(%dma_start3A_463 : memref<80xi32, #tpu.memory_space<vmem>>) semaphore(%arg10 : memref<!tpu.dma_semaphore, #tpu.memory_space<semaphore_mem>>) {add = true}
      %dma_wait3A_467 = arith.constant 0 : i32
      %dma_wait3A_468 = arith.constant 0 : i32
      %dma_wait3A_469 = arith.constant 0 : i32
      %dma_wait3A_470 = tpu.memref_slice %arg7[%dma_wait3A_467, %dma_wait3A_468, %dma_wait3A_469] : memref<10x80x64xf32, #tpu.memory_space<vmem>> -> memref<1x80x64xf32, #tpu.memory_space<vmem>>
      %dma_wait3A_471 = tpu.memref_squeeze %dma_wait3A_470 : memref<1x80x64xf32, #tpu.memory_space<vmem>> -> memref<80x64xf32, #tpu.memory_space<vmem>>
      %dma_wait3A_472 = arith.constant 0 : i32
      %dma_wait3A_473 = tpu.memref_slice %arg6[%add3A_203, %dma_wait3A_472] : memref<130x80xi32, #tpu.memory_space<vmem>> -> memref<1x80xi32, #tpu.memory_space<vmem>>
      %dma_wait3A_474 = tpu.memref_squeeze %dma_wait3A_473 : memref<1x80xi32, #tpu.memory_space<vmem>> -> memref<80xi32, #tpu.memory_space<vmem>>
      %dma_wait3A_475 = arith.constant 0 : i32
      %dma_wait3A_476 = arith.constant 0 : i32
      %dma_wait3A_477 = tpu.memref_slice %arg8[%dma_wait3A_475, %dma_wait3A_476] : memref<10240x64xf32, #tpu.memory_space<vmem_shared>> -> memref<10240x64xf32, #tpu.memory_space<vmem_shared>>
      tpu.wait_indirect_dma semaphore(%arg10 : memref<!tpu.dma_semaphore, #tpu.memory_space<semaphore_mem>>) src(%dma_wait3A_471 : memref<80x64xf32, #tpu.memory_space<vmem>>) dst(%dma_wait3A_477 : memref<10240x64xf32, #tpu.memory_space<vmem_shared>>)
      %dma_wait3A_478 = arith.constant 1 : i32
      %dma_wait3A_479 = arith.constant 0 : i32
      %dma_wait3A_480 = arith.constant 0 : i32
      %dma_wait3A_481 = tpu.memref_slice %arg7[%dma_wait3A_478, %dma_wait3A_479, %dma_wait3A_480] : memref<10x80x64xf32, #tpu.memory_space<vmem>> -> memref<1x80x64xf32, #tpu.memory_space<vmem>>
      %dma_wait3A_482 = tpu.memref_squeeze %dma_wait3A_481 : memref<1x80x64xf32, #tpu.memory_space<vmem>> -> memref<80x64xf32, #tpu.memory_space<vmem>>
      %dma_wait3A_483 = arith.constant 0 : i32
      %dma_wait3A_484 = tpu.memref_slice %arg6[%add3A_231, %dma_wait3A_483] : memref<130x80xi32, #tpu.memory_space<vmem>> -> memref<1x80xi32, #tpu.memory_space<vmem>>
      %dma_wait3A_485 = tpu.memref_squeeze %dma_wait3A_484 : memref<1x80xi32, #tpu.memory_space<vmem>> -> memref<80xi32, #tpu.memory_space<vmem>>
      %dma_wait3A_486 = arith.constant 0 : i32
      %dma_wait3A_487 = arith.constant 0 : i32
      %dma_wait3A_488 = tpu.memref_slice %arg8[%dma_wait3A_486, %dma_wait3A_487] : memref<10240x64xf32, #tpu.memory_space<vmem_shared>> -> memref<10240x64xf32, #tpu.memory_space<vmem_shared>>
      tpu.wait_indirect_dma semaphore(%arg10 : memref<!tpu.dma_semaphore, #tpu.memory_space<semaphore_mem>>) src(%dma_wait3A_482 : memref<80x64xf32, #tpu.memory_space<vmem>>) dst(%dma_wait3A_488 : memref<10240x64xf32, #tpu.memory_space<vmem_shared>>)
      %dma_wait3A_489 = arith.constant 2 : i32
      %dma_wait3A_490 = arith.constant 0 : i32
      %dma_wait3A_491 = arith.constant 0 : i32
      %dma_wait3A_492 = tpu.memref_slice %arg7[%dma_wait3A_489, %dma_wait3A_490, %dma_wait3A_491] : memref<10x80x64xf32, #tpu.memory_space<vmem>> -> memref<1x80x64xf32, #tpu.memory_space<vmem>>
      %dma_wait3A_493 = tpu.memref_squeeze %dma_wait3A_492 : memref<1x80x64xf32, #tpu.memory_space<vmem>> -> memref<80x64xf32, #tpu.memory_space<vmem>>
      %dma_wait3A_494 = arith.constant 0 : i32
      %dma_wait3A_495 = tpu.memref_slice %arg6[%add3A_259, %dma_wait3A_494] : memref<130x80xi32, #tpu.memory_space<vmem>> -> memref<1x80xi32, #tpu.memory_space<vmem>>
      %dma_wait3A_496 = tpu.memref_squeeze %dma_wait3A_495 : memref<1x80xi32, #tpu.memory_space<vmem>> -> memref<80xi32, #tpu.memory_space<vmem>>
      %dma_wait3A_497 = arith.constant 0 : i32
      %dma_wait3A_498 = arith.constant 0 : i32
      %dma_wait3A_499 = tpu.memref_slice %arg8[%dma_wait3A_497, %dma_wait3A_498] : memref<10240x64xf32, #tpu.memory_space<vmem_shared>> -> memref<10240x64xf32, #tpu.memory_space<vmem_shared>>
      tpu.wait_indirect_dma semaphore(%arg10 : memref<!tpu.dma_semaphore, #tpu.memory_space<semaphore_mem>>) src(%dma_wait3A_493 : memref<80x64xf32, #tpu.memory_space<vmem>>) dst(%dma_wait3A_499 : memref<10240x64xf32, #tpu.memory_space<vmem_shared>>)
      %dma_wait3A_500 = arith.constant 3 : i32
      %dma_wait3A_501 = arith.constant 0 : i32
      %dma_wait3A_502 = arith.constant 0 : i32
      %dma_wait3A_503 = tpu.memref_slice %arg7[%dma_wait3A_500, %dma_wait3A_501, %dma_wait3A_502] : memref<10x80x64xf32, #tpu.memory_space<vmem>> -> memref<1x80x64xf32, #tpu.memory_space<vmem>>
      %dma_wait3A_504 = tpu.memref_squeeze %dma_wait3A_503 : memref<1x80x64xf32, #tpu.memory_space<vmem>> -> memref<80x64xf32, #tpu.memory_space<vmem>>
      %dma_wait3A_505 = arith.constant 0 : i32
      %dma_wait3A_506 = tpu.memref_slice %arg6[%add3A_287, %dma_wait3A_505] : memref<130x80xi32, #tpu.memory_space<vmem>> -> memref<1x80xi32, #tpu.memory_space<vmem>>
      %dma_wait3A_507 = tpu.memref_squeeze %dma_wait3A_506 : memref<1x80xi32, #tpu.memory_space<vmem>> -> memref<80xi32, #tpu.memory_space<vmem>>
      %dma_wait3A_508 = arith.constant 0 : i32
      %dma_wait3A_509 = arith.constant 0 : i32
      %dma_wait3A_510 = tpu.memref_slice %arg8[%dma_wait3A_508, %dma_wait3A_509] : memref<10240x64xf32, #tpu.memory_space<vmem_shared>> -> memref<10240x64xf32, #tpu.memory_space<vmem_shared>>
      tpu.wait_indirect_dma semaphore(%arg10 : memref<!tpu.dma_semaphore, #tpu.memory_space<semaphore_mem>>) src(%dma_wait3A_504 : memref<80x64xf32, #tpu.memory_space<vmem>>) dst(%dma_wait3A_510 : memref<10240x64xf32, #tpu.memory_space<vmem_shared>>)
      %dma_wait3A_511 = arith.constant 4 : i32
      %dma_wait3A_512 = arith.constant 0 : i32
      %dma_wait3A_513 = arith.constant 0 : i32
      %dma_wait3A_514 = tpu.memref_slice %arg7[%dma_wait3A_511, %dma_wait3A_512, %dma_wait3A_513] : memref<10x80x64xf32, #tpu.memory_space<vmem>> -> memref<1x80x64xf32, #tpu.memory_space<vmem>>
      %dma_wait3A_515 = tpu.memref_squeeze %dma_wait3A_514 : memref<1x80x64xf32, #tpu.memory_space<vmem>> -> memref<80x64xf32, #tpu.memory_space<vmem>>
      %dma_wait3A_516 = arith.constant 0 : i32
      %dma_wait3A_517 = tpu.memref_slice %arg6[%add3A_315, %dma_wait3A_516] : memref<130x80xi32, #tpu.memory_space<vmem>> -> memref<1x80xi32, #tpu.memory_space<vmem>>
      %dma_wait3A_518 = tpu.memref_squeeze %dma_wait3A_517 : memref<1x80xi32, #tpu.memory_space<vmem>> -> memref<80xi32, #tpu.memory_space<vmem>>
      %dma_wait3A_519 = arith.constant 0 : i32
      %dma_wait3A_520 = arith.constant 0 : i32
      %dma_wait3A_521 = tpu.memref_slice %arg8[%dma_wait3A_519, %dma_wait3A_520] : memref<10240x64xf32, #tpu.memory_space<vmem_shared>> -> memref<10240x64xf32, #tpu.memory_space<vmem_shared>>
      tpu.wait_indirect_dma semaphore(%arg10 : memref<!tpu.dma_semaphore, #tpu.memory_space<semaphore_mem>>) src(%dma_wait3A_515 : memref<80x64xf32, #tpu.memory_space<vmem>>) dst(%dma_wait3A_521 : memref<10240x64xf32, #tpu.memory_space<vmem_shared>>)
      %dma_wait3A_522 = arith.constant 5 : i32
      %dma_wait3A_523 = arith.constant 0 : i32
      %dma_wait3A_524 = arith.constant 0 : i32
      %dma_wait3A_525 = tpu.memref_slice %arg7[%dma_wait3A_522, %dma_wait3A_523, %dma_wait3A_524] : memref<10x80x64xf32, #tpu.memory_space<vmem>> -> memref<1x80x64xf32, #tpu.memory_space<vmem>>
      %dma_wait3A_526 = tpu.memref_squeeze %dma_wait3A_525 : memref<1x80x64xf32, #tpu.memory_space<vmem>> -> memref<80x64xf32, #tpu.memory_space<vmem>>
      %dma_wait3A_527 = arith.constant 0 : i32
      %dma_wait3A_528 = tpu.memref_slice %arg6[%add3A_343, %dma_wait3A_527] : memref<130x80xi32, #tpu.memory_space<vmem>> -> memref<1x80xi32, #tpu.memory_space<vmem>>
      %dma_wait3A_529 = tpu.memref_squeeze %dma_wait3A_528 : memref<1x80xi32, #tpu.memory_space<vmem>> -> memref<80xi32, #tpu.memory_space<vmem>>
      %dma_wait3A_530 = arith.constant 0 : i32
      %dma_wait3A_531 = arith.constant 0 : i32
      %dma_wait3A_532 = tpu.memref_slice %arg8[%dma_wait3A_530, %dma_wait3A_531] : memref<10240x64xf32, #tpu.memory_space<vmem_shared>> -> memref<10240x64xf32, #tpu.memory_space<vmem_shared>>
      tpu.wait_indirect_dma semaphore(%arg10 : memref<!tpu.dma_semaphore, #tpu.memory_space<semaphore_mem>>) src(%dma_wait3A_526 : memref<80x64xf32, #tpu.memory_space<vmem>>) dst(%dma_wait3A_532 : memref<10240x64xf32, #tpu.memory_space<vmem_shared>>)
      %dma_wait3A_533 = arith.constant 6 : i32
      %dma_wait3A_534 = arith.constant 0 : i32
      %dma_wait3A_535 = arith.constant 0 : i32
      %dma_wait3A_536 = tpu.memref_slice %arg7[%dma_wait3A_533, %dma_wait3A_534, %dma_wait3A_535] : memref<10x80x64xf32, #tpu.memory_space<vmem>> -> memref<1x80x64xf32, #tpu.memory_space<vmem>>
      %dma_wait3A_537 = tpu.memref_squeeze %dma_wait3A_536 : memref<1x80x64xf32, #tpu.memory_space<vmem>> -> memref<80x64xf32, #tpu.memory_space<vmem>>
      %dma_wait3A_538 = arith.constant 0 : i32
      %dma_wait3A_539 = tpu.memref_slice %arg6[%add3A_371, %dma_wait3A_538] : memref<130x80xi32, #tpu.memory_space<vmem>> -> memref<1x80xi32, #tpu.memory_space<vmem>>
      %dma_wait3A_540 = tpu.memref_squeeze %dma_wait3A_539 : memref<1x80xi32, #tpu.memory_space<vmem>> -> memref<80xi32, #tpu.memory_space<vmem>>
      %dma_wait3A_541 = arith.constant 0 : i32
      %dma_wait3A_542 = arith.constant 0 : i32
      %dma_wait3A_543 = tpu.memref_slice %arg8[%dma_wait3A_541, %dma_wait3A_542] : memref<10240x64xf32, #tpu.memory_space<vmem_shared>> -> memref<10240x64xf32, #tpu.memory_space<vmem_shared>>
      tpu.wait_indirect_dma semaphore(%arg10 : memref<!tpu.dma_semaphore, #tpu.memory_space<semaphore_mem>>) src(%dma_wait3A_537 : memref<80x64xf32, #tpu.memory_space<vmem>>) dst(%dma_wait3A_543 : memref<10240x64xf32, #tpu.memory_space<vmem_shared>>)
      %dma_wait3A_544 = arith.constant 7 : i32
      %dma_wait3A_545 = arith.constant 0 : i32
      %dma_wait3A_546 = arith.constant 0 : i32
      %dma_wait3A_547 = tpu.memref_slice %arg7[%dma_wait3A_544, %dma_wait3A_545, %dma_wait3A_546] : memref<10x80x64xf32, #tpu.memory_space<vmem>> -> memref<1x80x64xf32, #tpu.memory_space<vmem>>
      %dma_wait3A_548 = tpu.memref_squeeze %dma_wait3A_547 : memref<1x80x64xf32, #tpu.memory_space<vmem>> -> memref<80x64xf32, #tpu.memory_space<vmem>>
      %dma_wait3A_549 = arith.constant 0 : i32
      %dma_wait3A_550 = tpu.memref_slice %arg6[%add3A_399, %dma_wait3A_549] : memref<130x80xi32, #tpu.memory_space<vmem>> -> memref<1x80xi32, #tpu.memory_space<vmem>>
      %dma_wait3A_551 = tpu.memref_squeeze %dma_wait3A_550 : memref<1x80xi32, #tpu.memory_space<vmem>> -> memref<80xi32, #tpu.memory_space<vmem>>
      %dma_wait3A_552 = arith.constant 0 : i32
      %dma_wait3A_553 = arith.constant 0 : i32
      %dma_wait3A_554 = tpu.memref_slice %arg8[%dma_wait3A_552, %dma_wait3A_553] : memref<10240x64xf32, #tpu.memory_space<vmem_shared>> -> memref<10240x64xf32, #tpu.memory_space<vmem_shared>>
      tpu.wait_indirect_dma semaphore(%arg10 : memref<!tpu.dma_semaphore, #tpu.memory_space<semaphore_mem>>) src(%dma_wait3A_548 : memref<80x64xf32, #tpu.memory_space<vmem>>) dst(%dma_wait3A_554 : memref<10240x64xf32, #tpu.memory_space<vmem_shared>>)
      %dma_wait3A_555 = arith.constant 8 : i32
      %dma_wait3A_556 = arith.constant 0 : i32
      %dma_wait3A_557 = arith.constant 0 : i32
      %dma_wait3A_558 = tpu.memref_slice %arg7[%dma_wait3A_555, %dma_wait3A_556, %dma_wait3A_557] : memref<10x80x64xf32, #tpu.memory_space<vmem>> -> memref<1x80x64xf32, #tpu.memory_space<vmem>>
      %dma_wait3A_559 = tpu.memref_squeeze %dma_wait3A_558 : memref<1x80x64xf32, #tpu.memory_space<vmem>> -> memref<80x64xf32, #tpu.memory_space<vmem>>
      %dma_wait3A_560 = arith.constant 0 : i32
      %dma_wait3A_561 = tpu.memref_slice %arg6[%add3A_427, %dma_wait3A_560] : memref<130x80xi32, #tpu.memory_space<vmem>> -> memref<1x80xi32, #tpu.memory_space<vmem>>
      %dma_wait3A_562 = tpu.memref_squeeze %dma_wait3A_561 : memref<1x80xi32, #tpu.memory_space<vmem>> -> memref<80xi32, #tpu.memory_space<vmem>>
      %dma_wait3A_563 = arith.constant 0 : i32
      %dma_wait3A_564 = arith.constant 0 : i32
      %dma_wait3A_565 = tpu.memref_slice %arg8[%dma_wait3A_563, %dma_wait3A_564] : memref<10240x64xf32, #tpu.memory_space<vmem_shared>> -> memref<10240x64xf32, #tpu.memory_space<vmem_shared>>
      tpu.wait_indirect_dma semaphore(%arg10 : memref<!tpu.dma_semaphore, #tpu.memory_space<semaphore_mem>>) src(%dma_wait3A_559 : memref<80x64xf32, #tpu.memory_space<vmem>>) dst(%dma_wait3A_565 : memref<10240x64xf32, #tpu.memory_space<vmem_shared>>)
      %dma_wait3A_566 = arith.constant 9 : i32
      %dma_wait3A_567 = arith.constant 0 : i32
      %dma_wait3A_568 = arith.constant 0 : i32
      %dma_wait3A_569 = tpu.memref_slice %arg7[%dma_wait3A_566, %dma_wait3A_567, %dma_wait3A_568] : memref<10x80x64xf32, #tpu.memory_space<vmem>> -> memref<1x80x64xf32, #tpu.memory_space<vmem>>
      %dma_wait3A_570 = tpu.memref_squeeze %dma_wait3A_569 : memref<1x80x64xf32, #tpu.memory_space<vmem>> -> memref<80x64xf32, #tpu.memory_space<vmem>>
      %dma_wait3A_571 = arith.constant 0 : i32
      %dma_wait3A_572 = tpu.memref_slice %arg6[%add3A_455, %dma_wait3A_571] : memref<130x80xi32, #tpu.memory_space<vmem>> -> memref<1x80xi32, #tpu.memory_space<vmem>>
      %dma_wait3A_573 = tpu.memref_squeeze %dma_wait3A_572 : memref<1x80xi32, #tpu.memory_space<vmem>> -> memref<80xi32, #tpu.memory_space<vmem>>
      %dma_wait3A_574 = arith.constant 0 : i32
      %dma_wait3A_575 = arith.constant 0 : i32
      %dma_wait3A_576 = tpu.memref_slice %arg8[%dma_wait3A_574, %dma_wait3A_575] : memref<10240x64xf32, #tpu.memory_space<vmem_shared>> -> memref<10240x64xf32, #tpu.memory_space<vmem_shared>>
      tpu.wait_indirect_dma semaphore(%arg10 : memref<!tpu.dma_semaphore, #tpu.memory_space<semaphore_mem>>) src(%dma_wait3A_570 : memref<80x64xf32, #tpu.memory_space<vmem>>) dst(%dma_wait3A_576 : memref<10240x64xf32, #tpu.memory_space<vmem_shared>>)
    }
    %scan3A_14 = arith.constant 12 : i32
    %barrier3A_15 = arith.constant 0 : index
    tpu.barrier barrier_id(%barrier3A_15)
    "tpu.region"() ({
      %run_scoped3A = tpu.sem_alloc : memref<!tpu.dma_semaphore, #tpu.memory_space<semaphore_mem>>
      %dma_start3A = arith.constant 0 : i32
      %dma_start3A_16 = tpu.memref_slice %arg4[%arg0, %mul3A_0, %dma_start3A] : memref<2x10240x64xf32, #tpu.memory_space<hbm>> -> memref<1x640x64xf32, #tpu.memory_space<hbm>>
      %dma_start3A_17 = tpu.memref_squeeze %dma_start3A_16 : memref<1x640x64xf32, #tpu.memory_space<hbm>> -> memref<640x64xf32, #tpu.memory_space<hbm>>
      %dma_start3A_18 = arith.constant 0 : i32
      %dma_start3A_19 = tpu.memref_slice %arg8[%mul3A_0, %dma_start3A_18] : memref<10240x64xf32, #tpu.memory_space<vmem_shared>> -> memref<640x64xf32, #tpu.memory_space<vmem_shared>>
      tpu.enqueue_dma source(%dma_start3A_19 : memref<640x64xf32, #tpu.memory_space<vmem_shared>>) target(%dma_start3A_17 : memref<640x64xf32, #tpu.memory_space<hbm>>) target_semaphore(%run_scoped3A : memref<!tpu.dma_semaphore, #tpu.memory_space<semaphore_mem>>)
      %dma_wait3A = arith.constant 0 : i32
      %dma_wait3A_20 = tpu.memref_slice %arg4[%arg0, %mul3A_0, %dma_wait3A] : memref<2x10240x64xf32, #tpu.memory_space<hbm>> -> memref<1x640x64xf32, #tpu.memory_space<hbm>>
      %dma_wait3A_21 = tpu.memref_squeeze %dma_wait3A_20 : memref<1x640x64xf32, #tpu.memory_space<hbm>> -> memref<640x64xf32, #tpu.memory_space<hbm>>
      %dma_wait3A_22 = arith.constant 0 : i32
      %dma_wait3A_23 = tpu.memref_slice %arg8[%mul3A_0, %dma_wait3A_22] : memref<10240x64xf32, #tpu.memory_space<vmem_shared>> -> memref<640x64xf32, #tpu.memory_space<vmem_shared>>
      tpu.wait_dma2 semaphore(%run_scoped3A : memref<!tpu.dma_semaphore, #tpu.memory_space<semaphore_mem>>) src(%dma_wait3A_23 : memref<640x64xf32, #tpu.memory_space<vmem_shared>>) dst(%dma_wait3A_21 : memref<640x64xf32, #tpu.memory_space<hbm>>)
      tpu.yield
    }) : () -> ()
    return
  }
}

#map = affine_map<(d0, d1) -> (0, 0, 0)>
#map1 = affine_map<(d0, d1) -> (0, 0)>
module attributes {stable_mosaic.version = 14 : i64} {
  func.func @_deg_body(%arg0: i32, %arg1: i32, %arg2: memref<32x250x80xi32, #tpu.memory_space<hbm>>, %arg3: memref<80x16xf32, #tpu.memory_space<hbm>>, %arg4: memref<640x16xf32, #tpu.memory_space<hbm>>, %arg5: memref<2x10240x16xf32, #tpu.memory_space<hbm>>, %arg6: memref<125x80xi32, #tpu.memory_space<vmem>>, %arg7: memref<80x16xf32, #tpu.memory_space<vmem>>, %arg8: memref<10240x16xf32, #tpu.memory_space<vmem_shared>>, %arg9: memref<!tpu.dma_semaphore, #tpu.memory_space<semaphore_mem>>) attributes {dimension_semantics = [#tpu.dimension_semantics<core_parallel>, #tpu.dimension_semantics<subcore_parallel>], iteration_bounds = array<i64: 2, 16>, scalar_prefetch = 0 : i64, scratch_operands = 4 : i64, tpu.core_type = #tpu.core_type<sc_vector_subcore>, window_params = [{transform_indices = #map}, {transform_indices = #map1}, {transform_indices = #map1}, {transform_indices = #map}]} {
    %mul3A = arith.constant 640 : i32
    %mul3A_0 = arith.muli %arg1, %mul3A : i32
    "tpu.region"() ({
      %run_scoped3A = tpu.sem_alloc : memref<!tpu.dma_semaphore, #tpu.memory_space<semaphore_mem>>
      %dma_start3A = arith.constant 0 : i32
      %dma_start3A_10 = tpu.memref_slice %arg8[%mul3A_0, %dma_start3A] : memref<10240x16xf32, #tpu.memory_space<vmem_shared>> -> memref<640x16xf32, #tpu.memory_space<vmem_shared>>
      tpu.enqueue_dma source(%arg4 : memref<640x16xf32, #tpu.memory_space<hbm>>) target(%dma_start3A_10 : memref<640x16xf32, #tpu.memory_space<vmem_shared>>) target_semaphore(%run_scoped3A : memref<!tpu.dma_semaphore, #tpu.memory_space<semaphore_mem>>)
      %dma_wait3A = arith.constant 0 : i32
      %dma_wait3A_11 = tpu.memref_slice %arg8[%mul3A_0, %dma_wait3A] : memref<10240x16xf32, #tpu.memory_space<vmem_shared>> -> memref<640x16xf32, #tpu.memory_space<vmem_shared>>
      tpu.wait_dma2 semaphore(%run_scoped3A : memref<!tpu.dma_semaphore, #tpu.memory_space<semaphore_mem>>) src(%arg4 : memref<640x16xf32, #tpu.memory_space<hbm>>) dst(%dma_wait3A_11 : memref<640x16xf32, #tpu.memory_space<vmem_shared>>)
      tpu.yield
    }) : () -> ()
    "tpu.region"() ({
      %run_scoped3A = tpu.sem_alloc : memref<!tpu.dma_semaphore, #tpu.memory_space<semaphore_mem>>
      tpu.enqueue_dma source(%arg3 : memref<80x16xf32, #tpu.memory_space<hbm>>) target(%arg7 : memref<80x16xf32, #tpu.memory_space<vmem>>) target_semaphore(%run_scoped3A : memref<!tpu.dma_semaphore, #tpu.memory_space<semaphore_mem>>)
      tpu.wait_dma2 semaphore(%run_scoped3A : memref<!tpu.dma_semaphore, #tpu.memory_space<semaphore_mem>>) src(%arg3 : memref<80x16xf32, #tpu.memory_space<hbm>>) dst(%arg7 : memref<80x16xf32, #tpu.memory_space<vmem>>)
      tpu.yield
    }) : () -> ()
    %add3A = arith.constant 16 : i32
    %add3A_1 = arith.addi %add3A, %arg1 : i32
    %mul3A_2 = arith.constant 125 : i32
    %mul3A_3 = arith.muli %arg0, %mul3A_2 : i32
    "tpu.region"() ({
      %run_scoped3A = tpu.sem_alloc : memref<!tpu.dma_semaphore, #tpu.memory_space<semaphore_mem>>
      %dma_start3A = arith.constant 0 : i32
      %dma_start3A_10 = tpu.memref_slice %arg2[%add3A_1, %mul3A_3, %dma_start3A] : memref<32x250x80xi32, #tpu.memory_space<hbm>> -> memref<1x125x80xi32, #tpu.memory_space<hbm>>
      %dma_start3A_11 = tpu.memref_squeeze %dma_start3A_10 : memref<1x125x80xi32, #tpu.memory_space<hbm>> -> memref<125x80xi32, #tpu.memory_space<hbm>>
      %dma_start3A_12 = arith.constant 0 : i32
      %dma_start3A_13 = tpu.memref_slice %arg2[%add3A_1, %mul3A_3, %dma_start3A_12] : memref<32x250x80xi32, #tpu.memory_space<hbm>> -> memref<1x125x80xi32, #tpu.memory_space<hbm>>
      %dma_start3A_14 = tpu.memref_squeeze %dma_start3A_13 : memref<1x125x80xi32, #tpu.memory_space<hbm>> -> memref<125x80xi32, #tpu.memory_space<hbm>>
      tpu.enqueue_dma source(%dma_start3A_14 : memref<125x80xi32, #tpu.memory_space<hbm>>) target(%arg6 : memref<125x80xi32, #tpu.memory_space<vmem>>) target_semaphore(%run_scoped3A : memref<!tpu.dma_semaphore, #tpu.memory_space<semaphore_mem>>)
      %dma_wait3A = arith.constant 0 : i32
      %dma_wait3A_15 = tpu.memref_slice %arg2[%add3A_1, %mul3A_3, %dma_wait3A] : memref<32x250x80xi32, #tpu.memory_space<hbm>> -> memref<1x125x80xi32, #tpu.memory_space<hbm>>
      %dma_wait3A_16 = tpu.memref_squeeze %dma_wait3A_15 : memref<1x125x80xi32, #tpu.memory_space<hbm>> -> memref<125x80xi32, #tpu.memory_space<hbm>>
      %dma_wait3A_17 = arith.constant 0 : i32
      %dma_wait3A_18 = tpu.memref_slice %arg2[%add3A_1, %mul3A_3, %dma_wait3A_17] : memref<32x250x80xi32, #tpu.memory_space<hbm>> -> memref<1x125x80xi32, #tpu.memory_space<hbm>>
      %dma_wait3A_19 = tpu.memref_squeeze %dma_wait3A_18 : memref<1x125x80xi32, #tpu.memory_space<hbm>> -> memref<125x80xi32, #tpu.memory_space<hbm>>
      tpu.wait_dma2 semaphore(%run_scoped3A : memref<!tpu.dma_semaphore, #tpu.memory_space<semaphore_mem>>) src(%dma_wait3A_19 : memref<125x80xi32, #tpu.memory_space<hbm>>) dst(%arg6 : memref<125x80xi32, #tpu.memory_space<vmem>>)
      tpu.yield
    }) : () -> ()
    %barrier3A = arith.constant 0 : index
    tpu.barrier barrier_id(%barrier3A)
    %scan3A = arith.constant 0 : i32
    %scan3A_4 = arith.constant 0 : i32
    %scan3A_5 = arith.constant 25 : i32
    %scan3A_6 = arith.addi %scan3A_4, %scan3A_5 : i32
    %scan3A_7 = arith.constant 1 : i32
    scf.for %scan3A_10 = %scan3A_4 to %scan3A_6 step %scan3A_7  : i32 {
      %mul3A_11 = arith.constant 5 : i32
      %mul3A_12 = arith.muli %scan3A_10, %mul3A_11 : i32
      %add3A_13 = arith.constant 0 : i32
      %add3A_14 = arith.addi %mul3A_12, %add3A_13 : i32
      %dma_start3A = arith.constant 0 : i32
      %dma_start3A_15 = tpu.memref_slice %arg6[%add3A_14, %dma_start3A] : memref<125x80xi32, #tpu.memory_space<vmem>> -> memref<1x80xi32, #tpu.memory_space<vmem>>
      %dma_start3A_16 = tpu.memref_squeeze %dma_start3A_15 : memref<1x80xi32, #tpu.memory_space<vmem>> -> memref<80xi32, #tpu.memory_space<vmem>>
      %dma_start3A_17 = arith.constant 0 : i32
      %dma_start3A_18 = arith.constant 0 : i32
      %dma_start3A_19 = tpu.memref_slice %arg8[%dma_start3A_17, %dma_start3A_18] : memref<10240x16xf32, #tpu.memory_space<vmem_shared>> -> memref<10240x16xf32, #tpu.memory_space<vmem_shared>>
      tpu.enqueue_indirect_dma source(%arg7 : memref<80x16xf32, #tpu.memory_space<vmem>>) target(%dma_start3A_19 : memref<10240x16xf32, #tpu.memory_space<vmem_shared>>) offsets(%dma_start3A_16 : memref<80xi32, #tpu.memory_space<vmem>>) semaphore(%arg9 : memref<!tpu.dma_semaphore, #tpu.memory_space<semaphore_mem>>) {add = true}
      %add3A_20 = arith.constant 1 : i32
      %add3A_21 = arith.addi %mul3A_12, %add3A_20 : i32
      %dma_start3A_22 = arith.constant 0 : i32
      %dma_start3A_23 = tpu.memref_slice %arg6[%add3A_21, %dma_start3A_22] : memref<125x80xi32, #tpu.memory_space<vmem>> -> memref<1x80xi32, #tpu.memory_space<vmem>>
      %dma_start3A_24 = tpu.memref_squeeze %dma_start3A_23 : memref<1x80xi32, #tpu.memory_space<vmem>> -> memref<80xi32, #tpu.memory_space<vmem>>
      %dma_start3A_25 = arith.constant 0 : i32
      %dma_start3A_26 = arith.constant 0 : i32
      %dma_start3A_27 = tpu.memref_slice %arg8[%dma_start3A_25, %dma_start3A_26] : memref<10240x16xf32, #tpu.memory_space<vmem_shared>> -> memref<10240x16xf32, #tpu.memory_space<vmem_shared>>
      tpu.enqueue_indirect_dma source(%arg7 : memref<80x16xf32, #tpu.memory_space<vmem>>) target(%dma_start3A_27 : memref<10240x16xf32, #tpu.memory_space<vmem_shared>>) offsets(%dma_start3A_24 : memref<80xi32, #tpu.memory_space<vmem>>) semaphore(%arg9 : memref<!tpu.dma_semaphore, #tpu.memory_space<semaphore_mem>>) {add = true}
      %add3A_28 = arith.constant 2 : i32
      %add3A_29 = arith.addi %mul3A_12, %add3A_28 : i32
      %dma_start3A_30 = arith.constant 0 : i32
      %dma_start3A_31 = tpu.memref_slice %arg6[%add3A_29, %dma_start3A_30] : memref<125x80xi32, #tpu.memory_space<vmem>> -> memref<1x80xi32, #tpu.memory_space<vmem>>
      %dma_start3A_32 = tpu.memref_squeeze %dma_start3A_31 : memref<1x80xi32, #tpu.memory_space<vmem>> -> memref<80xi32, #tpu.memory_space<vmem>>
      %dma_start3A_33 = arith.constant 0 : i32
      %dma_start3A_34 = arith.constant 0 : i32
      %dma_start3A_35 = tpu.memref_slice %arg8[%dma_start3A_33, %dma_start3A_34] : memref<10240x16xf32, #tpu.memory_space<vmem_shared>> -> memref<10240x16xf32, #tpu.memory_space<vmem_shared>>
      tpu.enqueue_indirect_dma source(%arg7 : memref<80x16xf32, #tpu.memory_space<vmem>>) target(%dma_start3A_35 : memref<10240x16xf32, #tpu.memory_space<vmem_shared>>) offsets(%dma_start3A_32 : memref<80xi32, #tpu.memory_space<vmem>>) semaphore(%arg9 : memref<!tpu.dma_semaphore, #tpu.memory_space<semaphore_mem>>) {add = true}
      %add3A_36 = arith.constant 3 : i32
      %add3A_37 = arith.addi %mul3A_12, %add3A_36 : i32
      %dma_start3A_38 = arith.constant 0 : i32
      %dma_start3A_39 = tpu.memref_slice %arg6[%add3A_37, %dma_start3A_38] : memref<125x80xi32, #tpu.memory_space<vmem>> -> memref<1x80xi32, #tpu.memory_space<vmem>>
      %dma_start3A_40 = tpu.memref_squeeze %dma_start3A_39 : memref<1x80xi32, #tpu.memory_space<vmem>> -> memref<80xi32, #tpu.memory_space<vmem>>
      %dma_start3A_41 = arith.constant 0 : i32
      %dma_start3A_42 = arith.constant 0 : i32
      %dma_start3A_43 = tpu.memref_slice %arg8[%dma_start3A_41, %dma_start3A_42] : memref<10240x16xf32, #tpu.memory_space<vmem_shared>> -> memref<10240x16xf32, #tpu.memory_space<vmem_shared>>
      tpu.enqueue_indirect_dma source(%arg7 : memref<80x16xf32, #tpu.memory_space<vmem>>) target(%dma_start3A_43 : memref<10240x16xf32, #tpu.memory_space<vmem_shared>>) offsets(%dma_start3A_40 : memref<80xi32, #tpu.memory_space<vmem>>) semaphore(%arg9 : memref<!tpu.dma_semaphore, #tpu.memory_space<semaphore_mem>>) {add = true}
      %add3A_44 = arith.constant 4 : i32
      %add3A_45 = arith.addi %mul3A_12, %add3A_44 : i32
      %dma_start3A_46 = arith.constant 0 : i32
      %dma_start3A_47 = tpu.memref_slice %arg6[%add3A_45, %dma_start3A_46] : memref<125x80xi32, #tpu.memory_space<vmem>> -> memref<1x80xi32, #tpu.memory_space<vmem>>
      %dma_start3A_48 = tpu.memref_squeeze %dma_start3A_47 : memref<1x80xi32, #tpu.memory_space<vmem>> -> memref<80xi32, #tpu.memory_space<vmem>>
      %dma_start3A_49 = arith.constant 0 : i32
      %dma_start3A_50 = arith.constant 0 : i32
      %dma_start3A_51 = tpu.memref_slice %arg8[%dma_start3A_49, %dma_start3A_50] : memref<10240x16xf32, #tpu.memory_space<vmem_shared>> -> memref<10240x16xf32, #tpu.memory_space<vmem_shared>>
      tpu.enqueue_indirect_dma source(%arg7 : memref<80x16xf32, #tpu.memory_space<vmem>>) target(%dma_start3A_51 : memref<10240x16xf32, #tpu.memory_space<vmem_shared>>) offsets(%dma_start3A_48 : memref<80xi32, #tpu.memory_space<vmem>>) semaphore(%arg9 : memref<!tpu.dma_semaphore, #tpu.memory_space<semaphore_mem>>) {add = true}
      %dma_wait3A = arith.constant 0 : i32
      %dma_wait3A_52 = tpu.memref_slice %arg6[%add3A_14, %dma_wait3A] : memref<125x80xi32, #tpu.memory_space<vmem>> -> memref<1x80xi32, #tpu.memory_space<vmem>>
      %dma_wait3A_53 = tpu.memref_squeeze %dma_wait3A_52 : memref<1x80xi32, #tpu.memory_space<vmem>> -> memref<80xi32, #tpu.memory_space<vmem>>
      %dma_wait3A_54 = arith.constant 0 : i32
      %dma_wait3A_55 = arith.constant 0 : i32
      %dma_wait3A_56 = tpu.memref_slice %arg8[%dma_wait3A_54, %dma_wait3A_55] : memref<10240x16xf32, #tpu.memory_space<vmem_shared>> -> memref<10240x16xf32, #tpu.memory_space<vmem_shared>>
      tpu.wait_indirect_dma semaphore(%arg9 : memref<!tpu.dma_semaphore, #tpu.memory_space<semaphore_mem>>) src(%arg7 : memref<80x16xf32, #tpu.memory_space<vmem>>) dst(%dma_wait3A_56 : memref<10240x16xf32, #tpu.memory_space<vmem_shared>>)
      %dma_wait3A_57 = arith.constant 0 : i32
      %dma_wait3A_58 = tpu.memref_slice %arg6[%add3A_21, %dma_wait3A_57] : memref<125x80xi32, #tpu.memory_space<vmem>> -> memref<1x80xi32, #tpu.memory_space<vmem>>
      %dma_wait3A_59 = tpu.memref_squeeze %dma_wait3A_58 : memref<1x80xi32, #tpu.memory_space<vmem>> -> memref<80xi32, #tpu.memory_space<vmem>>
      %dma_wait3A_60 = arith.constant 0 : i32
      %dma_wait3A_61 = arith.constant 0 : i32
      %dma_wait3A_62 = tpu.memref_slice %arg8[%dma_wait3A_60, %dma_wait3A_61] : memref<10240x16xf32, #tpu.memory_space<vmem_shared>> -> memref<10240x16xf32, #tpu.memory_space<vmem_shared>>
      tpu.wait_indirect_dma semaphore(%arg9 : memref<!tpu.dma_semaphore, #tpu.memory_space<semaphore_mem>>) src(%arg7 : memref<80x16xf32, #tpu.memory_space<vmem>>) dst(%dma_wait3A_62 : memref<10240x16xf32, #tpu.memory_space<vmem_shared>>)
      %dma_wait3A_63 = arith.constant 0 : i32
      %dma_wait3A_64 = tpu.memref_slice %arg6[%add3A_29, %dma_wait3A_63] : memref<125x80xi32, #tpu.memory_space<vmem>> -> memref<1x80xi32, #tpu.memory_space<vmem>>
      %dma_wait3A_65 = tpu.memref_squeeze %dma_wait3A_64 : memref<1x80xi32, #tpu.memory_space<vmem>> -> memref<80xi32, #tpu.memory_space<vmem>>
      %dma_wait3A_66 = arith.constant 0 : i32
      %dma_wait3A_67 = arith.constant 0 : i32
      %dma_wait3A_68 = tpu.memref_slice %arg8[%dma_wait3A_66, %dma_wait3A_67] : memref<10240x16xf32, #tpu.memory_space<vmem_shared>> -> memref<10240x16xf32, #tpu.memory_space<vmem_shared>>
      tpu.wait_indirect_dma semaphore(%arg9 : memref<!tpu.dma_semaphore, #tpu.memory_space<semaphore_mem>>) src(%arg7 : memref<80x16xf32, #tpu.memory_space<vmem>>) dst(%dma_wait3A_68 : memref<10240x16xf32, #tpu.memory_space<vmem_shared>>)
      %dma_wait3A_69 = arith.constant 0 : i32
      %dma_wait3A_70 = tpu.memref_slice %arg6[%add3A_37, %dma_wait3A_69] : memref<125x80xi32, #tpu.memory_space<vmem>> -> memref<1x80xi32, #tpu.memory_space<vmem>>
      %dma_wait3A_71 = tpu.memref_squeeze %dma_wait3A_70 : memref<1x80xi32, #tpu.memory_space<vmem>> -> memref<80xi32, #tpu.memory_space<vmem>>
      %dma_wait3A_72 = arith.constant 0 : i32
      %dma_wait3A_73 = arith.constant 0 : i32
      %dma_wait3A_74 = tpu.memref_slice %arg8[%dma_wait3A_72, %dma_wait3A_73] : memref<10240x16xf32, #tpu.memory_space<vmem_shared>> -> memref<10240x16xf32, #tpu.memory_space<vmem_shared>>
      tpu.wait_indirect_dma semaphore(%arg9 : memref<!tpu.dma_semaphore, #tpu.memory_space<semaphore_mem>>) src(%arg7 : memref<80x16xf32, #tpu.memory_space<vmem>>) dst(%dma_wait3A_74 : memref<10240x16xf32, #tpu.memory_space<vmem_shared>>)
      %dma_wait3A_75 = arith.constant 0 : i32
      %dma_wait3A_76 = tpu.memref_slice %arg6[%add3A_45, %dma_wait3A_75] : memref<125x80xi32, #tpu.memory_space<vmem>> -> memref<1x80xi32, #tpu.memory_space<vmem>>
      %dma_wait3A_77 = tpu.memref_squeeze %dma_wait3A_76 : memref<1x80xi32, #tpu.memory_space<vmem>> -> memref<80xi32, #tpu.memory_space<vmem>>
      %dma_wait3A_78 = arith.constant 0 : i32
      %dma_wait3A_79 = arith.constant 0 : i32
      %dma_wait3A_80 = tpu.memref_slice %arg8[%dma_wait3A_78, %dma_wait3A_79] : memref<10240x16xf32, #tpu.memory_space<vmem_shared>> -> memref<10240x16xf32, #tpu.memory_space<vmem_shared>>
      tpu.wait_indirect_dma semaphore(%arg9 : memref<!tpu.dma_semaphore, #tpu.memory_space<semaphore_mem>>) src(%arg7 : memref<80x16xf32, #tpu.memory_space<vmem>>) dst(%dma_wait3A_80 : memref<10240x16xf32, #tpu.memory_space<vmem_shared>>)
    }
    %scan3A_8 = arith.constant 25 : i32
    %barrier3A_9 = arith.constant 0 : index
    tpu.barrier barrier_id(%barrier3A_9)
    "tpu.region"() ({
      %run_scoped3A = tpu.sem_alloc : memref<!tpu.dma_semaphore, #tpu.memory_space<semaphore_mem>>
      %dma_start3A = arith.constant 0 : i32
      %dma_start3A_10 = tpu.memref_slice %arg5[%arg0, %mul3A_0, %dma_start3A] : memref<2x10240x16xf32, #tpu.memory_space<hbm>> -> memref<1x640x16xf32, #tpu.memory_space<hbm>>
      %dma_start3A_11 = tpu.memref_squeeze %dma_start3A_10 : memref<1x640x16xf32, #tpu.memory_space<hbm>> -> memref<640x16xf32, #tpu.memory_space<hbm>>
      %dma_start3A_12 = arith.constant 0 : i32
      %dma_start3A_13 = tpu.memref_slice %arg8[%mul3A_0, %dma_start3A_12] : memref<10240x16xf32, #tpu.memory_space<vmem_shared>> -> memref<640x16xf32, #tpu.memory_space<vmem_shared>>
      tpu.enqueue_dma source(%dma_start3A_13 : memref<640x16xf32, #tpu.memory_space<vmem_shared>>) target(%dma_start3A_11 : memref<640x16xf32, #tpu.memory_space<hbm>>) target_semaphore(%run_scoped3A : memref<!tpu.dma_semaphore, #tpu.memory_space<semaphore_mem>>)
      %dma_wait3A = arith.constant 0 : i32
      %dma_wait3A_14 = tpu.memref_slice %arg5[%arg0, %mul3A_0, %dma_wait3A] : memref<2x10240x16xf32, #tpu.memory_space<hbm>> -> memref<1x640x16xf32, #tpu.memory_space<hbm>>
      %dma_wait3A_15 = tpu.memref_squeeze %dma_wait3A_14 : memref<1x640x16xf32, #tpu.memory_space<hbm>> -> memref<640x16xf32, #tpu.memory_space<hbm>>
      %dma_wait3A_16 = arith.constant 0 : i32
      %dma_wait3A_17 = tpu.memref_slice %arg8[%mul3A_0, %dma_wait3A_16] : memref<10240x16xf32, #tpu.memory_space<vmem_shared>> -> memref<640x16xf32, #tpu.memory_space<vmem_shared>>
      tpu.wait_dma2 semaphore(%run_scoped3A : memref<!tpu.dma_semaphore, #tpu.memory_space<semaphore_mem>>) src(%dma_wait3A_17 : memref<640x16xf32, #tpu.memory_space<vmem_shared>>) dst(%dma_wait3A_15 : memref<640x16xf32, #tpu.memory_space<hbm>>)
      tpu.yield
    }) : () -> ()
    return
  }
}

#map = affine_map<(d0, d1) -> (0, 0, 0)>
module attributes {stable_mosaic.version = 14 : i64} {
  func.func @_agg_body(%arg0: i32, %arg1: i32, %arg2: memref<2x10240x64xf32, #tpu.memory_space<hbm>>, %arg3: memref<32x250x80xi32, #tpu.memory_space<hbm>>, %arg4: memref<2x10240x64xf32, #tpu.memory_space<hbm>>, %arg5: memref<130x80xi32, #tpu.memory_space<vmem>>, %arg6: memref<130x80xi32, #tpu.memory_space<vmem>>, %arg7: memref<10x80x64xf32, #tpu.memory_space<vmem>>, %arg8: memref<10240x64xf32, #tpu.memory_space<vmem_shared>>, %arg9: memref<!tpu.dma_semaphore, #tpu.memory_space<semaphore_mem>>, %arg10: memref<!tpu.dma_semaphore, #tpu.memory_space<semaphore_mem>>) attributes {dimension_semantics = [#tpu.dimension_semantics<core_parallel>, #tpu.dimension_semantics<subcore_parallel>], iteration_bounds = array<i64: 2, 16>, scalar_prefetch = 0 : i64, scratch_operands = 6 : i64, tpu.core_type = #tpu.core_type<sc_vector_subcore>, window_params = [{transform_indices = #map}, {transform_indices = #map}, {transform_indices = #map}]} {
    %mul3A = arith.constant 640 : i32
    %mul3A_0 = arith.muli %arg1, %mul3A : i32
    "tpu.region"() ({
      %run_scoped3A = tpu.sem_alloc : memref<!tpu.dma_semaphore, #tpu.memory_space<semaphore_mem>>
      %dma_start3A = arith.constant 0 : i32
      %dma_start3A_16 = tpu.memref_slice %arg8[%mul3A_0, %dma_start3A] : memref<10240x64xf32, #tpu.memory_space<vmem_shared>> -> memref<640x64xf32, #tpu.memory_space<vmem_shared>>
      %dma_start3A_17 = arith.constant 0 : i32
      %dma_start3A_18 = tpu.memref_slice %arg2[%arg0, %mul3A_0, %dma_start3A_17] : memref<2x10240x64xf32, #tpu.memory_space<hbm>> -> memref<1x640x64xf32, #tpu.memory_space<hbm>>
      %dma_start3A_19 = tpu.memref_squeeze %dma_start3A_18 : memref<1x640x64xf32, #tpu.memory_space<hbm>> -> memref<640x64xf32, #tpu.memory_space<hbm>>
      tpu.enqueue_dma source(%dma_start3A_19 : memref<640x64xf32, #tpu.memory_space<hbm>>) target(%dma_start3A_16 : memref<640x64xf32, #tpu.memory_space<vmem_shared>>) target_semaphore(%run_scoped3A : memref<!tpu.dma_semaphore, #tpu.memory_space<semaphore_mem>>)
      %dma_wait3A = arith.constant 0 : i32
      %dma_wait3A_20 = tpu.memref_slice %arg8[%mul3A_0, %dma_wait3A] : memref<10240x64xf32, #tpu.memory_space<vmem_shared>> -> memref<640x64xf32, #tpu.memory_space<vmem_shared>>
      %dma_wait3A_21 = arith.constant 0 : i32
      %dma_wait3A_22 = tpu.memref_slice %arg2[%arg0, %mul3A_0, %dma_wait3A_21] : memref<2x10240x64xf32, #tpu.memory_space<hbm>> -> memref<1x640x64xf32, #tpu.memory_space<hbm>>
      %dma_wait3A_23 = tpu.memref_squeeze %dma_wait3A_22 : memref<1x640x64xf32, #tpu.memory_space<hbm>> -> memref<640x64xf32, #tpu.memory_space<hbm>>
      tpu.wait_dma2 semaphore(%run_scoped3A : memref<!tpu.dma_semaphore, #tpu.memory_space<semaphore_mem>>) src(%dma_wait3A_23 : memref<640x64xf32, #tpu.memory_space<hbm>>) dst(%dma_wait3A_20 : memref<640x64xf32, #tpu.memory_space<vmem_shared>>)
      tpu.yield
    }) : () -> ()
    %barrier3A = arith.constant 0 : index
    tpu.barrier barrier_id(%barrier3A)
    "tpu.region"() ({
      %run_scoped3A = tpu.sem_alloc : memref<!tpu.dma_semaphore, #tpu.memory_space<semaphore_mem>>
      %dma_start3A = arith.constant 0 : i32
      %dma_start3A_16 = arith.constant 0 : i32
      %dma_start3A_17 = tpu.memref_slice %arg5[%dma_start3A, %dma_start3A_16] : memref<130x80xi32, #tpu.memory_space<vmem>> -> memref<130x80xi32, #tpu.memory_space<vmem>>
      %dma_start3A_18 = arith.constant 0 : i32
      %dma_start3A_19 = arith.constant 0 : i32
      %dma_start3A_20 = tpu.memref_slice %arg3[%arg1, %dma_start3A_18, %dma_start3A_19] : memref<32x250x80xi32, #tpu.memory_space<hbm>> -> memref<1x130x80xi32, #tpu.memory_space<hbm>>
      %dma_start3A_21 = tpu.memref_squeeze %dma_start3A_20 : memref<1x130x80xi32, #tpu.memory_space<hbm>> -> memref<130x80xi32, #tpu.memory_space<hbm>>
      %dma_start3A_22 = arith.constant 0 : i32
      %dma_start3A_23 = arith.constant 0 : i32
      %dma_start3A_24 = tpu.memref_slice %arg5[%dma_start3A_22, %dma_start3A_23] : memref<130x80xi32, #tpu.memory_space<vmem>> -> memref<130x80xi32, #tpu.memory_space<vmem>>
      %dma_start3A_25 = arith.constant 0 : i32
      %dma_start3A_26 = arith.constant 0 : i32
      %dma_start3A_27 = tpu.memref_slice %arg3[%arg1, %dma_start3A_25, %dma_start3A_26] : memref<32x250x80xi32, #tpu.memory_space<hbm>> -> memref<1x130x80xi32, #tpu.memory_space<hbm>>
      %dma_start3A_28 = tpu.memref_squeeze %dma_start3A_27 : memref<1x130x80xi32, #tpu.memory_space<hbm>> -> memref<130x80xi32, #tpu.memory_space<hbm>>
      tpu.enqueue_dma source(%dma_start3A_28 : memref<130x80xi32, #tpu.memory_space<hbm>>) target(%dma_start3A_24 : memref<130x80xi32, #tpu.memory_space<vmem>>) target_semaphore(%run_scoped3A : memref<!tpu.dma_semaphore, #tpu.memory_space<semaphore_mem>>)
      %dma_wait3A = arith.constant 0 : i32
      %dma_wait3A_29 = arith.constant 0 : i32
      %dma_wait3A_30 = tpu.memref_slice %arg5[%dma_wait3A, %dma_wait3A_29] : memref<130x80xi32, #tpu.memory_space<vmem>> -> memref<130x80xi32, #tpu.memory_space<vmem>>
      %dma_wait3A_31 = arith.constant 0 : i32
      %dma_wait3A_32 = arith.constant 0 : i32
      %dma_wait3A_33 = tpu.memref_slice %arg3[%arg1, %dma_wait3A_31, %dma_wait3A_32] : memref<32x250x80xi32, #tpu.memory_space<hbm>> -> memref<1x130x80xi32, #tpu.memory_space<hbm>>
      %dma_wait3A_34 = tpu.memref_squeeze %dma_wait3A_33 : memref<1x130x80xi32, #tpu.memory_space<hbm>> -> memref<130x80xi32, #tpu.memory_space<hbm>>
      %dma_wait3A_35 = arith.constant 0 : i32
      %dma_wait3A_36 = arith.constant 0 : i32
      %dma_wait3A_37 = tpu.memref_slice %arg5[%dma_wait3A_35, %dma_wait3A_36] : memref<130x80xi32, #tpu.memory_space<vmem>> -> memref<130x80xi32, #tpu.memory_space<vmem>>
      %dma_wait3A_38 = arith.constant 0 : i32
      %dma_wait3A_39 = arith.constant 0 : i32
      %dma_wait3A_40 = tpu.memref_slice %arg3[%arg1, %dma_wait3A_38, %dma_wait3A_39] : memref<32x250x80xi32, #tpu.memory_space<hbm>> -> memref<1x130x80xi32, #tpu.memory_space<hbm>>
      %dma_wait3A_41 = tpu.memref_squeeze %dma_wait3A_40 : memref<1x130x80xi32, #tpu.memory_space<hbm>> -> memref<130x80xi32, #tpu.memory_space<hbm>>
      tpu.wait_dma2 semaphore(%run_scoped3A : memref<!tpu.dma_semaphore, #tpu.memory_space<semaphore_mem>>) src(%dma_wait3A_41 : memref<130x80xi32, #tpu.memory_space<hbm>>) dst(%dma_wait3A_37 : memref<130x80xi32, #tpu.memory_space<vmem>>)
      tpu.yield
    }) : () -> ()
    %add3A = arith.constant 16 : i32
    %add3A_1 = arith.addi %add3A, %arg1 : i32
    "tpu.region"() ({
      %run_scoped3A = tpu.sem_alloc : memref<!tpu.dma_semaphore, #tpu.memory_space<semaphore_mem>>
      %dma_start3A = arith.constant 0 : i32
      %dma_start3A_16 = arith.constant 0 : i32
      %dma_start3A_17 = tpu.memref_slice %arg6[%dma_start3A, %dma_start3A_16] : memref<130x80xi32, #tpu.memory_space<vmem>> -> memref<130x80xi32, #tpu.memory_space<vmem>>
      %dma_start3A_18 = arith.constant 0 : i32
      %dma_start3A_19 = arith.constant 0 : i32
      %dma_start3A_20 = tpu.memref_slice %arg3[%add3A_1, %dma_start3A_18, %dma_start3A_19] : memref<32x250x80xi32, #tpu.memory_space<hbm>> -> memref<1x130x80xi32, #tpu.memory_space<hbm>>
      %dma_start3A_21 = tpu.memref_squeeze %dma_start3A_20 : memref<1x130x80xi32, #tpu.memory_space<hbm>> -> memref<130x80xi32, #tpu.memory_space<hbm>>
      %dma_start3A_22 = arith.constant 0 : i32
      %dma_start3A_23 = arith.constant 0 : i32
      %dma_start3A_24 = tpu.memref_slice %arg6[%dma_start3A_22, %dma_start3A_23] : memref<130x80xi32, #tpu.memory_space<vmem>> -> memref<130x80xi32, #tpu.memory_space<vmem>>
      %dma_start3A_25 = arith.constant 0 : i32
      %dma_start3A_26 = arith.constant 0 : i32
      %dma_start3A_27 = tpu.memref_slice %arg3[%add3A_1, %dma_start3A_25, %dma_start3A_26] : memref<32x250x80xi32, #tpu.memory_space<hbm>> -> memref<1x130x80xi32, #tpu.memory_space<hbm>>
      %dma_start3A_28 = tpu.memref_squeeze %dma_start3A_27 : memref<1x130x80xi32, #tpu.memory_space<hbm>> -> memref<130x80xi32, #tpu.memory_space<hbm>>
      tpu.enqueue_dma source(%dma_start3A_28 : memref<130x80xi32, #tpu.memory_space<hbm>>) target(%dma_start3A_24 : memref<130x80xi32, #tpu.memory_space<vmem>>) target_semaphore(%run_scoped3A : memref<!tpu.dma_semaphore, #tpu.memory_space<semaphore_mem>>)
      %dma_wait3A = arith.constant 0 : i32
      %dma_wait3A_29 = arith.constant 0 : i32
      %dma_wait3A_30 = tpu.memref_slice %arg6[%dma_wait3A, %dma_wait3A_29] : memref<130x80xi32, #tpu.memory_space<vmem>> -> memref<130x80xi32, #tpu.memory_space<vmem>>
      %dma_wait3A_31 = arith.constant 0 : i32
      %dma_wait3A_32 = arith.constant 0 : i32
      %dma_wait3A_33 = tpu.memref_slice %arg3[%add3A_1, %dma_wait3A_31, %dma_wait3A_32] : memref<32x250x80xi32, #tpu.memory_space<hbm>> -> memref<1x130x80xi32, #tpu.memory_space<hbm>>
      %dma_wait3A_34 = tpu.memref_squeeze %dma_wait3A_33 : memref<1x130x80xi32, #tpu.memory_space<hbm>> -> memref<130x80xi32, #tpu.memory_space<hbm>>
      %dma_wait3A_35 = arith.constant 0 : i32
      %dma_wait3A_36 = arith.constant 0 : i32
      %dma_wait3A_37 = tpu.memref_slice %arg6[%dma_wait3A_35, %dma_wait3A_36] : memref<130x80xi32, #tpu.memory_space<vmem>> -> memref<130x80xi32, #tpu.memory_space<vmem>>
      %dma_wait3A_38 = arith.constant 0 : i32
      %dma_wait3A_39 = arith.constant 0 : i32
      %dma_wait3A_40 = tpu.memref_slice %arg3[%add3A_1, %dma_wait3A_38, %dma_wait3A_39] : memref<32x250x80xi32, #tpu.memory_space<hbm>> -> memref<1x130x80xi32, #tpu.memory_space<hbm>>
      %dma_wait3A_41 = tpu.memref_squeeze %dma_wait3A_40 : memref<1x130x80xi32, #tpu.memory_space<hbm>> -> memref<130x80xi32, #tpu.memory_space<hbm>>
      tpu.wait_dma2 semaphore(%run_scoped3A : memref<!tpu.dma_semaphore, #tpu.memory_space<semaphore_mem>>) src(%dma_wait3A_41 : memref<130x80xi32, #tpu.memory_space<hbm>>) dst(%dma_wait3A_37 : memref<130x80xi32, #tpu.memory_space<vmem>>)
      tpu.yield
    }) : () -> ()
    %scan3A = arith.constant 0 : i32
    %scan3A_2 = arith.constant 0 : i32
    %scan3A_3 = arith.constant 13 : i32
    %scan3A_4 = arith.addi %scan3A_2, %scan3A_3 : i32
    %scan3A_5 = arith.constant 1 : i32
    scf.for %scan3A_16 = %scan3A_2 to %scan3A_4 step %scan3A_5  : i32 {
      %mul3A_17 = arith.constant 10 : i32
      %mul3A_18 = arith.muli %scan3A_16, %mul3A_17 : i32
      %add3A_19 = arith.constant 0 : i32
      %add3A_20 = arith.addi %mul3A_18, %add3A_19 : i32
      %dma_start3A = arith.constant 0 : i32
      %dma_start3A_21 = arith.constant 0 : i32
      %dma_start3A_22 = arith.constant 0 : i32
      %dma_start3A_23 = tpu.memref_slice %arg7[%dma_start3A, %dma_start3A_21, %dma_start3A_22] : memref<10x80x64xf32, #tpu.memory_space<vmem>> -> memref<1x80x64xf32, #tpu.memory_space<vmem>>
      %dma_start3A_24 = tpu.memref_squeeze %dma_start3A_23 : memref<1x80x64xf32, #tpu.memory_space<vmem>> -> memref<80x64xf32, #tpu.memory_space<vmem>>
      %dma_start3A_25 = arith.constant 0 : i32
      %dma_start3A_26 = tpu.memref_slice %arg5[%add3A_20, %dma_start3A_25] : memref<130x80xi32, #tpu.memory_space<vmem>> -> memref<1x80xi32, #tpu.memory_space<vmem>>
      %dma_start3A_27 = tpu.memref_squeeze %dma_start3A_26 : memref<1x80xi32, #tpu.memory_space<vmem>> -> memref<80xi32, #tpu.memory_space<vmem>>
      %dma_start3A_28 = arith.constant 0 : i32
      %dma_start3A_29 = arith.constant 0 : i32
      %dma_start3A_30 = tpu.memref_slice %arg2[%arg0, %dma_start3A_28, %dma_start3A_29] : memref<2x10240x64xf32, #tpu.memory_space<hbm>> -> memref<1x10240x64xf32, #tpu.memory_space<hbm>>
      %dma_start3A_31 = tpu.memref_squeeze %dma_start3A_30 : memref<1x10240x64xf32, #tpu.memory_space<hbm>> -> memref<10240x64xf32, #tpu.memory_space<hbm>>
      %dma_start3A_32 = arith.constant 0 : i32
      %dma_start3A_33 = arith.constant 0 : i32
      %dma_start3A_34 = tpu.memref_slice %dma_start3A_31[%dma_start3A_32, %dma_start3A_33] : memref<10240x64xf32, #tpu.memory_space<hbm>> -> memref<10240x64xf32, #tpu.memory_space<hbm>>
      tpu.enqueue_indirect_dma source(%dma_start3A_34 : memref<10240x64xf32, #tpu.memory_space<hbm>>) target(%dma_start3A_24 : memref<80x64xf32, #tpu.memory_space<vmem>>) offsets(%dma_start3A_27 : memref<80xi32, #tpu.memory_space<vmem>>) semaphore(%arg9 : memref<!tpu.dma_semaphore, #tpu.memory_space<semaphore_mem>>)
      %add3A_35 = arith.constant 1 : i32
      %add3A_36 = arith.addi %mul3A_18, %add3A_35 : i32
      %dma_start3A_37 = arith.constant 1 : i32
      %dma_start3A_38 = arith.constant 0 : i32
      %dma_start3A_39 = arith.constant 0 : i32
      %dma_start3A_40 = tpu.memref_slice %arg7[%dma_start3A_37, %dma_start3A_38, %dma_start3A_39] : memref<10x80x64xf32, #tpu.memory_space<vmem>> -> memref<1x80x64xf32, #tpu.memory_space<vmem>>
      %dma_start3A_41 = tpu.memref_squeeze %dma_start3A_40 : memref<1x80x64xf32, #tpu.memory_space<vmem>> -> memref<80x64xf32, #tpu.memory_space<vmem>>
      %dma_start3A_42 = arith.constant 0 : i32
      %dma_start3A_43 = tpu.memref_slice %arg5[%add3A_36, %dma_start3A_42] : memref<130x80xi32, #tpu.memory_space<vmem>> -> memref<1x80xi32, #tpu.memory_space<vmem>>
      %dma_start3A_44 = tpu.memref_squeeze %dma_start3A_43 : memref<1x80xi32, #tpu.memory_space<vmem>> -> memref<80xi32, #tpu.memory_space<vmem>>
      %dma_start3A_45 = arith.constant 0 : i32
      %dma_start3A_46 = arith.constant 0 : i32
      %dma_start3A_47 = tpu.memref_slice %arg2[%arg0, %dma_start3A_45, %dma_start3A_46] : memref<2x10240x64xf32, #tpu.memory_space<hbm>> -> memref<1x10240x64xf32, #tpu.memory_space<hbm>>
      %dma_start3A_48 = tpu.memref_squeeze %dma_start3A_47 : memref<1x10240x64xf32, #tpu.memory_space<hbm>> -> memref<10240x64xf32, #tpu.memory_space<hbm>>
      %dma_start3A_49 = arith.constant 0 : i32
      %dma_start3A_50 = arith.constant 0 : i32
      %dma_start3A_51 = tpu.memref_slice %dma_start3A_48[%dma_start3A_49, %dma_start3A_50] : memref<10240x64xf32, #tpu.memory_space<hbm>> -> memref<10240x64xf32, #tpu.memory_space<hbm>>
      tpu.enqueue_indirect_dma source(%dma_start3A_51 : memref<10240x64xf32, #tpu.memory_space<hbm>>) target(%dma_start3A_41 : memref<80x64xf32, #tpu.memory_space<vmem>>) offsets(%dma_start3A_44 : memref<80xi32, #tpu.memory_space<vmem>>) semaphore(%arg9 : memref<!tpu.dma_semaphore, #tpu.memory_space<semaphore_mem>>)
      %add3A_52 = arith.constant 2 : i32
      %add3A_53 = arith.addi %mul3A_18, %add3A_52 : i32
      %dma_start3A_54 = arith.constant 2 : i32
      %dma_start3A_55 = arith.constant 0 : i32
      %dma_start3A_56 = arith.constant 0 : i32
      %dma_start3A_57 = tpu.memref_slice %arg7[%dma_start3A_54, %dma_start3A_55, %dma_start3A_56] : memref<10x80x64xf32, #tpu.memory_space<vmem>> -> memref<1x80x64xf32, #tpu.memory_space<vmem>>
      %dma_start3A_58 = tpu.memref_squeeze %dma_start3A_57 : memref<1x80x64xf32, #tpu.memory_space<vmem>> -> memref<80x64xf32, #tpu.memory_space<vmem>>
      %dma_start3A_59 = arith.constant 0 : i32
      %dma_start3A_60 = tpu.memref_slice %arg5[%add3A_53, %dma_start3A_59] : memref<130x80xi32, #tpu.memory_space<vmem>> -> memref<1x80xi32, #tpu.memory_space<vmem>>
      %dma_start3A_61 = tpu.memref_squeeze %dma_start3A_60 : memref<1x80xi32, #tpu.memory_space<vmem>> -> memref<80xi32, #tpu.memory_space<vmem>>
      %dma_start3A_62 = arith.constant 0 : i32
      %dma_start3A_63 = arith.constant 0 : i32
      %dma_start3A_64 = tpu.memref_slice %arg2[%arg0, %dma_start3A_62, %dma_start3A_63] : memref<2x10240x64xf32, #tpu.memory_space<hbm>> -> memref<1x10240x64xf32, #tpu.memory_space<hbm>>
      %dma_start3A_65 = tpu.memref_squeeze %dma_start3A_64 : memref<1x10240x64xf32, #tpu.memory_space<hbm>> -> memref<10240x64xf32, #tpu.memory_space<hbm>>
      %dma_start3A_66 = arith.constant 0 : i32
      %dma_start3A_67 = arith.constant 0 : i32
      %dma_start3A_68 = tpu.memref_slice %dma_start3A_65[%dma_start3A_66, %dma_start3A_67] : memref<10240x64xf32, #tpu.memory_space<hbm>> -> memref<10240x64xf32, #tpu.memory_space<hbm>>
      tpu.enqueue_indirect_dma source(%dma_start3A_68 : memref<10240x64xf32, #tpu.memory_space<hbm>>) target(%dma_start3A_58 : memref<80x64xf32, #tpu.memory_space<vmem>>) offsets(%dma_start3A_61 : memref<80xi32, #tpu.memory_space<vmem>>) semaphore(%arg9 : memref<!tpu.dma_semaphore, #tpu.memory_space<semaphore_mem>>)
      %add3A_69 = arith.constant 3 : i32
      %add3A_70 = arith.addi %mul3A_18, %add3A_69 : i32
      %dma_start3A_71 = arith.constant 3 : i32
      %dma_start3A_72 = arith.constant 0 : i32
      %dma_start3A_73 = arith.constant 0 : i32
      %dma_start3A_74 = tpu.memref_slice %arg7[%dma_start3A_71, %dma_start3A_72, %dma_start3A_73] : memref<10x80x64xf32, #tpu.memory_space<vmem>> -> memref<1x80x64xf32, #tpu.memory_space<vmem>>
      %dma_start3A_75 = tpu.memref_squeeze %dma_start3A_74 : memref<1x80x64xf32, #tpu.memory_space<vmem>> -> memref<80x64xf32, #tpu.memory_space<vmem>>
      %dma_start3A_76 = arith.constant 0 : i32
      %dma_start3A_77 = tpu.memref_slice %arg5[%add3A_70, %dma_start3A_76] : memref<130x80xi32, #tpu.memory_space<vmem>> -> memref<1x80xi32, #tpu.memory_space<vmem>>
      %dma_start3A_78 = tpu.memref_squeeze %dma_start3A_77 : memref<1x80xi32, #tpu.memory_space<vmem>> -> memref<80xi32, #tpu.memory_space<vmem>>
      %dma_start3A_79 = arith.constant 0 : i32
      %dma_start3A_80 = arith.constant 0 : i32
      %dma_start3A_81 = tpu.memref_slice %arg2[%arg0, %dma_start3A_79, %dma_start3A_80] : memref<2x10240x64xf32, #tpu.memory_space<hbm>> -> memref<1x10240x64xf32, #tpu.memory_space<hbm>>
      %dma_start3A_82 = tpu.memref_squeeze %dma_start3A_81 : memref<1x10240x64xf32, #tpu.memory_space<hbm>> -> memref<10240x64xf32, #tpu.memory_space<hbm>>
      %dma_start3A_83 = arith.constant 0 : i32
      %dma_start3A_84 = arith.constant 0 : i32
      %dma_start3A_85 = tpu.memref_slice %dma_start3A_82[%dma_start3A_83, %dma_start3A_84] : memref<10240x64xf32, #tpu.memory_space<hbm>> -> memref<10240x64xf32, #tpu.memory_space<hbm>>
      tpu.enqueue_indirect_dma source(%dma_start3A_85 : memref<10240x64xf32, #tpu.memory_space<hbm>>) target(%dma_start3A_75 : memref<80x64xf32, #tpu.memory_space<vmem>>) offsets(%dma_start3A_78 : memref<80xi32, #tpu.memory_space<vmem>>) semaphore(%arg9 : memref<!tpu.dma_semaphore, #tpu.memory_space<semaphore_mem>>)
      %add3A_86 = arith.constant 4 : i32
      %add3A_87 = arith.addi %mul3A_18, %add3A_86 : i32
      %dma_start3A_88 = arith.constant 4 : i32
      %dma_start3A_89 = arith.constant 0 : i32
      %dma_start3A_90 = arith.constant 0 : i32
      %dma_start3A_91 = tpu.memref_slice %arg7[%dma_start3A_88, %dma_start3A_89, %dma_start3A_90] : memref<10x80x64xf32, #tpu.memory_space<vmem>> -> memref<1x80x64xf32, #tpu.memory_space<vmem>>
      %dma_start3A_92 = tpu.memref_squeeze %dma_start3A_91 : memref<1x80x64xf32, #tpu.memory_space<vmem>> -> memref<80x64xf32, #tpu.memory_space<vmem>>
      %dma_start3A_93 = arith.constant 0 : i32
      %dma_start3A_94 = tpu.memref_slice %arg5[%add3A_87, %dma_start3A_93] : memref<130x80xi32, #tpu.memory_space<vmem>> -> memref<1x80xi32, #tpu.memory_space<vmem>>
      %dma_start3A_95 = tpu.memref_squeeze %dma_start3A_94 : memref<1x80xi32, #tpu.memory_space<vmem>> -> memref<80xi32, #tpu.memory_space<vmem>>
      %dma_start3A_96 = arith.constant 0 : i32
      %dma_start3A_97 = arith.constant 0 : i32
      %dma_start3A_98 = tpu.memref_slice %arg2[%arg0, %dma_start3A_96, %dma_start3A_97] : memref<2x10240x64xf32, #tpu.memory_space<hbm>> -> memref<1x10240x64xf32, #tpu.memory_space<hbm>>
      %dma_start3A_99 = tpu.memref_squeeze %dma_start3A_98 : memref<1x10240x64xf32, #tpu.memory_space<hbm>> -> memref<10240x64xf32, #tpu.memory_space<hbm>>
      %dma_start3A_100 = arith.constant 0 : i32
      %dma_start3A_101 = arith.constant 0 : i32
      %dma_start3A_102 = tpu.memref_slice %dma_start3A_99[%dma_start3A_100, %dma_start3A_101] : memref<10240x64xf32, #tpu.memory_space<hbm>> -> memref<10240x64xf32, #tpu.memory_space<hbm>>
      tpu.enqueue_indirect_dma source(%dma_start3A_102 : memref<10240x64xf32, #tpu.memory_space<hbm>>) target(%dma_start3A_92 : memref<80x64xf32, #tpu.memory_space<vmem>>) offsets(%dma_start3A_95 : memref<80xi32, #tpu.memory_space<vmem>>) semaphore(%arg9 : memref<!tpu.dma_semaphore, #tpu.memory_space<semaphore_mem>>)
      %add3A_103 = arith.constant 5 : i32
      %add3A_104 = arith.addi %mul3A_18, %add3A_103 : i32
      %dma_start3A_105 = arith.constant 5 : i32
      %dma_start3A_106 = arith.constant 0 : i32
      %dma_start3A_107 = arith.constant 0 : i32
      %dma_start3A_108 = tpu.memref_slice %arg7[%dma_start3A_105, %dma_start3A_106, %dma_start3A_107] : memref<10x80x64xf32, #tpu.memory_space<vmem>> -> memref<1x80x64xf32, #tpu.memory_space<vmem>>
      %dma_start3A_109 = tpu.memref_squeeze %dma_start3A_108 : memref<1x80x64xf32, #tpu.memory_space<vmem>> -> memref<80x64xf32, #tpu.memory_space<vmem>>
      %dma_start3A_110 = arith.constant 0 : i32
      %dma_start3A_111 = tpu.memref_slice %arg5[%add3A_104, %dma_start3A_110] : memref<130x80xi32, #tpu.memory_space<vmem>> -> memref<1x80xi32, #tpu.memory_space<vmem>>
      %dma_start3A_112 = tpu.memref_squeeze %dma_start3A_111 : memref<1x80xi32, #tpu.memory_space<vmem>> -> memref<80xi32, #tpu.memory_space<vmem>>
      %dma_start3A_113 = arith.constant 0 : i32
      %dma_start3A_114 = arith.constant 0 : i32
      %dma_start3A_115 = tpu.memref_slice %arg2[%arg0, %dma_start3A_113, %dma_start3A_114] : memref<2x10240x64xf32, #tpu.memory_space<hbm>> -> memref<1x10240x64xf32, #tpu.memory_space<hbm>>
      %dma_start3A_116 = tpu.memref_squeeze %dma_start3A_115 : memref<1x10240x64xf32, #tpu.memory_space<hbm>> -> memref<10240x64xf32, #tpu.memory_space<hbm>>
      %dma_start3A_117 = arith.constant 0 : i32
      %dma_start3A_118 = arith.constant 0 : i32
      %dma_start3A_119 = tpu.memref_slice %dma_start3A_116[%dma_start3A_117, %dma_start3A_118] : memref<10240x64xf32, #tpu.memory_space<hbm>> -> memref<10240x64xf32, #tpu.memory_space<hbm>>
      tpu.enqueue_indirect_dma source(%dma_start3A_119 : memref<10240x64xf32, #tpu.memory_space<hbm>>) target(%dma_start3A_109 : memref<80x64xf32, #tpu.memory_space<vmem>>) offsets(%dma_start3A_112 : memref<80xi32, #tpu.memory_space<vmem>>) semaphore(%arg9 : memref<!tpu.dma_semaphore, #tpu.memory_space<semaphore_mem>>)
      %add3A_120 = arith.constant 6 : i32
      %add3A_121 = arith.addi %mul3A_18, %add3A_120 : i32
      %dma_start3A_122 = arith.constant 6 : i32
      %dma_start3A_123 = arith.constant 0 : i32
      %dma_start3A_124 = arith.constant 0 : i32
      %dma_start3A_125 = tpu.memref_slice %arg7[%dma_start3A_122, %dma_start3A_123, %dma_start3A_124] : memref<10x80x64xf32, #tpu.memory_space<vmem>> -> memref<1x80x64xf32, #tpu.memory_space<vmem>>
      %dma_start3A_126 = tpu.memref_squeeze %dma_start3A_125 : memref<1x80x64xf32, #tpu.memory_space<vmem>> -> memref<80x64xf32, #tpu.memory_space<vmem>>
      %dma_start3A_127 = arith.constant 0 : i32
      %dma_start3A_128 = tpu.memref_slice %arg5[%add3A_121, %dma_start3A_127] : memref<130x80xi32, #tpu.memory_space<vmem>> -> memref<1x80xi32, #tpu.memory_space<vmem>>
      %dma_start3A_129 = tpu.memref_squeeze %dma_start3A_128 : memref<1x80xi32, #tpu.memory_space<vmem>> -> memref<80xi32, #tpu.memory_space<vmem>>
      %dma_start3A_130 = arith.constant 0 : i32
      %dma_start3A_131 = arith.constant 0 : i32
      %dma_start3A_132 = tpu.memref_slice %arg2[%arg0, %dma_start3A_130, %dma_start3A_131] : memref<2x10240x64xf32, #tpu.memory_space<hbm>> -> memref<1x10240x64xf32, #tpu.memory_space<hbm>>
      %dma_start3A_133 = tpu.memref_squeeze %dma_start3A_132 : memref<1x10240x64xf32, #tpu.memory_space<hbm>> -> memref<10240x64xf32, #tpu.memory_space<hbm>>
      %dma_start3A_134 = arith.constant 0 : i32
      %dma_start3A_135 = arith.constant 0 : i32
      %dma_start3A_136 = tpu.memref_slice %dma_start3A_133[%dma_start3A_134, %dma_start3A_135] : memref<10240x64xf32, #tpu.memory_space<hbm>> -> memref<10240x64xf32, #tpu.memory_space<hbm>>
      tpu.enqueue_indirect_dma source(%dma_start3A_136 : memref<10240x64xf32, #tpu.memory_space<hbm>>) target(%dma_start3A_126 : memref<80x64xf32, #tpu.memory_space<vmem>>) offsets(%dma_start3A_129 : memref<80xi32, #tpu.memory_space<vmem>>) semaphore(%arg9 : memref<!tpu.dma_semaphore, #tpu.memory_space<semaphore_mem>>)
      %add3A_137 = arith.constant 7 : i32
      %add3A_138 = arith.addi %mul3A_18, %add3A_137 : i32
      %dma_start3A_139 = arith.constant 7 : i32
      %dma_start3A_140 = arith.constant 0 : i32
      %dma_start3A_141 = arith.constant 0 : i32
      %dma_start3A_142 = tpu.memref_slice %arg7[%dma_start3A_139, %dma_start3A_140, %dma_start3A_141] : memref<10x80x64xf32, #tpu.memory_space<vmem>> -> memref<1x80x64xf32, #tpu.memory_space<vmem>>
      %dma_start3A_143 = tpu.memref_squeeze %dma_start3A_142 : memref<1x80x64xf32, #tpu.memory_space<vmem>> -> memref<80x64xf32, #tpu.memory_space<vmem>>
      %dma_start3A_144 = arith.constant 0 : i32
      %dma_start3A_145 = tpu.memref_slice %arg5[%add3A_138, %dma_start3A_144] : memref<130x80xi32, #tpu.memory_space<vmem>> -> memref<1x80xi32, #tpu.memory_space<vmem>>
      %dma_start3A_146 = tpu.memref_squeeze %dma_start3A_145 : memref<1x80xi32, #tpu.memory_space<vmem>> -> memref<80xi32, #tpu.memory_space<vmem>>
      %dma_start3A_147 = arith.constant 0 : i32
      %dma_start3A_148 = arith.constant 0 : i32
      %dma_start3A_149 = tpu.memref_slice %arg2[%arg0, %dma_start3A_147, %dma_start3A_148] : memref<2x10240x64xf32, #tpu.memory_space<hbm>> -> memref<1x10240x64xf32, #tpu.memory_space<hbm>>
      %dma_start3A_150 = tpu.memref_squeeze %dma_start3A_149 : memref<1x10240x64xf32, #tpu.memory_space<hbm>> -> memref<10240x64xf32, #tpu.memory_space<hbm>>
      %dma_start3A_151 = arith.constant 0 : i32
      %dma_start3A_152 = arith.constant 0 : i32
      %dma_start3A_153 = tpu.memref_slice %dma_start3A_150[%dma_start3A_151, %dma_start3A_152] : memref<10240x64xf32, #tpu.memory_space<hbm>> -> memref<10240x64xf32, #tpu.memory_space<hbm>>
      tpu.enqueue_indirect_dma source(%dma_start3A_153 : memref<10240x64xf32, #tpu.memory_space<hbm>>) target(%dma_start3A_143 : memref<80x64xf32, #tpu.memory_space<vmem>>) offsets(%dma_start3A_146 : memref<80xi32, #tpu.memory_space<vmem>>) semaphore(%arg9 : memref<!tpu.dma_semaphore, #tpu.memory_space<semaphore_mem>>)
      %add3A_154 = arith.constant 8 : i32
      %add3A_155 = arith.addi %mul3A_18, %add3A_154 : i32
      %dma_start3A_156 = arith.constant 8 : i32
      %dma_start3A_157 = arith.constant 0 : i32
      %dma_start3A_158 = arith.constant 0 : i32
      %dma_start3A_159 = tpu.memref_slice %arg7[%dma_start3A_156, %dma_start3A_157, %dma_start3A_158] : memref<10x80x64xf32, #tpu.memory_space<vmem>> -> memref<1x80x64xf32, #tpu.memory_space<vmem>>
      %dma_start3A_160 = tpu.memref_squeeze %dma_start3A_159 : memref<1x80x64xf32, #tpu.memory_space<vmem>> -> memref<80x64xf32, #tpu.memory_space<vmem>>
      %dma_start3A_161 = arith.constant 0 : i32
      %dma_start3A_162 = tpu.memref_slice %arg5[%add3A_155, %dma_start3A_161] : memref<130x80xi32, #tpu.memory_space<vmem>> -> memref<1x80xi32, #tpu.memory_space<vmem>>
      %dma_start3A_163 = tpu.memref_squeeze %dma_start3A_162 : memref<1x80xi32, #tpu.memory_space<vmem>> -> memref<80xi32, #tpu.memory_space<vmem>>
      %dma_start3A_164 = arith.constant 0 : i32
      %dma_start3A_165 = arith.constant 0 : i32
      %dma_start3A_166 = tpu.memref_slice %arg2[%arg0, %dma_start3A_164, %dma_start3A_165] : memref<2x10240x64xf32, #tpu.memory_space<hbm>> -> memref<1x10240x64xf32, #tpu.memory_space<hbm>>
      %dma_start3A_167 = tpu.memref_squeeze %dma_start3A_166 : memref<1x10240x64xf32, #tpu.memory_space<hbm>> -> memref<10240x64xf32, #tpu.memory_space<hbm>>
      %dma_start3A_168 = arith.constant 0 : i32
      %dma_start3A_169 = arith.constant 0 : i32
      %dma_start3A_170 = tpu.memref_slice %dma_start3A_167[%dma_start3A_168, %dma_start3A_169] : memref<10240x64xf32, #tpu.memory_space<hbm>> -> memref<10240x64xf32, #tpu.memory_space<hbm>>
      tpu.enqueue_indirect_dma source(%dma_start3A_170 : memref<10240x64xf32, #tpu.memory_space<hbm>>) target(%dma_start3A_160 : memref<80x64xf32, #tpu.memory_space<vmem>>) offsets(%dma_start3A_163 : memref<80xi32, #tpu.memory_space<vmem>>) semaphore(%arg9 : memref<!tpu.dma_semaphore, #tpu.memory_space<semaphore_mem>>)
      %add3A_171 = arith.constant 9 : i32
      %add3A_172 = arith.addi %mul3A_18, %add3A_171 : i32
      %dma_start3A_173 = arith.constant 9 : i32
      %dma_start3A_174 = arith.constant 0 : i32
      %dma_start3A_175 = arith.constant 0 : i32
      %dma_start3A_176 = tpu.memref_slice %arg7[%dma_start3A_173, %dma_start3A_174, %dma_start3A_175] : memref<10x80x64xf32, #tpu.memory_space<vmem>> -> memref<1x80x64xf32, #tpu.memory_space<vmem>>
      %dma_start3A_177 = tpu.memref_squeeze %dma_start3A_176 : memref<1x80x64xf32, #tpu.memory_space<vmem>> -> memref<80x64xf32, #tpu.memory_space<vmem>>
      %dma_start3A_178 = arith.constant 0 : i32
      %dma_start3A_179 = tpu.memref_slice %arg5[%add3A_172, %dma_start3A_178] : memref<130x80xi32, #tpu.memory_space<vmem>> -> memref<1x80xi32, #tpu.memory_space<vmem>>
      %dma_start3A_180 = tpu.memref_squeeze %dma_start3A_179 : memref<1x80xi32, #tpu.memory_space<vmem>> -> memref<80xi32, #tpu.memory_space<vmem>>
      %dma_start3A_181 = arith.constant 0 : i32
      %dma_start3A_182 = arith.constant 0 : i32
      %dma_start3A_183 = tpu.memref_slice %arg2[%arg0, %dma_start3A_181, %dma_start3A_182] : memref<2x10240x64xf32, #tpu.memory_space<hbm>> -> memref<1x10240x64xf32, #tpu.memory_space<hbm>>
      %dma_start3A_184 = tpu.memref_squeeze %dma_start3A_183 : memref<1x10240x64xf32, #tpu.memory_space<hbm>> -> memref<10240x64xf32, #tpu.memory_space<hbm>>
      %dma_start3A_185 = arith.constant 0 : i32
      %dma_start3A_186 = arith.constant 0 : i32
      %dma_start3A_187 = tpu.memref_slice %dma_start3A_184[%dma_start3A_185, %dma_start3A_186] : memref<10240x64xf32, #tpu.memory_space<hbm>> -> memref<10240x64xf32, #tpu.memory_space<hbm>>
      tpu.enqueue_indirect_dma source(%dma_start3A_187 : memref<10240x64xf32, #tpu.memory_space<hbm>>) target(%dma_start3A_177 : memref<80x64xf32, #tpu.memory_space<vmem>>) offsets(%dma_start3A_180 : memref<80xi32, #tpu.memory_space<vmem>>) semaphore(%arg9 : memref<!tpu.dma_semaphore, #tpu.memory_space<semaphore_mem>>)
      %dma_wait3A = arith.constant 0 : i32
      %dma_wait3A_188 = arith.constant 0 : i32
      %dma_wait3A_189 = arith.constant 0 : i32
      %dma_wait3A_190 = tpu.memref_slice %arg7[%dma_wait3A, %dma_wait3A_188, %dma_wait3A_189] : memref<10x80x64xf32, #tpu.memory_space<vmem>> -> memref<1x80x64xf32, #tpu.memory_space<vmem>>
      %dma_wait3A_191 = tpu.memref_squeeze %dma_wait3A_190 : memref<1x80x64xf32, #tpu.memory_space<vmem>> -> memref<80x64xf32, #tpu.memory_space<vmem>>
      %dma_wait3A_192 = arith.constant 0 : i32
      %dma_wait3A_193 = tpu.memref_slice %arg5[%add3A_20, %dma_wait3A_192] : memref<130x80xi32, #tpu.memory_space<vmem>> -> memref<1x80xi32, #tpu.memory_space<vmem>>
      %dma_wait3A_194 = tpu.memref_squeeze %dma_wait3A_193 : memref<1x80xi32, #tpu.memory_space<vmem>> -> memref<80xi32, #tpu.memory_space<vmem>>
      %dma_wait3A_195 = arith.constant 0 : i32
      %dma_wait3A_196 = arith.constant 0 : i32
      %dma_wait3A_197 = tpu.memref_slice %arg2[%arg0, %dma_wait3A_195, %dma_wait3A_196] : memref<2x10240x64xf32, #tpu.memory_space<hbm>> -> memref<1x10240x64xf32, #tpu.memory_space<hbm>>
      %dma_wait3A_198 = tpu.memref_squeeze %dma_wait3A_197 : memref<1x10240x64xf32, #tpu.memory_space<hbm>> -> memref<10240x64xf32, #tpu.memory_space<hbm>>
      %dma_wait3A_199 = arith.constant 0 : i32
      %dma_wait3A_200 = arith.constant 0 : i32
      %dma_wait3A_201 = tpu.memref_slice %dma_wait3A_198[%dma_wait3A_199, %dma_wait3A_200] : memref<10240x64xf32, #tpu.memory_space<hbm>> -> memref<10240x64xf32, #tpu.memory_space<hbm>>
      tpu.wait_indirect_dma semaphore(%arg9 : memref<!tpu.dma_semaphore, #tpu.memory_space<semaphore_mem>>) src(%dma_wait3A_201 : memref<10240x64xf32, #tpu.memory_space<hbm>>) dst(%dma_wait3A_191 : memref<80x64xf32, #tpu.memory_space<vmem>>)
      %add3A_202 = arith.constant 0 : i32
      %add3A_203 = arith.addi %mul3A_18, %add3A_202 : i32
      %dma_start3A_204 = arith.constant 0 : i32
      %dma_start3A_205 = arith.constant 0 : i32
      %dma_start3A_206 = arith.constant 0 : i32
      %dma_start3A_207 = tpu.memref_slice %arg7[%dma_start3A_204, %dma_start3A_205, %dma_start3A_206] : memref<10x80x64xf32, #tpu.memory_space<vmem>> -> memref<1x80x64xf32, #tpu.memory_space<vmem>>
      %dma_start3A_208 = tpu.memref_squeeze %dma_start3A_207 : memref<1x80x64xf32, #tpu.memory_space<vmem>> -> memref<80x64xf32, #tpu.memory_space<vmem>>
      %dma_start3A_209 = arith.constant 0 : i32
      %dma_start3A_210 = tpu.memref_slice %arg6[%add3A_203, %dma_start3A_209] : memref<130x80xi32, #tpu.memory_space<vmem>> -> memref<1x80xi32, #tpu.memory_space<vmem>>
      %dma_start3A_211 = tpu.memref_squeeze %dma_start3A_210 : memref<1x80xi32, #tpu.memory_space<vmem>> -> memref<80xi32, #tpu.memory_space<vmem>>
      %dma_start3A_212 = arith.constant 0 : i32
      %dma_start3A_213 = arith.constant 0 : i32
      %dma_start3A_214 = tpu.memref_slice %arg8[%dma_start3A_212, %dma_start3A_213] : memref<10240x64xf32, #tpu.memory_space<vmem_shared>> -> memref<10240x64xf32, #tpu.memory_space<vmem_shared>>
      tpu.enqueue_indirect_dma source(%dma_start3A_208 : memref<80x64xf32, #tpu.memory_space<vmem>>) target(%dma_start3A_214 : memref<10240x64xf32, #tpu.memory_space<vmem_shared>>) offsets(%dma_start3A_211 : memref<80xi32, #tpu.memory_space<vmem>>) semaphore(%arg10 : memref<!tpu.dma_semaphore, #tpu.memory_space<semaphore_mem>>) {add = true}
      %dma_wait3A_215 = arith.constant 1 : i32
      %dma_wait3A_216 = arith.constant 0 : i32
      %dma_wait3A_217 = arith.constant 0 : i32
      %dma_wait3A_218 = tpu.memref_slice %arg7[%dma_wait3A_215, %dma_wait3A_216, %dma_wait3A_217] : memref<10x80x64xf32, #tpu.memory_space<vmem>> -> memref<1x80x64xf32, #tpu.memory_space<vmem>>
      %dma_wait3A_219 = tpu.memref_squeeze %dma_wait3A_218 : memref<1x80x64xf32, #tpu.memory_space<vmem>> -> memref<80x64xf32, #tpu.memory_space<vmem>>
      %dma_wait3A_220 = arith.constant 0 : i32
      %dma_wait3A_221 = tpu.memref_slice %arg5[%add3A_36, %dma_wait3A_220] : memref<130x80xi32, #tpu.memory_space<vmem>> -> memref<1x80xi32, #tpu.memory_space<vmem>>
      %dma_wait3A_222 = tpu.memref_squeeze %dma_wait3A_221 : memref<1x80xi32, #tpu.memory_space<vmem>> -> memref<80xi32, #tpu.memory_space<vmem>>
      %dma_wait3A_223 = arith.constant 0 : i32
      %dma_wait3A_224 = arith.constant 0 : i32
      %dma_wait3A_225 = tpu.memref_slice %arg2[%arg0, %dma_wait3A_223, %dma_wait3A_224] : memref<2x10240x64xf32, #tpu.memory_space<hbm>> -> memref<1x10240x64xf32, #tpu.memory_space<hbm>>
      %dma_wait3A_226 = tpu.memref_squeeze %dma_wait3A_225 : memref<1x10240x64xf32, #tpu.memory_space<hbm>> -> memref<10240x64xf32, #tpu.memory_space<hbm>>
      %dma_wait3A_227 = arith.constant 0 : i32
      %dma_wait3A_228 = arith.constant 0 : i32
      %dma_wait3A_229 = tpu.memref_slice %dma_wait3A_226[%dma_wait3A_227, %dma_wait3A_228] : memref<10240x64xf32, #tpu.memory_space<hbm>> -> memref<10240x64xf32, #tpu.memory_space<hbm>>
      tpu.wait_indirect_dma semaphore(%arg9 : memref<!tpu.dma_semaphore, #tpu.memory_space<semaphore_mem>>) src(%dma_wait3A_229 : memref<10240x64xf32, #tpu.memory_space<hbm>>) dst(%dma_wait3A_219 : memref<80x64xf32, #tpu.memory_space<vmem>>)
      %add3A_230 = arith.constant 1 : i32
      %add3A_231 = arith.addi %mul3A_18, %add3A_230 : i32
      %dma_start3A_232 = arith.constant 1 : i32
      %dma_start3A_233 = arith.constant 0 : i32
      %dma_start3A_234 = arith.constant 0 : i32
      %dma_start3A_235 = tpu.memref_slice %arg7[%dma_start3A_232, %dma_start3A_233, %dma_start3A_234] : memref<10x80x64xf32, #tpu.memory_space<vmem>> -> memref<1x80x64xf32, #tpu.memory_space<vmem>>
      %dma_start3A_236 = tpu.memref_squeeze %dma_start3A_235 : memref<1x80x64xf32, #tpu.memory_space<vmem>> -> memref<80x64xf32, #tpu.memory_space<vmem>>
      %dma_start3A_237 = arith.constant 0 : i32
      %dma_start3A_238 = tpu.memref_slice %arg6[%add3A_231, %dma_start3A_237] : memref<130x80xi32, #tpu.memory_space<vmem>> -> memref<1x80xi32, #tpu.memory_space<vmem>>
      %dma_start3A_239 = tpu.memref_squeeze %dma_start3A_238 : memref<1x80xi32, #tpu.memory_space<vmem>> -> memref<80xi32, #tpu.memory_space<vmem>>
      %dma_start3A_240 = arith.constant 0 : i32
      %dma_start3A_241 = arith.constant 0 : i32
      %dma_start3A_242 = tpu.memref_slice %arg8[%dma_start3A_240, %dma_start3A_241] : memref<10240x64xf32, #tpu.memory_space<vmem_shared>> -> memref<10240x64xf32, #tpu.memory_space<vmem_shared>>
      tpu.enqueue_indirect_dma source(%dma_start3A_236 : memref<80x64xf32, #tpu.memory_space<vmem>>) target(%dma_start3A_242 : memref<10240x64xf32, #tpu.memory_space<vmem_shared>>) offsets(%dma_start3A_239 : memref<80xi32, #tpu.memory_space<vmem>>) semaphore(%arg10 : memref<!tpu.dma_semaphore, #tpu.memory_space<semaphore_mem>>) {add = true}
      %dma_wait3A_243 = arith.constant 2 : i32
      %dma_wait3A_244 = arith.constant 0 : i32
      %dma_wait3A_245 = arith.constant 0 : i32
      %dma_wait3A_246 = tpu.memref_slice %arg7[%dma_wait3A_243, %dma_wait3A_244, %dma_wait3A_245] : memref<10x80x64xf32, #tpu.memory_space<vmem>> -> memref<1x80x64xf32, #tpu.memory_space<vmem>>
      %dma_wait3A_247 = tpu.memref_squeeze %dma_wait3A_246 : memref<1x80x64xf32, #tpu.memory_space<vmem>> -> memref<80x64xf32, #tpu.memory_space<vmem>>
      %dma_wait3A_248 = arith.constant 0 : i32
      %dma_wait3A_249 = tpu.memref_slice %arg5[%add3A_53, %dma_wait3A_248] : memref<130x80xi32, #tpu.memory_space<vmem>> -> memref<1x80xi32, #tpu.memory_space<vmem>>
      %dma_wait3A_250 = tpu.memref_squeeze %dma_wait3A_249 : memref<1x80xi32, #tpu.memory_space<vmem>> -> memref<80xi32, #tpu.memory_space<vmem>>
      %dma_wait3A_251 = arith.constant 0 : i32
      %dma_wait3A_252 = arith.constant 0 : i32
      %dma_wait3A_253 = tpu.memref_slice %arg2[%arg0, %dma_wait3A_251, %dma_wait3A_252] : memref<2x10240x64xf32, #tpu.memory_space<hbm>> -> memref<1x10240x64xf32, #tpu.memory_space<hbm>>
      %dma_wait3A_254 = tpu.memref_squeeze %dma_wait3A_253 : memref<1x10240x64xf32, #tpu.memory_space<hbm>> -> memref<10240x64xf32, #tpu.memory_space<hbm>>
      %dma_wait3A_255 = arith.constant 0 : i32
      %dma_wait3A_256 = arith.constant 0 : i32
      %dma_wait3A_257 = tpu.memref_slice %dma_wait3A_254[%dma_wait3A_255, %dma_wait3A_256] : memref<10240x64xf32, #tpu.memory_space<hbm>> -> memref<10240x64xf32, #tpu.memory_space<hbm>>
      tpu.wait_indirect_dma semaphore(%arg9 : memref<!tpu.dma_semaphore, #tpu.memory_space<semaphore_mem>>) src(%dma_wait3A_257 : memref<10240x64xf32, #tpu.memory_space<hbm>>) dst(%dma_wait3A_247 : memref<80x64xf32, #tpu.memory_space<vmem>>)
      %add3A_258 = arith.constant 2 : i32
      %add3A_259 = arith.addi %mul3A_18, %add3A_258 : i32
      %dma_start3A_260 = arith.constant 2 : i32
      %dma_start3A_261 = arith.constant 0 : i32
      %dma_start3A_262 = arith.constant 0 : i32
      %dma_start3A_263 = tpu.memref_slice %arg7[%dma_start3A_260, %dma_start3A_261, %dma_start3A_262] : memref<10x80x64xf32, #tpu.memory_space<vmem>> -> memref<1x80x64xf32, #tpu.memory_space<vmem>>
      %dma_start3A_264 = tpu.memref_squeeze %dma_start3A_263 : memref<1x80x64xf32, #tpu.memory_space<vmem>> -> memref<80x64xf32, #tpu.memory_space<vmem>>
      %dma_start3A_265 = arith.constant 0 : i32
      %dma_start3A_266 = tpu.memref_slice %arg6[%add3A_259, %dma_start3A_265] : memref<130x80xi32, #tpu.memory_space<vmem>> -> memref<1x80xi32, #tpu.memory_space<vmem>>
      %dma_start3A_267 = tpu.memref_squeeze %dma_start3A_266 : memref<1x80xi32, #tpu.memory_space<vmem>> -> memref<80xi32, #tpu.memory_space<vmem>>
      %dma_start3A_268 = arith.constant 0 : i32
      %dma_start3A_269 = arith.constant 0 : i32
      %dma_start3A_270 = tpu.memref_slice %arg8[%dma_start3A_268, %dma_start3A_269] : memref<10240x64xf32, #tpu.memory_space<vmem_shared>> -> memref<10240x64xf32, #tpu.memory_space<vmem_shared>>
      tpu.enqueue_indirect_dma source(%dma_start3A_264 : memref<80x64xf32, #tpu.memory_space<vmem>>) target(%dma_start3A_270 : memref<10240x64xf32, #tpu.memory_space<vmem_shared>>) offsets(%dma_start3A_267 : memref<80xi32, #tpu.memory_space<vmem>>) semaphore(%arg10 : memref<!tpu.dma_semaphore, #tpu.memory_space<semaphore_mem>>) {add = true}
      %dma_wait3A_271 = arith.constant 3 : i32
      %dma_wait3A_272 = arith.constant 0 : i32
      %dma_wait3A_273 = arith.constant 0 : i32
      %dma_wait3A_274 = tpu.memref_slice %arg7[%dma_wait3A_271, %dma_wait3A_272, %dma_wait3A_273] : memref<10x80x64xf32, #tpu.memory_space<vmem>> -> memref<1x80x64xf32, #tpu.memory_space<vmem>>
      %dma_wait3A_275 = tpu.memref_squeeze %dma_wait3A_274 : memref<1x80x64xf32, #tpu.memory_space<vmem>> -> memref<80x64xf32, #tpu.memory_space<vmem>>
      %dma_wait3A_276 = arith.constant 0 : i32
      %dma_wait3A_277 = tpu.memref_slice %arg5[%add3A_70, %dma_wait3A_276] : memref<130x80xi32, #tpu.memory_space<vmem>> -> memref<1x80xi32, #tpu.memory_space<vmem>>
      %dma_wait3A_278 = tpu.memref_squeeze %dma_wait3A_277 : memref<1x80xi32, #tpu.memory_space<vmem>> -> memref<80xi32, #tpu.memory_space<vmem>>
      %dma_wait3A_279 = arith.constant 0 : i32
      %dma_wait3A_280 = arith.constant 0 : i32
      %dma_wait3A_281 = tpu.memref_slice %arg2[%arg0, %dma_wait3A_279, %dma_wait3A_280] : memref<2x10240x64xf32, #tpu.memory_space<hbm>> -> memref<1x10240x64xf32, #tpu.memory_space<hbm>>
      %dma_wait3A_282 = tpu.memref_squeeze %dma_wait3A_281 : memref<1x10240x64xf32, #tpu.memory_space<hbm>> -> memref<10240x64xf32, #tpu.memory_space<hbm>>
      %dma_wait3A_283 = arith.constant 0 : i32
      %dma_wait3A_284 = arith.constant 0 : i32
      %dma_wait3A_285 = tpu.memref_slice %dma_wait3A_282[%dma_wait3A_283, %dma_wait3A_284] : memref<10240x64xf32, #tpu.memory_space<hbm>> -> memref<10240x64xf32, #tpu.memory_space<hbm>>
      tpu.wait_indirect_dma semaphore(%arg9 : memref<!tpu.dma_semaphore, #tpu.memory_space<semaphore_mem>>) src(%dma_wait3A_285 : memref<10240x64xf32, #tpu.memory_space<hbm>>) dst(%dma_wait3A_275 : memref<80x64xf32, #tpu.memory_space<vmem>>)
      %add3A_286 = arith.constant 3 : i32
      %add3A_287 = arith.addi %mul3A_18, %add3A_286 : i32
      %dma_start3A_288 = arith.constant 3 : i32
      %dma_start3A_289 = arith.constant 0 : i32
      %dma_start3A_290 = arith.constant 0 : i32
      %dma_start3A_291 = tpu.memref_slice %arg7[%dma_start3A_288, %dma_start3A_289, %dma_start3A_290] : memref<10x80x64xf32, #tpu.memory_space<vmem>> -> memref<1x80x64xf32, #tpu.memory_space<vmem>>
      %dma_start3A_292 = tpu.memref_squeeze %dma_start3A_291 : memref<1x80x64xf32, #tpu.memory_space<vmem>> -> memref<80x64xf32, #tpu.memory_space<vmem>>
      %dma_start3A_293 = arith.constant 0 : i32
      %dma_start3A_294 = tpu.memref_slice %arg6[%add3A_287, %dma_start3A_293] : memref<130x80xi32, #tpu.memory_space<vmem>> -> memref<1x80xi32, #tpu.memory_space<vmem>>
      %dma_start3A_295 = tpu.memref_squeeze %dma_start3A_294 : memref<1x80xi32, #tpu.memory_space<vmem>> -> memref<80xi32, #tpu.memory_space<vmem>>
      %dma_start3A_296 = arith.constant 0 : i32
      %dma_start3A_297 = arith.constant 0 : i32
      %dma_start3A_298 = tpu.memref_slice %arg8[%dma_start3A_296, %dma_start3A_297] : memref<10240x64xf32, #tpu.memory_space<vmem_shared>> -> memref<10240x64xf32, #tpu.memory_space<vmem_shared>>
      tpu.enqueue_indirect_dma source(%dma_start3A_292 : memref<80x64xf32, #tpu.memory_space<vmem>>) target(%dma_start3A_298 : memref<10240x64xf32, #tpu.memory_space<vmem_shared>>) offsets(%dma_start3A_295 : memref<80xi32, #tpu.memory_space<vmem>>) semaphore(%arg10 : memref<!tpu.dma_semaphore, #tpu.memory_space<semaphore_mem>>) {add = true}
      %dma_wait3A_299 = arith.constant 4 : i32
      %dma_wait3A_300 = arith.constant 0 : i32
      %dma_wait3A_301 = arith.constant 0 : i32
      %dma_wait3A_302 = tpu.memref_slice %arg7[%dma_wait3A_299, %dma_wait3A_300, %dma_wait3A_301] : memref<10x80x64xf32, #tpu.memory_space<vmem>> -> memref<1x80x64xf32, #tpu.memory_space<vmem>>
      %dma_wait3A_303 = tpu.memref_squeeze %dma_wait3A_302 : memref<1x80x64xf32, #tpu.memory_space<vmem>> -> memref<80x64xf32, #tpu.memory_space<vmem>>
      %dma_wait3A_304 = arith.constant 0 : i32
      %dma_wait3A_305 = tpu.memref_slice %arg5[%add3A_87, %dma_wait3A_304] : memref<130x80xi32, #tpu.memory_space<vmem>> -> memref<1x80xi32, #tpu.memory_space<vmem>>
      %dma_wait3A_306 = tpu.memref_squeeze %dma_wait3A_305 : memref<1x80xi32, #tpu.memory_space<vmem>> -> memref<80xi32, #tpu.memory_space<vmem>>
      %dma_wait3A_307 = arith.constant 0 : i32
      %dma_wait3A_308 = arith.constant 0 : i32
      %dma_wait3A_309 = tpu.memref_slice %arg2[%arg0, %dma_wait3A_307, %dma_wait3A_308] : memref<2x10240x64xf32, #tpu.memory_space<hbm>> -> memref<1x10240x64xf32, #tpu.memory_space<hbm>>
      %dma_wait3A_310 = tpu.memref_squeeze %dma_wait3A_309 : memref<1x10240x64xf32, #tpu.memory_space<hbm>> -> memref<10240x64xf32, #tpu.memory_space<hbm>>
      %dma_wait3A_311 = arith.constant 0 : i32
      %dma_wait3A_312 = arith.constant 0 : i32
      %dma_wait3A_313 = tpu.memref_slice %dma_wait3A_310[%dma_wait3A_311, %dma_wait3A_312] : memref<10240x64xf32, #tpu.memory_space<hbm>> -> memref<10240x64xf32, #tpu.memory_space<hbm>>
      tpu.wait_indirect_dma semaphore(%arg9 : memref<!tpu.dma_semaphore, #tpu.memory_space<semaphore_mem>>) src(%dma_wait3A_313 : memref<10240x64xf32, #tpu.memory_space<hbm>>) dst(%dma_wait3A_303 : memref<80x64xf32, #tpu.memory_space<vmem>>)
      %add3A_314 = arith.constant 4 : i32
      %add3A_315 = arith.addi %mul3A_18, %add3A_314 : i32
      %dma_start3A_316 = arith.constant 4 : i32
      %dma_start3A_317 = arith.constant 0 : i32
      %dma_start3A_318 = arith.constant 0 : i32
      %dma_start3A_319 = tpu.memref_slice %arg7[%dma_start3A_316, %dma_start3A_317, %dma_start3A_318] : memref<10x80x64xf32, #tpu.memory_space<vmem>> -> memref<1x80x64xf32, #tpu.memory_space<vmem>>
      %dma_start3A_320 = tpu.memref_squeeze %dma_start3A_319 : memref<1x80x64xf32, #tpu.memory_space<vmem>> -> memref<80x64xf32, #tpu.memory_space<vmem>>
      %dma_start3A_321 = arith.constant 0 : i32
      %dma_start3A_322 = tpu.memref_slice %arg6[%add3A_315, %dma_start3A_321] : memref<130x80xi32, #tpu.memory_space<vmem>> -> memref<1x80xi32, #tpu.memory_space<vmem>>
      %dma_start3A_323 = tpu.memref_squeeze %dma_start3A_322 : memref<1x80xi32, #tpu.memory_space<vmem>> -> memref<80xi32, #tpu.memory_space<vmem>>
      %dma_start3A_324 = arith.constant 0 : i32
      %dma_start3A_325 = arith.constant 0 : i32
      %dma_start3A_326 = tpu.memref_slice %arg8[%dma_start3A_324, %dma_start3A_325] : memref<10240x64xf32, #tpu.memory_space<vmem_shared>> -> memref<10240x64xf32, #tpu.memory_space<vmem_shared>>
      tpu.enqueue_indirect_dma source(%dma_start3A_320 : memref<80x64xf32, #tpu.memory_space<vmem>>) target(%dma_start3A_326 : memref<10240x64xf32, #tpu.memory_space<vmem_shared>>) offsets(%dma_start3A_323 : memref<80xi32, #tpu.memory_space<vmem>>) semaphore(%arg10 : memref<!tpu.dma_semaphore, #tpu.memory_space<semaphore_mem>>) {add = true}
      %dma_wait3A_327 = arith.constant 5 : i32
      %dma_wait3A_328 = arith.constant 0 : i32
      %dma_wait3A_329 = arith.constant 0 : i32
      %dma_wait3A_330 = tpu.memref_slice %arg7[%dma_wait3A_327, %dma_wait3A_328, %dma_wait3A_329] : memref<10x80x64xf32, #tpu.memory_space<vmem>> -> memref<1x80x64xf32, #tpu.memory_space<vmem>>
      %dma_wait3A_331 = tpu.memref_squeeze %dma_wait3A_330 : memref<1x80x64xf32, #tpu.memory_space<vmem>> -> memref<80x64xf32, #tpu.memory_space<vmem>>
      %dma_wait3A_332 = arith.constant 0 : i32
      %dma_wait3A_333 = tpu.memref_slice %arg5[%add3A_104, %dma_wait3A_332] : memref<130x80xi32, #tpu.memory_space<vmem>> -> memref<1x80xi32, #tpu.memory_space<vmem>>
      %dma_wait3A_334 = tpu.memref_squeeze %dma_wait3A_333 : memref<1x80xi32, #tpu.memory_space<vmem>> -> memref<80xi32, #tpu.memory_space<vmem>>
      %dma_wait3A_335 = arith.constant 0 : i32
      %dma_wait3A_336 = arith.constant 0 : i32
      %dma_wait3A_337 = tpu.memref_slice %arg2[%arg0, %dma_wait3A_335, %dma_wait3A_336] : memref<2x10240x64xf32, #tpu.memory_space<hbm>> -> memref<1x10240x64xf32, #tpu.memory_space<hbm>>
      %dma_wait3A_338 = tpu.memref_squeeze %dma_wait3A_337 : memref<1x10240x64xf32, #tpu.memory_space<hbm>> -> memref<10240x64xf32, #tpu.memory_space<hbm>>
      %dma_wait3A_339 = arith.constant 0 : i32
      %dma_wait3A_340 = arith.constant 0 : i32
      %dma_wait3A_341 = tpu.memref_slice %dma_wait3A_338[%dma_wait3A_339, %dma_wait3A_340] : memref<10240x64xf32, #tpu.memory_space<hbm>> -> memref<10240x64xf32, #tpu.memory_space<hbm>>
      tpu.wait_indirect_dma semaphore(%arg9 : memref<!tpu.dma_semaphore, #tpu.memory_space<semaphore_mem>>) src(%dma_wait3A_341 : memref<10240x64xf32, #tpu.memory_space<hbm>>) dst(%dma_wait3A_331 : memref<80x64xf32, #tpu.memory_space<vmem>>)
      %add3A_342 = arith.constant 5 : i32
      %add3A_343 = arith.addi %mul3A_18, %add3A_342 : i32
      %dma_start3A_344 = arith.constant 5 : i32
      %dma_start3A_345 = arith.constant 0 : i32
      %dma_start3A_346 = arith.constant 0 : i32
      %dma_start3A_347 = tpu.memref_slice %arg7[%dma_start3A_344, %dma_start3A_345, %dma_start3A_346] : memref<10x80x64xf32, #tpu.memory_space<vmem>> -> memref<1x80x64xf32, #tpu.memory_space<vmem>>
      %dma_start3A_348 = tpu.memref_squeeze %dma_start3A_347 : memref<1x80x64xf32, #tpu.memory_space<vmem>> -> memref<80x64xf32, #tpu.memory_space<vmem>>
      %dma_start3A_349 = arith.constant 0 : i32
      %dma_start3A_350 = tpu.memref_slice %arg6[%add3A_343, %dma_start3A_349] : memref<130x80xi32, #tpu.memory_space<vmem>> -> memref<1x80xi32, #tpu.memory_space<vmem>>
      %dma_start3A_351 = tpu.memref_squeeze %dma_start3A_350 : memref<1x80xi32, #tpu.memory_space<vmem>> -> memref<80xi32, #tpu.memory_space<vmem>>
      %dma_start3A_352 = arith.constant 0 : i32
      %dma_start3A_353 = arith.constant 0 : i32
      %dma_start3A_354 = tpu.memref_slice %arg8[%dma_start3A_352, %dma_start3A_353] : memref<10240x64xf32, #tpu.memory_space<vmem_shared>> -> memref<10240x64xf32, #tpu.memory_space<vmem_shared>>
      tpu.enqueue_indirect_dma source(%dma_start3A_348 : memref<80x64xf32, #tpu.memory_space<vmem>>) target(%dma_start3A_354 : memref<10240x64xf32, #tpu.memory_space<vmem_shared>>) offsets(%dma_start3A_351 : memref<80xi32, #tpu.memory_space<vmem>>) semaphore(%arg10 : memref<!tpu.dma_semaphore, #tpu.memory_space<semaphore_mem>>) {add = true}
      %dma_wait3A_355 = arith.constant 6 : i32
      %dma_wait3A_356 = arith.constant 0 : i32
      %dma_wait3A_357 = arith.constant 0 : i32
      %dma_wait3A_358 = tpu.memref_slice %arg7[%dma_wait3A_355, %dma_wait3A_356, %dma_wait3A_357] : memref<10x80x64xf32, #tpu.memory_space<vmem>> -> memref<1x80x64xf32, #tpu.memory_space<vmem>>
      %dma_wait3A_359 = tpu.memref_squeeze %dma_wait3A_358 : memref<1x80x64xf32, #tpu.memory_space<vmem>> -> memref<80x64xf32, #tpu.memory_space<vmem>>
      %dma_wait3A_360 = arith.constant 0 : i32
      %dma_wait3A_361 = tpu.memref_slice %arg5[%add3A_121, %dma_wait3A_360] : memref<130x80xi32, #tpu.memory_space<vmem>> -> memref<1x80xi32, #tpu.memory_space<vmem>>
      %dma_wait3A_362 = tpu.memref_squeeze %dma_wait3A_361 : memref<1x80xi32, #tpu.memory_space<vmem>> -> memref<80xi32, #tpu.memory_space<vmem>>
      %dma_wait3A_363 = arith.constant 0 : i32
      %dma_wait3A_364 = arith.constant 0 : i32
      %dma_wait3A_365 = tpu.memref_slice %arg2[%arg0, %dma_wait3A_363, %dma_wait3A_364] : memref<2x10240x64xf32, #tpu.memory_space<hbm>> -> memref<1x10240x64xf32, #tpu.memory_space<hbm>>
      %dma_wait3A_366 = tpu.memref_squeeze %dma_wait3A_365 : memref<1x10240x64xf32, #tpu.memory_space<hbm>> -> memref<10240x64xf32, #tpu.memory_space<hbm>>
      %dma_wait3A_367 = arith.constant 0 : i32
      %dma_wait3A_368 = arith.constant 0 : i32
      %dma_wait3A_369 = tpu.memref_slice %dma_wait3A_366[%dma_wait3A_367, %dma_wait3A_368] : memref<10240x64xf32, #tpu.memory_space<hbm>> -> memref<10240x64xf32, #tpu.memory_space<hbm>>
      tpu.wait_indirect_dma semaphore(%arg9 : memref<!tpu.dma_semaphore, #tpu.memory_space<semaphore_mem>>) src(%dma_wait3A_369 : memref<10240x64xf32, #tpu.memory_space<hbm>>) dst(%dma_wait3A_359 : memref<80x64xf32, #tpu.memory_space<vmem>>)
      %add3A_370 = arith.constant 6 : i32
      %add3A_371 = arith.addi %mul3A_18, %add3A_370 : i32
      %dma_start3A_372 = arith.constant 6 : i32
      %dma_start3A_373 = arith.constant 0 : i32
      %dma_start3A_374 = arith.constant 0 : i32
      %dma_start3A_375 = tpu.memref_slice %arg7[%dma_start3A_372, %dma_start3A_373, %dma_start3A_374] : memref<10x80x64xf32, #tpu.memory_space<vmem>> -> memref<1x80x64xf32, #tpu.memory_space<vmem>>
      %dma_start3A_376 = tpu.memref_squeeze %dma_start3A_375 : memref<1x80x64xf32, #tpu.memory_space<vmem>> -> memref<80x64xf32, #tpu.memory_space<vmem>>
      %dma_start3A_377 = arith.constant 0 : i32
      %dma_start3A_378 = tpu.memref_slice %arg6[%add3A_371, %dma_start3A_377] : memref<130x80xi32, #tpu.memory_space<vmem>> -> memref<1x80xi32, #tpu.memory_space<vmem>>
      %dma_start3A_379 = tpu.memref_squeeze %dma_start3A_378 : memref<1x80xi32, #tpu.memory_space<vmem>> -> memref<80xi32, #tpu.memory_space<vmem>>
      %dma_start3A_380 = arith.constant 0 : i32
      %dma_start3A_381 = arith.constant 0 : i32
      %dma_start3A_382 = tpu.memref_slice %arg8[%dma_start3A_380, %dma_start3A_381] : memref<10240x64xf32, #tpu.memory_space<vmem_shared>> -> memref<10240x64xf32, #tpu.memory_space<vmem_shared>>
      tpu.enqueue_indirect_dma source(%dma_start3A_376 : memref<80x64xf32, #tpu.memory_space<vmem>>) target(%dma_start3A_382 : memref<10240x64xf32, #tpu.memory_space<vmem_shared>>) offsets(%dma_start3A_379 : memref<80xi32, #tpu.memory_space<vmem>>) semaphore(%arg10 : memref<!tpu.dma_semaphore, #tpu.memory_space<semaphore_mem>>) {add = true}
      %dma_wait3A_383 = arith.constant 7 : i32
      %dma_wait3A_384 = arith.constant 0 : i32
      %dma_wait3A_385 = arith.constant 0 : i32
      %dma_wait3A_386 = tpu.memref_slice %arg7[%dma_wait3A_383, %dma_wait3A_384, %dma_wait3A_385] : memref<10x80x64xf32, #tpu.memory_space<vmem>> -> memref<1x80x64xf32, #tpu.memory_space<vmem>>
      %dma_wait3A_387 = tpu.memref_squeeze %dma_wait3A_386 : memref<1x80x64xf32, #tpu.memory_space<vmem>> -> memref<80x64xf32, #tpu.memory_space<vmem>>
      %dma_wait3A_388 = arith.constant 0 : i32
      %dma_wait3A_389 = tpu.memref_slice %arg5[%add3A_138, %dma_wait3A_388] : memref<130x80xi32, #tpu.memory_space<vmem>> -> memref<1x80xi32, #tpu.memory_space<vmem>>
      %dma_wait3A_390 = tpu.memref_squeeze %dma_wait3A_389 : memref<1x80xi32, #tpu.memory_space<vmem>> -> memref<80xi32, #tpu.memory_space<vmem>>
      %dma_wait3A_391 = arith.constant 0 : i32
      %dma_wait3A_392 = arith.constant 0 : i32
      %dma_wait3A_393 = tpu.memref_slice %arg2[%arg0, %dma_wait3A_391, %dma_wait3A_392] : memref<2x10240x64xf32, #tpu.memory_space<hbm>> -> memref<1x10240x64xf32, #tpu.memory_space<hbm>>
      %dma_wait3A_394 = tpu.memref_squeeze %dma_wait3A_393 : memref<1x10240x64xf32, #tpu.memory_space<hbm>> -> memref<10240x64xf32, #tpu.memory_space<hbm>>
      %dma_wait3A_395 = arith.constant 0 : i32
      %dma_wait3A_396 = arith.constant 0 : i32
      %dma_wait3A_397 = tpu.memref_slice %dma_wait3A_394[%dma_wait3A_395, %dma_wait3A_396] : memref<10240x64xf32, #tpu.memory_space<hbm>> -> memref<10240x64xf32, #tpu.memory_space<hbm>>
      tpu.wait_indirect_dma semaphore(%arg9 : memref<!tpu.dma_semaphore, #tpu.memory_space<semaphore_mem>>) src(%dma_wait3A_397 : memref<10240x64xf32, #tpu.memory_space<hbm>>) dst(%dma_wait3A_387 : memref<80x64xf32, #tpu.memory_space<vmem>>)
      %add3A_398 = arith.constant 7 : i32
      %add3A_399 = arith.addi %mul3A_18, %add3A_398 : i32
      %dma_start3A_400 = arith.constant 7 : i32
      %dma_start3A_401 = arith.constant 0 : i32
      %dma_start3A_402 = arith.constant 0 : i32
      %dma_start3A_403 = tpu.memref_slice %arg7[%dma_start3A_400, %dma_start3A_401, %dma_start3A_402] : memref<10x80x64xf32, #tpu.memory_space<vmem>> -> memref<1x80x64xf32, #tpu.memory_space<vmem>>
      %dma_start3A_404 = tpu.memref_squeeze %dma_start3A_403 : memref<1x80x64xf32, #tpu.memory_space<vmem>> -> memref<80x64xf32, #tpu.memory_space<vmem>>
      %dma_start3A_405 = arith.constant 0 : i32
      %dma_start3A_406 = tpu.memref_slice %arg6[%add3A_399, %dma_start3A_405] : memref<130x80xi32, #tpu.memory_space<vmem>> -> memref<1x80xi32, #tpu.memory_space<vmem>>
      %dma_start3A_407 = tpu.memref_squeeze %dma_start3A_406 : memref<1x80xi32, #tpu.memory_space<vmem>> -> memref<80xi32, #tpu.memory_space<vmem>>
      %dma_start3A_408 = arith.constant 0 : i32
      %dma_start3A_409 = arith.constant 0 : i32
      %dma_start3A_410 = tpu.memref_slice %arg8[%dma_start3A_408, %dma_start3A_409] : memref<10240x64xf32, #tpu.memory_space<vmem_shared>> -> memref<10240x64xf32, #tpu.memory_space<vmem_shared>>
      tpu.enqueue_indirect_dma source(%dma_start3A_404 : memref<80x64xf32, #tpu.memory_space<vmem>>) target(%dma_start3A_410 : memref<10240x64xf32, #tpu.memory_space<vmem_shared>>) offsets(%dma_start3A_407 : memref<80xi32, #tpu.memory_space<vmem>>) semaphore(%arg10 : memref<!tpu.dma_semaphore, #tpu.memory_space<semaphore_mem>>) {add = true}
      %dma_wait3A_411 = arith.constant 8 : i32
      %dma_wait3A_412 = arith.constant 0 : i32
      %dma_wait3A_413 = arith.constant 0 : i32
      %dma_wait3A_414 = tpu.memref_slice %arg7[%dma_wait3A_411, %dma_wait3A_412, %dma_wait3A_413] : memref<10x80x64xf32, #tpu.memory_space<vmem>> -> memref<1x80x64xf32, #tpu.memory_space<vmem>>
      %dma_wait3A_415 = tpu.memref_squeeze %dma_wait3A_414 : memref<1x80x64xf32, #tpu.memory_space<vmem>> -> memref<80x64xf32, #tpu.memory_space<vmem>>
      %dma_wait3A_416 = arith.constant 0 : i32
      %dma_wait3A_417 = tpu.memref_slice %arg5[%add3A_155, %dma_wait3A_416] : memref<130x80xi32, #tpu.memory_space<vmem>> -> memref<1x80xi32, #tpu.memory_space<vmem>>
      %dma_wait3A_418 = tpu.memref_squeeze %dma_wait3A_417 : memref<1x80xi32, #tpu.memory_space<vmem>> -> memref<80xi32, #tpu.memory_space<vmem>>
      %dma_wait3A_419 = arith.constant 0 : i32
      %dma_wait3A_420 = arith.constant 0 : i32
      %dma_wait3A_421 = tpu.memref_slice %arg2[%arg0, %dma_wait3A_419, %dma_wait3A_420] : memref<2x10240x64xf32, #tpu.memory_space<hbm>> -> memref<1x10240x64xf32, #tpu.memory_space<hbm>>
      %dma_wait3A_422 = tpu.memref_squeeze %dma_wait3A_421 : memref<1x10240x64xf32, #tpu.memory_space<hbm>> -> memref<10240x64xf32, #tpu.memory_space<hbm>>
      %dma_wait3A_423 = arith.constant 0 : i32
      %dma_wait3A_424 = arith.constant 0 : i32
      %dma_wait3A_425 = tpu.memref_slice %dma_wait3A_422[%dma_wait3A_423, %dma_wait3A_424] : memref<10240x64xf32, #tpu.memory_space<hbm>> -> memref<10240x64xf32, #tpu.memory_space<hbm>>
      tpu.wait_indirect_dma semaphore(%arg9 : memref<!tpu.dma_semaphore, #tpu.memory_space<semaphore_mem>>) src(%dma_wait3A_425 : memref<10240x64xf32, #tpu.memory_space<hbm>>) dst(%dma_wait3A_415 : memref<80x64xf32, #tpu.memory_space<vmem>>)
      %add3A_426 = arith.constant 8 : i32
      %add3A_427 = arith.addi %mul3A_18, %add3A_426 : i32
      %dma_start3A_428 = arith.constant 8 : i32
      %dma_start3A_429 = arith.constant 0 : i32
      %dma_start3A_430 = arith.constant 0 : i32
      %dma_start3A_431 = tpu.memref_slice %arg7[%dma_start3A_428, %dma_start3A_429, %dma_start3A_430] : memref<10x80x64xf32, #tpu.memory_space<vmem>> -> memref<1x80x64xf32, #tpu.memory_space<vmem>>
      %dma_start3A_432 = tpu.memref_squeeze %dma_start3A_431 : memref<1x80x64xf32, #tpu.memory_space<vmem>> -> memref<80x64xf32, #tpu.memory_space<vmem>>
      %dma_start3A_433 = arith.constant 0 : i32
      %dma_start3A_434 = tpu.memref_slice %arg6[%add3A_427, %dma_start3A_433] : memref<130x80xi32, #tpu.memory_space<vmem>> -> memref<1x80xi32, #tpu.memory_space<vmem>>
      %dma_start3A_435 = tpu.memref_squeeze %dma_start3A_434 : memref<1x80xi32, #tpu.memory_space<vmem>> -> memref<80xi32, #tpu.memory_space<vmem>>
      %dma_start3A_436 = arith.constant 0 : i32
      %dma_start3A_437 = arith.constant 0 : i32
      %dma_start3A_438 = tpu.memref_slice %arg8[%dma_start3A_436, %dma_start3A_437] : memref<10240x64xf32, #tpu.memory_space<vmem_shared>> -> memref<10240x64xf32, #tpu.memory_space<vmem_shared>>
      tpu.enqueue_indirect_dma source(%dma_start3A_432 : memref<80x64xf32, #tpu.memory_space<vmem>>) target(%dma_start3A_438 : memref<10240x64xf32, #tpu.memory_space<vmem_shared>>) offsets(%dma_start3A_435 : memref<80xi32, #tpu.memory_space<vmem>>) semaphore(%arg10 : memref<!tpu.dma_semaphore, #tpu.memory_space<semaphore_mem>>) {add = true}
      %dma_wait3A_439 = arith.constant 9 : i32
      %dma_wait3A_440 = arith.constant 0 : i32
      %dma_wait3A_441 = arith.constant 0 : i32
      %dma_wait3A_442 = tpu.memref_slice %arg7[%dma_wait3A_439, %dma_wait3A_440, %dma_wait3A_441] : memref<10x80x64xf32, #tpu.memory_space<vmem>> -> memref<1x80x64xf32, #tpu.memory_space<vmem>>
      %dma_wait3A_443 = tpu.memref_squeeze %dma_wait3A_442 : memref<1x80x64xf32, #tpu.memory_space<vmem>> -> memref<80x64xf32, #tpu.memory_space<vmem>>
      %dma_wait3A_444 = arith.constant 0 : i32
      %dma_wait3A_445 = tpu.memref_slice %arg5[%add3A_172, %dma_wait3A_444] : memref<130x80xi32, #tpu.memory_space<vmem>> -> memref<1x80xi32, #tpu.memory_space<vmem>>
      %dma_wait3A_446 = tpu.memref_squeeze %dma_wait3A_445 : memref<1x80xi32, #tpu.memory_space<vmem>> -> memref<80xi32, #tpu.memory_space<vmem>>
      %dma_wait3A_447 = arith.constant 0 : i32
      %dma_wait3A_448 = arith.constant 0 : i32
      %dma_wait3A_449 = tpu.memref_slice %arg2[%arg0, %dma_wait3A_447, %dma_wait3A_448] : memref<2x10240x64xf32, #tpu.memory_space<hbm>> -> memref<1x10240x64xf32, #tpu.memory_space<hbm>>
      %dma_wait3A_450 = tpu.memref_squeeze %dma_wait3A_449 : memref<1x10240x64xf32, #tpu.memory_space<hbm>> -> memref<10240x64xf32, #tpu.memory_space<hbm>>
      %dma_wait3A_451 = arith.constant 0 : i32
      %dma_wait3A_452 = arith.constant 0 : i32
      %dma_wait3A_453 = tpu.memref_slice %dma_wait3A_450[%dma_wait3A_451, %dma_wait3A_452] : memref<10240x64xf32, #tpu.memory_space<hbm>> -> memref<10240x64xf32, #tpu.memory_space<hbm>>
      tpu.wait_indirect_dma semaphore(%arg9 : memref<!tpu.dma_semaphore, #tpu.memory_space<semaphore_mem>>) src(%dma_wait3A_453 : memref<10240x64xf32, #tpu.memory_space<hbm>>) dst(%dma_wait3A_443 : memref<80x64xf32, #tpu.memory_space<vmem>>)
      %add3A_454 = arith.constant 9 : i32
      %add3A_455 = arith.addi %mul3A_18, %add3A_454 : i32
      %dma_start3A_456 = arith.constant 9 : i32
      %dma_start3A_457 = arith.constant 0 : i32
      %dma_start3A_458 = arith.constant 0 : i32
      %dma_start3A_459 = tpu.memref_slice %arg7[%dma_start3A_456, %dma_start3A_457, %dma_start3A_458] : memref<10x80x64xf32, #tpu.memory_space<vmem>> -> memref<1x80x64xf32, #tpu.memory_space<vmem>>
      %dma_start3A_460 = tpu.memref_squeeze %dma_start3A_459 : memref<1x80x64xf32, #tpu.memory_space<vmem>> -> memref<80x64xf32, #tpu.memory_space<vmem>>
      %dma_start3A_461 = arith.constant 0 : i32
      %dma_start3A_462 = tpu.memref_slice %arg6[%add3A_455, %dma_start3A_461] : memref<130x80xi32, #tpu.memory_space<vmem>> -> memref<1x80xi32, #tpu.memory_space<vmem>>
      %dma_start3A_463 = tpu.memref_squeeze %dma_start3A_462 : memref<1x80xi32, #tpu.memory_space<vmem>> -> memref<80xi32, #tpu.memory_space<vmem>>
      %dma_start3A_464 = arith.constant 0 : i32
      %dma_start3A_465 = arith.constant 0 : i32
      %dma_start3A_466 = tpu.memref_slice %arg8[%dma_start3A_464, %dma_start3A_465] : memref<10240x64xf32, #tpu.memory_space<vmem_shared>> -> memref<10240x64xf32, #tpu.memory_space<vmem_shared>>
      tpu.enqueue_indirect_dma source(%dma_start3A_460 : memref<80x64xf32, #tpu.memory_space<vmem>>) target(%dma_start3A_466 : memref<10240x64xf32, #tpu.memory_space<vmem_shared>>) offsets(%dma_start3A_463 : memref<80xi32, #tpu.memory_space<vmem>>) semaphore(%arg10 : memref<!tpu.dma_semaphore, #tpu.memory_space<semaphore_mem>>) {add = true}
      %dma_wait3A_467 = arith.constant 0 : i32
      %dma_wait3A_468 = arith.constant 0 : i32
      %dma_wait3A_469 = arith.constant 0 : i32
      %dma_wait3A_470 = tpu.memref_slice %arg7[%dma_wait3A_467, %dma_wait3A_468, %dma_wait3A_469] : memref<10x80x64xf32, #tpu.memory_space<vmem>> -> memref<1x80x64xf32, #tpu.memory_space<vmem>>
      %dma_wait3A_471 = tpu.memref_squeeze %dma_wait3A_470 : memref<1x80x64xf32, #tpu.memory_space<vmem>> -> memref<80x64xf32, #tpu.memory_space<vmem>>
      %dma_wait3A_472 = arith.constant 0 : i32
      %dma_wait3A_473 = tpu.memref_slice %arg6[%add3A_203, %dma_wait3A_472] : memref<130x80xi32, #tpu.memory_space<vmem>> -> memref<1x80xi32, #tpu.memory_space<vmem>>
      %dma_wait3A_474 = tpu.memref_squeeze %dma_wait3A_473 : memref<1x80xi32, #tpu.memory_space<vmem>> -> memref<80xi32, #tpu.memory_space<vmem>>
      %dma_wait3A_475 = arith.constant 0 : i32
      %dma_wait3A_476 = arith.constant 0 : i32
      %dma_wait3A_477 = tpu.memref_slice %arg8[%dma_wait3A_475, %dma_wait3A_476] : memref<10240x64xf32, #tpu.memory_space<vmem_shared>> -> memref<10240x64xf32, #tpu.memory_space<vmem_shared>>
      tpu.wait_indirect_dma semaphore(%arg10 : memref<!tpu.dma_semaphore, #tpu.memory_space<semaphore_mem>>) src(%dma_wait3A_471 : memref<80x64xf32, #tpu.memory_space<vmem>>) dst(%dma_wait3A_477 : memref<10240x64xf32, #tpu.memory_space<vmem_shared>>)
      %dma_wait3A_478 = arith.constant 1 : i32
      %dma_wait3A_479 = arith.constant 0 : i32
      %dma_wait3A_480 = arith.constant 0 : i32
      %dma_wait3A_481 = tpu.memref_slice %arg7[%dma_wait3A_478, %dma_wait3A_479, %dma_wait3A_480] : memref<10x80x64xf32, #tpu.memory_space<vmem>> -> memref<1x80x64xf32, #tpu.memory_space<vmem>>
      %dma_wait3A_482 = tpu.memref_squeeze %dma_wait3A_481 : memref<1x80x64xf32, #tpu.memory_space<vmem>> -> memref<80x64xf32, #tpu.memory_space<vmem>>
      %dma_wait3A_483 = arith.constant 0 : i32
      %dma_wait3A_484 = tpu.memref_slice %arg6[%add3A_231, %dma_wait3A_483] : memref<130x80xi32, #tpu.memory_space<vmem>> -> memref<1x80xi32, #tpu.memory_space<vmem>>
      %dma_wait3A_485 = tpu.memref_squeeze %dma_wait3A_484 : memref<1x80xi32, #tpu.memory_space<vmem>> -> memref<80xi32, #tpu.memory_space<vmem>>
      %dma_wait3A_486 = arith.constant 0 : i32
      %dma_wait3A_487 = arith.constant 0 : i32
      %dma_wait3A_488 = tpu.memref_slice %arg8[%dma_wait3A_486, %dma_wait3A_487] : memref<10240x64xf32, #tpu.memory_space<vmem_shared>> -> memref<10240x64xf32, #tpu.memory_space<vmem_shared>>
      tpu.wait_indirect_dma semaphore(%arg10 : memref<!tpu.dma_semaphore, #tpu.memory_space<semaphore_mem>>) src(%dma_wait3A_482 : memref<80x64xf32, #tpu.memory_space<vmem>>) dst(%dma_wait3A_488 : memref<10240x64xf32, #tpu.memory_space<vmem_shared>>)
      %dma_wait3A_489 = arith.constant 2 : i32
      %dma_wait3A_490 = arith.constant 0 : i32
      %dma_wait3A_491 = arith.constant 0 : i32
      %dma_wait3A_492 = tpu.memref_slice %arg7[%dma_wait3A_489, %dma_wait3A_490, %dma_wait3A_491] : memref<10x80x64xf32, #tpu.memory_space<vmem>> -> memref<1x80x64xf32, #tpu.memory_space<vmem>>
      %dma_wait3A_493 = tpu.memref_squeeze %dma_wait3A_492 : memref<1x80x64xf32, #tpu.memory_space<vmem>> -> memref<80x64xf32, #tpu.memory_space<vmem>>
      %dma_wait3A_494 = arith.constant 0 : i32
      %dma_wait3A_495 = tpu.memref_slice %arg6[%add3A_259, %dma_wait3A_494] : memref<130x80xi32, #tpu.memory_space<vmem>> -> memref<1x80xi32, #tpu.memory_space<vmem>>
      %dma_wait3A_496 = tpu.memref_squeeze %dma_wait3A_495 : memref<1x80xi32, #tpu.memory_space<vmem>> -> memref<80xi32, #tpu.memory_space<vmem>>
      %dma_wait3A_497 = arith.constant 0 : i32
      %dma_wait3A_498 = arith.constant 0 : i32
      %dma_wait3A_499 = tpu.memref_slice %arg8[%dma_wait3A_497, %dma_wait3A_498] : memref<10240x64xf32, #tpu.memory_space<vmem_shared>> -> memref<10240x64xf32, #tpu.memory_space<vmem_shared>>
      tpu.wait_indirect_dma semaphore(%arg10 : memref<!tpu.dma_semaphore, #tpu.memory_space<semaphore_mem>>) src(%dma_wait3A_493 : memref<80x64xf32, #tpu.memory_space<vmem>>) dst(%dma_wait3A_499 : memref<10240x64xf32, #tpu.memory_space<vmem_shared>>)
      %dma_wait3A_500 = arith.constant 3 : i32
      %dma_wait3A_501 = arith.constant 0 : i32
      %dma_wait3A_502 = arith.constant 0 : i32
      %dma_wait3A_503 = tpu.memref_slice %arg7[%dma_wait3A_500, %dma_wait3A_501, %dma_wait3A_502] : memref<10x80x64xf32, #tpu.memory_space<vmem>> -> memref<1x80x64xf32, #tpu.memory_space<vmem>>
      %dma_wait3A_504 = tpu.memref_squeeze %dma_wait3A_503 : memref<1x80x64xf32, #tpu.memory_space<vmem>> -> memref<80x64xf32, #tpu.memory_space<vmem>>
      %dma_wait3A_505 = arith.constant 0 : i32
      %dma_wait3A_506 = tpu.memref_slice %arg6[%add3A_287, %dma_wait3A_505] : memref<130x80xi32, #tpu.memory_space<vmem>> -> memref<1x80xi32, #tpu.memory_space<vmem>>
      %dma_wait3A_507 = tpu.memref_squeeze %dma_wait3A_506 : memref<1x80xi32, #tpu.memory_space<vmem>> -> memref<80xi32, #tpu.memory_space<vmem>>
      %dma_wait3A_508 = arith.constant 0 : i32
      %dma_wait3A_509 = arith.constant 0 : i32
      %dma_wait3A_510 = tpu.memref_slice %arg8[%dma_wait3A_508, %dma_wait3A_509] : memref<10240x64xf32, #tpu.memory_space<vmem_shared>> -> memref<10240x64xf32, #tpu.memory_space<vmem_shared>>
      tpu.wait_indirect_dma semaphore(%arg10 : memref<!tpu.dma_semaphore, #tpu.memory_space<semaphore_mem>>) src(%dma_wait3A_504 : memref<80x64xf32, #tpu.memory_space<vmem>>) dst(%dma_wait3A_510 : memref<10240x64xf32, #tpu.memory_space<vmem_shared>>)
      %dma_wait3A_511 = arith.constant 4 : i32
      %dma_wait3A_512 = arith.constant 0 : i32
      %dma_wait3A_513 = arith.constant 0 : i32
      %dma_wait3A_514 = tpu.memref_slice %arg7[%dma_wait3A_511, %dma_wait3A_512, %dma_wait3A_513] : memref<10x80x64xf32, #tpu.memory_space<vmem>> -> memref<1x80x64xf32, #tpu.memory_space<vmem>>
      %dma_wait3A_515 = tpu.memref_squeeze %dma_wait3A_514 : memref<1x80x64xf32, #tpu.memory_space<vmem>> -> memref<80x64xf32, #tpu.memory_space<vmem>>
      %dma_wait3A_516 = arith.constant 0 : i32
      %dma_wait3A_517 = tpu.memref_slice %arg6[%add3A_315, %dma_wait3A_516] : memref<130x80xi32, #tpu.memory_space<vmem>> -> memref<1x80xi32, #tpu.memory_space<vmem>>
      %dma_wait3A_518 = tpu.memref_squeeze %dma_wait3A_517 : memref<1x80xi32, #tpu.memory_space<vmem>> -> memref<80xi32, #tpu.memory_space<vmem>>
      %dma_wait3A_519 = arith.constant 0 : i32
      %dma_wait3A_520 = arith.constant 0 : i32
      %dma_wait3A_521 = tpu.memref_slice %arg8[%dma_wait3A_519, %dma_wait3A_520] : memref<10240x64xf32, #tpu.memory_space<vmem_shared>> -> memref<10240x64xf32, #tpu.memory_space<vmem_shared>>
      tpu.wait_indirect_dma semaphore(%arg10 : memref<!tpu.dma_semaphore, #tpu.memory_space<semaphore_mem>>) src(%dma_wait3A_515 : memref<80x64xf32, #tpu.memory_space<vmem>>) dst(%dma_wait3A_521 : memref<10240x64xf32, #tpu.memory_space<vmem_shared>>)
      %dma_wait3A_522 = arith.constant 5 : i32
      %dma_wait3A_523 = arith.constant 0 : i32
      %dma_wait3A_524 = arith.constant 0 : i32
      %dma_wait3A_525 = tpu.memref_slice %arg7[%dma_wait3A_522, %dma_wait3A_523, %dma_wait3A_524] : memref<10x80x64xf32, #tpu.memory_space<vmem>> -> memref<1x80x64xf32, #tpu.memory_space<vmem>>
      %dma_wait3A_526 = tpu.memref_squeeze %dma_wait3A_525 : memref<1x80x64xf32, #tpu.memory_space<vmem>> -> memref<80x64xf32, #tpu.memory_space<vmem>>
      %dma_wait3A_527 = arith.constant 0 : i32
      %dma_wait3A_528 = tpu.memref_slice %arg6[%add3A_343, %dma_wait3A_527] : memref<130x80xi32, #tpu.memory_space<vmem>> -> memref<1x80xi32, #tpu.memory_space<vmem>>
      %dma_wait3A_529 = tpu.memref_squeeze %dma_wait3A_528 : memref<1x80xi32, #tpu.memory_space<vmem>> -> memref<80xi32, #tpu.memory_space<vmem>>
      %dma_wait3A_530 = arith.constant 0 : i32
      %dma_wait3A_531 = arith.constant 0 : i32
      %dma_wait3A_532 = tpu.memref_slice %arg8[%dma_wait3A_530, %dma_wait3A_531] : memref<10240x64xf32, #tpu.memory_space<vmem_shared>> -> memref<10240x64xf32, #tpu.memory_space<vmem_shared>>
      tpu.wait_indirect_dma semaphore(%arg10 : memref<!tpu.dma_semaphore, #tpu.memory_space<semaphore_mem>>) src(%dma_wait3A_526 : memref<80x64xf32, #tpu.memory_space<vmem>>) dst(%dma_wait3A_532 : memref<10240x64xf32, #tpu.memory_space<vmem_shared>>)
      %dma_wait3A_533 = arith.constant 6 : i32
      %dma_wait3A_534 = arith.constant 0 : i32
      %dma_wait3A_535 = arith.constant 0 : i32
      %dma_wait3A_536 = tpu.memref_slice %arg7[%dma_wait3A_533, %dma_wait3A_534, %dma_wait3A_535] : memref<10x80x64xf32, #tpu.memory_space<vmem>> -> memref<1x80x64xf32, #tpu.memory_space<vmem>>
      %dma_wait3A_537 = tpu.memref_squeeze %dma_wait3A_536 : memref<1x80x64xf32, #tpu.memory_space<vmem>> -> memref<80x64xf32, #tpu.memory_space<vmem>>
      %dma_wait3A_538 = arith.constant 0 : i32
      %dma_wait3A_539 = tpu.memref_slice %arg6[%add3A_371, %dma_wait3A_538] : memref<130x80xi32, #tpu.memory_space<vmem>> -> memref<1x80xi32, #tpu.memory_space<vmem>>
      %dma_wait3A_540 = tpu.memref_squeeze %dma_wait3A_539 : memref<1x80xi32, #tpu.memory_space<vmem>> -> memref<80xi32, #tpu.memory_space<vmem>>
      %dma_wait3A_541 = arith.constant 0 : i32
      %dma_wait3A_542 = arith.constant 0 : i32
      %dma_wait3A_543 = tpu.memref_slice %arg8[%dma_wait3A_541, %dma_wait3A_542] : memref<10240x64xf32, #tpu.memory_space<vmem_shared>> -> memref<10240x64xf32, #tpu.memory_space<vmem_shared>>
      tpu.wait_indirect_dma semaphore(%arg10 : memref<!tpu.dma_semaphore, #tpu.memory_space<semaphore_mem>>) src(%dma_wait3A_537 : memref<80x64xf32, #tpu.memory_space<vmem>>) dst(%dma_wait3A_543 : memref<10240x64xf32, #tpu.memory_space<vmem_shared>>)
      %dma_wait3A_544 = arith.constant 7 : i32
      %dma_wait3A_545 = arith.constant 0 : i32
      %dma_wait3A_546 = arith.constant 0 : i32
      %dma_wait3A_547 = tpu.memref_slice %arg7[%dma_wait3A_544, %dma_wait3A_545, %dma_wait3A_546] : memref<10x80x64xf32, #tpu.memory_space<vmem>> -> memref<1x80x64xf32, #tpu.memory_space<vmem>>
      %dma_wait3A_548 = tpu.memref_squeeze %dma_wait3A_547 : memref<1x80x64xf32, #tpu.memory_space<vmem>> -> memref<80x64xf32, #tpu.memory_space<vmem>>
      %dma_wait3A_549 = arith.constant 0 : i32
      %dma_wait3A_550 = tpu.memref_slice %arg6[%add3A_399, %dma_wait3A_549] : memref<130x80xi32, #tpu.memory_space<vmem>> -> memref<1x80xi32, #tpu.memory_space<vmem>>
      %dma_wait3A_551 = tpu.memref_squeeze %dma_wait3A_550 : memref<1x80xi32, #tpu.memory_space<vmem>> -> memref<80xi32, #tpu.memory_space<vmem>>
      %dma_wait3A_552 = arith.constant 0 : i32
      %dma_wait3A_553 = arith.constant 0 : i32
      %dma_wait3A_554 = tpu.memref_slice %arg8[%dma_wait3A_552, %dma_wait3A_553] : memref<10240x64xf32, #tpu.memory_space<vmem_shared>> -> memref<10240x64xf32, #tpu.memory_space<vmem_shared>>
      tpu.wait_indirect_dma semaphore(%arg10 : memref<!tpu.dma_semaphore, #tpu.memory_space<semaphore_mem>>) src(%dma_wait3A_548 : memref<80x64xf32, #tpu.memory_space<vmem>>) dst(%dma_wait3A_554 : memref<10240x64xf32, #tpu.memory_space<vmem_shared>>)
      %dma_wait3A_555 = arith.constant 8 : i32
      %dma_wait3A_556 = arith.constant 0 : i32
      %dma_wait3A_557 = arith.constant 0 : i32
      %dma_wait3A_558 = tpu.memref_slice %arg7[%dma_wait3A_555, %dma_wait3A_556, %dma_wait3A_557] : memref<10x80x64xf32, #tpu.memory_space<vmem>> -> memref<1x80x64xf32, #tpu.memory_space<vmem>>
      %dma_wait3A_559 = tpu.memref_squeeze %dma_wait3A_558 : memref<1x80x64xf32, #tpu.memory_space<vmem>> -> memref<80x64xf32, #tpu.memory_space<vmem>>
      %dma_wait3A_560 = arith.constant 0 : i32
      %dma_wait3A_561 = tpu.memref_slice %arg6[%add3A_427, %dma_wait3A_560] : memref<130x80xi32, #tpu.memory_space<vmem>> -> memref<1x80xi32, #tpu.memory_space<vmem>>
      %dma_wait3A_562 = tpu.memref_squeeze %dma_wait3A_561 : memref<1x80xi32, #tpu.memory_space<vmem>> -> memref<80xi32, #tpu.memory_space<vmem>>
      %dma_wait3A_563 = arith.constant 0 : i32
      %dma_wait3A_564 = arith.constant 0 : i32
      %dma_wait3A_565 = tpu.memref_slice %arg8[%dma_wait3A_563, %dma_wait3A_564] : memref<10240x64xf32, #tpu.memory_space<vmem_shared>> -> memref<10240x64xf32, #tpu.memory_space<vmem_shared>>
      tpu.wait_indirect_dma semaphore(%arg10 : memref<!tpu.dma_semaphore, #tpu.memory_space<semaphore_mem>>) src(%dma_wait3A_559 : memref<80x64xf32, #tpu.memory_space<vmem>>) dst(%dma_wait3A_565 : memref<10240x64xf32, #tpu.memory_space<vmem_shared>>)
      %dma_wait3A_566 = arith.constant 9 : i32
      %dma_wait3A_567 = arith.constant 0 : i32
      %dma_wait3A_568 = arith.constant 0 : i32
      %dma_wait3A_569 = tpu.memref_slice %arg7[%dma_wait3A_566, %dma_wait3A_567, %dma_wait3A_568] : memref<10x80x64xf32, #tpu.memory_space<vmem>> -> memref<1x80x64xf32, #tpu.memory_space<vmem>>
      %dma_wait3A_570 = tpu.memref_squeeze %dma_wait3A_569 : memref<1x80x64xf32, #tpu.memory_space<vmem>> -> memref<80x64xf32, #tpu.memory_space<vmem>>
      %dma_wait3A_571 = arith.constant 0 : i32
      %dma_wait3A_572 = tpu.memref_slice %arg6[%add3A_455, %dma_wait3A_571] : memref<130x80xi32, #tpu.memory_space<vmem>> -> memref<1x80xi32, #tpu.memory_space<vmem>>
      %dma_wait3A_573 = tpu.memref_squeeze %dma_wait3A_572 : memref<1x80xi32, #tpu.memory_space<vmem>> -> memref<80xi32, #tpu.memory_space<vmem>>
      %dma_wait3A_574 = arith.constant 0 : i32
      %dma_wait3A_575 = arith.constant 0 : i32
      %dma_wait3A_576 = tpu.memref_slice %arg8[%dma_wait3A_574, %dma_wait3A_575] : memref<10240x64xf32, #tpu.memory_space<vmem_shared>> -> memref<10240x64xf32, #tpu.memory_space<vmem_shared>>
      tpu.wait_indirect_dma semaphore(%arg10 : memref<!tpu.dma_semaphore, #tpu.memory_space<semaphore_mem>>) src(%dma_wait3A_570 : memref<80x64xf32, #tpu.memory_space<vmem>>) dst(%dma_wait3A_576 : memref<10240x64xf32, #tpu.memory_space<vmem_shared>>)
    }
    %scan3A_6 = arith.constant 13 : i32
    "tpu.region"() ({
      %run_scoped3A = tpu.sem_alloc : memref<!tpu.dma_semaphore, #tpu.memory_space<semaphore_mem>>
      %dma_start3A = arith.constant 0 : i32
      %dma_start3A_16 = arith.constant 0 : i32
      %dma_start3A_17 = tpu.memref_slice %arg5[%dma_start3A, %dma_start3A_16] : memref<130x80xi32, #tpu.memory_space<vmem>> -> memref<120x80xi32, #tpu.memory_space<vmem>>
      %dma_start3A_18 = arith.constant 130 : i32
      %dma_start3A_19 = arith.constant 0 : i32
      %dma_start3A_20 = tpu.memref_slice %arg3[%arg1, %dma_start3A_18, %dma_start3A_19] : memref<32x250x80xi32, #tpu.memory_space<hbm>> -> memref<1x120x80xi32, #tpu.memory_space<hbm>>
      %dma_start3A_21 = tpu.memref_squeeze %dma_start3A_20 : memref<1x120x80xi32, #tpu.memory_space<hbm>> -> memref<120x80xi32, #tpu.memory_space<hbm>>
      %dma_start3A_22 = arith.constant 0 : i32
      %dma_start3A_23 = arith.constant 0 : i32
      %dma_start3A_24 = tpu.memref_slice %arg5[%dma_start3A_22, %dma_start3A_23] : memref<130x80xi32, #tpu.memory_space<vmem>> -> memref<120x80xi32, #tpu.memory_space<vmem>>
      %dma_start3A_25 = arith.constant 130 : i32
      %dma_start3A_26 = arith.constant 0 : i32
      %dma_start3A_27 = tpu.memref_slice %arg3[%arg1, %dma_start3A_25, %dma_start3A_26] : memref<32x250x80xi32, #tpu.memory_space<hbm>> -> memref<1x120x80xi32, #tpu.memory_space<hbm>>
      %dma_start3A_28 = tpu.memref_squeeze %dma_start3A_27 : memref<1x120x80xi32, #tpu.memory_space<hbm>> -> memref<120x80xi32, #tpu.memory_space<hbm>>
      tpu.enqueue_dma source(%dma_start3A_28 : memref<120x80xi32, #tpu.memory_space<hbm>>) target(%dma_start3A_24 : memref<120x80xi32, #tpu.memory_space<vmem>>) target_semaphore(%run_scoped3A : memref<!tpu.dma_semaphore, #tpu.memory_space<semaphore_mem>>)
      %dma_wait3A = arith.constant 0 : i32
      %dma_wait3A_29 = arith.constant 0 : i32
      %dma_wait3A_30 = tpu.memref_slice %arg5[%dma_wait3A, %dma_wait3A_29] : memref<130x80xi32, #tpu.memory_space<vmem>> -> memref<120x80xi32, #tpu.memory_space<vmem>>
      %dma_wait3A_31 = arith.constant 130 : i32
      %dma_wait3A_32 = arith.constant 0 : i32
      %dma_wait3A_33 = tpu.memref_slice %arg3[%arg1, %dma_wait3A_31, %dma_wait3A_32] : memref<32x250x80xi32, #tpu.memory_space<hbm>> -> memref<1x120x80xi32, #tpu.memory_space<hbm>>
      %dma_wait3A_34 = tpu.memref_squeeze %dma_wait3A_33 : memref<1x120x80xi32, #tpu.memory_space<hbm>> -> memref<120x80xi32, #tpu.memory_space<hbm>>
      %dma_wait3A_35 = arith.constant 0 : i32
      %dma_wait3A_36 = arith.constant 0 : i32
      %dma_wait3A_37 = tpu.memref_slice %arg5[%dma_wait3A_35, %dma_wait3A_36] : memref<130x80xi32, #tpu.memory_space<vmem>> -> memref<120x80xi32, #tpu.memory_space<vmem>>
      %dma_wait3A_38 = arith.constant 130 : i32
      %dma_wait3A_39 = arith.constant 0 : i32
      %dma_wait3A_40 = tpu.memref_slice %arg3[%arg1, %dma_wait3A_38, %dma_wait3A_39] : memref<32x250x80xi32, #tpu.memory_space<hbm>> -> memref<1x120x80xi32, #tpu.memory_space<hbm>>
      %dma_wait3A_41 = tpu.memref_squeeze %dma_wait3A_40 : memref<1x120x80xi32, #tpu.memory_space<hbm>> -> memref<120x80xi32, #tpu.memory_space<hbm>>
      tpu.wait_dma2 semaphore(%run_scoped3A : memref<!tpu.dma_semaphore, #tpu.memory_space<semaphore_mem>>) src(%dma_wait3A_41 : memref<120x80xi32, #tpu.memory_space<hbm>>) dst(%dma_wait3A_37 : memref<120x80xi32, #tpu.memory_space<vmem>>)
      tpu.yield
    }) : () -> ()
    %add3A_7 = arith.constant 16 : i32
    %add3A_8 = arith.addi %add3A_7, %arg1 : i32
    "tpu.region"() ({
      %run_scoped3A = tpu.sem_alloc : memref<!tpu.dma_semaphore, #tpu.memory_space<semaphore_mem>>
      %dma_start3A = arith.constant 0 : i32
      %dma_start3A_16 = arith.constant 0 : i32
      %dma_start3A_17 = tpu.memref_slice %arg6[%dma_start3A, %dma_start3A_16] : memref<130x80xi32, #tpu.memory_space<vmem>> -> memref<120x80xi32, #tpu.memory_space<vmem>>
      %dma_start3A_18 = arith.constant 130 : i32
      %dma_start3A_19 = arith.constant 0 : i32
      %dma_start3A_20 = tpu.memref_slice %arg3[%add3A_8, %dma_start3A_18, %dma_start3A_19] : memref<32x250x80xi32, #tpu.memory_space<hbm>> -> memref<1x120x80xi32, #tpu.memory_space<hbm>>
      %dma_start3A_21 = tpu.memref_squeeze %dma_start3A_20 : memref<1x120x80xi32, #tpu.memory_space<hbm>> -> memref<120x80xi32, #tpu.memory_space<hbm>>
      %dma_start3A_22 = arith.constant 0 : i32
      %dma_start3A_23 = arith.constant 0 : i32
      %dma_start3A_24 = tpu.memref_slice %arg6[%dma_start3A_22, %dma_start3A_23] : memref<130x80xi32, #tpu.memory_space<vmem>> -> memref<120x80xi32, #tpu.memory_space<vmem>>
      %dma_start3A_25 = arith.constant 130 : i32
      %dma_start3A_26 = arith.constant 0 : i32
      %dma_start3A_27 = tpu.memref_slice %arg3[%add3A_8, %dma_start3A_25, %dma_start3A_26] : memref<32x250x80xi32, #tpu.memory_space<hbm>> -> memref<1x120x80xi32, #tpu.memory_space<hbm>>
      %dma_start3A_28 = tpu.memref_squeeze %dma_start3A_27 : memref<1x120x80xi32, #tpu.memory_space<hbm>> -> memref<120x80xi32, #tpu.memory_space<hbm>>
      tpu.enqueue_dma source(%dma_start3A_28 : memref<120x80xi32, #tpu.memory_space<hbm>>) target(%dma_start3A_24 : memref<120x80xi32, #tpu.memory_space<vmem>>) target_semaphore(%run_scoped3A : memref<!tpu.dma_semaphore, #tpu.memory_space<semaphore_mem>>)
      %dma_wait3A = arith.constant 0 : i32
      %dma_wait3A_29 = arith.constant 0 : i32
      %dma_wait3A_30 = tpu.memref_slice %arg6[%dma_wait3A, %dma_wait3A_29] : memref<130x80xi32, #tpu.memory_space<vmem>> -> memref<120x80xi32, #tpu.memory_space<vmem>>
      %dma_wait3A_31 = arith.constant 130 : i32
      %dma_wait3A_32 = arith.constant 0 : i32
      %dma_wait3A_33 = tpu.memref_slice %arg3[%add3A_8, %dma_wait3A_31, %dma_wait3A_32] : memref<32x250x80xi32, #tpu.memory_space<hbm>> -> memref<1x120x80xi32, #tpu.memory_space<hbm>>
      %dma_wait3A_34 = tpu.memref_squeeze %dma_wait3A_33 : memref<1x120x80xi32, #tpu.memory_space<hbm>> -> memref<120x80xi32, #tpu.memory_space<hbm>>
      %dma_wait3A_35 = arith.constant 0 : i32
      %dma_wait3A_36 = arith.constant 0 : i32
      %dma_wait3A_37 = tpu.memref_slice %arg6[%dma_wait3A_35, %dma_wait3A_36] : memref<130x80xi32, #tpu.memory_space<vmem>> -> memref<120x80xi32, #tpu.memory_space<vmem>>
      %dma_wait3A_38 = arith.constant 130 : i32
      %dma_wait3A_39 = arith.constant 0 : i32
      %dma_wait3A_40 = tpu.memref_slice %arg3[%add3A_8, %dma_wait3A_38, %dma_wait3A_39] : memref<32x250x80xi32, #tpu.memory_space<hbm>> -> memref<1x120x80xi32, #tpu.memory_space<hbm>>
      %dma_wait3A_41 = tpu.memref_squeeze %dma_wait3A_40 : memref<1x120x80xi32, #tpu.memory_space<hbm>> -> memref<120x80xi32, #tpu.memory_space<hbm>>
      tpu.wait_dma2 semaphore(%run_scoped3A : memref<!tpu.dma_semaphore, #tpu.memory_space<semaphore_mem>>) src(%dma_wait3A_41 : memref<120x80xi32, #tpu.memory_space<hbm>>) dst(%dma_wait3A_37 : memref<120x80xi32, #tpu.memory_space<vmem>>)
      tpu.yield
    }) : () -> ()
    %scan3A_9 = arith.constant 0 : i32
    %scan3A_10 = arith.constant 0 : i32
    %scan3A_11 = arith.constant 12 : i32
    %scan3A_12 = arith.addi %scan3A_10, %scan3A_11 : i32
    %scan3A_13 = arith.constant 1 : i32
    scf.for %scan3A_16 = %scan3A_10 to %scan3A_12 step %scan3A_13  : i32 {
      %mul3A_17 = arith.constant 10 : i32
      %mul3A_18 = arith.muli %scan3A_16, %mul3A_17 : i32
      %add3A_19 = arith.constant 0 : i32
      %add3A_20 = arith.addi %mul3A_18, %add3A_19 : i32
      %dma_start3A = arith.constant 0 : i32
      %dma_start3A_21 = arith.constant 0 : i32
      %dma_start3A_22 = arith.constant 0 : i32
      %dma_start3A_23 = tpu.memref_slice %arg7[%dma_start3A, %dma_start3A_21, %dma_start3A_22] : memref<10x80x64xf32, #tpu.memory_space<vmem>> -> memref<1x80x64xf32, #tpu.memory_space<vmem>>
      %dma_start3A_24 = tpu.memref_squeeze %dma_start3A_23 : memref<1x80x64xf32, #tpu.memory_space<vmem>> -> memref<80x64xf32, #tpu.memory_space<vmem>>
      %dma_start3A_25 = arith.constant 0 : i32
      %dma_start3A_26 = tpu.memref_slice %arg5[%add3A_20, %dma_start3A_25] : memref<130x80xi32, #tpu.memory_space<vmem>> -> memref<1x80xi32, #tpu.memory_space<vmem>>
      %dma_start3A_27 = tpu.memref_squeeze %dma_start3A_26 : memref<1x80xi32, #tpu.memory_space<vmem>> -> memref<80xi32, #tpu.memory_space<vmem>>
      %dma_start3A_28 = arith.constant 0 : i32
      %dma_start3A_29 = arith.constant 0 : i32
      %dma_start3A_30 = tpu.memref_slice %arg2[%arg0, %dma_start3A_28, %dma_start3A_29] : memref<2x10240x64xf32, #tpu.memory_space<hbm>> -> memref<1x10240x64xf32, #tpu.memory_space<hbm>>
      %dma_start3A_31 = tpu.memref_squeeze %dma_start3A_30 : memref<1x10240x64xf32, #tpu.memory_space<hbm>> -> memref<10240x64xf32, #tpu.memory_space<hbm>>
      %dma_start3A_32 = arith.constant 0 : i32
      %dma_start3A_33 = arith.constant 0 : i32
      %dma_start3A_34 = tpu.memref_slice %dma_start3A_31[%dma_start3A_32, %dma_start3A_33] : memref<10240x64xf32, #tpu.memory_space<hbm>> -> memref<10240x64xf32, #tpu.memory_space<hbm>>
      tpu.enqueue_indirect_dma source(%dma_start3A_34 : memref<10240x64xf32, #tpu.memory_space<hbm>>) target(%dma_start3A_24 : memref<80x64xf32, #tpu.memory_space<vmem>>) offsets(%dma_start3A_27 : memref<80xi32, #tpu.memory_space<vmem>>) semaphore(%arg9 : memref<!tpu.dma_semaphore, #tpu.memory_space<semaphore_mem>>)
      %add3A_35 = arith.constant 1 : i32
      %add3A_36 = arith.addi %mul3A_18, %add3A_35 : i32
      %dma_start3A_37 = arith.constant 1 : i32
      %dma_start3A_38 = arith.constant 0 : i32
      %dma_start3A_39 = arith.constant 0 : i32
      %dma_start3A_40 = tpu.memref_slice %arg7[%dma_start3A_37, %dma_start3A_38, %dma_start3A_39] : memref<10x80x64xf32, #tpu.memory_space<vmem>> -> memref<1x80x64xf32, #tpu.memory_space<vmem>>
      %dma_start3A_41 = tpu.memref_squeeze %dma_start3A_40 : memref<1x80x64xf32, #tpu.memory_space<vmem>> -> memref<80x64xf32, #tpu.memory_space<vmem>>
      %dma_start3A_42 = arith.constant 0 : i32
      %dma_start3A_43 = tpu.memref_slice %arg5[%add3A_36, %dma_start3A_42] : memref<130x80xi32, #tpu.memory_space<vmem>> -> memref<1x80xi32, #tpu.memory_space<vmem>>
      %dma_start3A_44 = tpu.memref_squeeze %dma_start3A_43 : memref<1x80xi32, #tpu.memory_space<vmem>> -> memref<80xi32, #tpu.memory_space<vmem>>
      %dma_start3A_45 = arith.constant 0 : i32
      %dma_start3A_46 = arith.constant 0 : i32
      %dma_start3A_47 = tpu.memref_slice %arg2[%arg0, %dma_start3A_45, %dma_start3A_46] : memref<2x10240x64xf32, #tpu.memory_space<hbm>> -> memref<1x10240x64xf32, #tpu.memory_space<hbm>>
      %dma_start3A_48 = tpu.memref_squeeze %dma_start3A_47 : memref<1x10240x64xf32, #tpu.memory_space<hbm>> -> memref<10240x64xf32, #tpu.memory_space<hbm>>
      %dma_start3A_49 = arith.constant 0 : i32
      %dma_start3A_50 = arith.constant 0 : i32
      %dma_start3A_51 = tpu.memref_slice %dma_start3A_48[%dma_start3A_49, %dma_start3A_50] : memref<10240x64xf32, #tpu.memory_space<hbm>> -> memref<10240x64xf32, #tpu.memory_space<hbm>>
      tpu.enqueue_indirect_dma source(%dma_start3A_51 : memref<10240x64xf32, #tpu.memory_space<hbm>>) target(%dma_start3A_41 : memref<80x64xf32, #tpu.memory_space<vmem>>) offsets(%dma_start3A_44 : memref<80xi32, #tpu.memory_space<vmem>>) semaphore(%arg9 : memref<!tpu.dma_semaphore, #tpu.memory_space<semaphore_mem>>)
      %add3A_52 = arith.constant 2 : i32
      %add3A_53 = arith.addi %mul3A_18, %add3A_52 : i32
      %dma_start3A_54 = arith.constant 2 : i32
      %dma_start3A_55 = arith.constant 0 : i32
      %dma_start3A_56 = arith.constant 0 : i32
      %dma_start3A_57 = tpu.memref_slice %arg7[%dma_start3A_54, %dma_start3A_55, %dma_start3A_56] : memref<10x80x64xf32, #tpu.memory_space<vmem>> -> memref<1x80x64xf32, #tpu.memory_space<vmem>>
      %dma_start3A_58 = tpu.memref_squeeze %dma_start3A_57 : memref<1x80x64xf32, #tpu.memory_space<vmem>> -> memref<80x64xf32, #tpu.memory_space<vmem>>
      %dma_start3A_59 = arith.constant 0 : i32
      %dma_start3A_60 = tpu.memref_slice %arg5[%add3A_53, %dma_start3A_59] : memref<130x80xi32, #tpu.memory_space<vmem>> -> memref<1x80xi32, #tpu.memory_space<vmem>>
      %dma_start3A_61 = tpu.memref_squeeze %dma_start3A_60 : memref<1x80xi32, #tpu.memory_space<vmem>> -> memref<80xi32, #tpu.memory_space<vmem>>
      %dma_start3A_62 = arith.constant 0 : i32
      %dma_start3A_63 = arith.constant 0 : i32
      %dma_start3A_64 = tpu.memref_slice %arg2[%arg0, %dma_start3A_62, %dma_start3A_63] : memref<2x10240x64xf32, #tpu.memory_space<hbm>> -> memref<1x10240x64xf32, #tpu.memory_space<hbm>>
      %dma_start3A_65 = tpu.memref_squeeze %dma_start3A_64 : memref<1x10240x64xf32, #tpu.memory_space<hbm>> -> memref<10240x64xf32, #tpu.memory_space<hbm>>
      %dma_start3A_66 = arith.constant 0 : i32
      %dma_start3A_67 = arith.constant 0 : i32
      %dma_start3A_68 = tpu.memref_slice %dma_start3A_65[%dma_start3A_66, %dma_start3A_67] : memref<10240x64xf32, #tpu.memory_space<hbm>> -> memref<10240x64xf32, #tpu.memory_space<hbm>>
      tpu.enqueue_indirect_dma source(%dma_start3A_68 : memref<10240x64xf32, #tpu.memory_space<hbm>>) target(%dma_start3A_58 : memref<80x64xf32, #tpu.memory_space<vmem>>) offsets(%dma_start3A_61 : memref<80xi32, #tpu.memory_space<vmem>>) semaphore(%arg9 : memref<!tpu.dma_semaphore, #tpu.memory_space<semaphore_mem>>)
      %add3A_69 = arith.constant 3 : i32
      %add3A_70 = arith.addi %mul3A_18, %add3A_69 : i32
      %dma_start3A_71 = arith.constant 3 : i32
      %dma_start3A_72 = arith.constant 0 : i32
      %dma_start3A_73 = arith.constant 0 : i32
      %dma_start3A_74 = tpu.memref_slice %arg7[%dma_start3A_71, %dma_start3A_72, %dma_start3A_73] : memref<10x80x64xf32, #tpu.memory_space<vmem>> -> memref<1x80x64xf32, #tpu.memory_space<vmem>>
      %dma_start3A_75 = tpu.memref_squeeze %dma_start3A_74 : memref<1x80x64xf32, #tpu.memory_space<vmem>> -> memref<80x64xf32, #tpu.memory_space<vmem>>
      %dma_start3A_76 = arith.constant 0 : i32
      %dma_start3A_77 = tpu.memref_slice %arg5[%add3A_70, %dma_start3A_76] : memref<130x80xi32, #tpu.memory_space<vmem>> -> memref<1x80xi32, #tpu.memory_space<vmem>>
      %dma_start3A_78 = tpu.memref_squeeze %dma_start3A_77 : memref<1x80xi32, #tpu.memory_space<vmem>> -> memref<80xi32, #tpu.memory_space<vmem>>
      %dma_start3A_79 = arith.constant 0 : i32
      %dma_start3A_80 = arith.constant 0 : i32
      %dma_start3A_81 = tpu.memref_slice %arg2[%arg0, %dma_start3A_79, %dma_start3A_80] : memref<2x10240x64xf32, #tpu.memory_space<hbm>> -> memref<1x10240x64xf32, #tpu.memory_space<hbm>>
      %dma_start3A_82 = tpu.memref_squeeze %dma_start3A_81 : memref<1x10240x64xf32, #tpu.memory_space<hbm>> -> memref<10240x64xf32, #tpu.memory_space<hbm>>
      %dma_start3A_83 = arith.constant 0 : i32
      %dma_start3A_84 = arith.constant 0 : i32
      %dma_start3A_85 = tpu.memref_slice %dma_start3A_82[%dma_start3A_83, %dma_start3A_84] : memref<10240x64xf32, #tpu.memory_space<hbm>> -> memref<10240x64xf32, #tpu.memory_space<hbm>>
      tpu.enqueue_indirect_dma source(%dma_start3A_85 : memref<10240x64xf32, #tpu.memory_space<hbm>>) target(%dma_start3A_75 : memref<80x64xf32, #tpu.memory_space<vmem>>) offsets(%dma_start3A_78 : memref<80xi32, #tpu.memory_space<vmem>>) semaphore(%arg9 : memref<!tpu.dma_semaphore, #tpu.memory_space<semaphore_mem>>)
      %add3A_86 = arith.constant 4 : i32
      %add3A_87 = arith.addi %mul3A_18, %add3A_86 : i32
      %dma_start3A_88 = arith.constant 4 : i32
      %dma_start3A_89 = arith.constant 0 : i32
      %dma_start3A_90 = arith.constant 0 : i32
      %dma_start3A_91 = tpu.memref_slice %arg7[%dma_start3A_88, %dma_start3A_89, %dma_start3A_90] : memref<10x80x64xf32, #tpu.memory_space<vmem>> -> memref<1x80x64xf32, #tpu.memory_space<vmem>>
      %dma_start3A_92 = tpu.memref_squeeze %dma_start3A_91 : memref<1x80x64xf32, #tpu.memory_space<vmem>> -> memref<80x64xf32, #tpu.memory_space<vmem>>
      %dma_start3A_93 = arith.constant 0 : i32
      %dma_start3A_94 = tpu.memref_slice %arg5[%add3A_87, %dma_start3A_93] : memref<130x80xi32, #tpu.memory_space<vmem>> -> memref<1x80xi32, #tpu.memory_space<vmem>>
      %dma_start3A_95 = tpu.memref_squeeze %dma_start3A_94 : memref<1x80xi32, #tpu.memory_space<vmem>> -> memref<80xi32, #tpu.memory_space<vmem>>
      %dma_start3A_96 = arith.constant 0 : i32
      %dma_start3A_97 = arith.constant 0 : i32
      %dma_start3A_98 = tpu.memref_slice %arg2[%arg0, %dma_start3A_96, %dma_start3A_97] : memref<2x10240x64xf32, #tpu.memory_space<hbm>> -> memref<1x10240x64xf32, #tpu.memory_space<hbm>>
      %dma_start3A_99 = tpu.memref_squeeze %dma_start3A_98 : memref<1x10240x64xf32, #tpu.memory_space<hbm>> -> memref<10240x64xf32, #tpu.memory_space<hbm>>
      %dma_start3A_100 = arith.constant 0 : i32
      %dma_start3A_101 = arith.constant 0 : i32
      %dma_start3A_102 = tpu.memref_slice %dma_start3A_99[%dma_start3A_100, %dma_start3A_101] : memref<10240x64xf32, #tpu.memory_space<hbm>> -> memref<10240x64xf32, #tpu.memory_space<hbm>>
      tpu.enqueue_indirect_dma source(%dma_start3A_102 : memref<10240x64xf32, #tpu.memory_space<hbm>>) target(%dma_start3A_92 : memref<80x64xf32, #tpu.memory_space<vmem>>) offsets(%dma_start3A_95 : memref<80xi32, #tpu.memory_space<vmem>>) semaphore(%arg9 : memref<!tpu.dma_semaphore, #tpu.memory_space<semaphore_mem>>)
      %add3A_103 = arith.constant 5 : i32
      %add3A_104 = arith.addi %mul3A_18, %add3A_103 : i32
      %dma_start3A_105 = arith.constant 5 : i32
      %dma_start3A_106 = arith.constant 0 : i32
      %dma_start3A_107 = arith.constant 0 : i32
      %dma_start3A_108 = tpu.memref_slice %arg7[%dma_start3A_105, %dma_start3A_106, %dma_start3A_107] : memref<10x80x64xf32, #tpu.memory_space<vmem>> -> memref<1x80x64xf32, #tpu.memory_space<vmem>>
      %dma_start3A_109 = tpu.memref_squeeze %dma_start3A_108 : memref<1x80x64xf32, #tpu.memory_space<vmem>> -> memref<80x64xf32, #tpu.memory_space<vmem>>
      %dma_start3A_110 = arith.constant 0 : i32
      %dma_start3A_111 = tpu.memref_slice %arg5[%add3A_104, %dma_start3A_110] : memref<130x80xi32, #tpu.memory_space<vmem>> -> memref<1x80xi32, #tpu.memory_space<vmem>>
      %dma_start3A_112 = tpu.memref_squeeze %dma_start3A_111 : memref<1x80xi32, #tpu.memory_space<vmem>> -> memref<80xi32, #tpu.memory_space<vmem>>
      %dma_start3A_113 = arith.constant 0 : i32
      %dma_start3A_114 = arith.constant 0 : i32
      %dma_start3A_115 = tpu.memref_slice %arg2[%arg0, %dma_start3A_113, %dma_start3A_114] : memref<2x10240x64xf32, #tpu.memory_space<hbm>> -> memref<1x10240x64xf32, #tpu.memory_space<hbm>>
      %dma_start3A_116 = tpu.memref_squeeze %dma_start3A_115 : memref<1x10240x64xf32, #tpu.memory_space<hbm>> -> memref<10240x64xf32, #tpu.memory_space<hbm>>
      %dma_start3A_117 = arith.constant 0 : i32
      %dma_start3A_118 = arith.constant 0 : i32
      %dma_start3A_119 = tpu.memref_slice %dma_start3A_116[%dma_start3A_117, %dma_start3A_118] : memref<10240x64xf32, #tpu.memory_space<hbm>> -> memref<10240x64xf32, #tpu.memory_space<hbm>>
      tpu.enqueue_indirect_dma source(%dma_start3A_119 : memref<10240x64xf32, #tpu.memory_space<hbm>>) target(%dma_start3A_109 : memref<80x64xf32, #tpu.memory_space<vmem>>) offsets(%dma_start3A_112 : memref<80xi32, #tpu.memory_space<vmem>>) semaphore(%arg9 : memref<!tpu.dma_semaphore, #tpu.memory_space<semaphore_mem>>)
      %add3A_120 = arith.constant 6 : i32
      %add3A_121 = arith.addi %mul3A_18, %add3A_120 : i32
      %dma_start3A_122 = arith.constant 6 : i32
      %dma_start3A_123 = arith.constant 0 : i32
      %dma_start3A_124 = arith.constant 0 : i32
      %dma_start3A_125 = tpu.memref_slice %arg7[%dma_start3A_122, %dma_start3A_123, %dma_start3A_124] : memref<10x80x64xf32, #tpu.memory_space<vmem>> -> memref<1x80x64xf32, #tpu.memory_space<vmem>>
      %dma_start3A_126 = tpu.memref_squeeze %dma_start3A_125 : memref<1x80x64xf32, #tpu.memory_space<vmem>> -> memref<80x64xf32, #tpu.memory_space<vmem>>
      %dma_start3A_127 = arith.constant 0 : i32
      %dma_start3A_128 = tpu.memref_slice %arg5[%add3A_121, %dma_start3A_127] : memref<130x80xi32, #tpu.memory_space<vmem>> -> memref<1x80xi32, #tpu.memory_space<vmem>>
      %dma_start3A_129 = tpu.memref_squeeze %dma_start3A_128 : memref<1x80xi32, #tpu.memory_space<vmem>> -> memref<80xi32, #tpu.memory_space<vmem>>
      %dma_start3A_130 = arith.constant 0 : i32
      %dma_start3A_131 = arith.constant 0 : i32
      %dma_start3A_132 = tpu.memref_slice %arg2[%arg0, %dma_start3A_130, %dma_start3A_131] : memref<2x10240x64xf32, #tpu.memory_space<hbm>> -> memref<1x10240x64xf32, #tpu.memory_space<hbm>>
      %dma_start3A_133 = tpu.memref_squeeze %dma_start3A_132 : memref<1x10240x64xf32, #tpu.memory_space<hbm>> -> memref<10240x64xf32, #tpu.memory_space<hbm>>
      %dma_start3A_134 = arith.constant 0 : i32
      %dma_start3A_135 = arith.constant 0 : i32
      %dma_start3A_136 = tpu.memref_slice %dma_start3A_133[%dma_start3A_134, %dma_start3A_135] : memref<10240x64xf32, #tpu.memory_space<hbm>> -> memref<10240x64xf32, #tpu.memory_space<hbm>>
      tpu.enqueue_indirect_dma source(%dma_start3A_136 : memref<10240x64xf32, #tpu.memory_space<hbm>>) target(%dma_start3A_126 : memref<80x64xf32, #tpu.memory_space<vmem>>) offsets(%dma_start3A_129 : memref<80xi32, #tpu.memory_space<vmem>>) semaphore(%arg9 : memref<!tpu.dma_semaphore, #tpu.memory_space<semaphore_mem>>)
      %add3A_137 = arith.constant 7 : i32
      %add3A_138 = arith.addi %mul3A_18, %add3A_137 : i32
      %dma_start3A_139 = arith.constant 7 : i32
      %dma_start3A_140 = arith.constant 0 : i32
      %dma_start3A_141 = arith.constant 0 : i32
      %dma_start3A_142 = tpu.memref_slice %arg7[%dma_start3A_139, %dma_start3A_140, %dma_start3A_141] : memref<10x80x64xf32, #tpu.memory_space<vmem>> -> memref<1x80x64xf32, #tpu.memory_space<vmem>>
      %dma_start3A_143 = tpu.memref_squeeze %dma_start3A_142 : memref<1x80x64xf32, #tpu.memory_space<vmem>> -> memref<80x64xf32, #tpu.memory_space<vmem>>
      %dma_start3A_144 = arith.constant 0 : i32
      %dma_start3A_145 = tpu.memref_slice %arg5[%add3A_138, %dma_start3A_144] : memref<130x80xi32, #tpu.memory_space<vmem>> -> memref<1x80xi32, #tpu.memory_space<vmem>>
      %dma_start3A_146 = tpu.memref_squeeze %dma_start3A_145 : memref<1x80xi32, #tpu.memory_space<vmem>> -> memref<80xi32, #tpu.memory_space<vmem>>
      %dma_start3A_147 = arith.constant 0 : i32
      %dma_start3A_148 = arith.constant 0 : i32
      %dma_start3A_149 = tpu.memref_slice %arg2[%arg0, %dma_start3A_147, %dma_start3A_148] : memref<2x10240x64xf32, #tpu.memory_space<hbm>> -> memref<1x10240x64xf32, #tpu.memory_space<hbm>>
      %dma_start3A_150 = tpu.memref_squeeze %dma_start3A_149 : memref<1x10240x64xf32, #tpu.memory_space<hbm>> -> memref<10240x64xf32, #tpu.memory_space<hbm>>
      %dma_start3A_151 = arith.constant 0 : i32
      %dma_start3A_152 = arith.constant 0 : i32
      %dma_start3A_153 = tpu.memref_slice %dma_start3A_150[%dma_start3A_151, %dma_start3A_152] : memref<10240x64xf32, #tpu.memory_space<hbm>> -> memref<10240x64xf32, #tpu.memory_space<hbm>>
      tpu.enqueue_indirect_dma source(%dma_start3A_153 : memref<10240x64xf32, #tpu.memory_space<hbm>>) target(%dma_start3A_143 : memref<80x64xf32, #tpu.memory_space<vmem>>) offsets(%dma_start3A_146 : memref<80xi32, #tpu.memory_space<vmem>>) semaphore(%arg9 : memref<!tpu.dma_semaphore, #tpu.memory_space<semaphore_mem>>)
      %add3A_154 = arith.constant 8 : i32
      %add3A_155 = arith.addi %mul3A_18, %add3A_154 : i32
      %dma_start3A_156 = arith.constant 8 : i32
      %dma_start3A_157 = arith.constant 0 : i32
      %dma_start3A_158 = arith.constant 0 : i32
      %dma_start3A_159 = tpu.memref_slice %arg7[%dma_start3A_156, %dma_start3A_157, %dma_start3A_158] : memref<10x80x64xf32, #tpu.memory_space<vmem>> -> memref<1x80x64xf32, #tpu.memory_space<vmem>>
      %dma_start3A_160 = tpu.memref_squeeze %dma_start3A_159 : memref<1x80x64xf32, #tpu.memory_space<vmem>> -> memref<80x64xf32, #tpu.memory_space<vmem>>
      %dma_start3A_161 = arith.constant 0 : i32
      %dma_start3A_162 = tpu.memref_slice %arg5[%add3A_155, %dma_start3A_161] : memref<130x80xi32, #tpu.memory_space<vmem>> -> memref<1x80xi32, #tpu.memory_space<vmem>>
      %dma_start3A_163 = tpu.memref_squeeze %dma_start3A_162 : memref<1x80xi32, #tpu.memory_space<vmem>> -> memref<80xi32, #tpu.memory_space<vmem>>
      %dma_start3A_164 = arith.constant 0 : i32
      %dma_start3A_165 = arith.constant 0 : i32
      %dma_start3A_166 = tpu.memref_slice %arg2[%arg0, %dma_start3A_164, %dma_start3A_165] : memref<2x10240x64xf32, #tpu.memory_space<hbm>> -> memref<1x10240x64xf32, #tpu.memory_space<hbm>>
      %dma_start3A_167 = tpu.memref_squeeze %dma_start3A_166 : memref<1x10240x64xf32, #tpu.memory_space<hbm>> -> memref<10240x64xf32, #tpu.memory_space<hbm>>
      %dma_start3A_168 = arith.constant 0 : i32
      %dma_start3A_169 = arith.constant 0 : i32
      %dma_start3A_170 = tpu.memref_slice %dma_start3A_167[%dma_start3A_168, %dma_start3A_169] : memref<10240x64xf32, #tpu.memory_space<hbm>> -> memref<10240x64xf32, #tpu.memory_space<hbm>>
      tpu.enqueue_indirect_dma source(%dma_start3A_170 : memref<10240x64xf32, #tpu.memory_space<hbm>>) target(%dma_start3A_160 : memref<80x64xf32, #tpu.memory_space<vmem>>) offsets(%dma_start3A_163 : memref<80xi32, #tpu.memory_space<vmem>>) semaphore(%arg9 : memref<!tpu.dma_semaphore, #tpu.memory_space<semaphore_mem>>)
      %add3A_171 = arith.constant 9 : i32
      %add3A_172 = arith.addi %mul3A_18, %add3A_171 : i32
      %dma_start3A_173 = arith.constant 9 : i32
      %dma_start3A_174 = arith.constant 0 : i32
      %dma_start3A_175 = arith.constant 0 : i32
      %dma_start3A_176 = tpu.memref_slice %arg7[%dma_start3A_173, %dma_start3A_174, %dma_start3A_175] : memref<10x80x64xf32, #tpu.memory_space<vmem>> -> memref<1x80x64xf32, #tpu.memory_space<vmem>>
      %dma_start3A_177 = tpu.memref_squeeze %dma_start3A_176 : memref<1x80x64xf32, #tpu.memory_space<vmem>> -> memref<80x64xf32, #tpu.memory_space<vmem>>
      %dma_start3A_178 = arith.constant 0 : i32
      %dma_start3A_179 = tpu.memref_slice %arg5[%add3A_172, %dma_start3A_178] : memref<130x80xi32, #tpu.memory_space<vmem>> -> memref<1x80xi32, #tpu.memory_space<vmem>>
      %dma_start3A_180 = tpu.memref_squeeze %dma_start3A_179 : memref<1x80xi32, #tpu.memory_space<vmem>> -> memref<80xi32, #tpu.memory_space<vmem>>
      %dma_start3A_181 = arith.constant 0 : i32
      %dma_start3A_182 = arith.constant 0 : i32
      %dma_start3A_183 = tpu.memref_slice %arg2[%arg0, %dma_start3A_181, %dma_start3A_182] : memref<2x10240x64xf32, #tpu.memory_space<hbm>> -> memref<1x10240x64xf32, #tpu.memory_space<hbm>>
      %dma_start3A_184 = tpu.memref_squeeze %dma_start3A_183 : memref<1x10240x64xf32, #tpu.memory_space<hbm>> -> memref<10240x64xf32, #tpu.memory_space<hbm>>
      %dma_start3A_185 = arith.constant 0 : i32
      %dma_start3A_186 = arith.constant 0 : i32
      %dma_start3A_187 = tpu.memref_slice %dma_start3A_184[%dma_start3A_185, %dma_start3A_186] : memref<10240x64xf32, #tpu.memory_space<hbm>> -> memref<10240x64xf32, #tpu.memory_space<hbm>>
      tpu.enqueue_indirect_dma source(%dma_start3A_187 : memref<10240x64xf32, #tpu.memory_space<hbm>>) target(%dma_start3A_177 : memref<80x64xf32, #tpu.memory_space<vmem>>) offsets(%dma_start3A_180 : memref<80xi32, #tpu.memory_space<vmem>>) semaphore(%arg9 : memref<!tpu.dma_semaphore, #tpu.memory_space<semaphore_mem>>)
      %dma_wait3A = arith.constant 0 : i32
      %dma_wait3A_188 = arith.constant 0 : i32
      %dma_wait3A_189 = arith.constant 0 : i32
      %dma_wait3A_190 = tpu.memref_slice %arg7[%dma_wait3A, %dma_wait3A_188, %dma_wait3A_189] : memref<10x80x64xf32, #tpu.memory_space<vmem>> -> memref<1x80x64xf32, #tpu.memory_space<vmem>>
      %dma_wait3A_191 = tpu.memref_squeeze %dma_wait3A_190 : memref<1x80x64xf32, #tpu.memory_space<vmem>> -> memref<80x64xf32, #tpu.memory_space<vmem>>
      %dma_wait3A_192 = arith.constant 0 : i32
      %dma_wait3A_193 = tpu.memref_slice %arg5[%add3A_20, %dma_wait3A_192] : memref<130x80xi32, #tpu.memory_space<vmem>> -> memref<1x80xi32, #tpu.memory_space<vmem>>
      %dma_wait3A_194 = tpu.memref_squeeze %dma_wait3A_193 : memref<1x80xi32, #tpu.memory_space<vmem>> -> memref<80xi32, #tpu.memory_space<vmem>>
      %dma_wait3A_195 = arith.constant 0 : i32
      %dma_wait3A_196 = arith.constant 0 : i32
      %dma_wait3A_197 = tpu.memref_slice %arg2[%arg0, %dma_wait3A_195, %dma_wait3A_196] : memref<2x10240x64xf32, #tpu.memory_space<hbm>> -> memref<1x10240x64xf32, #tpu.memory_space<hbm>>
      %dma_wait3A_198 = tpu.memref_squeeze %dma_wait3A_197 : memref<1x10240x64xf32, #tpu.memory_space<hbm>> -> memref<10240x64xf32, #tpu.memory_space<hbm>>
      %dma_wait3A_199 = arith.constant 0 : i32
      %dma_wait3A_200 = arith.constant 0 : i32
      %dma_wait3A_201 = tpu.memref_slice %dma_wait3A_198[%dma_wait3A_199, %dma_wait3A_200] : memref<10240x64xf32, #tpu.memory_space<hbm>> -> memref<10240x64xf32, #tpu.memory_space<hbm>>
      tpu.wait_indirect_dma semaphore(%arg9 : memref<!tpu.dma_semaphore, #tpu.memory_space<semaphore_mem>>) src(%dma_wait3A_201 : memref<10240x64xf32, #tpu.memory_space<hbm>>) dst(%dma_wait3A_191 : memref<80x64xf32, #tpu.memory_space<vmem>>)
      %add3A_202 = arith.constant 0 : i32
      %add3A_203 = arith.addi %mul3A_18, %add3A_202 : i32
      %dma_start3A_204 = arith.constant 0 : i32
      %dma_start3A_205 = arith.constant 0 : i32
      %dma_start3A_206 = arith.constant 0 : i32
      %dma_start3A_207 = tpu.memref_slice %arg7[%dma_start3A_204, %dma_start3A_205, %dma_start3A_206] : memref<10x80x64xf32, #tpu.memory_space<vmem>> -> memref<1x80x64xf32, #tpu.memory_space<vmem>>
      %dma_start3A_208 = tpu.memref_squeeze %dma_start3A_207 : memref<1x80x64xf32, #tpu.memory_space<vmem>> -> memref<80x64xf32, #tpu.memory_space<vmem>>
      %dma_start3A_209 = arith.constant 0 : i32
      %dma_start3A_210 = tpu.memref_slice %arg6[%add3A_203, %dma_start3A_209] : memref<130x80xi32, #tpu.memory_space<vmem>> -> memref<1x80xi32, #tpu.memory_space<vmem>>
      %dma_start3A_211 = tpu.memref_squeeze %dma_start3A_210 : memref<1x80xi32, #tpu.memory_space<vmem>> -> memref<80xi32, #tpu.memory_space<vmem>>
      %dma_start3A_212 = arith.constant 0 : i32
      %dma_start3A_213 = arith.constant 0 : i32
      %dma_start3A_214 = tpu.memref_slice %arg8[%dma_start3A_212, %dma_start3A_213] : memref<10240x64xf32, #tpu.memory_space<vmem_shared>> -> memref<10240x64xf32, #tpu.memory_space<vmem_shared>>
      tpu.enqueue_indirect_dma source(%dma_start3A_208 : memref<80x64xf32, #tpu.memory_space<vmem>>) target(%dma_start3A_214 : memref<10240x64xf32, #tpu.memory_space<vmem_shared>>) offsets(%dma_start3A_211 : memref<80xi32, #tpu.memory_space<vmem>>) semaphore(%arg10 : memref<!tpu.dma_semaphore, #tpu.memory_space<semaphore_mem>>) {add = true}
      %dma_wait3A_215 = arith.constant 1 : i32
      %dma_wait3A_216 = arith.constant 0 : i32
      %dma_wait3A_217 = arith.constant 0 : i32
      %dma_wait3A_218 = tpu.memref_slice %arg7[%dma_wait3A_215, %dma_wait3A_216, %dma_wait3A_217] : memref<10x80x64xf32, #tpu.memory_space<vmem>> -> memref<1x80x64xf32, #tpu.memory_space<vmem>>
      %dma_wait3A_219 = tpu.memref_squeeze %dma_wait3A_218 : memref<1x80x64xf32, #tpu.memory_space<vmem>> -> memref<80x64xf32, #tpu.memory_space<vmem>>
      %dma_wait3A_220 = arith.constant 0 : i32
      %dma_wait3A_221 = tpu.memref_slice %arg5[%add3A_36, %dma_wait3A_220] : memref<130x80xi32, #tpu.memory_space<vmem>> -> memref<1x80xi32, #tpu.memory_space<vmem>>
      %dma_wait3A_222 = tpu.memref_squeeze %dma_wait3A_221 : memref<1x80xi32, #tpu.memory_space<vmem>> -> memref<80xi32, #tpu.memory_space<vmem>>
      %dma_wait3A_223 = arith.constant 0 : i32
      %dma_wait3A_224 = arith.constant 0 : i32
      %dma_wait3A_225 = tpu.memref_slice %arg2[%arg0, %dma_wait3A_223, %dma_wait3A_224] : memref<2x10240x64xf32, #tpu.memory_space<hbm>> -> memref<1x10240x64xf32, #tpu.memory_space<hbm>>
      %dma_wait3A_226 = tpu.memref_squeeze %dma_wait3A_225 : memref<1x10240x64xf32, #tpu.memory_space<hbm>> -> memref<10240x64xf32, #tpu.memory_space<hbm>>
      %dma_wait3A_227 = arith.constant 0 : i32
      %dma_wait3A_228 = arith.constant 0 : i32
      %dma_wait3A_229 = tpu.memref_slice %dma_wait3A_226[%dma_wait3A_227, %dma_wait3A_228] : memref<10240x64xf32, #tpu.memory_space<hbm>> -> memref<10240x64xf32, #tpu.memory_space<hbm>>
      tpu.wait_indirect_dma semaphore(%arg9 : memref<!tpu.dma_semaphore, #tpu.memory_space<semaphore_mem>>) src(%dma_wait3A_229 : memref<10240x64xf32, #tpu.memory_space<hbm>>) dst(%dma_wait3A_219 : memref<80x64xf32, #tpu.memory_space<vmem>>)
      %add3A_230 = arith.constant 1 : i32
      %add3A_231 = arith.addi %mul3A_18, %add3A_230 : i32
      %dma_start3A_232 = arith.constant 1 : i32
      %dma_start3A_233 = arith.constant 0 : i32
      %dma_start3A_234 = arith.constant 0 : i32
      %dma_start3A_235 = tpu.memref_slice %arg7[%dma_start3A_232, %dma_start3A_233, %dma_start3A_234] : memref<10x80x64xf32, #tpu.memory_space<vmem>> -> memref<1x80x64xf32, #tpu.memory_space<vmem>>
      %dma_start3A_236 = tpu.memref_squeeze %dma_start3A_235 : memref<1x80x64xf32, #tpu.memory_space<vmem>> -> memref<80x64xf32, #tpu.memory_space<vmem>>
      %dma_start3A_237 = arith.constant 0 : i32
      %dma_start3A_238 = tpu.memref_slice %arg6[%add3A_231, %dma_start3A_237] : memref<130x80xi32, #tpu.memory_space<vmem>> -> memref<1x80xi32, #tpu.memory_space<vmem>>
      %dma_start3A_239 = tpu.memref_squeeze %dma_start3A_238 : memref<1x80xi32, #tpu.memory_space<vmem>> -> memref<80xi32, #tpu.memory_space<vmem>>
      %dma_start3A_240 = arith.constant 0 : i32
      %dma_start3A_241 = arith.constant 0 : i32
      %dma_start3A_242 = tpu.memref_slice %arg8[%dma_start3A_240, %dma_start3A_241] : memref<10240x64xf32, #tpu.memory_space<vmem_shared>> -> memref<10240x64xf32, #tpu.memory_space<vmem_shared>>
      tpu.enqueue_indirect_dma source(%dma_start3A_236 : memref<80x64xf32, #tpu.memory_space<vmem>>) target(%dma_start3A_242 : memref<10240x64xf32, #tpu.memory_space<vmem_shared>>) offsets(%dma_start3A_239 : memref<80xi32, #tpu.memory_space<vmem>>) semaphore(%arg10 : memref<!tpu.dma_semaphore, #tpu.memory_space<semaphore_mem>>) {add = true}
      %dma_wait3A_243 = arith.constant 2 : i32
      %dma_wait3A_244 = arith.constant 0 : i32
      %dma_wait3A_245 = arith.constant 0 : i32
      %dma_wait3A_246 = tpu.memref_slice %arg7[%dma_wait3A_243, %dma_wait3A_244, %dma_wait3A_245] : memref<10x80x64xf32, #tpu.memory_space<vmem>> -> memref<1x80x64xf32, #tpu.memory_space<vmem>>
      %dma_wait3A_247 = tpu.memref_squeeze %dma_wait3A_246 : memref<1x80x64xf32, #tpu.memory_space<vmem>> -> memref<80x64xf32, #tpu.memory_space<vmem>>
      %dma_wait3A_248 = arith.constant 0 : i32
      %dma_wait3A_249 = tpu.memref_slice %arg5[%add3A_53, %dma_wait3A_248] : memref<130x80xi32, #tpu.memory_space<vmem>> -> memref<1x80xi32, #tpu.memory_space<vmem>>
      %dma_wait3A_250 = tpu.memref_squeeze %dma_wait3A_249 : memref<1x80xi32, #tpu.memory_space<vmem>> -> memref<80xi32, #tpu.memory_space<vmem>>
      %dma_wait3A_251 = arith.constant 0 : i32
      %dma_wait3A_252 = arith.constant 0 : i32
      %dma_wait3A_253 = tpu.memref_slice %arg2[%arg0, %dma_wait3A_251, %dma_wait3A_252] : memref<2x10240x64xf32, #tpu.memory_space<hbm>> -> memref<1x10240x64xf32, #tpu.memory_space<hbm>>
      %dma_wait3A_254 = tpu.memref_squeeze %dma_wait3A_253 : memref<1x10240x64xf32, #tpu.memory_space<hbm>> -> memref<10240x64xf32, #tpu.memory_space<hbm>>
      %dma_wait3A_255 = arith.constant 0 : i32
      %dma_wait3A_256 = arith.constant 0 : i32
      %dma_wait3A_257 = tpu.memref_slice %dma_wait3A_254[%dma_wait3A_255, %dma_wait3A_256] : memref<10240x64xf32, #tpu.memory_space<hbm>> -> memref<10240x64xf32, #tpu.memory_space<hbm>>
      tpu.wait_indirect_dma semaphore(%arg9 : memref<!tpu.dma_semaphore, #tpu.memory_space<semaphore_mem>>) src(%dma_wait3A_257 : memref<10240x64xf32, #tpu.memory_space<hbm>>) dst(%dma_wait3A_247 : memref<80x64xf32, #tpu.memory_space<vmem>>)
      %add3A_258 = arith.constant 2 : i32
      %add3A_259 = arith.addi %mul3A_18, %add3A_258 : i32
      %dma_start3A_260 = arith.constant 2 : i32
      %dma_start3A_261 = arith.constant 0 : i32
      %dma_start3A_262 = arith.constant 0 : i32
      %dma_start3A_263 = tpu.memref_slice %arg7[%dma_start3A_260, %dma_start3A_261, %dma_start3A_262] : memref<10x80x64xf32, #tpu.memory_space<vmem>> -> memref<1x80x64xf32, #tpu.memory_space<vmem>>
      %dma_start3A_264 = tpu.memref_squeeze %dma_start3A_263 : memref<1x80x64xf32, #tpu.memory_space<vmem>> -> memref<80x64xf32, #tpu.memory_space<vmem>>
      %dma_start3A_265 = arith.constant 0 : i32
      %dma_start3A_266 = tpu.memref_slice %arg6[%add3A_259, %dma_start3A_265] : memref<130x80xi32, #tpu.memory_space<vmem>> -> memref<1x80xi32, #tpu.memory_space<vmem>>
      %dma_start3A_267 = tpu.memref_squeeze %dma_start3A_266 : memref<1x80xi32, #tpu.memory_space<vmem>> -> memref<80xi32, #tpu.memory_space<vmem>>
      %dma_start3A_268 = arith.constant 0 : i32
      %dma_start3A_269 = arith.constant 0 : i32
      %dma_start3A_270 = tpu.memref_slice %arg8[%dma_start3A_268, %dma_start3A_269] : memref<10240x64xf32, #tpu.memory_space<vmem_shared>> -> memref<10240x64xf32, #tpu.memory_space<vmem_shared>>
      tpu.enqueue_indirect_dma source(%dma_start3A_264 : memref<80x64xf32, #tpu.memory_space<vmem>>) target(%dma_start3A_270 : memref<10240x64xf32, #tpu.memory_space<vmem_shared>>) offsets(%dma_start3A_267 : memref<80xi32, #tpu.memory_space<vmem>>) semaphore(%arg10 : memref<!tpu.dma_semaphore, #tpu.memory_space<semaphore_mem>>) {add = true}
      %dma_wait3A_271 = arith.constant 3 : i32
      %dma_wait3A_272 = arith.constant 0 : i32
      %dma_wait3A_273 = arith.constant 0 : i32
      %dma_wait3A_274 = tpu.memref_slice %arg7[%dma_wait3A_271, %dma_wait3A_272, %dma_wait3A_273] : memref<10x80x64xf32, #tpu.memory_space<vmem>> -> memref<1x80x64xf32, #tpu.memory_space<vmem>>
      %dma_wait3A_275 = tpu.memref_squeeze %dma_wait3A_274 : memref<1x80x64xf32, #tpu.memory_space<vmem>> -> memref<80x64xf32, #tpu.memory_space<vmem>>
      %dma_wait3A_276 = arith.constant 0 : i32
      %dma_wait3A_277 = tpu.memref_slice %arg5[%add3A_70, %dma_wait3A_276] : memref<130x80xi32, #tpu.memory_space<vmem>> -> memref<1x80xi32, #tpu.memory_space<vmem>>
      %dma_wait3A_278 = tpu.memref_squeeze %dma_wait3A_277 : memref<1x80xi32, #tpu.memory_space<vmem>> -> memref<80xi32, #tpu.memory_space<vmem>>
      %dma_wait3A_279 = arith.constant 0 : i32
      %dma_wait3A_280 = arith.constant 0 : i32
      %dma_wait3A_281 = tpu.memref_slice %arg2[%arg0, %dma_wait3A_279, %dma_wait3A_280] : memref<2x10240x64xf32, #tpu.memory_space<hbm>> -> memref<1x10240x64xf32, #tpu.memory_space<hbm>>
      %dma_wait3A_282 = tpu.memref_squeeze %dma_wait3A_281 : memref<1x10240x64xf32, #tpu.memory_space<hbm>> -> memref<10240x64xf32, #tpu.memory_space<hbm>>
      %dma_wait3A_283 = arith.constant 0 : i32
      %dma_wait3A_284 = arith.constant 0 : i32
      %dma_wait3A_285 = tpu.memref_slice %dma_wait3A_282[%dma_wait3A_283, %dma_wait3A_284] : memref<10240x64xf32, #tpu.memory_space<hbm>> -> memref<10240x64xf32, #tpu.memory_space<hbm>>
      tpu.wait_indirect_dma semaphore(%arg9 : memref<!tpu.dma_semaphore, #tpu.memory_space<semaphore_mem>>) src(%dma_wait3A_285 : memref<10240x64xf32, #tpu.memory_space<hbm>>) dst(%dma_wait3A_275 : memref<80x64xf32, #tpu.memory_space<vmem>>)
      %add3A_286 = arith.constant 3 : i32
      %add3A_287 = arith.addi %mul3A_18, %add3A_286 : i32
      %dma_start3A_288 = arith.constant 3 : i32
      %dma_start3A_289 = arith.constant 0 : i32
      %dma_start3A_290 = arith.constant 0 : i32
      %dma_start3A_291 = tpu.memref_slice %arg7[%dma_start3A_288, %dma_start3A_289, %dma_start3A_290] : memref<10x80x64xf32, #tpu.memory_space<vmem>> -> memref<1x80x64xf32, #tpu.memory_space<vmem>>
      %dma_start3A_292 = tpu.memref_squeeze %dma_start3A_291 : memref<1x80x64xf32, #tpu.memory_space<vmem>> -> memref<80x64xf32, #tpu.memory_space<vmem>>
      %dma_start3A_293 = arith.constant 0 : i32
      %dma_start3A_294 = tpu.memref_slice %arg6[%add3A_287, %dma_start3A_293] : memref<130x80xi32, #tpu.memory_space<vmem>> -> memref<1x80xi32, #tpu.memory_space<vmem>>
      %dma_start3A_295 = tpu.memref_squeeze %dma_start3A_294 : memref<1x80xi32, #tpu.memory_space<vmem>> -> memref<80xi32, #tpu.memory_space<vmem>>
      %dma_start3A_296 = arith.constant 0 : i32
      %dma_start3A_297 = arith.constant 0 : i32
      %dma_start3A_298 = tpu.memref_slice %arg8[%dma_start3A_296, %dma_start3A_297] : memref<10240x64xf32, #tpu.memory_space<vmem_shared>> -> memref<10240x64xf32, #tpu.memory_space<vmem_shared>>
      tpu.enqueue_indirect_dma source(%dma_start3A_292 : memref<80x64xf32, #tpu.memory_space<vmem>>) target(%dma_start3A_298 : memref<10240x64xf32, #tpu.memory_space<vmem_shared>>) offsets(%dma_start3A_295 : memref<80xi32, #tpu.memory_space<vmem>>) semaphore(%arg10 : memref<!tpu.dma_semaphore, #tpu.memory_space<semaphore_mem>>) {add = true}
      %dma_wait3A_299 = arith.constant 4 : i32
      %dma_wait3A_300 = arith.constant 0 : i32
      %dma_wait3A_301 = arith.constant 0 : i32
      %dma_wait3A_302 = tpu.memref_slice %arg7[%dma_wait3A_299, %dma_wait3A_300, %dma_wait3A_301] : memref<10x80x64xf32, #tpu.memory_space<vmem>> -> memref<1x80x64xf32, #tpu.memory_space<vmem>>
      %dma_wait3A_303 = tpu.memref_squeeze %dma_wait3A_302 : memref<1x80x64xf32, #tpu.memory_space<vmem>> -> memref<80x64xf32, #tpu.memory_space<vmem>>
      %dma_wait3A_304 = arith.constant 0 : i32
      %dma_wait3A_305 = tpu.memref_slice %arg5[%add3A_87, %dma_wait3A_304] : memref<130x80xi32, #tpu.memory_space<vmem>> -> memref<1x80xi32, #tpu.memory_space<vmem>>
      %dma_wait3A_306 = tpu.memref_squeeze %dma_wait3A_305 : memref<1x80xi32, #tpu.memory_space<vmem>> -> memref<80xi32, #tpu.memory_space<vmem>>
      %dma_wait3A_307 = arith.constant 0 : i32
      %dma_wait3A_308 = arith.constant 0 : i32
      %dma_wait3A_309 = tpu.memref_slice %arg2[%arg0, %dma_wait3A_307, %dma_wait3A_308] : memref<2x10240x64xf32, #tpu.memory_space<hbm>> -> memref<1x10240x64xf32, #tpu.memory_space<hbm>>
      %dma_wait3A_310 = tpu.memref_squeeze %dma_wait3A_309 : memref<1x10240x64xf32, #tpu.memory_space<hbm>> -> memref<10240x64xf32, #tpu.memory_space<hbm>>
      %dma_wait3A_311 = arith.constant 0 : i32
      %dma_wait3A_312 = arith.constant 0 : i32
      %dma_wait3A_313 = tpu.memref_slice %dma_wait3A_310[%dma_wait3A_311, %dma_wait3A_312] : memref<10240x64xf32, #tpu.memory_space<hbm>> -> memref<10240x64xf32, #tpu.memory_space<hbm>>
      tpu.wait_indirect_dma semaphore(%arg9 : memref<!tpu.dma_semaphore, #tpu.memory_space<semaphore_mem>>) src(%dma_wait3A_313 : memref<10240x64xf32, #tpu.memory_space<hbm>>) dst(%dma_wait3A_303 : memref<80x64xf32, #tpu.memory_space<vmem>>)
      %add3A_314 = arith.constant 4 : i32
      %add3A_315 = arith.addi %mul3A_18, %add3A_314 : i32
      %dma_start3A_316 = arith.constant 4 : i32
      %dma_start3A_317 = arith.constant 0 : i32
      %dma_start3A_318 = arith.constant 0 : i32
      %dma_start3A_319 = tpu.memref_slice %arg7[%dma_start3A_316, %dma_start3A_317, %dma_start3A_318] : memref<10x80x64xf32, #tpu.memory_space<vmem>> -> memref<1x80x64xf32, #tpu.memory_space<vmem>>
      %dma_start3A_320 = tpu.memref_squeeze %dma_start3A_319 : memref<1x80x64xf32, #tpu.memory_space<vmem>> -> memref<80x64xf32, #tpu.memory_space<vmem>>
      %dma_start3A_321 = arith.constant 0 : i32
      %dma_start3A_322 = tpu.memref_slice %arg6[%add3A_315, %dma_start3A_321] : memref<130x80xi32, #tpu.memory_space<vmem>> -> memref<1x80xi32, #tpu.memory_space<vmem>>
      %dma_start3A_323 = tpu.memref_squeeze %dma_start3A_322 : memref<1x80xi32, #tpu.memory_space<vmem>> -> memref<80xi32, #tpu.memory_space<vmem>>
      %dma_start3A_324 = arith.constant 0 : i32
      %dma_start3A_325 = arith.constant 0 : i32
      %dma_start3A_326 = tpu.memref_slice %arg8[%dma_start3A_324, %dma_start3A_325] : memref<10240x64xf32, #tpu.memory_space<vmem_shared>> -> memref<10240x64xf32, #tpu.memory_space<vmem_shared>>
      tpu.enqueue_indirect_dma source(%dma_start3A_320 : memref<80x64xf32, #tpu.memory_space<vmem>>) target(%dma_start3A_326 : memref<10240x64xf32, #tpu.memory_space<vmem_shared>>) offsets(%dma_start3A_323 : memref<80xi32, #tpu.memory_space<vmem>>) semaphore(%arg10 : memref<!tpu.dma_semaphore, #tpu.memory_space<semaphore_mem>>) {add = true}
      %dma_wait3A_327 = arith.constant 5 : i32
      %dma_wait3A_328 = arith.constant 0 : i32
      %dma_wait3A_329 = arith.constant 0 : i32
      %dma_wait3A_330 = tpu.memref_slice %arg7[%dma_wait3A_327, %dma_wait3A_328, %dma_wait3A_329] : memref<10x80x64xf32, #tpu.memory_space<vmem>> -> memref<1x80x64xf32, #tpu.memory_space<vmem>>
      %dma_wait3A_331 = tpu.memref_squeeze %dma_wait3A_330 : memref<1x80x64xf32, #tpu.memory_space<vmem>> -> memref<80x64xf32, #tpu.memory_space<vmem>>
      %dma_wait3A_332 = arith.constant 0 : i32
      %dma_wait3A_333 = tpu.memref_slice %arg5[%add3A_104, %dma_wait3A_332] : memref<130x80xi32, #tpu.memory_space<vmem>> -> memref<1x80xi32, #tpu.memory_space<vmem>>
      %dma_wait3A_334 = tpu.memref_squeeze %dma_wait3A_333 : memref<1x80xi32, #tpu.memory_space<vmem>> -> memref<80xi32, #tpu.memory_space<vmem>>
      %dma_wait3A_335 = arith.constant 0 : i32
      %dma_wait3A_336 = arith.constant 0 : i32
      %dma_wait3A_337 = tpu.memref_slice %arg2[%arg0, %dma_wait3A_335, %dma_wait3A_336] : memref<2x10240x64xf32, #tpu.memory_space<hbm>> -> memref<1x10240x64xf32, #tpu.memory_space<hbm>>
      %dma_wait3A_338 = tpu.memref_squeeze %dma_wait3A_337 : memref<1x10240x64xf32, #tpu.memory_space<hbm>> -> memref<10240x64xf32, #tpu.memory_space<hbm>>
      %dma_wait3A_339 = arith.constant 0 : i32
      %dma_wait3A_340 = arith.constant 0 : i32
      %dma_wait3A_341 = tpu.memref_slice %dma_wait3A_338[%dma_wait3A_339, %dma_wait3A_340] : memref<10240x64xf32, #tpu.memory_space<hbm>> -> memref<10240x64xf32, #tpu.memory_space<hbm>>
      tpu.wait_indirect_dma semaphore(%arg9 : memref<!tpu.dma_semaphore, #tpu.memory_space<semaphore_mem>>) src(%dma_wait3A_341 : memref<10240x64xf32, #tpu.memory_space<hbm>>) dst(%dma_wait3A_331 : memref<80x64xf32, #tpu.memory_space<vmem>>)
      %add3A_342 = arith.constant 5 : i32
      %add3A_343 = arith.addi %mul3A_18, %add3A_342 : i32
      %dma_start3A_344 = arith.constant 5 : i32
      %dma_start3A_345 = arith.constant 0 : i32
      %dma_start3A_346 = arith.constant 0 : i32
      %dma_start3A_347 = tpu.memref_slice %arg7[%dma_start3A_344, %dma_start3A_345, %dma_start3A_346] : memref<10x80x64xf32, #tpu.memory_space<vmem>> -> memref<1x80x64xf32, #tpu.memory_space<vmem>>
      %dma_start3A_348 = tpu.memref_squeeze %dma_start3A_347 : memref<1x80x64xf32, #tpu.memory_space<vmem>> -> memref<80x64xf32, #tpu.memory_space<vmem>>
      %dma_start3A_349 = arith.constant 0 : i32
      %dma_start3A_350 = tpu.memref_slice %arg6[%add3A_343, %dma_start3A_349] : memref<130x80xi32, #tpu.memory_space<vmem>> -> memref<1x80xi32, #tpu.memory_space<vmem>>
      %dma_start3A_351 = tpu.memref_squeeze %dma_start3A_350 : memref<1x80xi32, #tpu.memory_space<vmem>> -> memref<80xi32, #tpu.memory_space<vmem>>
      %dma_start3A_352 = arith.constant 0 : i32
      %dma_start3A_353 = arith.constant 0 : i32
      %dma_start3A_354 = tpu.memref_slice %arg8[%dma_start3A_352, %dma_start3A_353] : memref<10240x64xf32, #tpu.memory_space<vmem_shared>> -> memref<10240x64xf32, #tpu.memory_space<vmem_shared>>
      tpu.enqueue_indirect_dma source(%dma_start3A_348 : memref<80x64xf32, #tpu.memory_space<vmem>>) target(%dma_start3A_354 : memref<10240x64xf32, #tpu.memory_space<vmem_shared>>) offsets(%dma_start3A_351 : memref<80xi32, #tpu.memory_space<vmem>>) semaphore(%arg10 : memref<!tpu.dma_semaphore, #tpu.memory_space<semaphore_mem>>) {add = true}
      %dma_wait3A_355 = arith.constant 6 : i32
      %dma_wait3A_356 = arith.constant 0 : i32
      %dma_wait3A_357 = arith.constant 0 : i32
      %dma_wait3A_358 = tpu.memref_slice %arg7[%dma_wait3A_355, %dma_wait3A_356, %dma_wait3A_357] : memref<10x80x64xf32, #tpu.memory_space<vmem>> -> memref<1x80x64xf32, #tpu.memory_space<vmem>>
      %dma_wait3A_359 = tpu.memref_squeeze %dma_wait3A_358 : memref<1x80x64xf32, #tpu.memory_space<vmem>> -> memref<80x64xf32, #tpu.memory_space<vmem>>
      %dma_wait3A_360 = arith.constant 0 : i32
      %dma_wait3A_361 = tpu.memref_slice %arg5[%add3A_121, %dma_wait3A_360] : memref<130x80xi32, #tpu.memory_space<vmem>> -> memref<1x80xi32, #tpu.memory_space<vmem>>
      %dma_wait3A_362 = tpu.memref_squeeze %dma_wait3A_361 : memref<1x80xi32, #tpu.memory_space<vmem>> -> memref<80xi32, #tpu.memory_space<vmem>>
      %dma_wait3A_363 = arith.constant 0 : i32
      %dma_wait3A_364 = arith.constant 0 : i32
      %dma_wait3A_365 = tpu.memref_slice %arg2[%arg0, %dma_wait3A_363, %dma_wait3A_364] : memref<2x10240x64xf32, #tpu.memory_space<hbm>> -> memref<1x10240x64xf32, #tpu.memory_space<hbm>>
      %dma_wait3A_366 = tpu.memref_squeeze %dma_wait3A_365 : memref<1x10240x64xf32, #tpu.memory_space<hbm>> -> memref<10240x64xf32, #tpu.memory_space<hbm>>
      %dma_wait3A_367 = arith.constant 0 : i32
      %dma_wait3A_368 = arith.constant 0 : i32
      %dma_wait3A_369 = tpu.memref_slice %dma_wait3A_366[%dma_wait3A_367, %dma_wait3A_368] : memref<10240x64xf32, #tpu.memory_space<hbm>> -> memref<10240x64xf32, #tpu.memory_space<hbm>>
      tpu.wait_indirect_dma semaphore(%arg9 : memref<!tpu.dma_semaphore, #tpu.memory_space<semaphore_mem>>) src(%dma_wait3A_369 : memref<10240x64xf32, #tpu.memory_space<hbm>>) dst(%dma_wait3A_359 : memref<80x64xf32, #tpu.memory_space<vmem>>)
      %add3A_370 = arith.constant 6 : i32
      %add3A_371 = arith.addi %mul3A_18, %add3A_370 : i32
      %dma_start3A_372 = arith.constant 6 : i32
      %dma_start3A_373 = arith.constant 0 : i32
      %dma_start3A_374 = arith.constant 0 : i32
      %dma_start3A_375 = tpu.memref_slice %arg7[%dma_start3A_372, %dma_start3A_373, %dma_start3A_374] : memref<10x80x64xf32, #tpu.memory_space<vmem>> -> memref<1x80x64xf32, #tpu.memory_space<vmem>>
      %dma_start3A_376 = tpu.memref_squeeze %dma_start3A_375 : memref<1x80x64xf32, #tpu.memory_space<vmem>> -> memref<80x64xf32, #tpu.memory_space<vmem>>
      %dma_start3A_377 = arith.constant 0 : i32
      %dma_start3A_378 = tpu.memref_slice %arg6[%add3A_371, %dma_start3A_377] : memref<130x80xi32, #tpu.memory_space<vmem>> -> memref<1x80xi32, #tpu.memory_space<vmem>>
      %dma_start3A_379 = tpu.memref_squeeze %dma_start3A_378 : memref<1x80xi32, #tpu.memory_space<vmem>> -> memref<80xi32, #tpu.memory_space<vmem>>
      %dma_start3A_380 = arith.constant 0 : i32
      %dma_start3A_381 = arith.constant 0 : i32
      %dma_start3A_382 = tpu.memref_slice %arg8[%dma_start3A_380, %dma_start3A_381] : memref<10240x64xf32, #tpu.memory_space<vmem_shared>> -> memref<10240x64xf32, #tpu.memory_space<vmem_shared>>
      tpu.enqueue_indirect_dma source(%dma_start3A_376 : memref<80x64xf32, #tpu.memory_space<vmem>>) target(%dma_start3A_382 : memref<10240x64xf32, #tpu.memory_space<vmem_shared>>) offsets(%dma_start3A_379 : memref<80xi32, #tpu.memory_space<vmem>>) semaphore(%arg10 : memref<!tpu.dma_semaphore, #tpu.memory_space<semaphore_mem>>) {add = true}
      %dma_wait3A_383 = arith.constant 7 : i32
      %dma_wait3A_384 = arith.constant 0 : i32
      %dma_wait3A_385 = arith.constant 0 : i32
      %dma_wait3A_386 = tpu.memref_slice %arg7[%dma_wait3A_383, %dma_wait3A_384, %dma_wait3A_385] : memref<10x80x64xf32, #tpu.memory_space<vmem>> -> memref<1x80x64xf32, #tpu.memory_space<vmem>>
      %dma_wait3A_387 = tpu.memref_squeeze %dma_wait3A_386 : memref<1x80x64xf32, #tpu.memory_space<vmem>> -> memref<80x64xf32, #tpu.memory_space<vmem>>
      %dma_wait3A_388 = arith.constant 0 : i32
      %dma_wait3A_389 = tpu.memref_slice %arg5[%add3A_138, %dma_wait3A_388] : memref<130x80xi32, #tpu.memory_space<vmem>> -> memref<1x80xi32, #tpu.memory_space<vmem>>
      %dma_wait3A_390 = tpu.memref_squeeze %dma_wait3A_389 : memref<1x80xi32, #tpu.memory_space<vmem>> -> memref<80xi32, #tpu.memory_space<vmem>>
      %dma_wait3A_391 = arith.constant 0 : i32
      %dma_wait3A_392 = arith.constant 0 : i32
      %dma_wait3A_393 = tpu.memref_slice %arg2[%arg0, %dma_wait3A_391, %dma_wait3A_392] : memref<2x10240x64xf32, #tpu.memory_space<hbm>> -> memref<1x10240x64xf32, #tpu.memory_space<hbm>>
      %dma_wait3A_394 = tpu.memref_squeeze %dma_wait3A_393 : memref<1x10240x64xf32, #tpu.memory_space<hbm>> -> memref<10240x64xf32, #tpu.memory_space<hbm>>
      %dma_wait3A_395 = arith.constant 0 : i32
      %dma_wait3A_396 = arith.constant 0 : i32
      %dma_wait3A_397 = tpu.memref_slice %dma_wait3A_394[%dma_wait3A_395, %dma_wait3A_396] : memref<10240x64xf32, #tpu.memory_space<hbm>> -> memref<10240x64xf32, #tpu.memory_space<hbm>>
      tpu.wait_indirect_dma semaphore(%arg9 : memref<!tpu.dma_semaphore, #tpu.memory_space<semaphore_mem>>) src(%dma_wait3A_397 : memref<10240x64xf32, #tpu.memory_space<hbm>>) dst(%dma_wait3A_387 : memref<80x64xf32, #tpu.memory_space<vmem>>)
      %add3A_398 = arith.constant 7 : i32
      %add3A_399 = arith.addi %mul3A_18, %add3A_398 : i32
      %dma_start3A_400 = arith.constant 7 : i32
      %dma_start3A_401 = arith.constant 0 : i32
      %dma_start3A_402 = arith.constant 0 : i32
      %dma_start3A_403 = tpu.memref_slice %arg7[%dma_start3A_400, %dma_start3A_401, %dma_start3A_402] : memref<10x80x64xf32, #tpu.memory_space<vmem>> -> memref<1x80x64xf32, #tpu.memory_space<vmem>>
      %dma_start3A_404 = tpu.memref_squeeze %dma_start3A_403 : memref<1x80x64xf32, #tpu.memory_space<vmem>> -> memref<80x64xf32, #tpu.memory_space<vmem>>
      %dma_start3A_405 = arith.constant 0 : i32
      %dma_start3A_406 = tpu.memref_slice %arg6[%add3A_399, %dma_start3A_405] : memref<130x80xi32, #tpu.memory_space<vmem>> -> memref<1x80xi32, #tpu.memory_space<vmem>>
      %dma_start3A_407 = tpu.memref_squeeze %dma_start3A_406 : memref<1x80xi32, #tpu.memory_space<vmem>> -> memref<80xi32, #tpu.memory_space<vmem>>
      %dma_start3A_408 = arith.constant 0 : i32
      %dma_start3A_409 = arith.constant 0 : i32
      %dma_start3A_410 = tpu.memref_slice %arg8[%dma_start3A_408, %dma_start3A_409] : memref<10240x64xf32, #tpu.memory_space<vmem_shared>> -> memref<10240x64xf32, #tpu.memory_space<vmem_shared>>
      tpu.enqueue_indirect_dma source(%dma_start3A_404 : memref<80x64xf32, #tpu.memory_space<vmem>>) target(%dma_start3A_410 : memref<10240x64xf32, #tpu.memory_space<vmem_shared>>) offsets(%dma_start3A_407 : memref<80xi32, #tpu.memory_space<vmem>>) semaphore(%arg10 : memref<!tpu.dma_semaphore, #tpu.memory_space<semaphore_mem>>) {add = true}
      %dma_wait3A_411 = arith.constant 8 : i32
      %dma_wait3A_412 = arith.constant 0 : i32
      %dma_wait3A_413 = arith.constant 0 : i32
      %dma_wait3A_414 = tpu.memref_slice %arg7[%dma_wait3A_411, %dma_wait3A_412, %dma_wait3A_413] : memref<10x80x64xf32, #tpu.memory_space<vmem>> -> memref<1x80x64xf32, #tpu.memory_space<vmem>>
      %dma_wait3A_415 = tpu.memref_squeeze %dma_wait3A_414 : memref<1x80x64xf32, #tpu.memory_space<vmem>> -> memref<80x64xf32, #tpu.memory_space<vmem>>
      %dma_wait3A_416 = arith.constant 0 : i32
      %dma_wait3A_417 = tpu.memref_slice %arg5[%add3A_155, %dma_wait3A_416] : memref<130x80xi32, #tpu.memory_space<vmem>> -> memref<1x80xi32, #tpu.memory_space<vmem>>
      %dma_wait3A_418 = tpu.memref_squeeze %dma_wait3A_417 : memref<1x80xi32, #tpu.memory_space<vmem>> -> memref<80xi32, #tpu.memory_space<vmem>>
      %dma_wait3A_419 = arith.constant 0 : i32
      %dma_wait3A_420 = arith.constant 0 : i32
      %dma_wait3A_421 = tpu.memref_slice %arg2[%arg0, %dma_wait3A_419, %dma_wait3A_420] : memref<2x10240x64xf32, #tpu.memory_space<hbm>> -> memref<1x10240x64xf32, #tpu.memory_space<hbm>>
      %dma_wait3A_422 = tpu.memref_squeeze %dma_wait3A_421 : memref<1x10240x64xf32, #tpu.memory_space<hbm>> -> memref<10240x64xf32, #tpu.memory_space<hbm>>
      %dma_wait3A_423 = arith.constant 0 : i32
      %dma_wait3A_424 = arith.constant 0 : i32
      %dma_wait3A_425 = tpu.memref_slice %dma_wait3A_422[%dma_wait3A_423, %dma_wait3A_424] : memref<10240x64xf32, #tpu.memory_space<hbm>> -> memref<10240x64xf32, #tpu.memory_space<hbm>>
      tpu.wait_indirect_dma semaphore(%arg9 : memref<!tpu.dma_semaphore, #tpu.memory_space<semaphore_mem>>) src(%dma_wait3A_425 : memref<10240x64xf32, #tpu.memory_space<hbm>>) dst(%dma_wait3A_415 : memref<80x64xf32, #tpu.memory_space<vmem>>)
      %add3A_426 = arith.constant 8 : i32
      %add3A_427 = arith.addi %mul3A_18, %add3A_426 : i32
      %dma_start3A_428 = arith.constant 8 : i32
      %dma_start3A_429 = arith.constant 0 : i32
      %dma_start3A_430 = arith.constant 0 : i32
      %dma_start3A_431 = tpu.memref_slice %arg7[%dma_start3A_428, %dma_start3A_429, %dma_start3A_430] : memref<10x80x64xf32, #tpu.memory_space<vmem>> -> memref<1x80x64xf32, #tpu.memory_space<vmem>>
      %dma_start3A_432 = tpu.memref_squeeze %dma_start3A_431 : memref<1x80x64xf32, #tpu.memory_space<vmem>> -> memref<80x64xf32, #tpu.memory_space<vmem>>
      %dma_start3A_433 = arith.constant 0 : i32
      %dma_start3A_434 = tpu.memref_slice %arg6[%add3A_427, %dma_start3A_433] : memref<130x80xi32, #tpu.memory_space<vmem>> -> memref<1x80xi32, #tpu.memory_space<vmem>>
      %dma_start3A_435 = tpu.memref_squeeze %dma_start3A_434 : memref<1x80xi32, #tpu.memory_space<vmem>> -> memref<80xi32, #tpu.memory_space<vmem>>
      %dma_start3A_436 = arith.constant 0 : i32
      %dma_start3A_437 = arith.constant 0 : i32
      %dma_start3A_438 = tpu.memref_slice %arg8[%dma_start3A_436, %dma_start3A_437] : memref<10240x64xf32, #tpu.memory_space<vmem_shared>> -> memref<10240x64xf32, #tpu.memory_space<vmem_shared>>
      tpu.enqueue_indirect_dma source(%dma_start3A_432 : memref<80x64xf32, #tpu.memory_space<vmem>>) target(%dma_start3A_438 : memref<10240x64xf32, #tpu.memory_space<vmem_shared>>) offsets(%dma_start3A_435 : memref<80xi32, #tpu.memory_space<vmem>>) semaphore(%arg10 : memref<!tpu.dma_semaphore, #tpu.memory_space<semaphore_mem>>) {add = true}
      %dma_wait3A_439 = arith.constant 9 : i32
      %dma_wait3A_440 = arith.constant 0 : i32
      %dma_wait3A_441 = arith.constant 0 : i32
      %dma_wait3A_442 = tpu.memref_slice %arg7[%dma_wait3A_439, %dma_wait3A_440, %dma_wait3A_441] : memref<10x80x64xf32, #tpu.memory_space<vmem>> -> memref<1x80x64xf32, #tpu.memory_space<vmem>>
      %dma_wait3A_443 = tpu.memref_squeeze %dma_wait3A_442 : memref<1x80x64xf32, #tpu.memory_space<vmem>> -> memref<80x64xf32, #tpu.memory_space<vmem>>
      %dma_wait3A_444 = arith.constant 0 : i32
      %dma_wait3A_445 = tpu.memref_slice %arg5[%add3A_172, %dma_wait3A_444] : memref<130x80xi32, #tpu.memory_space<vmem>> -> memref<1x80xi32, #tpu.memory_space<vmem>>
      %dma_wait3A_446 = tpu.memref_squeeze %dma_wait3A_445 : memref<1x80xi32, #tpu.memory_space<vmem>> -> memref<80xi32, #tpu.memory_space<vmem>>
      %dma_wait3A_447 = arith.constant 0 : i32
      %dma_wait3A_448 = arith.constant 0 : i32
      %dma_wait3A_449 = tpu.memref_slice %arg2[%arg0, %dma_wait3A_447, %dma_wait3A_448] : memref<2x10240x64xf32, #tpu.memory_space<hbm>> -> memref<1x10240x64xf32, #tpu.memory_space<hbm>>
      %dma_wait3A_450 = tpu.memref_squeeze %dma_wait3A_449 : memref<1x10240x64xf32, #tpu.memory_space<hbm>> -> memref<10240x64xf32, #tpu.memory_space<hbm>>
      %dma_wait3A_451 = arith.constant 0 : i32
      %dma_wait3A_452 = arith.constant 0 : i32
      %dma_wait3A_453 = tpu.memref_slice %dma_wait3A_450[%dma_wait3A_451, %dma_wait3A_452] : memref<10240x64xf32, #tpu.memory_space<hbm>> -> memref<10240x64xf32, #tpu.memory_space<hbm>>
      tpu.wait_indirect_dma semaphore(%arg9 : memref<!tpu.dma_semaphore, #tpu.memory_space<semaphore_mem>>) src(%dma_wait3A_453 : memref<10240x64xf32, #tpu.memory_space<hbm>>) dst(%dma_wait3A_443 : memref<80x64xf32, #tpu.memory_space<vmem>>)
      %add3A_454 = arith.constant 9 : i32
      %add3A_455 = arith.addi %mul3A_18, %add3A_454 : i32
      %dma_start3A_456 = arith.constant 9 : i32
      %dma_start3A_457 = arith.constant 0 : i32
      %dma_start3A_458 = arith.constant 0 : i32
      %dma_start3A_459 = tpu.memref_slice %arg7[%dma_start3A_456, %dma_start3A_457, %dma_start3A_458] : memref<10x80x64xf32, #tpu.memory_space<vmem>> -> memref<1x80x64xf32, #tpu.memory_space<vmem>>
      %dma_start3A_460 = tpu.memref_squeeze %dma_start3A_459 : memref<1x80x64xf32, #tpu.memory_space<vmem>> -> memref<80x64xf32, #tpu.memory_space<vmem>>
      %dma_start3A_461 = arith.constant 0 : i32
      %dma_start3A_462 = tpu.memref_slice %arg6[%add3A_455, %dma_start3A_461] : memref<130x80xi32, #tpu.memory_space<vmem>> -> memref<1x80xi32, #tpu.memory_space<vmem>>
      %dma_start3A_463 = tpu.memref_squeeze %dma_start3A_462 : memref<1x80xi32, #tpu.memory_space<vmem>> -> memref<80xi32, #tpu.memory_space<vmem>>
      %dma_start3A_464 = arith.constant 0 : i32
      %dma_start3A_465 = arith.constant 0 : i32
      %dma_start3A_466 = tpu.memref_slice %arg8[%dma_start3A_464, %dma_start3A_465] : memref<10240x64xf32, #tpu.memory_space<vmem_shared>> -> memref<10240x64xf32, #tpu.memory_space<vmem_shared>>
      tpu.enqueue_indirect_dma source(%dma_start3A_460 : memref<80x64xf32, #tpu.memory_space<vmem>>) target(%dma_start3A_466 : memref<10240x64xf32, #tpu.memory_space<vmem_shared>>) offsets(%dma_start3A_463 : memref<80xi32, #tpu.memory_space<vmem>>) semaphore(%arg10 : memref<!tpu.dma_semaphore, #tpu.memory_space<semaphore_mem>>) {add = true}
      %dma_wait3A_467 = arith.constant 0 : i32
      %dma_wait3A_468 = arith.constant 0 : i32
      %dma_wait3A_469 = arith.constant 0 : i32
      %dma_wait3A_470 = tpu.memref_slice %arg7[%dma_wait3A_467, %dma_wait3A_468, %dma_wait3A_469] : memref<10x80x64xf32, #tpu.memory_space<vmem>> -> memref<1x80x64xf32, #tpu.memory_space<vmem>>
      %dma_wait3A_471 = tpu.memref_squeeze %dma_wait3A_470 : memref<1x80x64xf32, #tpu.memory_space<vmem>> -> memref<80x64xf32, #tpu.memory_space<vmem>>
      %dma_wait3A_472 = arith.constant 0 : i32
      %dma_wait3A_473 = tpu.memref_slice %arg6[%add3A_203, %dma_wait3A_472] : memref<130x80xi32, #tpu.memory_space<vmem>> -> memref<1x80xi32, #tpu.memory_space<vmem>>
      %dma_wait3A_474 = tpu.memref_squeeze %dma_wait3A_473 : memref<1x80xi32, #tpu.memory_space<vmem>> -> memref<80xi32, #tpu.memory_space<vmem>>
      %dma_wait3A_475 = arith.constant 0 : i32
      %dma_wait3A_476 = arith.constant 0 : i32
      %dma_wait3A_477 = tpu.memref_slice %arg8[%dma_wait3A_475, %dma_wait3A_476] : memref<10240x64xf32, #tpu.memory_space<vmem_shared>> -> memref<10240x64xf32, #tpu.memory_space<vmem_shared>>
      tpu.wait_indirect_dma semaphore(%arg10 : memref<!tpu.dma_semaphore, #tpu.memory_space<semaphore_mem>>) src(%dma_wait3A_471 : memref<80x64xf32, #tpu.memory_space<vmem>>) dst(%dma_wait3A_477 : memref<10240x64xf32, #tpu.memory_space<vmem_shared>>)
      %dma_wait3A_478 = arith.constant 1 : i32
      %dma_wait3A_479 = arith.constant 0 : i32
      %dma_wait3A_480 = arith.constant 0 : i32
      %dma_wait3A_481 = tpu.memref_slice %arg7[%dma_wait3A_478, %dma_wait3A_479, %dma_wait3A_480] : memref<10x80x64xf32, #tpu.memory_space<vmem>> -> memref<1x80x64xf32, #tpu.memory_space<vmem>>
      %dma_wait3A_482 = tpu.memref_squeeze %dma_wait3A_481 : memref<1x80x64xf32, #tpu.memory_space<vmem>> -> memref<80x64xf32, #tpu.memory_space<vmem>>
      %dma_wait3A_483 = arith.constant 0 : i32
      %dma_wait3A_484 = tpu.memref_slice %arg6[%add3A_231, %dma_wait3A_483] : memref<130x80xi32, #tpu.memory_space<vmem>> -> memref<1x80xi32, #tpu.memory_space<vmem>>
      %dma_wait3A_485 = tpu.memref_squeeze %dma_wait3A_484 : memref<1x80xi32, #tpu.memory_space<vmem>> -> memref<80xi32, #tpu.memory_space<vmem>>
      %dma_wait3A_486 = arith.constant 0 : i32
      %dma_wait3A_487 = arith.constant 0 : i32
      %dma_wait3A_488 = tpu.memref_slice %arg8[%dma_wait3A_486, %dma_wait3A_487] : memref<10240x64xf32, #tpu.memory_space<vmem_shared>> -> memref<10240x64xf32, #tpu.memory_space<vmem_shared>>
      tpu.wait_indirect_dma semaphore(%arg10 : memref<!tpu.dma_semaphore, #tpu.memory_space<semaphore_mem>>) src(%dma_wait3A_482 : memref<80x64xf32, #tpu.memory_space<vmem>>) dst(%dma_wait3A_488 : memref<10240x64xf32, #tpu.memory_space<vmem_shared>>)
      %dma_wait3A_489 = arith.constant 2 : i32
      %dma_wait3A_490 = arith.constant 0 : i32
      %dma_wait3A_491 = arith.constant 0 : i32
      %dma_wait3A_492 = tpu.memref_slice %arg7[%dma_wait3A_489, %dma_wait3A_490, %dma_wait3A_491] : memref<10x80x64xf32, #tpu.memory_space<vmem>> -> memref<1x80x64xf32, #tpu.memory_space<vmem>>
      %dma_wait3A_493 = tpu.memref_squeeze %dma_wait3A_492 : memref<1x80x64xf32, #tpu.memory_space<vmem>> -> memref<80x64xf32, #tpu.memory_space<vmem>>
      %dma_wait3A_494 = arith.constant 0 : i32
      %dma_wait3A_495 = tpu.memref_slice %arg6[%add3A_259, %dma_wait3A_494] : memref<130x80xi32, #tpu.memory_space<vmem>> -> memref<1x80xi32, #tpu.memory_space<vmem>>
      %dma_wait3A_496 = tpu.memref_squeeze %dma_wait3A_495 : memref<1x80xi32, #tpu.memory_space<vmem>> -> memref<80xi32, #tpu.memory_space<vmem>>
      %dma_wait3A_497 = arith.constant 0 : i32
      %dma_wait3A_498 = arith.constant 0 : i32
      %dma_wait3A_499 = tpu.memref_slice %arg8[%dma_wait3A_497, %dma_wait3A_498] : memref<10240x64xf32, #tpu.memory_space<vmem_shared>> -> memref<10240x64xf32, #tpu.memory_space<vmem_shared>>
      tpu.wait_indirect_dma semaphore(%arg10 : memref<!tpu.dma_semaphore, #tpu.memory_space<semaphore_mem>>) src(%dma_wait3A_493 : memref<80x64xf32, #tpu.memory_space<vmem>>) dst(%dma_wait3A_499 : memref<10240x64xf32, #tpu.memory_space<vmem_shared>>)
      %dma_wait3A_500 = arith.constant 3 : i32
      %dma_wait3A_501 = arith.constant 0 : i32
      %dma_wait3A_502 = arith.constant 0 : i32
      %dma_wait3A_503 = tpu.memref_slice %arg7[%dma_wait3A_500, %dma_wait3A_501, %dma_wait3A_502] : memref<10x80x64xf32, #tpu.memory_space<vmem>> -> memref<1x80x64xf32, #tpu.memory_space<vmem>>
      %dma_wait3A_504 = tpu.memref_squeeze %dma_wait3A_503 : memref<1x80x64xf32, #tpu.memory_space<vmem>> -> memref<80x64xf32, #tpu.memory_space<vmem>>
      %dma_wait3A_505 = arith.constant 0 : i32
      %dma_wait3A_506 = tpu.memref_slice %arg6[%add3A_287, %dma_wait3A_505] : memref<130x80xi32, #tpu.memory_space<vmem>> -> memref<1x80xi32, #tpu.memory_space<vmem>>
      %dma_wait3A_507 = tpu.memref_squeeze %dma_wait3A_506 : memref<1x80xi32, #tpu.memory_space<vmem>> -> memref<80xi32, #tpu.memory_space<vmem>>
      %dma_wait3A_508 = arith.constant 0 : i32
      %dma_wait3A_509 = arith.constant 0 : i32
      %dma_wait3A_510 = tpu.memref_slice %arg8[%dma_wait3A_508, %dma_wait3A_509] : memref<10240x64xf32, #tpu.memory_space<vmem_shared>> -> memref<10240x64xf32, #tpu.memory_space<vmem_shared>>
      tpu.wait_indirect_dma semaphore(%arg10 : memref<!tpu.dma_semaphore, #tpu.memory_space<semaphore_mem>>) src(%dma_wait3A_504 : memref<80x64xf32, #tpu.memory_space<vmem>>) dst(%dma_wait3A_510 : memref<10240x64xf32, #tpu.memory_space<vmem_shared>>)
      %dma_wait3A_511 = arith.constant 4 : i32
      %dma_wait3A_512 = arith.constant 0 : i32
      %dma_wait3A_513 = arith.constant 0 : i32
      %dma_wait3A_514 = tpu.memref_slice %arg7[%dma_wait3A_511, %dma_wait3A_512, %dma_wait3A_513] : memref<10x80x64xf32, #tpu.memory_space<vmem>> -> memref<1x80x64xf32, #tpu.memory_space<vmem>>
      %dma_wait3A_515 = tpu.memref_squeeze %dma_wait3A_514 : memref<1x80x64xf32, #tpu.memory_space<vmem>> -> memref<80x64xf32, #tpu.memory_space<vmem>>
      %dma_wait3A_516 = arith.constant 0 : i32
      %dma_wait3A_517 = tpu.memref_slice %arg6[%add3A_315, %dma_wait3A_516] : memref<130x80xi32, #tpu.memory_space<vmem>> -> memref<1x80xi32, #tpu.memory_space<vmem>>
      %dma_wait3A_518 = tpu.memref_squeeze %dma_wait3A_517 : memref<1x80xi32, #tpu.memory_space<vmem>> -> memref<80xi32, #tpu.memory_space<vmem>>
      %dma_wait3A_519 = arith.constant 0 : i32
      %dma_wait3A_520 = arith.constant 0 : i32
      %dma_wait3A_521 = tpu.memref_slice %arg8[%dma_wait3A_519, %dma_wait3A_520] : memref<10240x64xf32, #tpu.memory_space<vmem_shared>> -> memref<10240x64xf32, #tpu.memory_space<vmem_shared>>
      tpu.wait_indirect_dma semaphore(%arg10 : memref<!tpu.dma_semaphore, #tpu.memory_space<semaphore_mem>>) src(%dma_wait3A_515 : memref<80x64xf32, #tpu.memory_space<vmem>>) dst(%dma_wait3A_521 : memref<10240x64xf32, #tpu.memory_space<vmem_shared>>)
      %dma_wait3A_522 = arith.constant 5 : i32
      %dma_wait3A_523 = arith.constant 0 : i32
      %dma_wait3A_524 = arith.constant 0 : i32
      %dma_wait3A_525 = tpu.memref_slice %arg7[%dma_wait3A_522, %dma_wait3A_523, %dma_wait3A_524] : memref<10x80x64xf32, #tpu.memory_space<vmem>> -> memref<1x80x64xf32, #tpu.memory_space<vmem>>
      %dma_wait3A_526 = tpu.memref_squeeze %dma_wait3A_525 : memref<1x80x64xf32, #tpu.memory_space<vmem>> -> memref<80x64xf32, #tpu.memory_space<vmem>>
      %dma_wait3A_527 = arith.constant 0 : i32
      %dma_wait3A_528 = tpu.memref_slice %arg6[%add3A_343, %dma_wait3A_527] : memref<130x80xi32, #tpu.memory_space<vmem>> -> memref<1x80xi32, #tpu.memory_space<vmem>>
      %dma_wait3A_529 = tpu.memref_squeeze %dma_wait3A_528 : memref<1x80xi32, #tpu.memory_space<vmem>> -> memref<80xi32, #tpu.memory_space<vmem>>
      %dma_wait3A_530 = arith.constant 0 : i32
      %dma_wait3A_531 = arith.constant 0 : i32
      %dma_wait3A_532 = tpu.memref_slice %arg8[%dma_wait3A_530, %dma_wait3A_531] : memref<10240x64xf32, #tpu.memory_space<vmem_shared>> -> memref<10240x64xf32, #tpu.memory_space<vmem_shared>>
      tpu.wait_indirect_dma semaphore(%arg10 : memref<!tpu.dma_semaphore, #tpu.memory_space<semaphore_mem>>) src(%dma_wait3A_526 : memref<80x64xf32, #tpu.memory_space<vmem>>) dst(%dma_wait3A_532 : memref<10240x64xf32, #tpu.memory_space<vmem_shared>>)
      %dma_wait3A_533 = arith.constant 6 : i32
      %dma_wait3A_534 = arith.constant 0 : i32
      %dma_wait3A_535 = arith.constant 0 : i32
      %dma_wait3A_536 = tpu.memref_slice %arg7[%dma_wait3A_533, %dma_wait3A_534, %dma_wait3A_535] : memref<10x80x64xf32, #tpu.memory_space<vmem>> -> memref<1x80x64xf32, #tpu.memory_space<vmem>>
      %dma_wait3A_537 = tpu.memref_squeeze %dma_wait3A_536 : memref<1x80x64xf32, #tpu.memory_space<vmem>> -> memref<80x64xf32, #tpu.memory_space<vmem>>
      %dma_wait3A_538 = arith.constant 0 : i32
      %dma_wait3A_539 = tpu.memref_slice %arg6[%add3A_371, %dma_wait3A_538] : memref<130x80xi32, #tpu.memory_space<vmem>> -> memref<1x80xi32, #tpu.memory_space<vmem>>
      %dma_wait3A_540 = tpu.memref_squeeze %dma_wait3A_539 : memref<1x80xi32, #tpu.memory_space<vmem>> -> memref<80xi32, #tpu.memory_space<vmem>>
      %dma_wait3A_541 = arith.constant 0 : i32
      %dma_wait3A_542 = arith.constant 0 : i32
      %dma_wait3A_543 = tpu.memref_slice %arg8[%dma_wait3A_541, %dma_wait3A_542] : memref<10240x64xf32, #tpu.memory_space<vmem_shared>> -> memref<10240x64xf32, #tpu.memory_space<vmem_shared>>
      tpu.wait_indirect_dma semaphore(%arg10 : memref<!tpu.dma_semaphore, #tpu.memory_space<semaphore_mem>>) src(%dma_wait3A_537 : memref<80x64xf32, #tpu.memory_space<vmem>>) dst(%dma_wait3A_543 : memref<10240x64xf32, #tpu.memory_space<vmem_shared>>)
      %dma_wait3A_544 = arith.constant 7 : i32
      %dma_wait3A_545 = arith.constant 0 : i32
      %dma_wait3A_546 = arith.constant 0 : i32
      %dma_wait3A_547 = tpu.memref_slice %arg7[%dma_wait3A_544, %dma_wait3A_545, %dma_wait3A_546] : memref<10x80x64xf32, #tpu.memory_space<vmem>> -> memref<1x80x64xf32, #tpu.memory_space<vmem>>
      %dma_wait3A_548 = tpu.memref_squeeze %dma_wait3A_547 : memref<1x80x64xf32, #tpu.memory_space<vmem>> -> memref<80x64xf32, #tpu.memory_space<vmem>>
      %dma_wait3A_549 = arith.constant 0 : i32
      %dma_wait3A_550 = tpu.memref_slice %arg6[%add3A_399, %dma_wait3A_549] : memref<130x80xi32, #tpu.memory_space<vmem>> -> memref<1x80xi32, #tpu.memory_space<vmem>>
      %dma_wait3A_551 = tpu.memref_squeeze %dma_wait3A_550 : memref<1x80xi32, #tpu.memory_space<vmem>> -> memref<80xi32, #tpu.memory_space<vmem>>
      %dma_wait3A_552 = arith.constant 0 : i32
      %dma_wait3A_553 = arith.constant 0 : i32
      %dma_wait3A_554 = tpu.memref_slice %arg8[%dma_wait3A_552, %dma_wait3A_553] : memref<10240x64xf32, #tpu.memory_space<vmem_shared>> -> memref<10240x64xf32, #tpu.memory_space<vmem_shared>>
      tpu.wait_indirect_dma semaphore(%arg10 : memref<!tpu.dma_semaphore, #tpu.memory_space<semaphore_mem>>) src(%dma_wait3A_548 : memref<80x64xf32, #tpu.memory_space<vmem>>) dst(%dma_wait3A_554 : memref<10240x64xf32, #tpu.memory_space<vmem_shared>>)
      %dma_wait3A_555 = arith.constant 8 : i32
      %dma_wait3A_556 = arith.constant 0 : i32
      %dma_wait3A_557 = arith.constant 0 : i32
      %dma_wait3A_558 = tpu.memref_slice %arg7[%dma_wait3A_555, %dma_wait3A_556, %dma_wait3A_557] : memref<10x80x64xf32, #tpu.memory_space<vmem>> -> memref<1x80x64xf32, #tpu.memory_space<vmem>>
      %dma_wait3A_559 = tpu.memref_squeeze %dma_wait3A_558 : memref<1x80x64xf32, #tpu.memory_space<vmem>> -> memref<80x64xf32, #tpu.memory_space<vmem>>
      %dma_wait3A_560 = arith.constant 0 : i32
      %dma_wait3A_561 = tpu.memref_slice %arg6[%add3A_427, %dma_wait3A_560] : memref<130x80xi32, #tpu.memory_space<vmem>> -> memref<1x80xi32, #tpu.memory_space<vmem>>
      %dma_wait3A_562 = tpu.memref_squeeze %dma_wait3A_561 : memref<1x80xi32, #tpu.memory_space<vmem>> -> memref<80xi32, #tpu.memory_space<vmem>>
      %dma_wait3A_563 = arith.constant 0 : i32
      %dma_wait3A_564 = arith.constant 0 : i32
      %dma_wait3A_565 = tpu.memref_slice %arg8[%dma_wait3A_563, %dma_wait3A_564] : memref<10240x64xf32, #tpu.memory_space<vmem_shared>> -> memref<10240x64xf32, #tpu.memory_space<vmem_shared>>
      tpu.wait_indirect_dma semaphore(%arg10 : memref<!tpu.dma_semaphore, #tpu.memory_space<semaphore_mem>>) src(%dma_wait3A_559 : memref<80x64xf32, #tpu.memory_space<vmem>>) dst(%dma_wait3A_565 : memref<10240x64xf32, #tpu.memory_space<vmem_shared>>)
      %dma_wait3A_566 = arith.constant 9 : i32
      %dma_wait3A_567 = arith.constant 0 : i32
      %dma_wait3A_568 = arith.constant 0 : i32
      %dma_wait3A_569 = tpu.memref_slice %arg7[%dma_wait3A_566, %dma_wait3A_567, %dma_wait3A_568] : memref<10x80x64xf32, #tpu.memory_space<vmem>> -> memref<1x80x64xf32, #tpu.memory_space<vmem>>
      %dma_wait3A_570 = tpu.memref_squeeze %dma_wait3A_569 : memref<1x80x64xf32, #tpu.memory_space<vmem>> -> memref<80x64xf32, #tpu.memory_space<vmem>>
      %dma_wait3A_571 = arith.constant 0 : i32
      %dma_wait3A_572 = tpu.memref_slice %arg6[%add3A_455, %dma_wait3A_571] : memref<130x80xi32, #tpu.memory_space<vmem>> -> memref<1x80xi32, #tpu.memory_space<vmem>>
      %dma_wait3A_573 = tpu.memref_squeeze %dma_wait3A_572 : memref<1x80xi32, #tpu.memory_space<vmem>> -> memref<80xi32, #tpu.memory_space<vmem>>
      %dma_wait3A_574 = arith.constant 0 : i32
      %dma_wait3A_575 = arith.constant 0 : i32
      %dma_wait3A_576 = tpu.memref_slice %arg8[%dma_wait3A_574, %dma_wait3A_575] : memref<10240x64xf32, #tpu.memory_space<vmem_shared>> -> memref<10240x64xf32, #tpu.memory_space<vmem_shared>>
      tpu.wait_indirect_dma semaphore(%arg10 : memref<!tpu.dma_semaphore, #tpu.memory_space<semaphore_mem>>) src(%dma_wait3A_570 : memref<80x64xf32, #tpu.memory_space<vmem>>) dst(%dma_wait3A_576 : memref<10240x64xf32, #tpu.memory_space<vmem_shared>>)
    }
    %scan3A_14 = arith.constant 12 : i32
    %barrier3A_15 = arith.constant 0 : index
    tpu.barrier barrier_id(%barrier3A_15)
    "tpu.region"() ({
      %run_scoped3A = tpu.sem_alloc : memref<!tpu.dma_semaphore, #tpu.memory_space<semaphore_mem>>
      %dma_start3A = arith.constant 0 : i32
      %dma_start3A_16 = tpu.memref_slice %arg4[%arg0, %mul3A_0, %dma_start3A] : memref<2x10240x64xf32, #tpu.memory_space<hbm>> -> memref<1x640x64xf32, #tpu.memory_space<hbm>>
      %dma_start3A_17 = tpu.memref_squeeze %dma_start3A_16 : memref<1x640x64xf32, #tpu.memory_space<hbm>> -> memref<640x64xf32, #tpu.memory_space<hbm>>
      %dma_start3A_18 = arith.constant 0 : i32
      %dma_start3A_19 = tpu.memref_slice %arg8[%mul3A_0, %dma_start3A_18] : memref<10240x64xf32, #tpu.memory_space<vmem_shared>> -> memref<640x64xf32, #tpu.memory_space<vmem_shared>>
      tpu.enqueue_dma source(%dma_start3A_19 : memref<640x64xf32, #tpu.memory_space<vmem_shared>>) target(%dma_start3A_17 : memref<640x64xf32, #tpu.memory_space<hbm>>) target_semaphore(%run_scoped3A : memref<!tpu.dma_semaphore, #tpu.memory_space<semaphore_mem>>)
      %dma_wait3A = arith.constant 0 : i32
      %dma_wait3A_20 = tpu.memref_slice %arg4[%arg0, %mul3A_0, %dma_wait3A] : memref<2x10240x64xf32, #tpu.memory_space<hbm>> -> memref<1x640x64xf32, #tpu.memory_space<hbm>>
      %dma_wait3A_21 = tpu.memref_squeeze %dma_wait3A_20 : memref<1x640x64xf32, #tpu.memory_space<hbm>> -> memref<640x64xf32, #tpu.memory_space<hbm>>
      %dma_wait3A_22 = arith.constant 0 : i32
      %dma_wait3A_23 = tpu.memref_slice %arg8[%mul3A_0, %dma_wait3A_22] : memref<10240x64xf32, #tpu.memory_space<vmem_shared>> -> memref<640x64xf32, #tpu.memory_space<vmem_shared>>
      tpu.wait_dma2 semaphore(%run_scoped3A : memref<!tpu.dma_semaphore, #tpu.memory_space<semaphore_mem>>) src(%dma_wait3A_23 : memref<640x64xf32, #tpu.memory_space<vmem_shared>>) dst(%dma_wait3A_21 : memref<640x64xf32, #tpu.memory_space<hbm>>)
      tpu.yield
    }) : () -> ()
    return
  }
}

module attributes {stable_mosaic.version = 14 : i64} {
  func.func @_xw_body(%arg0: memref<10000x128xf32, #tpu.memory_space<vmem>>, %arg1: memref<128x128xf32, #tpu.memory_space<vmem>>, %arg2: memref<10000x128xf32, #tpu.memory_space<vmem>>) attributes {dimension_semantics = [], scalar_prefetch = 0 : i64, scratch_operands = 0 : i64, tpu.core_type = #tpu.core_type<tc>} {
    %get3A = arith.constant 0 : index
    %get3A_0 = arith.constant 0 : index
    %get3A_1 = vector.load %arg0[%get3A, %get3A_0] : memref<10000x128xf32, #tpu.memory_space<vmem>>, vector<10000x128xf32>
    %get3A_2 = arith.constant 0 : index
    %get3A_3 = arith.constant 0 : index
    %get3A_4 = vector.load %arg1[%get3A_2, %get3A_3] : memref<128x128xf32, #tpu.memory_space<vmem>>, vector<128x128xf32>
    %dot_general3A = arith.constant dense<0.000000e+00> : vector<10000x128xf32>
    %dot_general3A_5 = tpu.matmul %get3A_1, %get3A_4, %dot_general3A {dimension_numbers = #tpu.dot_dimension_numbers<[1], [0], [0], [1], [0, 0, 1, 1], [], []>, transpose_lhs_hint = false} : vector<10000x128xf32>, vector<128x128xf32>, vector<10000x128xf32> -> vector<10000x128xf32>
    %swap3A = arith.constant 0 : index
    %swap3A_6 = arith.constant 0 : index
    %swap3A_7 = vector.load %arg2[%swap3A, %swap3A_6] : memref<10000x128xf32, #tpu.memory_space<vmem>>, vector<10000x128xf32>
    tpu.vector_store %arg2[%swap3A, %swap3A_6], %dot_general3A_5 {strides = array<i32>} : memref<10000x128xf32, #tpu.memory_space<vmem>>, vector<10000x128xf32>,
    return
  }
}

module attributes {stable_mosaic.version = 14 : i64} {
  func.func @_tc1_body(%arg0: memref<10000x128xf32, #tpu.memory_space<vmem>>, %arg1: memref<10240x1xf32, #tpu.memory_space<vmem>>, %arg2: memref<10240x1xf32, #tpu.memory_space<vmem>>, %arg3: memref<2x10240x64xf32, #tpu.memory_space<vmem>>, %arg4: memref<10240x1xf32, #tpu.memory_space<vmem>>) attributes {dimension_semantics = [], scalar_prefetch = 0 : i64, scratch_operands = 0 : i64, tpu.core_type = #tpu.core_type<tc>} {
    %get3A = arith.constant 0 : index
    %get3A_0 = arith.constant 0 : index
    %get3A_1 = vector.load %arg1[%get3A, %get3A_0] : memref<10240x1xf32, #tpu.memory_space<vmem>>, vector<10240x1xf32>
    %get3A_2 = arith.constant 0 : index
    %get3A_3 = arith.constant 0 : index
    %get3A_4 = vector.load %arg2[%get3A_2, %get3A_3] : memref<10240x1xf32, #tpu.memory_space<vmem>>, vector<10240x1xf32>
    %add3A = arith.addf %get3A_1, %get3A_4 : vector<10240x1xf32>
    %add3A_5 = arith.constant 1.000000e+00 : f32
    %add3A_6 = vector.broadcast %add3A_5 : f32 to vector<10240x1xf32>
    %add3A_7 = arith.addf %add3A, %add3A_6 : vector<10240x1xf32>
    %rsqrt3A = math.rsqrt %add3A_7 : vector<10240x1xf32>
    %slice3A = vector.extract_strided_slice %rsqrt3A {offsets = [0, 0], sizes = [10000, 1], strides = [1, 1]} : vector<10240x1xf32> to vector<10000x1xf32>
    %get3A_8 = arith.constant 0 : index
    %get3A_9 = arith.constant 0 : index
    %get3A_10 = vector.load %arg0[%get3A_8, %get3A_9] : memref<10000x128xf32, #tpu.memory_space<vmem>>, vector<10000x128xf32>
    %mul3A = vector.broadcast %slice3A : vector<10000x1xf32> to vector<10000x128xf32>
    %mul3A_11 = arith.mulf %mul3A, %get3A_10 : vector<10000x128xf32>
    %broadcast_in_dim3A = arith.constant 0.000000e+00 : f32
    %broadcast_in_dim3A_12 = vector.broadcast %broadcast_in_dim3A : f32 to vector<240x64xf32>
    %slice3A_13 = vector.extract_strided_slice %mul3A_11 {offsets = [0, 0], sizes = [10000, 64], strides = [1, 1]} : vector<10000x128xf32> to vector<10000x64xf32>
    %concatenate3A = tpu.concatenate %slice3A_13, %broadcast_in_dim3A_12 in 0 : vector<10000x64xf32>, vector<240x64xf32> -> vector<10240x64xf32>
    %swap3A = arith.constant 0 : index
    %swap3A_14 = arith.constant 0 : index
    %swap3A_15 = arith.constant 0 : index
    %swap3A_16 = vector.load %arg3[%swap3A, %swap3A_14, %swap3A_15] : memref<2x10240x64xf32, #tpu.memory_space<vmem>>, vector<1x10240x64xf32>
    %swap3A_17 = vector.shape_cast %swap3A_16 : vector<1x10240x64xf32> to vector<10240x64xf32>
    %swap3A_18 = vector.shape_cast %concatenate3A : vector<10240x64xf32> to vector<1x10240x64xf32>
    tpu.vector_store %arg3[%swap3A, %swap3A_14, %swap3A_15], %swap3A_18 {strides = array<i32>} : memref<2x10240x64xf32, #tpu.memory_space<vmem>>, vector<1x10240x64xf32>,
    %slice3A_19 = vector.extract_strided_slice %mul3A_11 {offsets = [0, 64], sizes = [10000, 64], strides = [1, 1]} : vector<10000x128xf32> to vector<10000x64xf32>
    %concatenate3A_20 = tpu.concatenate %slice3A_19, %broadcast_in_dim3A_12 in 0 : vector<10000x64xf32>, vector<240x64xf32> -> vector<10240x64xf32>
    %swap3A_21 = arith.constant 1 : index
    %swap3A_22 = arith.constant 0 : index
    %swap3A_23 = arith.constant 0 : index
    %swap3A_24 = vector.load %arg3[%swap3A_21, %swap3A_22, %swap3A_23] : memref<2x10240x64xf32, #tpu.memory_space<vmem>>, vector<1x10240x64xf32>
    %swap3A_25 = vector.shape_cast %swap3A_24 : vector<1x10240x64xf32> to vector<10240x64xf32>
    %swap3A_26 = vector.shape_cast %concatenate3A_20 : vector<10240x64xf32> to vector<1x10240x64xf32>
    tpu.vector_store %arg3[%swap3A_21, %swap3A_22, %swap3A_23], %swap3A_26 {strides = array<i32>} : memref<2x10240x64xf32, #tpu.memory_space<vmem>>, vector<1x10240x64xf32>,
    %swap3A_27 = arith.constant 0 : index
    %swap3A_28 = arith.constant 0 : index
    %swap3A_29 = vector.load %arg4[%swap3A_27, %swap3A_28] : memref<10240x1xf32, #tpu.memory_space<vmem>>, vector<10240x1xf32>
    tpu.vector_store %arg4[%swap3A_27, %swap3A_28], %rsqrt3A {strides = array<i32>} : memref<10240x1xf32, #tpu.memory_space<vmem>>, vector<10240x1xf32>,
    return
  }
}

module attributes {stable_mosaic.version = 14 : i64} {
  func.func @_tc2_body(%arg0: memref<2x10240x64xf32, #tpu.memory_space<vmem>>, %arg1: memref<10240x1xf32, #tpu.memory_space<vmem>>, %arg2: memref<1x128xf32, #tpu.memory_space<vmem>>, %arg3: memref<128x128xf32, #tpu.memory_space<vmem>>, %arg4: memref<2x10240x64xf32, #tpu.memory_space<vmem>>) attributes {dimension_semantics = [], scalar_prefetch = 0 : i64, scratch_operands = 0 : i64, tpu.core_type = #tpu.core_type<tc>} {
    %get3A = arith.constant 0 : index
    %get3A_0 = arith.constant 0 : index
    %get3A_1 = vector.load %arg1[%get3A, %get3A_0] : memref<10240x1xf32, #tpu.memory_space<vmem>>, vector<10240x1xf32>
    %get3A_2 = arith.constant 0 : index
    %get3A_3 = arith.constant 0 : index
    %get3A_4 = arith.constant 0 : index
    %get3A_5 = vector.load %arg0[%get3A_2, %get3A_3, %get3A_4] : memref<2x10240x64xf32, #tpu.memory_space<vmem>>, vector<1x10240x64xf32>
    %get3A_6 = vector.shape_cast %get3A_5 : vector<1x10240x64xf32> to vector<10240x64xf32>
    %get3A_7 = arith.constant 1 : index
    %get3A_8 = arith.constant 0 : index
    %get3A_9 = arith.constant 0 : index
    %get3A_10 = vector.load %arg0[%get3A_7, %get3A_8, %get3A_9] : memref<2x10240x64xf32, #tpu.memory_space<vmem>>, vector<1x10240x64xf32>
    %get3A_11 = vector.shape_cast %get3A_10 : vector<1x10240x64xf32> to vector<10240x64xf32>
    %concatenate3A = tpu.concatenate %get3A_6, %get3A_11 in 1 : vector<10240x64xf32>, vector<10240x64xf32> -> vector<10240x128xf32>
    %mul3A = vector.broadcast %get3A_1 : vector<10240x1xf32> to vector<10240x128xf32>
    %mul3A_12 = arith.mulf %mul3A, %concatenate3A : vector<10240x128xf32>
    %get3A_13 = arith.constant 0 : index
    %get3A_14 = arith.constant 0 : index
    %get3A_15 = vector.load %arg2[%get3A_13, %get3A_14] : memref<1x128xf32, #tpu.memory_space<vmem>>, vector<1x128xf32>
    %add3A = vector.broadcast %get3A_15 : vector<1x128xf32> to vector<10240x128xf32>
    %add3A_16 = arith.addf %mul3A_12, %add3A : vector<10240x128xf32>
    %max3A = arith.constant 0.000000e+00 : f32
    %max3A_17 = vector.broadcast %max3A : f32 to vector<10240x128xf32>
    %max3A_18 = arith.maximumf %add3A_16, %max3A_17 : vector<10240x128xf32>
    %get3A_19 = arith.constant 0 : index
    %get3A_20 = arith.constant 0 : index
    %get3A_21 = vector.load %arg3[%get3A_19, %get3A_20] : memref<128x128xf32, #tpu.memory_space<vmem>>, vector<128x128xf32>
    %dot_general3A = arith.constant dense<0.000000e+00> : vector<10240x128xf32>
    %dot_general3A_22 = tpu.matmul %max3A_18, %get3A_21, %dot_general3A {dimension_numbers = #tpu.dot_dimension_numbers<[1], [0], [0], [1], [0, 0, 1, 1], [], []>, transpose_lhs_hint = false} : vector<10240x128xf32>, vector<128x128xf32>, vector<10240x128xf32> -> vector<10240x128xf32>
    %mul3A_23 = vector.broadcast %get3A_1 : vector<10240x1xf32> to vector<10240x128xf32>
    %mul3A_24 = arith.mulf %mul3A_23, %dot_general3A_22 : vector<10240x128xf32>
    %slice3A = vector.extract_strided_slice %mul3A_24 {offsets = [0, 0], sizes = [10240, 64], strides = [1, 1]} : vector<10240x128xf32> to vector<10240x64xf32>
    %swap3A = arith.constant 0 : index
    %swap3A_25 = arith.constant 0 : index
    %swap3A_26 = arith.constant 0 : index
    %swap3A_27 = vector.load %arg4[%swap3A, %swap3A_25, %swap3A_26] : memref<2x10240x64xf32, #tpu.memory_space<vmem>>, vector<1x10240x64xf32>
    %swap3A_28 = vector.shape_cast %swap3A_27 : vector<1x10240x64xf32> to vector<10240x64xf32>
    %swap3A_29 = vector.shape_cast %slice3A : vector<10240x64xf32> to vector<1x10240x64xf32>
    tpu.vector_store %arg4[%swap3A, %swap3A_25, %swap3A_26], %swap3A_29 {strides = array<i32>} : memref<2x10240x64xf32, #tpu.memory_space<vmem>>, vector<1x10240x64xf32>,
    %slice3A_30 = vector.extract_strided_slice %mul3A_24 {offsets = [0, 64], sizes = [10240, 64], strides = [1, 1]} : vector<10240x128xf32> to vector<10240x64xf32>
    %swap3A_31 = arith.constant 1 : index
    %swap3A_32 = arith.constant 0 : index
    %swap3A_33 = arith.constant 0 : index
    %swap3A_34 = vector.load %arg4[%swap3A_31, %swap3A_32, %swap3A_33] : memref<2x10240x64xf32, #tpu.memory_space<vmem>>, vector<1x10240x64xf32>
    %swap3A_35 = vector.shape_cast %swap3A_34 : vector<1x10240x64xf32> to vector<10240x64xf32>
    %swap3A_36 = vector.shape_cast %slice3A_30 : vector<10240x64xf32> to vector<1x10240x64xf32>
    tpu.vector_store %arg4[%swap3A_31, %swap3A_32, %swap3A_33], %swap3A_36 {strides = array<i32>} : memref<2x10240x64xf32, #tpu.memory_space<vmem>>, vector<1x10240x64xf32>,
    return
  }
}

module attributes {stable_mosaic.version = 14 : i64} {
  func.func @_tc3_body(%arg0: memref<2x10240x64xf32, #tpu.memory_space<vmem>>, %arg1: memref<10240x1xf32, #tpu.memory_space<vmem>>, %arg2: memref<1x128xf32, #tpu.memory_space<vmem>>, %arg3: memref<128x1xf32, #tpu.memory_space<vmem>>, %arg4: memref<1x1xf32, #tpu.memory_space<vmem>>, %arg5: memref<10240x1xf32, #tpu.memory_space<vmem>>) attributes {dimension_semantics = [], scalar_prefetch = 0 : i64, scratch_operands = 0 : i64, tpu.core_type = #tpu.core_type<tc>} {
    %get3A = arith.constant 0 : index
    %get3A_0 = arith.constant 0 : index
    %get3A_1 = vector.load %arg1[%get3A, %get3A_0] : memref<10240x1xf32, #tpu.memory_space<vmem>>, vector<10240x1xf32>
    %get3A_2 = arith.constant 0 : index
    %get3A_3 = arith.constant 0 : index
    %get3A_4 = arith.constant 0 : index
    %get3A_5 = vector.load %arg0[%get3A_2, %get3A_3, %get3A_4] : memref<2x10240x64xf32, #tpu.memory_space<vmem>>, vector<1x10240x64xf32>
    %get3A_6 = vector.shape_cast %get3A_5 : vector<1x10240x64xf32> to vector<10240x64xf32>
    %get3A_7 = arith.constant 1 : index
    %get3A_8 = arith.constant 0 : index
    %get3A_9 = arith.constant 0 : index
    %get3A_10 = vector.load %arg0[%get3A_7, %get3A_8, %get3A_9] : memref<2x10240x64xf32, #tpu.memory_space<vmem>>, vector<1x10240x64xf32>
    %get3A_11 = vector.shape_cast %get3A_10 : vector<1x10240x64xf32> to vector<10240x64xf32>
    %concatenate3A = tpu.concatenate %get3A_6, %get3A_11 in 1 : vector<10240x64xf32>, vector<10240x64xf32> -> vector<10240x128xf32>
    %mul3A = vector.broadcast %get3A_1 : vector<10240x1xf32> to vector<10240x128xf32>
    %mul3A_12 = arith.mulf %mul3A, %concatenate3A : vector<10240x128xf32>
    %get3A_13 = arith.constant 0 : index
    %get3A_14 = arith.constant 0 : index
    %get3A_15 = vector.load %arg2[%get3A_13, %get3A_14] : memref<1x128xf32, #tpu.memory_space<vmem>>, vector<1x128xf32>
    %add3A = vector.broadcast %get3A_15 : vector<1x128xf32> to vector<10240x128xf32>
    %add3A_16 = arith.addf %mul3A_12, %add3A : vector<10240x128xf32>
    %max3A = arith.constant 0.000000e+00 : f32
    %max3A_17 = vector.broadcast %max3A : f32 to vector<10240x128xf32>
    %max3A_18 = arith.maximumf %add3A_16, %max3A_17 : vector<10240x128xf32>
    %get3A_19 = arith.constant 0 : index
    %get3A_20 = arith.constant 0 : index
    %get3A_21 = vector.load %arg3[%get3A_19, %get3A_20] : memref<128x1xf32, #tpu.memory_space<vmem>>, vector<128x1xf32>
    %dot_general3A = arith.constant dense<0.000000e+00> : vector<10240x1xf32>
    %dot_general3A_22 = tpu.matmul %max3A_18, %get3A_21, %dot_general3A {dimension_numbers = #tpu.dot_dimension_numbers<[1], [0], [0], [1], [0, 0, 1, 1], [], []>, transpose_lhs_hint = false} : vector<10240x128xf32>, vector<128x1xf32>, vector<10240x1xf32> -> vector<10240x1xf32>
    %get3A_23 = arith.constant 0 : index
    %get3A_24 = arith.constant 0 : index
    %get3A_25 = vector.load %arg4[%get3A_23, %get3A_24] : memref<1x1xf32, #tpu.memory_space<vmem>>, vector<1x1xf32>
    %add3A_26 = vector.broadcast %get3A_25 : vector<1x1xf32> to vector<10240x1xf32>
    %add3A_27 = arith.addf %dot_general3A_22, %add3A_26 : vector<10240x1xf32>
    %logistic3A = arith.negf %add3A_27 : vector<10240x1xf32>
    %logistic3A_28 = math.exp %logistic3A : vector<10240x1xf32>
    %logistic3A_29 = arith.constant 1.000000e+00 : f32
    %logistic3A_30 = vector.broadcast %logistic3A_29 : f32 to vector<10240x1xf32>
    %logistic3A_31 = arith.addf %logistic3A_30, %logistic3A_28 : vector<10240x1xf32>
    %logistic3A_32 = arith.divf %logistic3A_30, %logistic3A_31 : vector<10240x1xf32>
    %swap3A = arith.constant 0 : index
    %swap3A_33 = arith.constant 0 : index
    %swap3A_34 = vector.load %arg5[%swap3A, %swap3A_33] : memref<10240x1xf32, #tpu.memory_space<vmem>>, vector<10240x1xf32>
    tpu.vector_store %arg5[%swap3A, %swap3A_33], %logistic3A_32 {strides = array<i32>} : memref<10240x1xf32, #tpu.memory_space<vmem>>, vector<10240x1xf32>,
    return
  }
}

</mosaic_0001>

<sc_bundles>
// kernel: kernel.12.cloned.1.call-start
scs
__scs_entry_jumppad:
0x0: {  	(pc) =	sbr.rel $0x88, $3  }
0x1: {  	(tag) =	ssettag $0x0;
	lr =	simm.s32 $0x1  }
0x2: {  	[smem:$0x3F99] =	sst lr;
	_ =	strace $0xD0000000  }
0x3: {  	_ = 	snop  }
0x4: {  	_ = 	snop  }
0x5: {  	_ = 	snop  }
0x6: {  	_ = 	snop  }
0x7: {  	_ = 	snop  }
__scs_overlays_trampoline_lowered:
0x8: {  	[smem:$0x3FA8] =	sst s0  }
0x9: {  	[smem:$0x3FA9] =	sst s1  }
0xa: {  	[smem:$0x3FAA] =	sst s2  }
0xb: {  	[smem:$0x3FAB] =	sst s3  }
0xc: {  	[smem:$0x3FAC] =	sst s4  }
0xd: {  	[smem:$0x3FAD] =	sst s5  }
0xe: {  	[smem:$0x3FAE] =	sst s6  }
0xf: {  	[smem:$0x3FAF] =	sst s7  }
0x10: {  	[smem:$0x3FB0] =	sst s8  }
0x11: {  	[smem:$0x3FB1] =	sst s9;
	s0 =	simm.s32 @!p0 $0x0  }
0x12: {  	s1 =	sld [smem:$0x3F97];
	s0 =	simm.s32 @p0 $0x1  }
0x13: {  	[smem:$0x3FB2] =	sst s0;
	s0 =	simm.s32 @!p1 $0x0  }
0x14: {  	s2 =	sld [smem:$0x3F96];
	s0 =	simm.s32 @p1 $0x1  }
0x15: {  	[smem:$0x3FB3] =	sst s0;
	s0 =	simm.s32 @!p2 $0x0  }
0x16: {  	s3 =	sld [smem:$0x3FDB];
	s0 =	simm.s32 @p2 $0x1  }
0x17: {  	s4 =	simm.s32 $0x1BF5;
	[smem:$0x3FB5] =	sst s0  }
0x18: {  	s0 =	sld [smem:$0x3F98];
	_ =	swait.ge [sflag:s4], $0x0  }
0x19: {  	s7 =	sld [smem:$0x3F99]  }
0x1a: {  	s8 =	sadd.s32 $0xFFFFE003, lr  }
0x1b: {  	s9 =	sadd.s32 $0xFFFFFEF7, lr;
	s5 =	simm.s32 $0xFFFFFFFF;
	p2 =	slt.u32 s8, $0xFFFFF086  }
0x1c: {  	p1 =	slt.u32 s9, $0xF7A;
	s5 =	simm.s32 @!p2 $0x0  }
0x1d: {  	s5 =	simm.s32 @p1 $0x1;
	p0 =	seq.s32 s7, s2  }
0x1e: {  	s7 =	smul.u32 @!p0 $0xF7A, s2;
	p2 =	seq.s32 @!p0 s5, $0x0  }
0x1f: {  	s9 =	smul.u32 $0xF7A, s1;
	s8 =	simm.s32 @!p0 $0x1BF5;
	p2 =	por !p2, p0  }
0x20: {  	[sflag:s8] =	ssyncset.s32 @!p0 $0xFFFFF086;
	s6 =	sadd.s32 @!p0 s3, s7;
	s7 =	simm.s32 @!p0 $0x108  }
0x21: {  	s3 =	sadd.s32 s3, s9;
	s6 =	sadd.s32 @!p0 $0x88, s6;
	s7 =	simm.s32 @p2 $0x1082  }
0x22: {  	[simem:s7], [sflag:s8] =	dma.local @!p0 [hbm:s6], $0xF7A  }
0x23: {  	s9 =	sor.u32 $0xD0000000, s2;
	s6 =	simm.s32 $0x108;
	_ =	swait.ge @!p0 [sflag:s8], $0x0  }
0x24: {  	s3 =	sadd.s32 $0x88, s3;
	s6 =	simm.s32 @!p1 $0x1082;
	[sflag:s4] =	ssyncset.s32 $0xFFFFF086  }
0x25: {  	[simem:s6], [sflag:s4] =	dma.local [hbm:s3], $0xF7A  }
0x26: {  	[smem:$0x3F99] =	sst s1;
	(tag) =	ssettag s2;
	_ =	strace s9  }
0x27: {  	s1 =	sld [smem:$0x3FA9]  }
0x28: {  	s2 =	sld [smem:$0x3FAA]  }
0x29: {  	s4 =	sld [smem:$0x3FAC]  }
0x2a: {  	p0 =	seq.s32 s5, $0x0;
	s5 =	sld [smem:$0x3FAD]  }
0x2b: {  	s6 =	sld [smem:$0x3FAE]  }
0x2c: {  	s7 =	sld [smem:$0x3FAF]  }
0x2d: {  	s3 =	simm.s32 $0x108;
	s8 =	sld [smem:$0x3FB0]  }
0x2e: {  	s3 =	simm.s32 @!p0 $0x1082;
	s9 =	sld [smem:$0x3FB1]  }
0x2f: {  	lr =	sadd.s32 s0, s3;
	s0 =	sld [smem:$0x3FA8]  }
0x30: {  	s3 =	sld [smem:$0x3FAB]  }
0x31: {  	[smem:$0x3FB4] =	sst s10  }
0x32: {  	s10 =	sld [smem:$0x3FB2];
	_ =	sdelay $0x3  }
0x33: {  	p0 =	seq.s32 s10, $0x1;
	s10 =	sld [smem:$0x3FB4];
	_ =	sdelay $0x3  }
0x34: {  	[smem:$0x3FB4] =	sst s10  }
0x35: {  	s10 =	sld [smem:$0x3FB3];
	_ =	sdelay $0x3  }
0x36: {  	p1 =	seq.s32 s10, $0x1;
	s10 =	sld [smem:$0x3FB4];
	_ =	sdelay $0x3  }
0x37: {  	[smem:$0x3FB4] =	sst s10  }
0x38: {  	s10 =	sld [smem:$0x3FB5]  }
0x39: {  	_ = 	snop;
	(pc) =	sbr.ind lr, $3  }
0x3a: {  	_ = 	snop  }
0x3b: {  	_ = 	snop  }
0x3c: {  	p2 =	seq.s32 s10, $0x1;
	s10 =	sld [smem:$0x3FB4]  }
0x3d: {  	_ =	shalt  }
0x3e: {  	_ =	shalt  }
0x3f: {  	_ =	shalt  }
0x40: {  	_ =	shalt  }
0x41: {  	_ =	shalt  }
0x42: {  	_ =	shalt  }
0x43: {  	_ =	shalt  }
0x44: {  	_ =	shalt  }
0x45: {  	_ =	shalt  }
0x46: {  	_ =	shalt  }
0x47: {  	_ =	shalt  }
0x48: {  	_ =	shalt  }
0x49: {  	_ =	shalt  }
0x4a: {  	_ =	shalt  }
0x4b: {  	_ =	shalt  }
0x4c: {  	_ =	shalt  }
0x4d: {  	_ =	shalt  }
0x4e: {  	_ =	shalt  }
0x4f: {  	_ =	shalt  }
0x50: {  	_ =	shalt  }
0x51: {  	_ =	shalt  }
0x52: {  	_ =	shalt  }
0x53: {  	_ =	shalt  }
0x54: {  	_ =	shalt  }
0x55: {  	_ =	shalt  }
0x56: {  	_ =	shalt  }
0x57: {  	_ =	shalt  }
0x58: {  	_ =	shalt  }
0x59: {  	_ =	shalt  }
0x5a: {  	_ =	shalt  }
0x5b: {  	_ =	shalt  }
0x5c: {  	_ =	shalt  }
0x5d: {  	_ =	shalt  }
0x5e: {  	_ =	shalt  }
0x5f: {  	_ =	shalt  }
0x60: {  	_ =	shalt  }
0x61: {  	_ =	shalt  }
0x62: {  	_ =	shalt  }
0x63: {  	_ =	shalt  }
0x64: {  	_ =	shalt  }
0x65: {  	_ =	shalt  }
0x66: {  	_ =	shalt  }
0x67: {  	_ =	shalt  }
0x68: {  	_ =	shalt  }
0x69: {  	_ =	shalt  }
0x6a: {  	_ =	shalt  }
0x6b: {  	_ =	shalt  }
0x6c: {  	_ =	shalt  }
0x6d: {  	_ =	shalt  }
0x6e: {  	_ =	shalt  }
0x6f: {  	_ =	shalt  }
0x70: {  	_ =	shalt  }
0x71: {  	_ =	shalt  }
0x72: {  	_ =	shalt  }
0x73: {  	_ =	shalt  }
0x74: {  	_ =	shalt  }
0x75: {  	_ =	shalt  }
0x76: {  	_ =	shalt  }
0x77: {  	_ =	shalt  }
0x78: {  	_ =	shalt  }
0x79: {  	_ =	shalt  }
0x7a: {  	_ =	shalt  }
0x7b: {  	_ =	shalt  }
0x7c: {  	_ =	shalt  }
0x7d: {  	_ =	shalt  }
0x7e: {  	_ =	shalt  }
0x7f: {  	_ =	shalt  }
0x80: {  	_ =	shalt  }
0x81: {  	_ =	shalt  }
0x82: {  	_ =	shalt  }
0x83: {  	_ =	shalt  }
0x84: {  	_ =	shalt  }
0x85: {  	_ =	shalt  }
0x86: {  	_ =	shalt  }
0x87: {  	_ =	shalt  }
.Lfunc_end0:
.L_simem_size_0:
called_computation.1_lowered:
.L_overlay_start_0:
0x88: {  	s2 =	sld [smem:$0x3FD9]  }
0x89: {  	s3 =	sld [smem:$0x3FFE];
	_ =	sdelay $0x1  }
0x8a: {  	s1 =	srdreg.scid  }
0x8b: {  	s0 =	sand.u32 $0x1, s1  }
0x8c: {  	s16 =	sshll.u32 s0, $0xA;
	s2 =	sadd.s32 s3, s2  }
0x8d: {  	s2 =	sadd.s32 s2, s16  }
0x8e: {  	[smem:$0x3FC0] =	sst s2  }
0x8f: {  	_ = 	snop  }
0x90: {  	(tm) =	ssettm $0x1  }
0x91: {  	s17 =	sld [smem:$0x3FFB];
	_ =	sdelay $0x3  }
0x92: {  	_ =	strace s17  }
0x93: {  	s2 =	sld [smem:$0x3FFC];
	_ =	sdelay $0x3  }
0x94: {  	_ =	strace s2  }
0x95: {  	s2 =	sld [smem:$0x3FFD];
	_ =	sdelay $0x3  }
0x96: {  	_ =	strace s2  }
0x97: {  	_ =	strace $0x8FFFFFFF  }
0x98: {  	s18 =	sld [smem:$0x3FDB];
	_ =	sdelay $0x1  }
0x99: {  	s19 =	simm.s32 $_scs_section_size  }
0x9a: {  	s4 =	simm.s32 $_size__tile_overlayer_lowered;
	s5 =	simm.s32 $_tile_overlayer_lowered  }
0x9b: {  	s22 =	simm.s32 $0x1BFF;
	s21 =	sshll.u32 s5, $0x1;
	s2 =	sadd.s32 s19, s18  }
0x9c: {  	s6 =	simm.s32 $0x0;
	s20 =	sshll.u32 s4, $0x1;
	s4 =	sadd.s32 s21, s2  }
0x9d: {  	[timem:s6], [sflag:s22] =	dma.local [hbm:s4], s20  }
0x9e: {  	_ =	swait.ge [sflag:s22], s20  }
0x9f: {  	s3 =	ssub.s32 $0x0, s20;
	[sflag:s22] =	ssyncset.done $0x0  }
0xa0: {  	[sflag:s22] =	ssyncadd.s32 s3;
	_ =	sdelay $0x1  }
0xa1: {  	s23 =	simm.s32 $0x1B8B  }
0xa2: {  	_ =	swait.ge [sflag:s23], $0x1  }
0xa3: {  	[sflag:s23] =	ssyncset.done $0x0  }
0xa4: {  	s25 =	simm.s32 $0x1B8E;
	s24 =	sld [smem:$0x3FFE];
	[sflag:s23] =	ssyncadd.s32 $0xFFFFFFFF  }
0xa5: {  	s26 =	simm.s32 $execute0_lowered;
	[smem:$0x3FD2] =	sst s25  }
0xa6: {  	s4 =	sshll.u32 s26, $0x1;
	_ =	strace $0x80000049;
	[dreg:$0x1] =	wrdreg $0xFFFFFFFF  }
0xa7: {  	s28 =	simm.s32 $_size_execute0_lowered;
	s2 =	sadd.s32 s2, s4;
	[dreg:$0x0] =	wrdreg $0x0  }
0xa8: {  	s4 =	sshll.u32 s28, $0x1;
	[dreg:$0x2] =	wrdreg s2  }
0xa9: {  	[dreg:$0x3] =	wrdreg s4  }
0xaa: {  	[dreg:$0x4] =	wrdreg $0xC0  }
0xab: {  	_ =	task [dreg:s6], $0x5FFFF  }
0xac: {  	[dreg:$0x1] =	wrdreg $0xFFFFFFFF  }
0xad: {  	[dreg:$0x0] =	wrdreg $0x60  }
0xae: {  	[dreg:$0x2] =	wrdreg s24  }
0xaf: {  	[dreg:$0x3] =	wrdreg $0x119400  }
0xb0: {  	[dreg:$0x4] =	wrdreg $0x9  }
0xb1: {  	_ =	task.clear_ibuf [dreg:s6], $0x5FFFF;
	_ =	strace $0x90000049  }
0xb2: {  	s29 =	simm.s32 $0x9;
	_ =	strace $0x8000004B  }
0xb3: {  	_ =	swait.ge [sflag:s29], $0x1  }
0xb4: {  	[sflag:s29] =	ssyncadd.s32 $0xFFFFFFFF  }
0xb5: {  	_ =	strace $0x9000004B  }
0xb6: {  	_ =	sfence  }
0xb7: {  	s30 =	sld [smem:$0x0];
	_ =	sdelay $0x2  }
0xb8: {  	s31 =	sshll.u32 s1, $0xD;
	s1 =	sshrl.u32 s1, $0x2  }
0xb9: {  	s3 =	sand.u32 $0x4000, s31;
	s1 =	sadd.s32 s1, s30  }
0xba: {  	s0 =	sor.u32 s3, s0;
	s1 =	sshll.u32 s1, $0x11  }
0xbb: {  	s0 =	sor.u32 s1, s0  }
0xbc: {  	s0 =	sadd.s32 $0x8F2B, s0  }
0xbd: {  	[sflag:s0] =	ssyncadd.remote.s32 $0x1  }
0xbe: {  	_ =	sfence.sel $0xFFFF  }
0xbf: {  	[dreg:$0x0] =	wrdreg $0xFFFFFFFF;
	(pc) =	sbr.abs _section_cstart, $3  }
0xc0: {  	[dreg:$0x1] =	wrdreg $0xFFFFFFFF  }
0xc1: {  	_ =	task.clear_ibuf [dreg:s6], $0x2FFFF;
	_ =	strace $0x9FFFFFFF  }
0xc2: {  	(tm) =	ssettm $0x7FFFFFFF  }
0xc3: {  	_ =	shalt  }
tec
execute0_lowered:
.L_overlay_start_1:
0x0: {  	(tag) =	ssettag $0x1  }
0x1: {  	s0 =	rddreg [dreg:$0x0];
	s7 =	stileid.u32  }
0x2: {  	s1 =	srdreg.scid;
	s2 =	rddreg [dreg:$0x1]  }
0x3: {  	s4 =	simm.s32 $0x0;
	s14 =	simm.s32 $0x3;
	s15 =	simm.s32 $0x28A0  }
0x4: {  	s16 =	simm.s32 $0x50;
	s17 =	simm.s32 $0x5140;
	s18 =	simm.s32 $0x6540  }
0x5: {  	s19 =	simm.s32 $0x7940;
	s20 =	simm.s32 $0x8D40;
	s21 =	simm.s32 $0xA140  }
0x6: {  	s22 =	simm.s32 $0xB540;
	s23 =	simm.s32 $0xC940;
	s24 =	simm.s32 $0xDD40  }
0x7: {  	s25 =	simm.s32 $0xF140;
	s28 =	simm.s32 $0x1;
	s29 =	simm.s32 $0x2  }
0x8: {  	s30 =	simm.s32 $0x0;
	s1 =	sand.u32 $0x1, s1;
	s3 =	smul.u32 $0xA000, s7  }
0x9: {  	[smem:$0x7FF] =	sst s4;
	s26 =	smul.u32 $0x4E20, s7;
	s8 =	sadd.s32 $0x65C00, s0  }
0xa: {  	s7 =	sshll.u32 s7, $0x6;
	s6 =	smul.u32 $0xA0000, s1;
	s1 =	ssub.s32 $0x2, s1  }
0xb: {  	_ =	strace $0x8000004A;
	s4 =	sshrl.u32 s26, $0x3;
	s31 =	sshrl.u32 s1, $0x1  }
0xc: {  	s26 =	simm.s32 $0x10540;
	s5 =	sadd.s32 s3, s6;
	s10 =	sadd.s32 s4, s0  }
0xd: {  	s1 =	ssub.s32 s1, s31;
	s3 =	sadd.s32 s3, s2;
	s9 =	sshrl.u32 s6, $0x3  }
0xe: {  	s5 =	sshrl.u32 s5, $0x3;
	s6 =	sadd.s32 $0x2200, s10;
	s12 =	smax.u32 s1, $0x1  }
0xf: {  	s13 =	sshrl.u32 s3, $0x3;
	s0 =	sadd.s32 s5, s0;
	s4 =	sadd.s32 s8, s5  }
0x10: {  	s5 =	sor.u32 $0x1C03, s7;
	s7 =	sadd.s32 $0xBE40, s10;
	s8 =	sadd.s32 s8, s9  }
0x11: {  	s9 =	sadd.s32 $0x2714, s10;
	s10 =	sadd.s32 $0xC354, s10;
	s11 =	sadd.s32 $0x15C00, s0  }
.LBB2_1:
0x12: {  	[spmem:s13], [sflag:s5] =	dma.local [hbm:s4], $0x1400  }
0x13: {  	_ =	swait.ge [sflag:s14], $0x1400  }
0x14: {  	[sflag:s14] =	ssyncset.done $0x0  }
0x15: {  	[sflag:s14] =	ssyncadd.s32 $0xFFFFEC00  }
0x16: {  	s0 =	simm.s32 $0x0;
	[bflag:$0x0] =	sbarrier.arrive $0xFFFF  }
0x17: {  	[tilespmem:s0], [sflag:$0x3] =	stream.linear.gather [hbm4b:s6+s0], $0x28A0, $0x38;
	[tilespmem:$0x1B940] =	vst v63  }
0x18: {  	_ =	swait.ge [sflag:s14], $0x28A0  }
0x19: {  	[sflag:s14] =	ssyncset.done $0x0  }
0x1a: {  	[sflag:s14] =	ssyncadd.s32 $0xFFFFD760  }
0x1b: {  	[tilespmem:s15], [sflag:$0x3] =	stream.linear.gather [hbm4b:s7+s0], $0x28A0, $0x38;
	[tilespmem:$0x1B940] =	vst v63  }
0x1c: {  	_ =	swait.ge [sflag:s14], $0x28A0  }
0x1d: {  	[sflag:s14] =	ssyncset.done $0x0  }
0x1e: {  	s1 =	simm.s32 $0x0;
	[sflag:s14] =	ssyncadd.s32 $0xFFFFD760  }
0x1f: {  	[tilespmem:s17], [sflag:$0x1] =	stream.indirect.gather [hbm4b:s8+s16], $0x40, s1, s16, $0xb8;
	[tilespmem:$0x1B940] =	vst v63  }
0x20: {  	s3 =	simm.s32 $0x50  }
0x21: {  	[tilespmem:s18], [sflag:$0x1] =	stream.indirect.gather [hbm4b:s8+s16], $0x40, s3, s16, $0xb8;
	[tilespmem:$0x1B940] =	vst v63  }
0x22: {  	s1 =	simm.s32 $0xA0  }
0x23: {  	[tilespmem:s19], [sflag:$0x1] =	stream.indirect.gather [hbm4b:s8+s16], $0x40, s1, s16, $0xb8;
	[tilespmem:$0x1B940] =	vst v63  }
0x24: {  	s3 =	simm.s32 $0xF0  }
0x25: {  	[tilespmem:s20], [sflag:$0x1] =	stream.indirect.gather [hbm4b:s8+s16], $0x40, s3, s16, $0xb8;
	[tilespmem:$0x1B940] =	vst v63  }
0x26: {  	s1 =	simm.s32 $0x140  }
0x27: {  	[tilespmem:s21], [sflag:$0x1] =	stream.indirect.gather [hbm4b:s8+s16], $0x40, s1, s16, $0xb8;
	[tilespmem:$0x1B940] =	vst v63  }
0x28: {  	s3 =	simm.s32 $0x190  }
0x29: {  	[tilespmem:s22], [sflag:$0x1] =	stream.indirect.gather [hbm4b:s8+s16], $0x40, s3, s16, $0xb8;
	[tilespmem:$0x1B940] =	vst v63  }
0x2a: {  	s1 =	simm.s32 $0x1E0  }
0x2b: {  	[tilespmem:s23], [sflag:$0x1] =	stream.indirect.gather [hbm4b:s8+s16], $0x40, s1, s16, $0xb8;
	[tilespmem:$0x1B940] =	vst v63  }
0x2c: {  	s3 =	simm.s32 $0x230  }
0x2d: {  	[tilespmem:s24], [sflag:$0x1] =	stream.indirect.gather [hbm4b:s8+s16], $0x40, s3, s16, $0xb8;
	[tilespmem:$0x1B940] =	vst v63  }
0x2e: {  	s1 =	simm.s32 $0x280  }
0x2f: {  	[tilespmem:s25], [sflag:$0x1] =	stream.indirect.gather [hbm4b:s8+s16], $0x40, s1, s16, $0xb8;
	[tilespmem:$0x1B940] =	vst v63  }
0x30: {  	s3 =	simm.s32 $0x2D0  }
0x31: {  	[tilespmem:s26], [sflag:$0x1] =	stream.indirect.gather [hbm4b:s8+s16], $0x40, s3, s16, $0xb8;
	[tilespmem:$0x1B940] =	vst v63  }
0x32: {  	_ =	swait.ge [sflag:s28], $0x1400  }
0x33: {  	[sflag:s28] =	ssyncset.done $0x0  }
0x34: {  	s1 =	simm.s32 $0x28A0;
	[sflag:s28] =	ssyncadd.s32 $0xFFFFEC00  }
0x35: {  	[spmem:s2] =	stream.indirect.scatter.add.f32 [tilespmem:s17], [sflag:$0x2], $0x40, s1, s16, $0xb8;
	[tilespmem:$0x1B940] =	vst v63  }
0x36: {  	_ =	swait.ge [sflag:s28], $0x1400  }
0x37: {  	[sflag:s28] =	ssyncset.done $0x0  }
0x38: {  	s3 =	simm.s32 $0x28F0;
	[sflag:s28] =	ssyncadd.s32 $0xFFFFEC00  }
0x39: {  	[spmem:s2] =	stream.indirect.scatter.add.f32 [tilespmem:s18], [sflag:$0x2], $0x40, s3, s16, $0xb8;
	[tilespmem:$0x1B940] =	vst v63  }
0x3a: {  	_ =	swait.ge [sflag:s28], $0x1400  }
0x3b: {  	[sflag:s28] =	ssyncset.done $0x0  }
0x3c: {  	s1 =	simm.s32 $0x2940;
	[sflag:s28] =	ssyncadd.s32 $0xFFFFEC00  }
0x3d: {  	[spmem:s2] =	stream.indirect.scatter.add.f32 [tilespmem:s19], [sflag:$0x2], $0x40, s1, s16, $0xb8;
	[tilespmem:$0x1B940] =	vst v63  }
0x3e: {  	_ =	swait.ge [sflag:s28], $0x1400  }
0x3f: {  	[sflag:s28] =	ssyncset.done $0x0  }
0x40: {  	s3 =	simm.s32 $0x2990;
	[sflag:s28] =	ssyncadd.s32 $0xFFFFEC00  }
0x41: {  	[spmem:s2] =	stream.indirect.scatter.add.f32 [tilespmem:s20], [sflag:$0x2], $0x40, s3, s16, $0xb8;
	[tilespmem:$0x1B940] =	vst v63  }
0x42: {  	_ =	swait.ge [sflag:s28], $0x1400  }
0x43: {  	[sflag:s28] =	ssyncset.done $0x0  }
0x44: {  	s1 =	simm.s32 $0x29E0;
	[sflag:s28] =	ssyncadd.s32 $0xFFFFEC00  }
0x45: {  	[spmem:s2] =	stream.indirect.scatter.add.f32 [tilespmem:s21], [sflag:$0x2], $0x40, s1, s16, $0xb8;
	[tilespmem:$0x1B940] =	vst v63  }
0x46: {  	_ =	swait.ge [sflag:s28], $0x1400  }
0x47: {  	[sflag:s28] =	ssyncset.done $0x0  }
0x48: {  	s3 =	simm.s32 $0x2A30;
	[sflag:s28] =	ssyncadd.s32 $0xFFFFEC00  }
0x49: {  	[spmem:s2] =	stream.indirect.scatter.add.f32 [tilespmem:s22], [sflag:$0x2], $0x40, s3, s16, $0xb8;
	[tilespmem:$0x1B940] =	vst v63  }
0x4a: {  	_ =	swait.ge [sflag:s28], $0x1400  }
0x4b: {  	[sflag:s28] =	ssyncset.done $0x0  }
0x4c: {  	s1 =	simm.s32 $0x2A80;
	[sflag:s28] =	ssyncadd.s32 $0xFFFFEC00  }
0x4d: {  	[spmem:s2] =	stream.indirect.scatter.add.f32 [tilespmem:s23], [sflag:$0x2], $0x40, s1, s16, $0xb8;
	[tilespmem:$0x1B940] =	vst v63  }
0x4e: {  	_ =	swait.ge [sflag:s28], $0x1400  }
0x4f: {  	[sflag:s28] =	ssyncset.done $0x0  }
0x50: {  	s3 =	simm.s32 $0x2AD0;
	[sflag:s28] =	ssyncadd.s32 $0xFFFFEC00  }
0x51: {  	[spmem:s2] =	stream.indirect.scatter.add.f32 [tilespmem:s24], [sflag:$0x2], $0x40, s3, s16, $0xb8;
	[tilespmem:$0x1B940] =	vst v63  }
0x52: {  	_ =	swait.ge [sflag:s28], $0x1400  }
0x53: {  	[sflag:s28] =	ssyncset.done $0x0  }
0x54: {  	s1 =	simm.s32 $0x2B20;
	[sflag:s28] =	ssyncadd.s32 $0xFFFFEC00  }
0x55: {  	[spmem:s2] =	stream.indirect.scatter.add.f32 [tilespmem:s25], [sflag:$0x2], $0x40, s1, s16, $0xb8;
	[tilespmem:$0x1B940] =	vst v63  }
0x56: {  	_ =	swait.ge [sflag:s28], $0x1400  }
0x57: {  	[sflag:s28] =	ssyncset.done $0x0  }
0x58: {  	s3 =	simm.s32 $0x2B70;
	[sflag:s28] =	ssyncadd.s32 $0xFFFFEC00  }
0x59: {  	[spmem:s2] =	stream.indirect.scatter.add.f32 [tilespmem:s26], [sflag:$0x2], $0x40, s3, s16, $0xb8;
	[tilespmem:$0x1B940] =	vst v63  }
0x5a: {  	_ =	swait.ge [sflag:s29], $0x1400  }
0x5b: {  	[sflag:s29] =	ssyncset.done $0x0  }
0x5c: {  	[sflag:s29] =	ssyncadd.s32 $0xFFFFEC00  }
0x5d: {  	_ =	swait.ge [sflag:s29], $0x1400  }
0x5e: {  	[sflag:s29] =	ssyncset.done $0x0  }
0x5f: {  	[sflag:s29] =	ssyncadd.s32 $0xFFFFEC00  }
0x60: {  	_ =	swait.ge [sflag:s29], $0x1400  }
0x61: {  	[sflag:s29] =	ssyncset.done $0x0  }
0x62: {  	[sflag:s29] =	ssyncadd.s32 $0xFFFFEC00  }
0x63: {  	_ =	swait.ge [sflag:s29], $0x1400  }
0x64: {  	[sflag:s29] =	ssyncset.done $0x0  }
0x65: {  	[sflag:s29] =	ssyncadd.s32 $0xFFFFEC00  }
0x66: {  	_ =	swait.ge [sflag:s29], $0x1400  }
0x67: {  	[sflag:s29] =	ssyncset.done $0x0  }
0x68: {  	[sflag:s29] =	ssyncadd.s32 $0xFFFFEC00  }
0x69: {  	_ =	swait.ge [sflag:s29], $0x1400  }
0x6a: {  	[sflag:s29] =	ssyncset.done $0x0  }
0x6b: {  	[sflag:s29] =	ssyncadd.s32 $0xFFFFEC00  }
0x6c: {  	_ =	swait.ge [sflag:s29], $0x1400  }
0x6d: {  	[sflag:s29] =	ssyncset.done $0x0  }
0x6e: {  	[sflag:s29] =	ssyncadd.s32 $0xFFFFEC00  }
0x6f: {  	_ =	swait.ge [sflag:s29], $0x1400  }
0x70: {  	[sflag:s29] =	ssyncset.done $0x0  }
0x71: {  	[sflag:s29] =	ssyncadd.s32 $0xFFFFEC00  }
0x72: {  	_ =	swait.ge [sflag:s29], $0x1400  }
0x73: {  	[sflag:s29] =	ssyncset.done $0x0  }
0x74: {  	[sflag:s29] =	ssyncadd.s32 $0xFFFFEC00  }
0x75: {  	_ =	swait.ge [sflag:s29], $0x1400  }
0x76: {  	s31 =	simm.s32 $0xC80;
	s1 =	simm.s32 $0x1900;
	[sflag:s29] =	ssyncset.done $0x0  }
.LBB2_2:
0x77: {  	s0 =	sshra.s32 s31, $0x2  }
0x78: {  	[sflag:s29] =	ssyncadd.s32 $0xFFFFEC00;
	s31 =	smov.u32 s1;
	s3 =	sadd.s32 $0xC80, s1  }
0x79: {  	[tilespmem:s17], [sflag:$0x1] =	stream.indirect.gather [hbm4b:s8+s16], $0x40, s0, s16, $0xb8;
	[tilespmem:$0x1B940] =	vst v63  }
0x7a: {  	p0 =	sne.s32 s1, $0x9600;
	s1 =	sadd.s32 $0x50, s0  }
0x7b: {  	[tilespmem:s18], [sflag:$0x1] =	stream.indirect.gather [hbm4b:s8+s16], $0x40, s1, s16, $0xb8;
	[tilespmem:$0x1B940] =	vst v63  }
0x7c: {  	s1 =	sadd.s32 $0xA0, s0  }
0x7d: {  	[tilespmem:s19], [sflag:$0x1] =	stream.indirect.gather [hbm4b:s8+s16], $0x40, s1, s16, $0xb8;
	[tilespmem:$0x1B940] =	vst v63  }
0x7e: {  	s1 =	sadd.s32 $0xF0, s0  }
0x7f: {  	[tilespmem:s20], [sflag:$0x1] =	stream.indirect.gather [hbm4b:s8+s16], $0x40, s1, s16, $0xb8;
	[tilespmem:$0x1B940] =	vst v63  }
0x80: {  	s1 =	sadd.s32 $0x140, s0  }
0x81: {  	[tilespmem:s21], [sflag:$0x1] =	stream.indirect.gather [hbm4b:s8+s16], $0x40, s1, s16, $0xb8;
	[tilespmem:$0x1B940] =	vst v63  }
0x82: {  	s1 =	sadd.s32 $0x190, s0  }
0x83: {  	[tilespmem:s22], [sflag:$0x1] =	stream.indirect.gather [hbm4b:s8+s16], $0x40, s1, s16, $0xb8;
	[tilespmem:$0x1B940] =	vst v63  }
0x84: {  	s1 =	sadd.s32 $0x1E0, s0  }
0x85: {  	[tilespmem:s23], [sflag:$0x1] =	stream.indirect.gather [hbm4b:s8+s16], $0x40, s1, s16, $0xb8;
	[tilespmem:$0x1B940] =	vst v63  }
0x86: {  	s1 =	sadd.s32 $0x230, s0  }
0x87: {  	[tilespmem:s24], [sflag:$0x1] =	stream.indirect.gather [hbm4b:s8+s16], $0x40, s1, s16, $0xb8;
	[tilespmem:$0x1B940] =	vst v63  }
0x88: {  	s1 =	sadd.s32 $0x280, s0  }
0x89: {  	[tilespmem:s25], [sflag:$0x1] =	stream.indirect.gather [hbm4b:s8+s16], $0x40, s1, s16, $0xb8;
	[tilespmem:$0x1B940] =	vst v63  }
0x8a: {  	s1 =	sadd.s32 $0x2D0, s0  }
0x8b: {  	[tilespmem:s26], [sflag:$0x1] =	stream.indirect.gather [hbm4b:s8+s16], $0x40, s1, s16, $0xb8;
	[tilespmem:$0x1B940] =	vst v63  }
0x8c: {  	_ =	swait.ge [sflag:s28], $0x1400  }
0x8d: {  	[sflag:s28] =	ssyncset.done $0x0  }
0x8e: {  	s1 =	sadd.s32 $0x28A0, s0;
	[sflag:s28] =	ssyncadd.s32 $0xFFFFEC00  }
0x8f: {  	[spmem:s2] =	stream.indirect.scatter.add.f32 [tilespmem:s17], [sflag:$0x2], $0x40, s1, s16, $0xb8;
	[tilespmem:$0x1B940] =	vst v63  }
0x90: {  	_ =	swait.ge [sflag:s28], $0x1400  }
0x91: {  	[sflag:s28] =	ssyncset.done $0x0  }
0x92: {  	s1 =	sadd.s32 $0x28F0, s0;
	[sflag:s28] =	ssyncadd.s32 $0xFFFFEC00  }
0x93: {  	[spmem:s2] =	stream.indirect.scatter.add.f32 [tilespmem:s18], [sflag:$0x2], $0x40, s1, s16, $0xb8;
	[tilespmem:$0x1B940] =	vst v63  }
0x94: {  	_ =	swait.ge [sflag:s28], $0x1400  }
0x95: {  	[sflag:s28] =	ssyncset.done $0x0  }
0x96: {  	s1 =	sadd.s32 $0x2940, s0;
	[sflag:s28] =	ssyncadd.s32 $0xFFFFEC00  }
0x97: {  	[spmem:s2] =	stream.indirect.scatter.add.f32 [tilespmem:s19], [sflag:$0x2], $0x40, s1, s16, $0xb8;
	[tilespmem:$0x1B940] =	vst v63  }
0x98: {  	_ =	swait.ge [sflag:s28], $0x1400  }
0x99: {  	[sflag:s28] =	ssyncset.done $0x0  }
0x9a: {  	s1 =	sadd.s32 $0x2990, s0;
	[sflag:s28] =	ssyncadd.s32 $0xFFFFEC00  }
0x9b: {  	[spmem:s2] =	stream.indirect.scatter.add.f32 [tilespmem:s20], [sflag:$0x2], $0x40, s1, s16, $0xb8;
	[tilespmem:$0x1B940] =	vst v63  }
0x9c: {  	_ =	swait.ge [sflag:s28], $0x1400  }
0x9d: {  	[sflag:s28] =	ssyncset.done $0x0  }
0x9e: {  	s1 =	sadd.s32 $0x29E0, s0;
	[sflag:s28] =	ssyncadd.s32 $0xFFFFEC00  }
0x9f: {  	[spmem:s2] =	stream.indirect.scatter.add.f32 [tilespmem:s21], [sflag:$0x2], $0x40, s1, s16, $0xb8;
	[tilespmem:$0x1B940] =	vst v63  }
0xa0: {  	_ =	swait.ge [sflag:s28], $0x1400  }
0xa1: {  	[sflag:s28] =	ssyncset.done $0x0  }
0xa2: {  	s1 =	sadd.s32 $0x2A30, s0;
	[sflag:s28] =	ssyncadd.s32 $0xFFFFEC00  }
0xa3: {  	[spmem:s2] =	stream.indirect.scatter.add.f32 [tilespmem:s22], [sflag:$0x2], $0x40, s1, s16, $0xb8;
	[tilespmem:$0x1B940] =	vst v63  }
0xa4: {  	_ =	swait.ge [sflag:s28], $0x1400  }
0xa5: {  	[sflag:s28] =	ssyncset.done $0x0  }
0xa6: {  	s1 =	sadd.s32 $0x2A80, s0;
	[sflag:s28] =	ssyncadd.s32 $0xFFFFEC00  }
0xa7: {  	[spmem:s2] =	stream.indirect.scatter.add.f32 [tilespmem:s23], [sflag:$0x2], $0x40, s1, s16, $0xb8;
	[tilespmem:$0x1B940] =	vst v63  }
0xa8: {  	_ =	swait.ge [sflag:s28], $0x1400  }
0xa9: {  	[sflag:s28] =	ssyncset.done $0x0  }
0xaa: {  	s1 =	sadd.s32 $0x2AD0, s0;
	[sflag:s28] =	ssyncadd.s32 $0xFFFFEC00  }
0xab: {  	[spmem:s2] =	stream.indirect.scatter.add.f32 [tilespmem:s24], [sflag:$0x2], $0x40, s1, s16, $0xb8;
	[tilespmem:$0x1B940] =	vst v63  }
0xac: {  	_ =	swait.ge [sflag:s28], $0x1400  }
0xad: {  	[sflag:s28] =	ssyncset.done $0x0  }
0xae: {  	s1 =	sadd.s32 $0x2B20, s0;
	[sflag:s28] =	ssyncadd.s32 $0xFFFFEC00  }
0xaf: {  	[spmem:s2] =	stream.indirect.scatter.add.f32 [tilespmem:s25], [sflag:$0x2], $0x40, s1, s16, $0xb8;
	[tilespmem:$0x1B940] =	vst v63  }
0xb0: {  	_ =	swait.ge [sflag:s28], $0x1400  }
0xb1: {  	[sflag:s28] =	ssyncset.done $0x0  }
0xb2: {  	s0 =	sadd.s32 $0x2B70, s0;
	[sflag:s28] =	ssyncadd.s32 $0xFFFFEC00  }
0xb3: {  	[spmem:s2] =	stream.indirect.scatter.add.f32 [tilespmem:s26], [sflag:$0x2], $0x40, s0, s16, $0xb8;
	[tilespmem:$0x1B940] =	vst v63  }
0xb4: {  	_ =	swait.ge [sflag:s29], $0x1400  }
0xb5: {  	[sflag:s29] =	ssyncset.done $0x0  }
0xb6: {  	[sflag:s29] =	ssyncadd.s32 $0xFFFFEC00  }
0xb7: {  	_ =	swait.ge [sflag:s29], $0x1400  }
0xb8: {  	[sflag:s29] =	ssyncset.done $0x0  }
0xb9: {  	[sflag:s29] =	ssyncadd.s32 $0xFFFFEC00  }
0xba: {  	_ =	swait.ge [sflag:s29], $0x1400  }
0xbb: {  	[sflag:s29] =	ssyncset.done $0x0  }
0xbc: {  	[sflag:s29] =	ssyncadd.s32 $0xFFFFEC00  }
0xbd: {  	_ =	swait.ge [sflag:s29], $0x1400  }
0xbe: {  	[sflag:s29] =	ssyncset.done $0x0  }
0xbf: {  	[sflag:s29] =	ssyncadd.s32 $0xFFFFEC00  }
0xc0: {  	_ =	swait.ge [sflag:s29], $0x1400  }
0xc1: {  	[sflag:s29] =	ssyncset.done $0x0  }
0xc2: {  	[sflag:s29] =	ssyncadd.s32 $0xFFFFEC00  }
0xc3: {  	_ =	swait.ge [sflag:s29], $0x1400  }
0xc4: {  	[sflag:s29] =	ssyncset.done $0x0  }
0xc5: {  	[sflag:s29] =	ssyncadd.s32 $0xFFFFEC00  }
0xc6: {  	_ =	swait.ge [sflag:s29], $0x1400  }
0xc7: {  	[sflag:s29] =	ssyncset.done $0x0  }
0xc8: {  	[sflag:s29] =	ssyncadd.s32 $0xFFFFEC00  }
0xc9: {  	_ =	swait.ge [sflag:s29], $0x1400  }
0xca: {  	[sflag:s29] =	ssyncset.done $0x0  }
0xcb: {  	[sflag:s29] =	ssyncadd.s32 $0xFFFFEC00  }
.Ltmp0:
0xcc: {  	_ =	swait.ge [sflag:s29], $0x1400;
	(pc) =	sbr.rel @p0 .LBB2_2-.Ltmp0, $4  }
0xcd: {  	[sflag:s29] =	ssyncset.done $0x0  }
0xce: {  	[sflag:s29] =	ssyncadd.s32 $0xFFFFEC00  }
0xcf: {  	_ =	swait.ge [sflag:s29], $0x1400  }
0xd0: {  	s1 =	smov.u32 s3;
	[sflag:s29] =	ssyncset.done $0x0  }
0xd1: {  	s0 =	sshra.s32 s31, $0x2;
	[sflag:s29] =	ssyncadd.s32 $0xFFFFEC00  }
0xd2: {  	[tilespmem:s17], [sflag:$0x1] =	stream.indirect.gather [hbm4b:s8+s16], $0x40, s0, s16, $0xb8;
	[tilespmem:$0x1B940] =	vst v63  }
0xd3: {  	s1 =	sadd.s32 $0x50, s0  }
0xd4: {  	[tilespmem:s18], [sflag:$0x1] =	stream.indirect.gather [hbm4b:s8+s16], $0x40, s1, s16, $0xb8;
	[tilespmem:$0x1B940] =	vst v63  }
0xd5: {  	s3 =	sadd.s32 $0xA0, s0  }
0xd6: {  	[tilespmem:s19], [sflag:$0x1] =	stream.indirect.gather [hbm4b:s8+s16], $0x40, s3, s16, $0xb8;
	[tilespmem:$0x1B940] =	vst v63  }
0xd7: {  	s3 =	sadd.s32 $0xF0, s0  }
0xd8: {  	[tilespmem:s20], [sflag:$0x1] =	stream.indirect.gather [hbm4b:s8+s16], $0x40, s3, s16, $0xb8;
	[tilespmem:$0x1B940] =	vst v63  }
0xd9: {  	s3 =	sadd.s32 $0x140, s0  }
0xda: {  	[tilespmem:s21], [sflag:$0x1] =	stream.indirect.gather [hbm4b:s8+s16], $0x40, s3, s16, $0xb8;
	[tilespmem:$0x1B940] =	vst v63  }
0xdb: {  	s3 =	sadd.s32 $0x190, s0  }
0xdc: {  	[tilespmem:s22], [sflag:$0x1] =	stream.indirect.gather [hbm4b:s8+s16], $0x40, s3, s16, $0xb8;
	[tilespmem:$0x1B940] =	vst v63  }
0xdd: {  	s3 =	sadd.s32 $0x1E0, s0  }
0xde: {  	[tilespmem:s23], [sflag:$0x1] =	stream.indirect.gather [hbm4b:s8+s16], $0x40, s3, s16, $0xb8;
	[tilespmem:$0x1B940] =	vst v63  }
0xdf: {  	s3 =	sadd.s32 $0x230, s0  }
0xe0: {  	[tilespmem:s24], [sflag:$0x1] =	stream.indirect.gather [hbm4b:s8+s16], $0x40, s3, s16, $0xb8;
	[tilespmem:$0x1B940] =	vst v63  }
0xe1: {  	s3 =	sadd.s32 $0x280, s0  }
0xe2: {  	[tilespmem:s25], [sflag:$0x1] =	stream.indirect.gather [hbm4b:s8+s16], $0x40, s3, s16, $0xb8;
	[tilespmem:$0x1B940] =	vst v63  }
0xe3: {  	s3 =	sadd.s32 $0x2D0, s0  }
0xe4: {  	[tilespmem:s26], [sflag:$0x1] =	stream.indirect.gather [hbm4b:s8+s16], $0x40, s3, s16, $0xb8;
	[tilespmem:$0x1B940] =	vst v63  }
0xe5: {  	_ =	swait.ge [sflag:s28], $0x1400  }
0xe6: {  	[sflag:s28] =	ssyncset.done $0x0  }
0xe7: {  	s3 =	sadd.s32 $0x28A0, s0;
	[sflag:s28] =	ssyncadd.s32 $0xFFFFEC00  }
0xe8: {  	[spmem:s2] =	stream.indirect.scatter.add.f32 [tilespmem:s17], [sflag:$0x2], $0x40, s3, s16, $0xb8;
	[tilespmem:$0x1B940] =	vst v63  }
0xe9: {  	_ =	swait.ge [sflag:s28], $0x1400  }
0xea: {  	[sflag:s28] =	ssyncset.done $0x0  }
0xeb: {  	s3 =	sadd.s32 $0x28F0, s0;
	[sflag:s28] =	ssyncadd.s32 $0xFFFFEC00  }
0xec: {  	[spmem:s2] =	stream.indirect.scatter.add.f32 [tilespmem:s18], [sflag:$0x2], $0x40, s3, s16, $0xb8;
	[tilespmem:$0x1B940] =	vst v63  }
0xed: {  	_ =	swait.ge [sflag:s28], $0x1400  }
0xee: {  	[sflag:s28] =	ssyncset.done $0x0  }
0xef: {  	s3 =	sadd.s32 $0x2940, s0;
	[sflag:s28] =	ssyncadd.s32 $0xFFFFEC00  }
0xf0: {  	[spmem:s2] =	stream.indirect.scatter.add.f32 [tilespmem:s19], [sflag:$0x2], $0x40, s3, s16, $0xb8;
	[tilespmem:$0x1B940] =	vst v63  }
0xf1: {  	_ =	swait.ge [sflag:s28], $0x1400  }
0xf2: {  	[sflag:s28] =	ssyncset.done $0x0  }
0xf3: {  	s3 =	sadd.s32 $0x2990, s0;
	[sflag:s28] =	ssyncadd.s32 $0xFFFFEC00  }
0xf4: {  	[spmem:s2] =	stream.indirect.scatter.add.f32 [tilespmem:s20], [sflag:$0x2], $0x40, s3, s16, $0xb8;
	[tilespmem:$0x1B940] =	vst v63  }
0xf5: {  	_ =	swait.ge [sflag:s28], $0x1400  }
0xf6: {  	[sflag:s28] =	ssyncset.done $0x0  }
0xf7: {  	s3 =	sadd.s32 $0x29E0, s0;
	[sflag:s28] =	ssyncadd.s32 $0xFFFFEC00  }
0xf8: {  	[spmem:s2] =	stream.indirect.scatter.add.f32 [tilespmem:s21], [sflag:$0x2], $0x40, s3, s16, $0xb8;
	[tilespmem:$0x1B940] =	vst v63  }
0xf9: {  	_ =	swait.ge [sflag:s28], $0x1400  }
0xfa: {  	[sflag:s28] =	ssyncset.done $0x0  }
0xfb: {  	s3 =	sadd.s32 $0x2A30, s0;
	[sflag:s28] =	ssyncadd.s32 $0xFFFFEC00  }
0xfc: {  	[spmem:s2] =	stream.indirect.scatter.add.f32 [tilespmem:s22], [sflag:$0x2], $0x40, s3, s16, $0xb8;
	[tilespmem:$0x1B940] =	vst v63  }
0xfd: {  	_ =	swait.ge [sflag:s28], $0x1400  }
0xfe: {  	[sflag:s28] =	ssyncset.done $0x0  }
0xff: {  	s3 =	sadd.s32 $0x2A80, s0;
	[sflag:s28] =	ssyncadd.s32 $0xFFFFEC00  }
0x100: {  	[spmem:s2] =	stream.indirect.scatter.add.f32 [tilespmem:s23], [sflag:$0x2], $0x40, s3, s16, $0xb8;
	[tilespmem:$0x1B940] =	vst v63  }
0x101: {  	_ =	swait.ge [sflag:s28], $0x1400  }
0x102: {  	[sflag:s28] =	ssyncset.done $0x0  }
0x103: {  	s3 =	sadd.s32 $0x2AD0, s0;
	[sflag:s28] =	ssyncadd.s32 $0xFFFFEC00  }
0x104: {  	[spmem:s2] =	stream.indirect.scatter.add.f32 [tilespmem:s24], [sflag:$0x2], $0x40, s3, s16, $0xb8;
	[tilespmem:$0x1B940] =	vst v63  }
0x105: {  	_ =	swait.ge [sflag:s28], $0x1400  }
0x106: {  	[sflag:s28] =	ssyncset.done $0x0  }
0x107: {  	s3 =	sadd.s32 $0x2B20, s0;
	[sflag:s28] =	ssyncadd.s32 $0xFFFFEC00  }
0x108: {  	[spmem:s2] =	stream.indirect.scatter.add.f32 [tilespmem:s25], [sflag:$0x2], $0x40, s3, s16, $0xb8;
	[tilespmem:$0x1B940] =	vst v63  }
0x109: {  	_ =	swait.ge [sflag:s28], $0x1400  }
0x10a: {  	[sflag:s28] =	ssyncset.done $0x0  }
0x10b: {  	s0 =	sadd.s32 $0x2B70, s0;
	[sflag:s28] =	ssyncadd.s32 $0xFFFFEC00  }
0x10c: {  	[spmem:s2] =	stream.indirect.scatter.add.f32 [tilespmem:s26], [sflag:$0x2], $0x40, s0, s16, $0xb8;
	[tilespmem:$0x1B940] =	vst v63  }
0x10d: {  	_ =	swait.ge [sflag:s29], $0x1400  }
0x10e: {  	[sflag:s29] =	ssyncset.done $0x0  }
0x10f: {  	[sflag:s29] =	ssyncadd.s32 $0xFFFFEC00  }
0x110: {  	_ =	swait.ge [sflag:s29], $0x1400  }
0x111: {  	[sflag:s29] =	ssyncset.done $0x0  }
0x112: {  	[sflag:s29] =	ssyncadd.s32 $0xFFFFEC00  }
0x113: {  	_ =	swait.ge [sflag:s29], $0x1400  }
0x114: {  	[sflag:s29] =	ssyncset.done $0x0  }
0x115: {  	[sflag:s29] =	ssyncadd.s32 $0xFFFFEC00  }
0x116: {  	_ =	swait.ge [sflag:s29], $0x1400  }
0x117: {  	[sflag:s29] =	ssyncset.done $0x0  }
0x118: {  	[sflag:s29] =	ssyncadd.s32 $0xFFFFEC00  }
0x119: {  	_ =	swait.ge [sflag:s29], $0x1400  }
0x11a: {  	[sflag:s29] =	ssyncset.done $0x0  }
0x11b: {  	[sflag:s29] =	ssyncadd.s32 $0xFFFFEC00  }
0x11c: {  	_ =	swait.ge [sflag:s29], $0x1400  }
0x11d: {  	[sflag:s29] =	ssyncset.done $0x0  }
0x11e: {  	[sflag:s29] =	ssyncadd.s32 $0xFFFFEC00  }
0x11f: {  	_ =	swait.ge [sflag:s29], $0x1400  }
0x120: {  	[sflag:s29] =	ssyncset.done $0x0  }
0x121: {  	[sflag:s29] =	ssyncadd.s32 $0xFFFFEC00  }
0x122: {  	_ =	swait.ge [sflag:s29], $0x1400  }
0x123: {  	[sflag:s29] =	ssyncset.done $0x0  }
0x124: {  	[sflag:s29] =	ssyncadd.s32 $0xFFFFEC00  }
0x125: {  	_ =	swait.ge [sflag:s29], $0x1400  }
0x126: {  	[sflag:s29] =	ssyncset.done $0x0  }
0x127: {  	[sflag:s29] =	ssyncadd.s32 $0xFFFFEC00  }
0x128: {  	_ =	swait.ge [sflag:s29], $0x1400  }
0x129: {  	[sflag:s29] =	ssyncset.done $0x0  }
0x12a: {  	s3 =	simm.s32 $0x0;
	[sflag:s29] =	ssyncadd.s32 $0xFFFFEC00  }
0x12b: {  	[tilespmem:s3], [sflag:$0x3] =	stream.linear.gather [hbm4b:s9+s3], $0x2580, $0x38;
	[tilespmem:$0x1B940] =	vst v63  }
0x12c: {  	_ =	swait.ge [sflag:s14], $0x2580  }
0x12d: {  	[sflag:s14] =	ssyncset.done $0x0  }
0x12e: {  	[sflag:s14] =	ssyncadd.s32 $0xFFFFDA80  }
0x12f: {  	[tilespmem:s15], [sflag:$0x3] =	stream.linear.gather [hbm4b:s10+s3], $0x2580, $0x38;
	[tilespmem:$0x1B940] =	vst v63  }
0x130: {  	_ =	swait.ge [sflag:s14], $0x2580  }
0x131: {  	[sflag:s14] =	ssyncset.done $0x0  }
0x132: {  	s1 =	simm.s32 $0x0;
	[sflag:s14] =	ssyncadd.s32 $0xFFFFDA80  }
0x133: {  	[tilespmem:s17], [sflag:$0x1] =	stream.indirect.gather [hbm4b:s8+s16], $0x40, s1, s16, $0xb8;
	[tilespmem:$0x1B940] =	vst v63  }
0x134: {  	s3 =	simm.s32 $0x50  }
0x135: {  	[tilespmem:s18], [sflag:$0x1] =	stream.indirect.gather [hbm4b:s8+s16], $0x40, s3, s16, $0xb8;
	[tilespmem:$0x1B940] =	vst v63  }
0x136: {  	s1 =	simm.s32 $0xA0  }
0x137: {  	[tilespmem:s19], [sflag:$0x1] =	stream.indirect.gather [hbm4b:s8+s16], $0x40, s1, s16, $0xb8;
	[tilespmem:$0x1B940] =	vst v63  }
0x138: {  	s3 =	simm.s32 $0xF0  }
0x139: {  	[tilespmem:s20], [sflag:$0x1] =	stream.indirect.gather [hbm4b:s8+s16], $0x40, s3, s16, $0xb8;
	[tilespmem:$0x1B940] =	vst v63  }
0x13a: {  	s1 =	simm.s32 $0x140  }
0x13b: {  	[tilespmem:s21], [sflag:$0x1] =	stream.indirect.gather [hbm4b:s8+s16], $0x40, s1, s16, $0xb8;
	[tilespmem:$0x1B940] =	vst v63  }
0x13c: {  	s3 =	simm.s32 $0x190  }
0x13d: {  	[tilespmem:s22], [sflag:$0x1] =	stream.indirect.gather [hbm4b:s8+s16], $0x40, s3, s16, $0xb8;
	[tilespmem:$0x1B940] =	vst v63  }
0x13e: {  	s1 =	simm.s32 $0x1E0  }
0x13f: {  	[tilespmem:s23], [sflag:$0x1] =	stream.indirect.gather [hbm4b:s8+s16], $0x40, s1, s16, $0xb8;
	[tilespmem:$0x1B940] =	vst v63  }
0x140: {  	s3 =	simm.s32 $0x230  }
0x141: {  	[tilespmem:s24], [sflag:$0x1] =	stream.indirect.gather [hbm4b:s8+s16], $0x40, s3, s16, $0xb8;
	[tilespmem:$0x1B940] =	vst v63  }
0x142: {  	s1 =	simm.s32 $0x280  }
0x143: {  	[tilespmem:s25], [sflag:$0x1] =	stream.indirect.gather [hbm4b:s8+s16], $0x40, s1, s16, $0xb8;
	[tilespmem:$0x1B940] =	vst v63  }
0x144: {  	s3 =	simm.s32 $0x2D0  }
0x145: {  	[tilespmem:s26], [sflag:$0x1] =	stream.indirect.gather [hbm4b:s8+s16], $0x40, s3, s16, $0xb8;
	[tilespmem:$0x1B940] =	vst v63  }
0x146: {  	_ =	swait.ge [sflag:s28], $0x1400  }
0x147: {  	[sflag:s28] =	ssyncset.done $0x0  }
0x148: {  	s1 =	simm.s32 $0x28A0;
	[sflag:s28] =	ssyncadd.s32 $0xFFFFEC00  }
0x149: {  	[spmem:s2] =	stream.indirect.scatter.add.f32 [tilespmem:s17], [sflag:$0x2], $0x40, s1, s16, $0xb8;
	[tilespmem:$0x1B940] =	vst v63  }
0x14a: {  	_ =	swait.ge [sflag:s28], $0x1400  }
0x14b: {  	[sflag:s28] =	ssyncset.done $0x0  }
0x14c: {  	s3 =	simm.s32 $0x28F0;
	[sflag:s28] =	ssyncadd.s32 $0xFFFFEC00  }
0x14d: {  	[spmem:s2] =	stream.indirect.scatter.add.f32 [tilespmem:s18], [sflag:$0x2], $0x40, s3, s16, $0xb8;
	[tilespmem:$0x1B940] =	vst v63  }
0x14e: {  	_ =	swait.ge [sflag:s28], $0x1400  }
0x14f: {  	[sflag:s28] =	ssyncset.done $0x0  }
0x150: {  	s1 =	simm.s32 $0x2940;
	[sflag:s28] =	ssyncadd.s32 $0xFFFFEC00  }
0x151: {  	[spmem:s2] =	stream.indirect.scatter.add.f32 [tilespmem:s19], [sflag:$0x2], $0x40, s1, s16, $0xb8;
	[tilespmem:$0x1B940] =	vst v63  }
0x152: {  	_ =	swait.ge [sflag:s28], $0x1400  }
0x153: {  	[sflag:s28] =	ssyncset.done $0x0  }
0x154: {  	s3 =	simm.s32 $0x2990;
	[sflag:s28] =	ssyncadd.s32 $0xFFFFEC00  }
0x155: {  	[spmem:s2] =	stream.indirect.scatter.add.f32 [tilespmem:s20], [sflag:$0x2], $0x40, s3, s16, $0xb8;
	[tilespmem:$0x1B940] =	vst v63  }
0x156: {  	_ =	swait.ge [sflag:s28], $0x1400  }
0x157: {  	[sflag:s28] =	ssyncset.done $0x0  }
0x158: {  	s1 =	simm.s32 $0x29E0;
	[sflag:s28] =	ssyncadd.s32 $0xFFFFEC00  }
0x159: {  	[spmem:s2] =	stream.indirect.scatter.add.f32 [tilespmem:s21], [sflag:$0x2], $0x40, s1, s16, $0xb8;
	[tilespmem:$0x1B940] =	vst v63  }
0x15a: {  	_ =	swait.ge [sflag:s28], $0x1400  }
0x15b: {  	[sflag:s28] =	ssyncset.done $0x0  }
0x15c: {  	s3 =	simm.s32 $0x2A30;
	[sflag:s28] =	ssyncadd.s32 $0xFFFFEC00  }
0x15d: {  	[spmem:s2] =	stream.indirect.scatter.add.f32 [tilespmem:s22], [sflag:$0x2], $0x40, s3, s16, $0xb8;
	[tilespmem:$0x1B940] =	vst v63  }
0x15e: {  	_ =	swait.ge [sflag:s28], $0x1400  }
0x15f: {  	[sflag:s28] =	ssyncset.done $0x0  }
0x160: {  	s1 =	simm.s32 $0x2A80;
	[sflag:s28] =	ssyncadd.s32 $0xFFFFEC00  }
0x161: {  	[spmem:s2] =	stream.indirect.scatter.add.f32 [tilespmem:s23], [sflag:$0x2], $0x40, s1, s16, $0xb8;
	[tilespmem:$0x1B940] =	vst v63  }
0x162: {  	_ =	swait.ge [sflag:s28], $0x1400  }
0x163: {  	[sflag:s28] =	ssyncset.done $0x0  }
0x164: {  	s3 =	simm.s32 $0x2AD0;
	[sflag:s28] =	ssyncadd.s32 $0xFFFFEC00  }
0x165: {  	[spmem:s2] =	stream.indirect.scatter.add.f32 [tilespmem:s24], [sflag:$0x2], $0x40, s3, s16, $0xb8;
	[tilespmem:$0x1B940] =	vst v63  }
0x166: {  	_ =	swait.ge [sflag:s28], $0x1400  }
0x167: {  	[sflag:s28] =	ssyncset.done $0x0  }
0x168: {  	s1 =	simm.s32 $0x2B20;
	[sflag:s28] =	ssyncadd.s32 $0xFFFFEC00  }
0x169: {  	[spmem:s2] =	stream.indirect.scatter.add.f32 [tilespmem:s25], [sflag:$0x2], $0x40, s1, s16, $0xb8;
	[tilespmem:$0x1B940] =	vst v63  }
0x16a: {  	_ =	swait.ge [sflag:s28], $0x1400  }
0x16b: {  	[sflag:s28] =	ssyncset.done $0x0  }
0x16c: {  	s3 =	simm.s32 $0x2B70;
	[sflag:s28] =	ssyncadd.s32 $0xFFFFEC00  }
0x16d: {  	[spmem:s2] =	stream.indirect.scatter.add.f32 [tilespmem:s26], [sflag:$0x2], $0x40, s3, s16, $0xb8;
	[tilespmem:$0x1B940] =	vst v63  }
0x16e: {  	_ =	swait.ge [sflag:s29], $0x1400  }
0x16f: {  	[sflag:s29] =	ssyncset.done $0x0  }
0x170: {  	[sflag:s29] =	ssyncadd.s32 $0xFFFFEC00  }
0x171: {  	_ =	swait.ge [sflag:s29], $0x1400  }
0x172: {  	[sflag:s29] =	ssyncset.done $0x0  }
0x173: {  	[sflag:s29] =	ssyncadd.s32 $0xFFFFEC00  }
0x174: {  	_ =	swait.ge [sflag:s29], $0x1400  }
0x175: {  	[sflag:s29] =	ssyncset.done $0x0  }
0x176: {  	[sflag:s29] =	ssyncadd.s32 $0xFFFFEC00  }
0x177: {  	_ =	swait.ge [sflag:s29], $0x1400  }
0x178: {  	[sflag:s29] =	ssyncset.done $0x0  }
0x179: {  	[sflag:s29] =	ssyncadd.s32 $0xFFFFEC00  }
0x17a: {  	_ =	swait.ge [sflag:s29], $0x1400  }
0x17b: {  	[sflag:s29] =	ssyncset.done $0x0  }
0x17c: {  	[sflag:s29] =	ssyncadd.s32 $0xFFFFEC00  }
0x17d: {  	_ =	swait.ge [sflag:s29], $0x1400  }
0x17e: {  	[sflag:s29] =	ssyncset.done $0x0  }
0x17f: {  	[sflag:s29] =	ssyncadd.s32 $0xFFFFEC00  }
0x180: {  	_ =	swait.ge [sflag:s29], $0x1400  }
0x181: {  	[sflag:s29] =	ssyncset.done $0x0  }
0x182: {  	[sflag:s29] =	ssyncadd.s32 $0xFFFFEC00  }
0x183: {  	_ =	swait.ge [sflag:s29], $0x1400  }
0x184: {  	[sflag:s29] =	ssyncset.done $0x0  }
0x185: {  	[sflag:s29] =	ssyncadd.s32 $0xFFFFEC00  }
0x186: {  	_ =	swait.ge [sflag:s29], $0x1400  }
0x187: {  	[sflag:s29] =	ssyncset.done $0x0  }
0x188: {  	[sflag:s29] =	ssyncadd.s32 $0xFFFFEC00  }
0x189: {  	_ =	swait.ge [sflag:s29], $0x1400  }
0x18a: {  	s31 =	simm.s32 $0xC80;
	s3 =	simm.s32 $0x1900;
	[sflag:s29] =	ssyncset.done $0x0  }
.LBB2_4:
0x18b: {  	s0 =	sshra.s32 s31, $0x2  }
0x18c: {  	[sflag:s29] =	ssyncadd.s32 $0xFFFFEC00;
	s31 =	smov.u32 s3;
	s1 =	sadd.s32 $0xC80, s3  }
0x18d: {  	[tilespmem:s17], [sflag:$0x1] =	stream.indirect.gather [hbm4b:s8+s16], $0x40, s0, s16, $0xb8;
	[tilespmem:$0x1B940] =	vst v63  }
0x18e: {  	p0 =	sne.s32 s3, $0x8980;
	s3 =	sadd.s32 $0x50, s0  }
0x18f: {  	[tilespmem:s18], [sflag:$0x1] =	stream.indirect.gather [hbm4b:s8+s16], $0x40, s3, s16, $0xb8;
	[tilespmem:$0x1B940] =	vst v63  }
0x190: {  	s3 =	sadd.s32 $0xA0, s0  }
0x191: {  	[tilespmem:s19], [sflag:$0x1] =	stream.indirect.gather [hbm4b:s8+s16], $0x40, s3, s16, $0xb8;
	[tilespmem:$0x1B940] =	vst v63  }
0x192: {  	s3 =	sadd.s32 $0xF0, s0  }
0x193: {  	[tilespmem:s20], [sflag:$0x1] =	stream.indirect.gather [hbm4b:s8+s16], $0x40, s3, s16, $0xb8;
	[tilespmem:$0x1B940] =	vst v63  }
0x194: {  	s3 =	sadd.s32 $0x140, s0  }
0x195: {  	[tilespmem:s21], [sflag:$0x1] =	stream.indirect.gather [hbm4b:s8+s16], $0x40, s3, s16, $0xb8;
	[tilespmem:$0x1B940] =	vst v63  }
0x196: {  	s3 =	sadd.s32 $0x190, s0  }
0x197: {  	[tilespmem:s22], [sflag:$0x1] =	stream.indirect.gather [hbm4b:s8+s16], $0x40, s3, s16, $0xb8;
	[tilespmem:$0x1B940] =	vst v63  }
0x198: {  	s3 =	sadd.s32 $0x1E0, s0  }
0x199: {  	[tilespmem:s23], [sflag:$0x1] =	stream.indirect.gather [hbm4b:s8+s16], $0x40, s3, s16, $0xb8;
	[tilespmem:$0x1B940] =	vst v63  }
0x19a: {  	s3 =	sadd.s32 $0x230, s0  }
0x19b: {  	[tilespmem:s24], [sflag:$0x1] =	stream.indirect.gather [hbm4b:s8+s16], $0x40, s3, s16, $0xb8;
	[tilespmem:$0x1B940] =	vst v63  }
0x19c: {  	s3 =	sadd.s32 $0x280, s0  }
0x19d: {  	[tilespmem:s25], [sflag:$0x1] =	stream.indirect.gather [hbm4b:s8+s16], $0x40, s3, s16, $0xb8;
	[tilespmem:$0x1B940] =	vst v63  }
0x19e: {  	s3 =	sadd.s32 $0x2D0, s0  }
0x19f: {  	[tilespmem:s26], [sflag:$0x1] =	stream.indirect.gather [hbm4b:s8+s16], $0x40, s3, s16, $0xb8;
	[tilespmem:$0x1B940] =	vst v63  }
0x1a0: {  	_ =	swait.ge [sflag:s28], $0x1400  }
0x1a1: {  	[sflag:s28] =	ssyncset.done $0x0  }
0x1a2: {  	s3 =	sadd.s32 $0x28A0, s0;
	[sflag:s28] =	ssyncadd.s32 $0xFFFFEC00  }
0x1a3: {  	[spmem:s2] =	stream.indirect.scatter.add.f32 [tilespmem:s17], [sflag:$0x2], $0x40, s3, s16, $0xb8;
	[tilespmem:$0x1B940] =	vst v63  }
0x1a4: {  	_ =	swait.ge [sflag:s28], $0x1400  }
0x1a5: {  	[sflag:s28] =	ssyncset.done $0x0  }
0x1a6: {  	s3 =	sadd.s32 $0x28F0, s0;
	[sflag:s28] =	ssyncadd.s32 $0xFFFFEC00  }
0x1a7: {  	[spmem:s2] =	stream.indirect.scatter.add.f32 [tilespmem:s18], [sflag:$0x2], $0x40, s3, s16, $0xb8;
	[tilespmem:$0x1B940] =	vst v63  }
0x1a8: {  	_ =	swait.ge [sflag:s28], $0x1400  }
0x1a9: {  	[sflag:s28] =	ssyncset.done $0x0  }
0x1aa: {  	s3 =	sadd.s32 $0x2940, s0;
	[sflag:s28] =	ssyncadd.s32 $0xFFFFEC00  }
0x1ab: {  	[spmem:s2] =	stream.indirect.scatter.add.f32 [tilespmem:s19], [sflag:$0x2], $0x40, s3, s16, $0xb8;
	[tilespmem:$0x1B940] =	vst v63  }
0x1ac: {  	_ =	swait.ge [sflag:s28], $0x1400  }
0x1ad: {  	[sflag:s28] =	ssyncset.done $0x0  }
0x1ae: {  	s3 =	sadd.s32 $0x2990, s0;
	[sflag:s28] =	ssyncadd.s32 $0xFFFFEC00  }
0x1af: {  	[spmem:s2] =	stream.indirect.scatter.add.f32 [tilespmem:s20], [sflag:$0x2], $0x40, s3, s16, $0xb8;
	[tilespmem:$0x1B940] =	vst v63  }
0x1b0: {  	_ =	swait.ge [sflag:s28], $0x1400  }
0x1b1: {  	[sflag:s28] =	ssyncset.done $0x0  }
0x1b2: {  	s3 =	sadd.s32 $0x29E0, s0;
	[sflag:s28] =	ssyncadd.s32 $0xFFFFEC00  }
0x1b3: {  	[spmem:s2] =	stream.indirect.scatter.add.f32 [tilespmem:s21], [sflag:$0x2], $0x40, s3, s16, $0xb8;
	[tilespmem:$0x1B940] =	vst v63  }
0x1b4: {  	_ =	swait.ge [sflag:s28], $0x1400  }
0x1b5: {  	[sflag:s28] =	ssyncset.done $0x0  }
0x1b6: {  	s3 =	sadd.s32 $0x2A30, s0;
	[sflag:s28] =	ssyncadd.s32 $0xFFFFEC00  }
0x1b7: {  	[spmem:s2] =	stream.indirect.scatter.add.f32 [tilespmem:s22], [sflag:$0x2], $0x40, s3, s16, $0xb8;
	[tilespmem:$0x1B940] =	vst v63  }
0x1b8: {  	_ =	swait.ge [sflag:s28], $0x1400  }
0x1b9: {  	[sflag:s28] =	ssyncset.done $0x0  }
0x1ba: {  	s3 =	sadd.s32 $0x2A80, s0;
	[sflag:s28] =	ssyncadd.s32 $0xFFFFEC00  }
0x1bb: {  	[spmem:s2] =	stream.indirect.scatter.add.f32 [tilespmem:s23], [sflag:$0x2], $0x40, s3, s16, $0xb8;
	[tilespmem:$0x1B940] =	vst v63  }
0x1bc: {  	_ =	swait.ge [sflag:s28], $0x1400  }
0x1bd: {  	[sflag:s28] =	ssyncset.done $0x0  }
0x1be: {  	s3 =	sadd.s32 $0x2AD0, s0;
	[sflag:s28] =	ssyncadd.s32 $0xFFFFEC00  }
0x1bf: {  	[spmem:s2] =	stream.indirect.scatter.add.f32 [tilespmem:s24], [sflag:$0x2], $0x40, s3, s16, $0xb8;
	[tilespmem:$0x1B940] =	vst v63  }
0x1c0: {  	_ =	swait.ge [sflag:s28], $0x1400  }
0x1c1: {  	[sflag:s28] =	ssyncset.done $0x0  }
0x1c2: {  	s3 =	sadd.s32 $0x2B20, s0;
	[sflag:s28] =	ssyncadd.s32 $0xFFFFEC00  }
0x1c3: {  	[spmem:s2] =	stream.indirect.scatter.add.f32 [tilespmem:s25], [sflag:$0x2], $0x40, s3, s16, $0xb8;
	[tilespmem:$0x1B940] =	vst v63  }
0x1c4: {  	_ =	swait.ge [sflag:s28], $0x1400  }
0x1c5: {  	[sflag:s28] =	ssyncset.done $0x0  }
0x1c6: {  	s0 =	sadd.s32 $0x2B70, s0;
	[sflag:s28] =	ssyncadd.s32 $0xFFFFEC00  }
0x1c7: {  	[spmem:s2] =	stream.indirect.scatter.add.f32 [tilespmem:s26], [sflag:$0x2], $0x40, s0, s16, $0xb8;
	[tilespmem:$0x1B940] =	vst v63  }
0x1c8: {  	_ =	swait.ge [sflag:s29], $0x1400  }
0x1c9: {  	[sflag:s29] =	ssyncset.done $0x0  }
0x1ca: {  	[sflag:s29] =	ssyncadd.s32 $0xFFFFEC00  }
0x1cb: {  	_ =	swait.ge [sflag:s29], $0x1400  }
0x1cc: {  	[sflag:s29] =	ssyncset.done $0x0  }
0x1cd: {  	[sflag:s29] =	ssyncadd.s32 $0xFFFFEC00  }
0x1ce: {  	_ =	swait.ge [sflag:s29], $0x1400  }
0x1cf: {  	[sflag:s29] =	ssyncset.done $0x0  }
0x1d0: {  	[sflag:s29] =	ssyncadd.s32 $0xFFFFEC00  }
0x1d1: {  	_ =	swait.ge [sflag:s29], $0x1400  }
0x1d2: {  	[sflag:s29] =	ssyncset.done $0x0  }
0x1d3: {  	[sflag:s29] =	ssyncadd.s32 $0xFFFFEC00  }
0x1d4: {  	_ =	swait.ge [sflag:s29], $0x1400  }
0x1d5: {  	[sflag:s29] =	ssyncset.done $0x0  }
0x1d6: {  	[sflag:s29] =	ssyncadd.s32 $0xFFFFEC00  }
0x1d7: {  	_ =	swait.ge [sflag:s29], $0x1400  }
0x1d8: {  	[sflag:s29] =	ssyncset.done $0x0  }
0x1d9: {  	[sflag:s29] =	ssyncadd.s32 $0xFFFFEC00  }
0x1da: {  	_ =	swait.ge [sflag:s29], $0x1400  }
0x1db: {  	[sflag:s29] =	ssyncset.done $0x0  }
0x1dc: {  	[sflag:s29] =	ssyncadd.s32 $0xFFFFEC00  }
0x1dd: {  	_ =	swait.ge [sflag:s29], $0x1400  }
0x1de: {  	[sflag:s29] =	ssyncset.done $0x0  }
0x1df: {  	[sflag:s29] =	ssyncadd.s32 $0xFFFFEC00  }
.Ltmp1:
0x1e0: {  	_ =	swait.ge [sflag:s29], $0x1400;
	(pc) =	sbr.rel @p0 .LBB2_4-.Ltmp1, $4  }
0x1e1: {  	[sflag:s29] =	ssyncset.done $0x0  }
0x1e2: {  	[sflag:s29] =	ssyncadd.s32 $0xFFFFEC00  }
0x1e3: {  	_ =	swait.ge [sflag:s29], $0x1400  }
0x1e4: {  	s3 =	smov.u32 s1;
	[sflag:s29] =	ssyncset.done $0x0  }
0x1e5: {  	s0 =	sshra.s32 s31, $0x2;
	[sflag:s29] =	ssyncadd.s32 $0xFFFFEC00  }
0x1e6: {  	[tilespmem:s17], [sflag:$0x1] =	stream.indirect.gather [hbm4b:s8+s16], $0x40, s0, s16, $0xb8;
	[tilespmem:$0x1B940] =	vst v63  }
0x1e7: {  	s1 =	sadd.s32 $0x50, s0  }
0x1e8: {  	[tilespmem:s18], [sflag:$0x1] =	stream.indirect.gather [hbm4b:s8+s16], $0x40, s1, s16, $0xb8;
	[tilespmem:$0x1B940] =	vst v63  }
0x1e9: {  	s31 =	sadd.s32 $0xA0, s0  }
0x1ea: {  	[tilespmem:s19], [sflag:$0x1] =	stream.indirect.gather [hbm4b:s8+s16], $0x40, s31, s16, $0xb8;
	[tilespmem:$0x1B940] =	vst v63  }
0x1eb: {  	s3 =	sadd.s32 $0xF0, s0  }
0x1ec: {  	[tilespmem:s20], [sflag:$0x1] =	stream.indirect.gather [hbm4b:s8+s16], $0x40, s3, s16, $0xb8;
	[tilespmem:$0x1B940] =	vst v63  }
0x1ed: {  	s31 =	sadd.s32 $0x140, s0  }
0x1ee: {  	[tilespmem:s21], [sflag:$0x1] =	stream.indirect.gather [hbm4b:s8+s16], $0x40, s31, s16, $0xb8;
	[tilespmem:$0x1B940] =	vst v63  }
0x1ef: {  	s3 =	sadd.s32 $0x190, s0  }
0x1f0: {  	[tilespmem:s22], [sflag:$0x1] =	stream.indirect.gather [hbm4b:s8+s16], $0x40, s3, s16, $0xb8;
	[tilespmem:$0x1B940] =	vst v63  }
0x1f1: {  	s31 =	sadd.s32 $0x1E0, s0  }
0x1f2: {  	[tilespmem:s23], [sflag:$0x1] =	stream.indirect.gather [hbm4b:s8+s16], $0x40, s31, s16, $0xb8;
	[tilespmem:$0x1B940] =	vst v63  }
0x1f3: {  	s3 =	sadd.s32 $0x230, s0  }
0x1f4: {  	[tilespmem:s24], [sflag:$0x1] =	stream.indirect.gather [hbm4b:s8+s16], $0x40, s3, s16, $0xb8;
	[tilespmem:$0x1B940] =	vst v63  }
0x1f5: {  	s31 =	sadd.s32 $0x280, s0  }
0x1f6: {  	[tilespmem:s25], [sflag:$0x1] =	stream.indirect.gather [hbm4b:s8+s16], $0x40, s31, s16, $0xb8;
	[tilespmem:$0x1B940] =	vst v63  }
0x1f7: {  	s3 =	sadd.s32 $0x2D0, s0  }
0x1f8: {  	[tilespmem:s26], [sflag:$0x1] =	stream.indirect.gather [hbm4b:s8+s16], $0x40, s3, s16, $0xb8;
	[tilespmem:$0x1B940] =	vst v63  }
0x1f9: {  	_ =	swait.ge [sflag:s28], $0x1400  }
0x1fa: {  	[sflag:s28] =	ssyncset.done $0x0  }
0x1fb: {  	s31 =	sadd.s32 $0x28A0, s0;
	[sflag:s28] =	ssyncadd.s32 $0xFFFFEC00  }
0x1fc: {  	[spmem:s2] =	stream.indirect.scatter.add.f32 [tilespmem:s17], [sflag:$0x2], $0x40, s31, s16, $0xb8;
	[tilespmem:$0x1B940] =	vst v63  }
0x1fd: {  	_ =	swait.ge [sflag:s28], $0x1400  }
0x1fe: {  	[sflag:s28] =	ssyncset.done $0x0  }
0x1ff: {  	s3 =	sadd.s32 $0x28F0, s0;
	[sflag:s28] =	ssyncadd.s32 $0xFFFFEC00  }
0x200: {  	[spmem:s2] =	stream.indirect.scatter.add.f32 [tilespmem:s18], [sflag:$0x2], $0x40, s3, s16, $0xb8;
	[tilespmem:$0x1B940] =	vst v63  }
0x201: {  	_ =	swait.ge [sflag:s28], $0x1400  }
0x202: {  	[sflag:s28] =	ssyncset.done $0x0  }
0x203: {  	s31 =	sadd.s32 $0x2940, s0;
	[sflag:s28] =	ssyncadd.s32 $0xFFFFEC00  }
0x204: {  	[spmem:s2] =	stream.indirect.scatter.add.f32 [tilespmem:s19], [sflag:$0x2], $0x40, s31, s16, $0xb8;
	[tilespmem:$0x1B940] =	vst v63  }
0x205: {  	_ =	swait.ge [sflag:s28], $0x1400  }
0x206: {  	[sflag:s28] =	ssyncset.done $0x0  }
0x207: {  	s3 =	sadd.s32 $0x2990, s0;
	[sflag:s28] =	ssyncadd.s32 $0xFFFFEC00  }
0x208: {  	[spmem:s2] =	stream.indirect.scatter.add.f32 [tilespmem:s20], [sflag:$0x2], $0x40, s3, s16, $0xb8;
	[tilespmem:$0x1B940] =	vst v63  }
0x209: {  	_ =	swait.ge [sflag:s28], $0x1400  }
0x20a: {  	[sflag:s28] =	ssyncset.done $0x0  }
0x20b: {  	s31 =	sadd.s32 $0x29E0, s0;
	[sflag:s28] =	ssyncadd.s32 $0xFFFFEC00  }
0x20c: {  	[spmem:s2] =	stream.indirect.scatter.add.f32 [tilespmem:s21], [sflag:$0x2], $0x40, s31, s16, $0xb8;
	[tilespmem:$0x1B940] =	vst v63  }
0x20d: {  	_ =	swait.ge [sflag:s28], $0x1400  }
0x20e: {  	[sflag:s28] =	ssyncset.done $0x0  }
0x20f: {  	s3 =	sadd.s32 $0x2A30, s0;
	[sflag:s28] =	ssyncadd.s32 $0xFFFFEC00  }
0x210: {  	[spmem:s2] =	stream.indirect.scatter.add.f32 [tilespmem:s22], [sflag:$0x2], $0x40, s3, s16, $0xb8;
	[tilespmem:$0x1B940] =	vst v63  }
0x211: {  	_ =	swait.ge [sflag:s28], $0x1400  }
0x212: {  	[sflag:s28] =	ssyncset.done $0x0  }
0x213: {  	s31 =	sadd.s32 $0x2A80, s0;
	[sflag:s28] =	ssyncadd.s32 $0xFFFFEC00  }
0x214: {  	[spmem:s2] =	stream.indirect.scatter.add.f32 [tilespmem:s23], [sflag:$0x2], $0x40, s31, s16, $0xb8;
	[tilespmem:$0x1B940] =	vst v63  }
0x215: {  	_ =	swait.ge [sflag:s28], $0x1400  }
0x216: {  	[sflag:s28] =	ssyncset.done $0x0  }
0x217: {  	s3 =	sadd.s32 $0x2AD0, s0;
	[sflag:s28] =	ssyncadd.s32 $0xFFFFEC00  }
0x218: {  	[spmem:s2] =	stream.indirect.scatter.add.f32 [tilespmem:s24], [sflag:$0x2], $0x40, s3, s16, $0xb8;
	[tilespmem:$0x1B940] =	vst v63  }
0x219: {  	_ =	swait.ge [sflag:s28], $0x1400  }
0x21a: {  	[sflag:s28] =	ssyncset.done $0x0  }
0x21b: {  	s31 =	sadd.s32 $0x2B20, s0;
	[sflag:s28] =	ssyncadd.s32 $0xFFFFEC00  }
0x21c: {  	[spmem:s2] =	stream.indirect.scatter.add.f32 [tilespmem:s25], [sflag:$0x2], $0x40, s31, s16, $0xb8;
	[tilespmem:$0x1B940] =	vst v63  }
0x21d: {  	_ =	swait.ge [sflag:s28], $0x1400  }
0x21e: {  	[sflag:s28] =	ssyncset.done $0x0  }
0x21f: {  	s0 =	sadd.s32 $0x2B70, s0;
	[sflag:s28] =	ssyncadd.s32 $0xFFFFEC00  }
0x220: {  	[spmem:s2] =	stream.indirect.scatter.add.f32 [tilespmem:s26], [sflag:$0x2], $0x40, s0, s16, $0xb8;
	[tilespmem:$0x1B940] =	vst v63  }
0x221: {  	_ =	swait.ge [sflag:s29], $0x1400  }
0x222: {  	[sflag:s29] =	ssyncset.done $0x0  }
0x223: {  	[sflag:s29] =	ssyncadd.s32 $0xFFFFEC00  }
0x224: {  	_ =	swait.ge [sflag:s29], $0x1400  }
0x225: {  	[sflag:s29] =	ssyncset.done $0x0  }
0x226: {  	[sflag:s29] =	ssyncadd.s32 $0xFFFFEC00  }
0x227: {  	_ =	swait.ge [sflag:s29], $0x1400  }
0x228: {  	[sflag:s29] =	ssyncset.done $0x0  }
0x229: {  	[sflag:s29] =	ssyncadd.s32 $0xFFFFEC00  }
0x22a: {  	_ =	swait.ge [sflag:s29], $0x1400  }
0x22b: {  	[sflag:s29] =	ssyncset.done $0x0  }
0x22c: {  	[sflag:s29] =	ssyncadd.s32 $0xFFFFEC00  }
0x22d: {  	_ =	swait.ge [sflag:s29], $0x1400  }
0x22e: {  	[sflag:s29] =	ssyncset.done $0x0  }
0x22f: {  	[sflag:s29] =	ssyncadd.s32 $0xFFFFEC00  }
0x230: {  	_ =	swait.ge [sflag:s29], $0x1400  }
0x231: {  	[sflag:s29] =	ssyncset.done $0x0  }
0x232: {  	[sflag:s29] =	ssyncadd.s32 $0xFFFFEC00  }
0x233: {  	_ =	swait.ge [sflag:s29], $0x1400  }
0x234: {  	[sflag:s29] =	ssyncset.done $0x0  }
0x235: {  	[sflag:s29] =	ssyncadd.s32 $0xFFFFEC00  }
0x236: {  	_ =	swait.ge [sflag:s29], $0x1400  }
0x237: {  	[sflag:s29] =	ssyncset.done $0x0  }
0x238: {  	[sflag:s29] =	ssyncadd.s32 $0xFFFFEC00  }
0x239: {  	_ =	swait.ge [sflag:s29], $0x1400  }
0x23a: {  	[sflag:s29] =	ssyncset.done $0x0  }
0x23b: {  	[sflag:s29] =	ssyncadd.s32 $0xFFFFEC00  }
0x23c: {  	_ =	swait.ge [sflag:s29], $0x1400  }
0x23d: {  	s30 =	sadd.s32 $0x1, s30;
	[sflag:s29] =	ssyncset.done $0x0  }
0x23e: {  	p0 =	sne.s32 s30, s12;
	[sflag:s29] =	ssyncadd.s32 $0xFFFFEC00  }
.Ltmp2:
0x23f: {  	[bflag:$0x0] =	sbarrier.arrive $0xFFFF;
	(pc) =	sbr.rel @p0 .LBB2_1-.Ltmp2, $4  }
0x240: {  	[hbm:s11], [sflag:s5] =	dma.local [spmem:s13], $0x1400  }
0x241: {  	_ =	swait.ge [sflag:s14], $0x1400  }
0x242: {  	[sflag:s14] =	ssyncset.done $0x0  }
0x243: {  	[sflag:s14] =	ssyncadd.s32 $0xFFFFEC00  }
0x244: {  	_ =	sfence.sel $0x180000  }
0x245: {  	[bflag:$0x0] =	sbarrier.arrive $0xFFFF  }
0x246: {  	_ =	strace $0x9000004A  }
0x247: {  	s0 =	stileid.u32;
	[bflag:$0x2] =	sbarrier.arrive $0xFFFF  }
0x248: {  	p0 =	sne.s32 s0, $0x0;
	s0 =	rddreg [dreg:$0x2]  }
0x249: {  	s0 =	sadd.s32 @!p0 $0x100000, s0  }
0x24a: {  	[sflag:s0] =	ssyncadd.tile.s32 @!p0 $0x1;
	_ =	shalt  }
.Lfunc_end2:
_tile_overlayer_lowered:
.L_overlay_start_2:
0x24b: {  	(tag) =	ssettag $0x2  }
0x24c: {  	s0 =	rddreg [dreg:$0x0];
	s2 =	stileid.u32  }
0x24d: {  	s1 =	rddreg [dreg:$0x1];
	p0 =	sne.s32 s2, $0x0  }
0x24e: {  	s3 =	rddreg [dreg:$0x2];
	[bflag:$0x3] =	sbarrier.arrive $0xFFFF;
	s2 =	simm.s32 @!p0 $0x1C03  }
0x24f: {  	[timem:s3], [sflag:s2] =	dma.local @!p0 [hbm:s0], s1  }
0x250: {  	s0 =	simm.s32 @!p0 $0x3  }
0x251: {  	_ =	swait.ge @!p0 [sflag:s0], s1  }
0x252: {  	s1 =	ssub.s32 @!p0 $0x0, s1;
	[sflag:s0] =	ssyncset.done @!p0 $0x0  }
0x253: {  	[sflag:s0] =	ssyncadd.s32 @!p0 s1  }
0x254: {  	[bflag:$0x3] =	sbarrier.arrive $0xFFFF  }
0x255: {  	_ =	shalt  }

// kernel: kernel.15.cloned.1.call-start
scs
__scs_entry_jumppad:
0x0: {  	(pc) =	sbr.rel $0x88, $3  }
0x1: {  	(tag) =	ssettag $0x0;
	lr =	simm.s32 $0x1  }
0x2: {  	[smem:$0x3F99] =	sst lr;
	_ =	strace $0xD0000000  }
0x3: {  	_ = 	snop  }
0x4: {  	_ = 	snop  }
0x5: {  	_ = 	snop  }
0x6: {  	_ = 	snop  }
0x7: {  	_ = 	snop  }
__scs_overlays_trampoline_lowered:
0x8: {  	[smem:$0x3FA8] =	sst s0  }
0x9: {  	[smem:$0x3FA9] =	sst s1  }
0xa: {  	[smem:$0x3FAA] =	sst s2  }
0xb: {  	[smem:$0x3FAB] =	sst s3  }
0xc: {  	[smem:$0x3FAC] =	sst s4  }
0xd: {  	[smem:$0x3FAD] =	sst s5  }
0xe: {  	[smem:$0x3FAE] =	sst s6  }
0xf: {  	[smem:$0x3FAF] =	sst s7  }
0x10: {  	[smem:$0x3FB0] =	sst s8  }
0x11: {  	[smem:$0x3FB1] =	sst s9;
	s0 =	simm.s32 @!p0 $0x0  }
0x12: {  	s1 =	sld [smem:$0x3F97];
	s0 =	simm.s32 @p0 $0x1  }
0x13: {  	[smem:$0x3FB2] =	sst s0;
	s0 =	simm.s32 @!p1 $0x0  }
0x14: {  	s2 =	sld [smem:$0x3F96];
	s0 =	simm.s32 @p1 $0x1  }
0x15: {  	[smem:$0x3FB3] =	sst s0;
	s0 =	simm.s32 @!p2 $0x0  }
0x16: {  	s3 =	sld [smem:$0x3FDB];
	s0 =	simm.s32 @p2 $0x1  }
0x17: {  	s4 =	simm.s32 $0x1BF5;
	[smem:$0x3FB5] =	sst s0  }
0x18: {  	s0 =	sld [smem:$0x3F98];
	_ =	swait.ge [sflag:s4], $0x0  }
0x19: {  	s7 =	sld [smem:$0x3F99]  }
0x1a: {  	s8 =	sadd.s32 $0xFFFFE003, lr  }
0x1b: {  	s9 =	sadd.s32 $0xFFFFFEF7, lr;
	s5 =	simm.s32 $0xFFFFFFFF;
	p2 =	slt.u32 s8, $0xFFFFF086  }
0x1c: {  	p1 =	slt.u32 s9, $0xF7A;
	s5 =	simm.s32 @!p2 $0x0  }
0x1d: {  	s5 =	simm.s32 @p1 $0x1;
	p0 =	seq.s32 s7, s2  }
0x1e: {  	s7 =	smul.u32 @!p0 $0xF7A, s2;
	p2 =	seq.s32 @!p0 s5, $0x0  }
0x1f: {  	s9 =	smul.u32 $0xF7A, s1;
	s8 =	simm.s32 @!p0 $0x1BF5;
	p2 =	por !p2, p0  }
0x20: {  	[sflag:s8] =	ssyncset.s32 @!p0 $0xFFFFF086;
	s6 =	sadd.s32 @!p0 s3, s7;
	s7 =	simm.s32 @!p0 $0x108  }
0x21: {  	s3 =	sadd.s32 s3, s9;
	s6 =	sadd.s32 @!p0 $0x88, s6;
	s7 =	simm.s32 @p2 $0x1082  }
0x22: {  	[simem:s7], [sflag:s8] =	dma.local @!p0 [hbm:s6], $0xF7A  }
0x23: {  	s9 =	sor.u32 $0xD0000000, s2;
	s6 =	simm.s32 $0x108;
	_ =	swait.ge @!p0 [sflag:s8], $0x0  }
0x24: {  	s3 =	sadd.s32 $0x88, s3;
	s6 =	simm.s32 @!p1 $0x1082;
	[sflag:s4] =	ssyncset.s32 $0xFFFFF086  }
0x25: {  	[simem:s6], [sflag:s4] =	dma.local [hbm:s3], $0xF7A  }
0x26: {  	[smem:$0x3F99] =	sst s1;
	(tag) =	ssettag s2;
	_ =	strace s9  }
0x27: {  	s1 =	sld [smem:$0x3FA9]  }
0x28: {  	s2 =	sld [smem:$0x3FAA]  }
0x29: {  	s4 =	sld [smem:$0x3FAC]  }
0x2a: {  	p0 =	seq.s32 s5, $0x0;
	s5 =	sld [smem:$0x3FAD]  }
0x2b: {  	s6 =	sld [smem:$0x3FAE]  }
0x2c: {  	s7 =	sld [smem:$0x3FAF]  }
0x2d: {  	s3 =	simm.s32 $0x108;
	s8 =	sld [smem:$0x3FB0]  }
0x2e: {  	s3 =	simm.s32 @!p0 $0x1082;
	s9 =	sld [smem:$0x3FB1]  }
0x2f: {  	lr =	sadd.s32 s0, s3;
	s0 =	sld [smem:$0x3FA8]  }
0x30: {  	s3 =	sld [smem:$0x3FAB]  }
0x31: {  	[smem:$0x3FB4] =	sst s10  }
0x32: {  	s10 =	sld [smem:$0x3FB2];
	_ =	sdelay $0x3  }
0x33: {  	p0 =	seq.s32 s10, $0x1;
	s10 =	sld [smem:$0x3FB4];
	_ =	sdelay $0x3  }
0x34: {  	[smem:$0x3FB4] =	sst s10  }
0x35: {  	s10 =	sld [smem:$0x3FB3];
	_ =	sdelay $0x3  }
0x36: {  	p1 =	seq.s32 s10, $0x1;
	s10 =	sld [smem:$0x3FB4];
	_ =	sdelay $0x3  }
0x37: {  	[smem:$0x3FB4] =	sst s10  }
0x38: {  	s10 =	sld [smem:$0x3FB5]  }
0x39: {  	_ = 	snop;
	(pc) =	sbr.ind lr, $3  }
0x3a: {  	_ = 	snop  }
0x3b: {  	_ = 	snop  }
0x3c: {  	p2 =	seq.s32 s10, $0x1;
	s10 =	sld [smem:$0x3FB4]  }
0x3d: {  	_ =	shalt  }
0x3e: {  	_ =	shalt  }
0x3f: {  	_ =	shalt  }
0x40: {  	_ =	shalt  }
0x41: {  	_ =	shalt  }
0x42: {  	_ =	shalt  }
0x43: {  	_ =	shalt  }
0x44: {  	_ =	shalt  }
0x45: {  	_ =	shalt  }
0x46: {  	_ =	shalt  }
0x47: {  	_ =	shalt  }
0x48: {  	_ =	shalt  }
0x49: {  	_ =	shalt  }
0x4a: {  	_ =	shalt  }
0x4b: {  	_ =	shalt  }
0x4c: {  	_ =	shalt  }
0x4d: {  	_ =	shalt  }
0x4e: {  	_ =	shalt  }
0x4f: {  	_ =	shalt  }
0x50: {  	_ =	shalt  }
0x51: {  	_ =	shalt  }
0x52: {  	_ =	shalt  }
0x53: {  	_ =	shalt  }
0x54: {  	_ =	shalt  }
0x55: {  	_ =	shalt  }
0x56: {  	_ =	shalt  }
0x57: {  	_ =	shalt  }
0x58: {  	_ =	shalt  }
0x59: {  	_ =	shalt  }
0x5a: {  	_ =	shalt  }
0x5b: {  	_ =	shalt  }
0x5c: {  	_ =	shalt  }
0x5d: {  	_ =	shalt  }
0x5e: {  	_ =	shalt  }
0x5f: {  	_ =	shalt  }
0x60: {  	_ =	shalt  }
0x61: {  	_ =	shalt  }
0x62: {  	_ =	shalt  }
0x63: {  	_ =	shalt  }
0x64: {  	_ =	shalt  }
0x65: {  	_ =	shalt  }
0x66: {  	_ =	shalt  }
0x67: {  	_ =	shalt  }
0x68: {  	_ =	shalt  }
0x69: {  	_ =	shalt  }
0x6a: {  	_ =	shalt  }
0x6b: {  	_ =	shalt  }
0x6c: {  	_ =	shalt  }
0x6d: {  	_ =	shalt  }
0x6e: {  	_ =	shalt  }
0x6f: {  	_ =	shalt  }
0x70: {  	_ =	shalt  }
0x71: {  	_ =	shalt  }
0x72: {  	_ =	shalt  }
0x73: {  	_ =	shalt  }
0x74: {  	_ =	shalt  }
0x75: {  	_ =	shalt  }
0x76: {  	_ =	shalt  }
0x77: {  	_ =	shalt  }
0x78: {  	_ =	shalt  }
0x79: {  	_ =	shalt  }
0x7a: {  	_ =	shalt  }
0x7b: {  	_ =	shalt  }
0x7c: {  	_ =	shalt  }
0x7d: {  	_ =	shalt  }
0x7e: {  	_ =	shalt  }
0x7f: {  	_ =	shalt  }
0x80: {  	_ =	shalt  }
0x81: {  	_ =	shalt  }
0x82: {  	_ =	shalt  }
0x83: {  	_ =	shalt  }
0x84: {  	_ =	shalt  }
0x85: {  	_ =	shalt  }
0x86: {  	_ =	shalt  }
0x87: {  	_ =	shalt  }
.Lfunc_end0:
.L_simem_size_0:
called_computation.2_lowered:
.L_overlay_start_0:
0x88: {  	s2 =	sld [smem:$0x3FD9]  }
0x89: {  	s3 =	sld [smem:$0x3FFE];
	_ =	sdelay $0x1  }
0x8a: {  	s1 =	srdreg.scid  }
0x8b: {  	s0 =	sand.u32 $0x1, s1  }
0x8c: {  	s16 =	sshll.u32 s0, $0xA;
	s2 =	sadd.s32 s3, s2  }
0x8d: {  	s2 =	sadd.s32 s2, s16  }
0x8e: {  	[smem:$0x3FC0] =	sst s2  }
0x8f: {  	_ = 	snop  }
0x90: {  	(tm) =	ssettm $0x1  }
0x91: {  	s17 =	sld [smem:$0x3FFB];
	_ =	sdelay $0x3  }
0x92: {  	_ =	strace s17  }
0x93: {  	s2 =	sld [smem:$0x3FFC];
	_ =	sdelay $0x3  }
0x94: {  	_ =	strace s2  }
0x95: {  	s2 =	sld [smem:$0x3FFD];
	_ =	sdelay $0x3  }
0x96: {  	_ =	strace s2  }
0x97: {  	_ =	strace $0x8FFFFFFF  }
0x98: {  	s18 =	sld [smem:$0x3FDB];
	_ =	sdelay $0x1  }
0x99: {  	s19 =	simm.s32 $_scs_section_size  }
0x9a: {  	s4 =	simm.s32 $_size__tile_overlayer_lowered;
	s5 =	simm.s32 $_tile_overlayer_lowered  }
0x9b: {  	s22 =	simm.s32 $0x1BFF;
	s21 =	sshll.u32 s5, $0x1;
	s2 =	sadd.s32 s19, s18  }
0x9c: {  	s6 =	simm.s32 $0x0;
	s20 =	sshll.u32 s4, $0x1;
	s4 =	sadd.s32 s21, s2  }
0x9d: {  	[timem:s6], [sflag:s22] =	dma.local [hbm:s4], s20  }
0x9e: {  	_ =	swait.ge [sflag:s22], s20  }
0x9f: {  	s3 =	ssub.s32 $0x0, s20;
	[sflag:s22] =	ssyncset.done $0x0  }
0xa0: {  	[sflag:s22] =	ssyncadd.s32 s3;
	_ =	sdelay $0x1  }
0xa1: {  	s23 =	simm.s32 $0x1B8B  }
0xa2: {  	_ =	swait.ge [sflag:s23], $0x1  }
0xa3: {  	[sflag:s23] =	ssyncset.done $0x0  }
0xa4: {  	s25 =	simm.s32 $0x1B8E;
	s24 =	sld [smem:$0x3FFE];
	[sflag:s23] =	ssyncadd.s32 $0xFFFFFFFF  }
0xa5: {  	s26 =	simm.s32 $execute0_lowered;
	[smem:$0x3FD2] =	sst s25  }
0xa6: {  	s4 =	sshll.u32 s26, $0x1;
	_ =	strace $0x8000004C;
	[dreg:$0x1] =	wrdreg $0xFFFFFFFF  }
0xa7: {  	s28 =	simm.s32 $_size_execute0_lowered;
	s2 =	sadd.s32 s2, s4;
	[dreg:$0x0] =	wrdreg $0x0  }
0xa8: {  	s4 =	sshll.u32 s28, $0x1;
	[dreg:$0x2] =	wrdreg s2  }
0xa9: {  	[dreg:$0x3] =	wrdreg s4  }
0xaa: {  	[dreg:$0x4] =	wrdreg $0xC0  }
0xab: {  	_ =	task [dreg:s6], $0x5FFFF  }
0xac: {  	[dreg:$0x1] =	wrdreg $0xFFFFFFFF  }
0xad: {  	[dreg:$0x0] =	wrdreg $0x60  }
0xae: {  	[dreg:$0x2] =	wrdreg s24  }
0xaf: {  	[dreg:$0x3] =	wrdreg $0x119400  }
0xb0: {  	[dreg:$0x4] =	wrdreg $0x9  }
0xb1: {  	_ =	task.clear_ibuf [dreg:s6], $0x5FFFF;
	_ =	strace $0x9000004C  }
0xb2: {  	s29 =	simm.s32 $0x9;
	_ =	strace $0x8000004E  }
0xb3: {  	_ =	swait.ge [sflag:s29], $0x1  }
0xb4: {  	[sflag:s29] =	ssyncadd.s32 $0xFFFFFFFF  }
0xb5: {  	_ =	strace $0x9000004E  }
0xb6: {  	_ =	sfence  }
0xb7: {  	s30 =	sld [smem:$0x0];
	_ =	sdelay $0x2  }
0xb8: {  	s31 =	sshll.u32 s1, $0xD;
	s1 =	sshrl.u32 s1, $0x2  }
0xb9: {  	s3 =	sand.u32 $0x4000, s31;
	s1 =	sadd.s32 s1, s30  }
0xba: {  	s0 =	sor.u32 s3, s0;
	s1 =	sshll.u32 s1, $0x11  }
0xbb: {  	s0 =	sor.u32 s1, s0  }
0xbc: {  	s0 =	sadd.s32 $0x8F2B, s0  }
0xbd: {  	[sflag:s0] =	ssyncadd.remote.s32 $0x1  }
0xbe: {  	_ =	sfence.sel $0xFFFF  }
0xbf: {  	[dreg:$0x0] =	wrdreg $0xFFFFFFFF;
	(pc) =	sbr.abs _section_cstart, $3  }
0xc0: {  	[dreg:$0x1] =	wrdreg $0xFFFFFFFF  }
0xc1: {  	_ =	task.clear_ibuf [dreg:s6], $0x2FFFF;
	_ =	strace $0x9FFFFFFF  }
0xc2: {  	(tm) =	ssettm $0x7FFFFFFF  }
0xc3: {  	_ =	shalt  }
tec
execute0_lowered:
.L_overlay_start_1:
0x0: {  	(tag) =	ssettag $0x1  }
0x1: {  	s0 =	rddreg [dreg:$0x0];
	s7 =	stileid.u32  }
0x2: {  	s1 =	srdreg.scid;
	s2 =	rddreg [dreg:$0x1]  }
0x3: {  	s4 =	simm.s32 $0x0;
	s14 =	simm.s32 $0x3;
	s15 =	simm.s32 $0x28A0  }
0x4: {  	s16 =	simm.s32 $0x50;
	s17 =	simm.s32 $0x5140;
	s18 =	simm.s32 $0x6540  }
0x5: {  	s19 =	simm.s32 $0x7940;
	s20 =	simm.s32 $0x8D40;
	s21 =	simm.s32 $0xA140  }
0x6: {  	s22 =	simm.s32 $0xB540;
	s23 =	simm.s32 $0xC940;
	s24 =	simm.s32 $0xDD40  }
0x7: {  	s25 =	simm.s32 $0xF140;
	s28 =	simm.s32 $0x1;
	s29 =	simm.s32 $0x2  }
0x8: {  	s30 =	simm.s32 $0x0;
	s1 =	sand.u32 $0x1, s1;
	s3 =	smul.u32 $0xA000, s7  }
0x9: {  	[smem:$0x7FF] =	sst s4;
	s26 =	smul.u32 $0x4E20, s7;
	s8 =	sadd.s32 $0x15C00, s0  }
0xa: {  	s7 =	sshll.u32 s7, $0x6;
	s6 =	smul.u32 $0xA0000, s1;
	s1 =	ssub.s32 $0x2, s1  }
0xb: {  	_ =	strace $0x8000004D;
	s4 =	sshrl.u32 s26, $0x3;
	s31 =	sshrl.u32 s1, $0x1  }
0xc: {  	s26 =	simm.s32 $0x10540;
	s5 =	sadd.s32 s3, s6;
	s10 =	sadd.s32 s4, s0  }
0xd: {  	s1 =	ssub.s32 s1, s31;
	s3 =	sadd.s32 s3, s2;
	s9 =	sshrl.u32 s6, $0x3  }
0xe: {  	s5 =	sshrl.u32 s5, $0x3;
	s6 =	sadd.s32 $0x2200, s10;
	s12 =	smax.u32 s1, $0x1  }
0xf: {  	s13 =	sshrl.u32 s3, $0x3;
	s0 =	sadd.s32 s5, s0;
	s4 =	sadd.s32 s8, s5  }
0x10: {  	s5 =	sor.u32 $0x1C03, s7;
	s7 =	sadd.s32 $0xBE40, s10;
	s8 =	sadd.s32 s8, s9  }
0x11: {  	s9 =	sadd.s32 $0x2714, s10;
	s10 =	sadd.s32 $0xC354, s10;
	s11 =	sadd.s32 $0x3DC00, s0  }
.LBB2_1:
0x12: {  	[spmem:s13], [sflag:s5] =	dma.local [hbm:s4], $0x1400  }
0x13: {  	_ =	swait.ge [sflag:s14], $0x1400  }
0x14: {  	[sflag:s14] =	ssyncset.done $0x0  }
0x15: {  	[sflag:s14] =	ssyncadd.s32 $0xFFFFEC00  }
0x16: {  	s0 =	simm.s32 $0x0;
	[bflag:$0x0] =	sbarrier.arrive $0xFFFF  }
0x17: {  	[tilespmem:s0], [sflag:$0x3] =	stream.linear.gather [hbm4b:s6+s0], $0x28A0, $0x38;
	[tilespmem:$0x1B940] =	vst v63  }
0x18: {  	_ =	swait.ge [sflag:s14], $0x28A0  }
0x19: {  	[sflag:s14] =	ssyncset.done $0x0  }
0x1a: {  	[sflag:s14] =	ssyncadd.s32 $0xFFFFD760  }
0x1b: {  	[tilespmem:s15], [sflag:$0x3] =	stream.linear.gather [hbm4b:s7+s0], $0x28A0, $0x38;
	[tilespmem:$0x1B940] =	vst v63  }
0x1c: {  	_ =	swait.ge [sflag:s14], $0x28A0  }
0x1d: {  	[sflag:s14] =	ssyncset.done $0x0  }
0x1e: {  	s1 =	simm.s32 $0x0;
	[sflag:s14] =	ssyncadd.s32 $0xFFFFD760  }
0x1f: {  	[tilespmem:s17], [sflag:$0x1] =	stream.indirect.gather [hbm4b:s8+s16], $0x40, s1, s16, $0xb8;
	[tilespmem:$0x1B940] =	vst v63  }
0x20: {  	s3 =	simm.s32 $0x50  }
0x21: {  	[tilespmem:s18], [sflag:$0x1] =	stream.indirect.gather [hbm4b:s8+s16], $0x40, s3, s16, $0xb8;
	[tilespmem:$0x1B940] =	vst v63  }
0x22: {  	s1 =	simm.s32 $0xA0  }
0x23: {  	[tilespmem:s19], [sflag:$0x1] =	stream.indirect.gather [hbm4b:s8+s16], $0x40, s1, s16, $0xb8;
	[tilespmem:$0x1B940] =	vst v63  }
0x24: {  	s3 =	simm.s32 $0xF0  }
0x25: {  	[tilespmem:s20], [sflag:$0x1] =	stream.indirect.gather [hbm4b:s8+s16], $0x40, s3, s16, $0xb8;
	[tilespmem:$0x1B940] =	vst v63  }
0x26: {  	s1 =	simm.s32 $0x140  }
0x27: {  	[tilespmem:s21], [sflag:$0x1] =	stream.indirect.gather [hbm4b:s8+s16], $0x40, s1, s16, $0xb8;
	[tilespmem:$0x1B940] =	vst v63  }
0x28: {  	s3 =	simm.s32 $0x190  }
0x29: {  	[tilespmem:s22], [sflag:$0x1] =	stream.indirect.gather [hbm4b:s8+s16], $0x40, s3, s16, $0xb8;
	[tilespmem:$0x1B940] =	vst v63  }
0x2a: {  	s1 =	simm.s32 $0x1E0  }
0x2b: {  	[tilespmem:s23], [sflag:$0x1] =	stream.indirect.gather [hbm4b:s8+s16], $0x40, s1, s16, $0xb8;
	[tilespmem:$0x1B940] =	vst v63  }
0x2c: {  	s3 =	simm.s32 $0x230  }
0x2d: {  	[tilespmem:s24], [sflag:$0x1] =	stream.indirect.gather [hbm4b:s8+s16], $0x40, s3, s16, $0xb8;
	[tilespmem:$0x1B940] =	vst v63  }
0x2e: {  	s1 =	simm.s32 $0x280  }
0x2f: {  	[tilespmem:s25], [sflag:$0x1] =	stream.indirect.gather [hbm4b:s8+s16], $0x40, s1, s16, $0xb8;
	[tilespmem:$0x1B940] =	vst v63  }
0x30: {  	s3 =	simm.s32 $0x2D0  }
0x31: {  	[tilespmem:s26], [sflag:$0x1] =	stream.indirect.gather [hbm4b:s8+s16], $0x40, s3, s16, $0xb8;
	[tilespmem:$0x1B940] =	vst v63  }
0x32: {  	_ =	swait.ge [sflag:s28], $0x1400  }
0x33: {  	[sflag:s28] =	ssyncset.done $0x0  }
0x34: {  	s1 =	simm.s32 $0x28A0;
	[sflag:s28] =	ssyncadd.s32 $0xFFFFEC00  }
0x35: {  	[spmem:s2] =	stream.indirect.scatter.add.f32 [tilespmem:s17], [sflag:$0x2], $0x40, s1, s16, $0xb8;
	[tilespmem:$0x1B940] =	vst v63  }
0x36: {  	_ =	swait.ge [sflag:s28], $0x1400  }
0x37: {  	[sflag:s28] =	ssyncset.done $0x0  }
0x38: {  	s3 =	simm.s32 $0x28F0;
	[sflag:s28] =	ssyncadd.s32 $0xFFFFEC00  }
0x39: {  	[spmem:s2] =	stream.indirect.scatter.add.f32 [tilespmem:s18], [sflag:$0x2], $0x40, s3, s16, $0xb8;
	[tilespmem:$0x1B940] =	vst v63  }
0x3a: {  	_ =	swait.ge [sflag:s28], $0x1400  }
0x3b: {  	[sflag:s28] =	ssyncset.done $0x0  }
0x3c: {  	s1 =	simm.s32 $0x2940;
	[sflag:s28] =	ssyncadd.s32 $0xFFFFEC00  }
0x3d: {  	[spmem:s2] =	stream.indirect.scatter.add.f32 [tilespmem:s19], [sflag:$0x2], $0x40, s1, s16, $0xb8;
	[tilespmem:$0x1B940] =	vst v63  }
0x3e: {  	_ =	swait.ge [sflag:s28], $0x1400  }
0x3f: {  	[sflag:s28] =	ssyncset.done $0x0  }
0x40: {  	s3 =	simm.s32 $0x2990;
	[sflag:s28] =	ssyncadd.s32 $0xFFFFEC00  }
0x41: {  	[spmem:s2] =	stream.indirect.scatter.add.f32 [tilespmem:s20], [sflag:$0x2], $0x40, s3, s16, $0xb8;
	[tilespmem:$0x1B940] =	vst v63  }
0x42: {  	_ =	swait.ge [sflag:s28], $0x1400  }
0x43: {  	[sflag:s28] =	ssyncset.done $0x0  }
0x44: {  	s1 =	simm.s32 $0x29E0;
	[sflag:s28] =	ssyncadd.s32 $0xFFFFEC00  }
0x45: {  	[spmem:s2] =	stream.indirect.scatter.add.f32 [tilespmem:s21], [sflag:$0x2], $0x40, s1, s16, $0xb8;
	[tilespmem:$0x1B940] =	vst v63  }
0x46: {  	_ =	swait.ge [sflag:s28], $0x1400  }
0x47: {  	[sflag:s28] =	ssyncset.done $0x0  }
0x48: {  	s3 =	simm.s32 $0x2A30;
	[sflag:s28] =	ssyncadd.s32 $0xFFFFEC00  }
0x49: {  	[spmem:s2] =	stream.indirect.scatter.add.f32 [tilespmem:s22], [sflag:$0x2], $0x40, s3, s16, $0xb8;
	[tilespmem:$0x1B940] =	vst v63  }
0x4a: {  	_ =	swait.ge [sflag:s28], $0x1400  }
0x4b: {  	[sflag:s28] =	ssyncset.done $0x0  }
0x4c: {  	s1 =	simm.s32 $0x2A80;
	[sflag:s28] =	ssyncadd.s32 $0xFFFFEC00  }
0x4d: {  	[spmem:s2] =	stream.indirect.scatter.add.f32 [tilespmem:s23], [sflag:$0x2], $0x40, s1, s16, $0xb8;
	[tilespmem:$0x1B940] =	vst v63  }
0x4e: {  	_ =	swait.ge [sflag:s28], $0x1400  }
0x4f: {  	[sflag:s28] =	ssyncset.done $0x0  }
0x50: {  	s3 =	simm.s32 $0x2AD0;
	[sflag:s28] =	ssyncadd.s32 $0xFFFFEC00  }
0x51: {  	[spmem:s2] =	stream.indirect.scatter.add.f32 [tilespmem:s24], [sflag:$0x2], $0x40, s3, s16, $0xb8;
	[tilespmem:$0x1B940] =	vst v63  }
0x52: {  	_ =	swait.ge [sflag:s28], $0x1400  }
0x53: {  	[sflag:s28] =	ssyncset.done $0x0  }
0x54: {  	s1 =	simm.s32 $0x2B20;
	[sflag:s28] =	ssyncadd.s32 $0xFFFFEC00  }
0x55: {  	[spmem:s2] =	stream.indirect.scatter.add.f32 [tilespmem:s25], [sflag:$0x2], $0x40, s1, s16, $0xb8;
	[tilespmem:$0x1B940] =	vst v63  }
0x56: {  	_ =	swait.ge [sflag:s28], $0x1400  }
0x57: {  	[sflag:s28] =	ssyncset.done $0x0  }
0x58: {  	s3 =	simm.s32 $0x2B70;
	[sflag:s28] =	ssyncadd.s32 $0xFFFFEC00  }
0x59: {  	[spmem:s2] =	stream.indirect.scatter.add.f32 [tilespmem:s26], [sflag:$0x2], $0x40, s3, s16, $0xb8;
	[tilespmem:$0x1B940] =	vst v63  }
0x5a: {  	_ =	swait.ge [sflag:s29], $0x1400  }
0x5b: {  	[sflag:s29] =	ssyncset.done $0x0  }
0x5c: {  	[sflag:s29] =	ssyncadd.s32 $0xFFFFEC00  }
0x5d: {  	_ =	swait.ge [sflag:s29], $0x1400  }
0x5e: {  	[sflag:s29] =	ssyncset.done $0x0  }
0x5f: {  	[sflag:s29] =	ssyncadd.s32 $0xFFFFEC00  }
0x60: {  	_ =	swait.ge [sflag:s29], $0x1400  }
0x61: {  	[sflag:s29] =	ssyncset.done $0x0  }
0x62: {  	[sflag:s29] =	ssyncadd.s32 $0xFFFFEC00  }
0x63: {  	_ =	swait.ge [sflag:s29], $0x1400  }
0x64: {  	[sflag:s29] =	ssyncset.done $0x0  }
0x65: {  	[sflag:s29] =	ssyncadd.s32 $0xFFFFEC00  }
0x66: {  	_ =	swait.ge [sflag:s29], $0x1400  }
0x67: {  	[sflag:s29] =	ssyncset.done $0x0  }
0x68: {  	[sflag:s29] =	ssyncadd.s32 $0xFFFFEC00  }
0x69: {  	_ =	swait.ge [sflag:s29], $0x1400  }
0x6a: {  	[sflag:s29] =	ssyncset.done $0x0  }
0x6b: {  	[sflag:s29] =	ssyncadd.s32 $0xFFFFEC00  }
0x6c: {  	_ =	swait.ge [sflag:s29], $0x1400  }
0x6d: {  	[sflag:s29] =	ssyncset.done $0x0  }
0x6e: {  	[sflag:s29] =	ssyncadd.s32 $0xFFFFEC00  }
0x6f: {  	_ =	swait.ge [sflag:s29], $0x1400  }
0x70: {  	[sflag:s29] =	ssyncset.done $0x0  }
0x71: {  	[sflag:s29] =	ssyncadd.s32 $0xFFFFEC00  }
0x72: {  	_ =	swait.ge [sflag:s29], $0x1400  }
0x73: {  	[sflag:s29] =	ssyncset.done $0x0  }
0x74: {  	[sflag:s29] =	ssyncadd.s32 $0xFFFFEC00  }
0x75: {  	_ =	swait.ge [sflag:s29], $0x1400  }
0x76: {  	s31 =	simm.s32 $0xC80;
	s1 =	simm.s32 $0x1900;
	[sflag:s29] =	ssyncset.done $0x0  }
.LBB2_2:
0x77: {  	s0 =	sshra.s32 s31, $0x2  }
0x78: {  	[sflag:s29] =	ssyncadd.s32 $0xFFFFEC00;
	s31 =	smov.u32 s1;
	s3 =	sadd.s32 $0xC80, s1  }
0x79: {  	[tilespmem:s17], [sflag:$0x1] =	stream.indirect.gather [hbm4b:s8+s16], $0x40, s0, s16, $0xb8;
	[tilespmem:$0x1B940] =	vst v63  }
0x7a: {  	p0 =	sne.s32 s1, $0x9600;
	s1 =	sadd.s32 $0x50, s0  }
0x7b: {  	[tilespmem:s18], [sflag:$0x1] =	stream.indirect.gather [hbm4b:s8+s16], $0x40, s1, s16, $0xb8;
	[tilespmem:$0x1B940] =	vst v63  }
0x7c: {  	s1 =	sadd.s32 $0xA0, s0  }
0x7d: {  	[tilespmem:s19], [sflag:$0x1] =	stream.indirect.gather [hbm4b:s8+s16], $0x40, s1, s16, $0xb8;
	[tilespmem:$0x1B940] =	vst v63  }
0x7e: {  	s1 =	sadd.s32 $0xF0, s0  }
0x7f: {  	[tilespmem:s20], [sflag:$0x1] =	stream.indirect.gather [hbm4b:s8+s16], $0x40, s1, s16, $0xb8;
	[tilespmem:$0x1B940] =	vst v63  }
0x80: {  	s1 =	sadd.s32 $0x140, s0  }
0x81: {  	[tilespmem:s21], [sflag:$0x1] =	stream.indirect.gather [hbm4b:s8+s16], $0x40, s1, s16, $0xb8;
	[tilespmem:$0x1B940] =	vst v63  }
0x82: {  	s1 =	sadd.s32 $0x190, s0  }
0x83: {  	[tilespmem:s22], [sflag:$0x1] =	stream.indirect.gather [hbm4b:s8+s16], $0x40, s1, s16, $0xb8;
	[tilespmem:$0x1B940] =	vst v63  }
0x84: {  	s1 =	sadd.s32 $0x1E0, s0  }
0x85: {  	[tilespmem:s23], [sflag:$0x1] =	stream.indirect.gather [hbm4b:s8+s16], $0x40, s1, s16, $0xb8;
	[tilespmem:$0x1B940] =	vst v63  }
0x86: {  	s1 =	sadd.s32 $0x230, s0  }
0x87: {  	[tilespmem:s24], [sflag:$0x1] =	stream.indirect.gather [hbm4b:s8+s16], $0x40, s1, s16, $0xb8;
	[tilespmem:$0x1B940] =	vst v63  }
0x88: {  	s1 =	sadd.s32 $0x280, s0  }
0x89: {  	[tilespmem:s25], [sflag:$0x1] =	stream.indirect.gather [hbm4b:s8+s16], $0x40, s1, s16, $0xb8;
	[tilespmem:$0x1B940] =	vst v63  }
0x8a: {  	s1 =	sadd.s32 $0x2D0, s0  }
0x8b: {  	[tilespmem:s26], [sflag:$0x1] =	stream.indirect.gather [hbm4b:s8+s16], $0x40, s1, s16, $0xb8;
	[tilespmem:$0x1B940] =	vst v63  }
0x8c: {  	_ =	swait.ge [sflag:s28], $0x1400  }
0x8d: {  	[sflag:s28] =	ssyncset.done $0x0  }
0x8e: {  	s1 =	sadd.s32 $0x28A0, s0;
	[sflag:s28] =	ssyncadd.s32 $0xFFFFEC00  }
0x8f: {  	[spmem:s2] =	stream.indirect.scatter.add.f32 [tilespmem:s17], [sflag:$0x2], $0x40, s1, s16, $0xb8;
	[tilespmem:$0x1B940] =	vst v63  }
0x90: {  	_ =	swait.ge [sflag:s28], $0x1400  }
0x91: {  	[sflag:s28] =	ssyncset.done $0x0  }
0x92: {  	s1 =	sadd.s32 $0x28F0, s0;
	[sflag:s28] =	ssyncadd.s32 $0xFFFFEC00  }
0x93: {  	[spmem:s2] =	stream.indirect.scatter.add.f32 [tilespmem:s18], [sflag:$0x2], $0x40, s1, s16, $0xb8;
	[tilespmem:$0x1B940] =	vst v63  }
0x94: {  	_ =	swait.ge [sflag:s28], $0x1400  }
0x95: {  	[sflag:s28] =	ssyncset.done $0x0  }
0x96: {  	s1 =	sadd.s32 $0x2940, s0;
	[sflag:s28] =	ssyncadd.s32 $0xFFFFEC00  }
0x97: {  	[spmem:s2] =	stream.indirect.scatter.add.f32 [tilespmem:s19], [sflag:$0x2], $0x40, s1, s16, $0xb8;
	[tilespmem:$0x1B940] =	vst v63  }
0x98: {  	_ =	swait.ge [sflag:s28], $0x1400  }
0x99: {  	[sflag:s28] =	ssyncset.done $0x0  }
0x9a: {  	s1 =	sadd.s32 $0x2990, s0;
	[sflag:s28] =	ssyncadd.s32 $0xFFFFEC00  }
0x9b: {  	[spmem:s2] =	stream.indirect.scatter.add.f32 [tilespmem:s20], [sflag:$0x2], $0x40, s1, s16, $0xb8;
	[tilespmem:$0x1B940] =	vst v63  }
0x9c: {  	_ =	swait.ge [sflag:s28], $0x1400  }
0x9d: {  	[sflag:s28] =	ssyncset.done $0x0  }
0x9e: {  	s1 =	sadd.s32 $0x29E0, s0;
	[sflag:s28] =	ssyncadd.s32 $0xFFFFEC00  }
0x9f: {  	[spmem:s2] =	stream.indirect.scatter.add.f32 [tilespmem:s21], [sflag:$0x2], $0x40, s1, s16, $0xb8;
	[tilespmem:$0x1B940] =	vst v63  }
0xa0: {  	_ =	swait.ge [sflag:s28], $0x1400  }
0xa1: {  	[sflag:s28] =	ssyncset.done $0x0  }
0xa2: {  	s1 =	sadd.s32 $0x2A30, s0;
	[sflag:s28] =	ssyncadd.s32 $0xFFFFEC00  }
0xa3: {  	[spmem:s2] =	stream.indirect.scatter.add.f32 [tilespmem:s22], [sflag:$0x2], $0x40, s1, s16, $0xb8;
	[tilespmem:$0x1B940] =	vst v63  }
0xa4: {  	_ =	swait.ge [sflag:s28], $0x1400  }
0xa5: {  	[sflag:s28] =	ssyncset.done $0x0  }
0xa6: {  	s1 =	sadd.s32 $0x2A80, s0;
	[sflag:s28] =	ssyncadd.s32 $0xFFFFEC00  }
0xa7: {  	[spmem:s2] =	stream.indirect.scatter.add.f32 [tilespmem:s23], [sflag:$0x2], $0x40, s1, s16, $0xb8;
	[tilespmem:$0x1B940] =	vst v63  }
0xa8: {  	_ =	swait.ge [sflag:s28], $0x1400  }
0xa9: {  	[sflag:s28] =	ssyncset.done $0x0  }
0xaa: {  	s1 =	sadd.s32 $0x2AD0, s0;
	[sflag:s28] =	ssyncadd.s32 $0xFFFFEC00  }
0xab: {  	[spmem:s2] =	stream.indirect.scatter.add.f32 [tilespmem:s24], [sflag:$0x2], $0x40, s1, s16, $0xb8;
	[tilespmem:$0x1B940] =	vst v63  }
0xac: {  	_ =	swait.ge [sflag:s28], $0x1400  }
0xad: {  	[sflag:s28] =	ssyncset.done $0x0  }
0xae: {  	s1 =	sadd.s32 $0x2B20, s0;
	[sflag:s28] =	ssyncadd.s32 $0xFFFFEC00  }
0xaf: {  	[spmem:s2] =	stream.indirect.scatter.add.f32 [tilespmem:s25], [sflag:$0x2], $0x40, s1, s16, $0xb8;
	[tilespmem:$0x1B940] =	vst v63  }
0xb0: {  	_ =	swait.ge [sflag:s28], $0x1400  }
0xb1: {  	[sflag:s28] =	ssyncset.done $0x0  }
0xb2: {  	s0 =	sadd.s32 $0x2B70, s0;
	[sflag:s28] =	ssyncadd.s32 $0xFFFFEC00  }
0xb3: {  	[spmem:s2] =	stream.indirect.scatter.add.f32 [tilespmem:s26], [sflag:$0x2], $0x40, s0, s16, $0xb8;
	[tilespmem:$0x1B940] =	vst v63  }
0xb4: {  	_ =	swait.ge [sflag:s29], $0x1400  }
0xb5: {  	[sflag:s29] =	ssyncset.done $0x0  }
0xb6: {  	[sflag:s29] =	ssyncadd.s32 $0xFFFFEC00  }
0xb7: {  	_ =	swait.ge [sflag:s29], $0x1400  }
0xb8: {  	[sflag:s29] =	ssyncset.done $0x0  }
0xb9: {  	[sflag:s29] =	ssyncadd.s32 $0xFFFFEC00  }
0xba: {  	_ =	swait.ge [sflag:s29], $0x1400  }
0xbb: {  	[sflag:s29] =	ssyncset.done $0x0  }
0xbc: {  	[sflag:s29] =	ssyncadd.s32 $0xFFFFEC00  }
0xbd: {  	_ =	swait.ge [sflag:s29], $0x1400  }
0xbe: {  	[sflag:s29] =	ssyncset.done $0x0  }
0xbf: {  	[sflag:s29] =	ssyncadd.s32 $0xFFFFEC00  }
0xc0: {  	_ =	swait.ge [sflag:s29], $0x1400  }
0xc1: {  	[sflag:s29] =	ssyncset.done $0x0  }
0xc2: {  	[sflag:s29] =	ssyncadd.s32 $0xFFFFEC00  }
0xc3: {  	_ =	swait.ge [sflag:s29], $0x1400  }
0xc4: {  	[sflag:s29] =	ssyncset.done $0x0  }
0xc5: {  	[sflag:s29] =	ssyncadd.s32 $0xFFFFEC00  }
0xc6: {  	_ =	swait.ge [sflag:s29], $0x1400  }
0xc7: {  	[sflag:s29] =	ssyncset.done $0x0  }
0xc8: {  	[sflag:s29] =	ssyncadd.s32 $0xFFFFEC00  }
0xc9: {  	_ =	swait.ge [sflag:s29], $0x1400  }
0xca: {  	[sflag:s29] =	ssyncset.done $0x0  }
0xcb: {  	[sflag:s29] =	ssyncadd.s32 $0xFFFFEC00  }
.Ltmp0:
0xcc: {  	_ =	swait.ge [sflag:s29], $0x1400;
	(pc) =	sbr.rel @p0 .LBB2_2-.Ltmp0, $4  }
0xcd: {  	[sflag:s29] =	ssyncset.done $0x0  }
0xce: {  	[sflag:s29] =	ssyncadd.s32 $0xFFFFEC00  }
0xcf: {  	_ =	swait.ge [sflag:s29], $0x1400  }
0xd0: {  	s1 =	smov.u32 s3;
	[sflag:s29] =	ssyncset.done $0x0  }
0xd1: {  	s0 =	sshra.s32 s31, $0x2;
	[sflag:s29] =	ssyncadd.s32 $0xFFFFEC00  }
0xd2: {  	[tilespmem:s17], [sflag:$0x1] =	stream.indirect.gather [hbm4b:s8+s16], $0x40, s0, s16, $0xb8;
	[tilespmem:$0x1B940] =	vst v63  }
0xd3: {  	s1 =	sadd.s32 $0x50, s0  }
0xd4: {  	[tilespmem:s18], [sflag:$0x1] =	stream.indirect.gather [hbm4b:s8+s16], $0x40, s1, s16, $0xb8;
	[tilespmem:$0x1B940] =	vst v63  }
0xd5: {  	s3 =	sadd.s32 $0xA0, s0  }
0xd6: {  	[tilespmem:s19], [sflag:$0x1] =	stream.indirect.gather [hbm4b:s8+s16], $0x40, s3, s16, $0xb8;
	[tilespmem:$0x1B940] =	vst v63  }
0xd7: {  	s3 =	sadd.s32 $0xF0, s0  }
0xd8: {  	[tilespmem:s20], [sflag:$0x1] =	stream.indirect.gather [hbm4b:s8+s16], $0x40, s3, s16, $0xb8;
	[tilespmem:$0x1B940] =	vst v63  }
0xd9: {  	s3 =	sadd.s32 $0x140, s0  }
0xda: {  	[tilespmem:s21], [sflag:$0x1] =	stream.indirect.gather [hbm4b:s8+s16], $0x40, s3, s16, $0xb8;
	[tilespmem:$0x1B940] =	vst v63  }
0xdb: {  	s3 =	sadd.s32 $0x190, s0  }
0xdc: {  	[tilespmem:s22], [sflag:$0x1] =	stream.indirect.gather [hbm4b:s8+s16], $0x40, s3, s16, $0xb8;
	[tilespmem:$0x1B940] =	vst v63  }
0xdd: {  	s3 =	sadd.s32 $0x1E0, s0  }
0xde: {  	[tilespmem:s23], [sflag:$0x1] =	stream.indirect.gather [hbm4b:s8+s16], $0x40, s3, s16, $0xb8;
	[tilespmem:$0x1B940] =	vst v63  }
0xdf: {  	s3 =	sadd.s32 $0x230, s0  }
0xe0: {  	[tilespmem:s24], [sflag:$0x1] =	stream.indirect.gather [hbm4b:s8+s16], $0x40, s3, s16, $0xb8;
	[tilespmem:$0x1B940] =	vst v63  }
0xe1: {  	s3 =	sadd.s32 $0x280, s0  }
0xe2: {  	[tilespmem:s25], [sflag:$0x1] =	stream.indirect.gather [hbm4b:s8+s16], $0x40, s3, s16, $0xb8;
	[tilespmem:$0x1B940] =	vst v63  }
0xe3: {  	s3 =	sadd.s32 $0x2D0, s0  }
0xe4: {  	[tilespmem:s26], [sflag:$0x1] =	stream.indirect.gather [hbm4b:s8+s16], $0x40, s3, s16, $0xb8;
	[tilespmem:$0x1B940] =	vst v63  }
0xe5: {  	_ =	swait.ge [sflag:s28], $0x1400  }
0xe6: {  	[sflag:s28] =	ssyncset.done $0x0  }
0xe7: {  	s3 =	sadd.s32 $0x28A0, s0;
	[sflag:s28] =	ssyncadd.s32 $0xFFFFEC00  }
0xe8: {  	[spmem:s2] =	stream.indirect.scatter.add.f32 [tilespmem:s17], [sflag:$0x2], $0x40, s3, s16, $0xb8;
	[tilespmem:$0x1B940] =	vst v63  }
0xe9: {  	_ =	swait.ge [sflag:s28], $0x1400  }
0xea: {  	[sflag:s28] =	ssyncset.done $0x0  }
0xeb: {  	s3 =	sadd.s32 $0x28F0, s0;
	[sflag:s28] =	ssyncadd.s32 $0xFFFFEC00  }
0xec: {  	[spmem:s2] =	stream.indirect.scatter.add.f32 [tilespmem:s18], [sflag:$0x2], $0x40, s3, s16, $0xb8;
	[tilespmem:$0x1B940] =	vst v63  }
0xed: {  	_ =	swait.ge [sflag:s28], $0x1400  }
0xee: {  	[sflag:s28] =	ssyncset.done $0x0  }
0xef: {  	s3 =	sadd.s32 $0x2940, s0;
	[sflag:s28] =	ssyncadd.s32 $0xFFFFEC00  }
0xf0: {  	[spmem:s2] =	stream.indirect.scatter.add.f32 [tilespmem:s19], [sflag:$0x2], $0x40, s3, s16, $0xb8;
	[tilespmem:$0x1B940] =	vst v63  }
0xf1: {  	_ =	swait.ge [sflag:s28], $0x1400  }
0xf2: {  	[sflag:s28] =	ssyncset.done $0x0  }
0xf3: {  	s3 =	sadd.s32 $0x2990, s0;
	[sflag:s28] =	ssyncadd.s32 $0xFFFFEC00  }
0xf4: {  	[spmem:s2] =	stream.indirect.scatter.add.f32 [tilespmem:s20], [sflag:$0x2], $0x40, s3, s16, $0xb8;
	[tilespmem:$0x1B940] =	vst v63  }
0xf5: {  	_ =	swait.ge [sflag:s28], $0x1400  }
0xf6: {  	[sflag:s28] =	ssyncset.done $0x0  }
0xf7: {  	s3 =	sadd.s32 $0x29E0, s0;
	[sflag:s28] =	ssyncadd.s32 $0xFFFFEC00  }
0xf8: {  	[spmem:s2] =	stream.indirect.scatter.add.f32 [tilespmem:s21], [sflag:$0x2], $0x40, s3, s16, $0xb8;
	[tilespmem:$0x1B940] =	vst v63  }
0xf9: {  	_ =	swait.ge [sflag:s28], $0x1400  }
0xfa: {  	[sflag:s28] =	ssyncset.done $0x0  }
0xfb: {  	s3 =	sadd.s32 $0x2A30, s0;
	[sflag:s28] =	ssyncadd.s32 $0xFFFFEC00  }
0xfc: {  	[spmem:s2] =	stream.indirect.scatter.add.f32 [tilespmem:s22], [sflag:$0x2], $0x40, s3, s16, $0xb8;
	[tilespmem:$0x1B940] =	vst v63  }
0xfd: {  	_ =	swait.ge [sflag:s28], $0x1400  }
0xfe: {  	[sflag:s28] =	ssyncset.done $0x0  }
0xff: {  	s3 =	sadd.s32 $0x2A80, s0;
	[sflag:s28] =	ssyncadd.s32 $0xFFFFEC00  }
0x100: {  	[spmem:s2] =	stream.indirect.scatter.add.f32 [tilespmem:s23], [sflag:$0x2], $0x40, s3, s16, $0xb8;
	[tilespmem:$0x1B940] =	vst v63  }
0x101: {  	_ =	swait.ge [sflag:s28], $0x1400  }
0x102: {  	[sflag:s28] =	ssyncset.done $0x0  }
0x103: {  	s3 =	sadd.s32 $0x2AD0, s0;
	[sflag:s28] =	ssyncadd.s32 $0xFFFFEC00  }
0x104: {  	[spmem:s2] =	stream.indirect.scatter.add.f32 [tilespmem:s24], [sflag:$0x2], $0x40, s3, s16, $0xb8;
	[tilespmem:$0x1B940] =	vst v63  }
0x105: {  	_ =	swait.ge [sflag:s28], $0x1400  }
0x106: {  	[sflag:s28] =	ssyncset.done $0x0  }
0x107: {  	s3 =	sadd.s32 $0x2B20, s0;
	[sflag:s28] =	ssyncadd.s32 $0xFFFFEC00  }
0x108: {  	[spmem:s2] =	stream.indirect.scatter.add.f32 [tilespmem:s25], [sflag:$0x2], $0x40, s3, s16, $0xb8;
	[tilespmem:$0x1B940] =	vst v63  }
0x109: {  	_ =	swait.ge [sflag:s28], $0x1400  }
0x10a: {  	[sflag:s28] =	ssyncset.done $0x0  }
0x10b: {  	s0 =	sadd.s32 $0x2B70, s0;
	[sflag:s28] =	ssyncadd.s32 $0xFFFFEC00  }
0x10c: {  	[spmem:s2] =	stream.indirect.scatter.add.f32 [tilespmem:s26], [sflag:$0x2], $0x40, s0, s16, $0xb8;
	[tilespmem:$0x1B940] =	vst v63  }
0x10d: {  	_ =	swait.ge [sflag:s29], $0x1400  }
0x10e: {  	[sflag:s29] =	ssyncset.done $0x0  }
0x10f: {  	[sflag:s29] =	ssyncadd.s32 $0xFFFFEC00  }
0x110: {  	_ =	swait.ge [sflag:s29], $0x1400  }
0x111: {  	[sflag:s29] =	ssyncset.done $0x0  }
0x112: {  	[sflag:s29] =	ssyncadd.s32 $0xFFFFEC00  }
0x113: {  	_ =	swait.ge [sflag:s29], $0x1400  }
0x114: {  	[sflag:s29] =	ssyncset.done $0x0  }
0x115: {  	[sflag:s29] =	ssyncadd.s32 $0xFFFFEC00  }
0x116: {  	_ =	swait.ge [sflag:s29], $0x1400  }
0x117: {  	[sflag:s29] =	ssyncset.done $0x0  }
0x118: {  	[sflag:s29] =	ssyncadd.s32 $0xFFFFEC00  }
0x119: {  	_ =	swait.ge [sflag:s29], $0x1400  }
0x11a: {  	[sflag:s29] =	ssyncset.done $0x0  }
0x11b: {  	[sflag:s29] =	ssyncadd.s32 $0xFFFFEC00  }
0x11c: {  	_ =	swait.ge [sflag:s29], $0x1400  }
0x11d: {  	[sflag:s29] =	ssyncset.done $0x0  }
0x11e: {  	[sflag:s29] =	ssyncadd.s32 $0xFFFFEC00  }
0x11f: {  	_ =	swait.ge [sflag:s29], $0x1400  }
0x120: {  	[sflag:s29] =	ssyncset.done $0x0  }
0x121: {  	[sflag:s29] =	ssyncadd.s32 $0xFFFFEC00  }
0x122: {  	_ =	swait.ge [sflag:s29], $0x1400  }
0x123: {  	[sflag:s29] =	ssyncset.done $0x0  }
0x124: {  	[sflag:s29] =	ssyncadd.s32 $0xFFFFEC00  }
0x125: {  	_ =	swait.ge [sflag:s29], $0x1400  }
0x126: {  	[sflag:s29] =	ssyncset.done $0x0  }
0x127: {  	[sflag:s29] =	ssyncadd.s32 $0xFFFFEC00  }
0x128: {  	_ =	swait.ge [sflag:s29], $0x1400  }
0x129: {  	[sflag:s29] =	ssyncset.done $0x0  }
0x12a: {  	s3 =	simm.s32 $0x0;
	[sflag:s29] =	ssyncadd.s32 $0xFFFFEC00  }
0x12b: {  	[tilespmem:s3], [sflag:$0x3] =	stream.linear.gather [hbm4b:s9+s3], $0x2580, $0x38;
	[tilespmem:$0x1B940] =	vst v63  }
0x12c: {  	_ =	swait.ge [sflag:s14], $0x2580  }
0x12d: {  	[sflag:s14] =	ssyncset.done $0x0  }
0x12e: {  	[sflag:s14] =	ssyncadd.s32 $0xFFFFDA80  }
0x12f: {  	[tilespmem:s15], [sflag:$0x3] =	stream.linear.gather [hbm4b:s10+s3], $0x2580, $0x38;
	[tilespmem:$0x1B940] =	vst v63  }
0x130: {  	_ =	swait.ge [sflag:s14], $0x2580  }
0x131: {  	[sflag:s14] =	ssyncset.done $0x0  }
0x132: {  	s1 =	simm.s32 $0x0;
	[sflag:s14] =	ssyncadd.s32 $0xFFFFDA80  }
0x133: {  	[tilespmem:s17], [sflag:$0x1] =	stream.indirect.gather [hbm4b:s8+s16], $0x40, s1, s16, $0xb8;
	[tilespmem:$0x1B940] =	vst v63  }
0x134: {  	s3 =	simm.s32 $0x50  }
0x135: {  	[tilespmem:s18], [sflag:$0x1] =	stream.indirect.gather [hbm4b:s8+s16], $0x40, s3, s16, $0xb8;
	[tilespmem:$0x1B940] =	vst v63  }
0x136: {  	s1 =	simm.s32 $0xA0  }
0x137: {  	[tilespmem:s19], [sflag:$0x1] =	stream.indirect.gather [hbm4b:s8+s16], $0x40, s1, s16, $0xb8;
	[tilespmem:$0x1B940] =	vst v63  }
0x138: {  	s3 =	simm.s32 $0xF0  }
0x139: {  	[tilespmem:s20], [sflag:$0x1] =	stream.indirect.gather [hbm4b:s8+s16], $0x40, s3, s16, $0xb8;
	[tilespmem:$0x1B940] =	vst v63  }
0x13a: {  	s1 =	simm.s32 $0x140  }
0x13b: {  	[tilespmem:s21], [sflag:$0x1] =	stream.indirect.gather [hbm4b:s8+s16], $0x40, s1, s16, $0xb8;
	[tilespmem:$0x1B940] =	vst v63  }
0x13c: {  	s3 =	simm.s32 $0x190  }
0x13d: {  	[tilespmem:s22], [sflag:$0x1] =	stream.indirect.gather [hbm4b:s8+s16], $0x40, s3, s16, $0xb8;
	[tilespmem:$0x1B940] =	vst v63  }
0x13e: {  	s1 =	simm.s32 $0x1E0  }
0x13f: {  	[tilespmem:s23], [sflag:$0x1] =	stream.indirect.gather [hbm4b:s8+s16], $0x40, s1, s16, $0xb8;
	[tilespmem:$0x1B940] =	vst v63  }
0x140: {  	s3 =	simm.s32 $0x230  }
0x141: {  	[tilespmem:s24], [sflag:$0x1] =	stream.indirect.gather [hbm4b:s8+s16], $0x40, s3, s16, $0xb8;
	[tilespmem:$0x1B940] =	vst v63  }
0x142: {  	s1 =	simm.s32 $0x280  }
0x143: {  	[tilespmem:s25], [sflag:$0x1] =	stream.indirect.gather [hbm4b:s8+s16], $0x40, s1, s16, $0xb8;
	[tilespmem:$0x1B940] =	vst v63  }
0x144: {  	s3 =	simm.s32 $0x2D0  }
0x145: {  	[tilespmem:s26], [sflag:$0x1] =	stream.indirect.gather [hbm4b:s8+s16], $0x40, s3, s16, $0xb8;
	[tilespmem:$0x1B940] =	vst v63  }
0x146: {  	_ =	swait.ge [sflag:s28], $0x1400  }
0x147: {  	[sflag:s28] =	ssyncset.done $0x0  }
0x148: {  	s1 =	simm.s32 $0x28A0;
	[sflag:s28] =	ssyncadd.s32 $0xFFFFEC00  }
0x149: {  	[spmem:s2] =	stream.indirect.scatter.add.f32 [tilespmem:s17], [sflag:$0x2], $0x40, s1, s16, $0xb8;
	[tilespmem:$0x1B940] =	vst v63  }
0x14a: {  	_ =	swait.ge [sflag:s28], $0x1400  }
0x14b: {  	[sflag:s28] =	ssyncset.done $0x0  }
0x14c: {  	s3 =	simm.s32 $0x28F0;
	[sflag:s28] =	ssyncadd.s32 $0xFFFFEC00  }
0x14d: {  	[spmem:s2] =	stream.indirect.scatter.add.f32 [tilespmem:s18], [sflag:$0x2], $0x40, s3, s16, $0xb8;
	[tilespmem:$0x1B940] =	vst v63  }
0x14e: {  	_ =	swait.ge [sflag:s28], $0x1400  }
0x14f: {  	[sflag:s28] =	ssyncset.done $0x0  }
0x150: {  	s1 =	simm.s32 $0x2940;
	[sflag:s28] =	ssyncadd.s32 $0xFFFFEC00  }
0x151: {  	[spmem:s2] =	stream.indirect.scatter.add.f32 [tilespmem:s19], [sflag:$0x2], $0x40, s1, s16, $0xb8;
	[tilespmem:$0x1B940] =	vst v63  }
0x152: {  	_ =	swait.ge [sflag:s28], $0x1400  }
0x153: {  	[sflag:s28] =	ssyncset.done $0x0  }
0x154: {  	s3 =	simm.s32 $0x2990;
	[sflag:s28] =	ssyncadd.s32 $0xFFFFEC00  }
0x155: {  	[spmem:s2] =	stream.indirect.scatter.add.f32 [tilespmem:s20], [sflag:$0x2], $0x40, s3, s16, $0xb8;
	[tilespmem:$0x1B940] =	vst v63  }
0x156: {  	_ =	swait.ge [sflag:s28], $0x1400  }
0x157: {  	[sflag:s28] =	ssyncset.done $0x0  }
0x158: {  	s1 =	simm.s32 $0x29E0;
	[sflag:s28] =	ssyncadd.s32 $0xFFFFEC00  }
0x159: {  	[spmem:s2] =	stream.indirect.scatter.add.f32 [tilespmem:s21], [sflag:$0x2], $0x40, s1, s16, $0xb8;
	[tilespmem:$0x1B940] =	vst v63  }
0x15a: {  	_ =	swait.ge [sflag:s28], $0x1400  }
0x15b: {  	[sflag:s28] =	ssyncset.done $0x0  }
0x15c: {  	s3 =	simm.s32 $0x2A30;
	[sflag:s28] =	ssyncadd.s32 $0xFFFFEC00  }
0x15d: {  	[spmem:s2] =	stream.indirect.scatter.add.f32 [tilespmem:s22], [sflag:$0x2], $0x40, s3, s16, $0xb8;
	[tilespmem:$0x1B940] =	vst v63  }
0x15e: {  	_ =	swait.ge [sflag:s28], $0x1400  }
0x15f: {  	[sflag:s28] =	ssyncset.done $0x0  }
0x160: {  	s1 =	simm.s32 $0x2A80;
	[sflag:s28] =	ssyncadd.s32 $0xFFFFEC00  }
0x161: {  	[spmem:s2] =	stream.indirect.scatter.add.f32 [tilespmem:s23], [sflag:$0x2], $0x40, s1, s16, $0xb8;
	[tilespmem:$0x1B940] =	vst v63  }
0x162: {  	_ =	swait.ge [sflag:s28], $0x1400  }
0x163: {  	[sflag:s28] =	ssyncset.done $0x0  }
0x164: {  	s3 =	simm.s32 $0x2AD0;
	[sflag:s28] =	ssyncadd.s32 $0xFFFFEC00  }
0x165: {  	[spmem:s2] =	stream.indirect.scatter.add.f32 [tilespmem:s24], [sflag:$0x2], $0x40, s3, s16, $0xb8;
	[tilespmem:$0x1B940] =	vst v63  }
0x166: {  	_ =	swait.ge [sflag:s28], $0x1400  }
0x167: {  	[sflag:s28] =	ssyncset.done $0x0  }
0x168: {  	s1 =	simm.s32 $0x2B20;
	[sflag:s28] =	ssyncadd.s32 $0xFFFFEC00  }
0x169: {  	[spmem:s2] =	stream.indirect.scatter.add.f32 [tilespmem:s25], [sflag:$0x2], $0x40, s1, s16, $0xb8;
	[tilespmem:$0x1B940] =	vst v63  }
0x16a: {  	_ =	swait.ge [sflag:s28], $0x1400  }
0x16b: {  	[sflag:s28] =	ssyncset.done $0x0  }
0x16c: {  	s3 =	simm.s32 $0x2B70;
	[sflag:s28] =	ssyncadd.s32 $0xFFFFEC00  }
0x16d: {  	[spmem:s2] =	stream.indirect.scatter.add.f32 [tilespmem:s26], [sflag:$0x2], $0x40, s3, s16, $0xb8;
	[tilespmem:$0x1B940] =	vst v63  }
0x16e: {  	_ =	swait.ge [sflag:s29], $0x1400  }
0x16f: {  	[sflag:s29] =	ssyncset.done $0x0  }
0x170: {  	[sflag:s29] =	ssyncadd.s32 $0xFFFFEC00  }
0x171: {  	_ =	swait.ge [sflag:s29], $0x1400  }
0x172: {  	[sflag:s29] =	ssyncset.done $0x0  }
0x173: {  	[sflag:s29] =	ssyncadd.s32 $0xFFFFEC00  }
0x174: {  	_ =	swait.ge [sflag:s29], $0x1400  }
0x175: {  	[sflag:s29] =	ssyncset.done $0x0  }
0x176: {  	[sflag:s29] =	ssyncadd.s32 $0xFFFFEC00  }
0x177: {  	_ =	swait.ge [sflag:s29], $0x1400  }
0x178: {  	[sflag:s29] =	ssyncset.done $0x0  }
0x179: {  	[sflag:s29] =	ssyncadd.s32 $0xFFFFEC00  }
0x17a: {  	_ =	swait.ge [sflag:s29], $0x1400  }
0x17b: {  	[sflag:s29] =	ssyncset.done $0x0  }
0x17c: {  	[sflag:s29] =	ssyncadd.s32 $0xFFFFEC00  }
0x17d: {  	_ =	swait.ge [sflag:s29], $0x1400  }
0x17e: {  	[sflag:s29] =	ssyncset.done $0x0  }
0x17f: {  	[sflag:s29] =	ssyncadd.s32 $0xFFFFEC00  }
0x180: {  	_ =	swait.ge [sflag:s29], $0x1400  }
0x181: {  	[sflag:s29] =	ssyncset.done $0x0  }
0x182: {  	[sflag:s29] =	ssyncadd.s32 $0xFFFFEC00  }
0x183: {  	_ =	swait.ge [sflag:s29], $0x1400  }
0x184: {  	[sflag:s29] =	ssyncset.done $0x0  }
0x185: {  	[sflag:s29] =	ssyncadd.s32 $0xFFFFEC00  }
0x186: {  	_ =	swait.ge [sflag:s29], $0x1400  }
0x187: {  	[sflag:s29] =	ssyncset.done $0x0  }
0x188: {  	[sflag:s29] =	ssyncadd.s32 $0xFFFFEC00  }
0x189: {  	_ =	swait.ge [sflag:s29], $0x1400  }
0x18a: {  	s31 =	simm.s32 $0xC80;
	s3 =	simm.s32 $0x1900;
	[sflag:s29] =	ssyncset.done $0x0  }
.LBB2_4:
0x18b: {  	s0 =	sshra.s32 s31, $0x2  }
0x18c: {  	[sflag:s29] =	ssyncadd.s32 $0xFFFFEC00;
	s31 =	smov.u32 s3;
	s1 =	sadd.s32 $0xC80, s3  }
0x18d: {  	[tilespmem:s17], [sflag:$0x1] =	stream.indirect.gather [hbm4b:s8+s16], $0x40, s0, s16, $0xb8;
	[tilespmem:$0x1B940] =	vst v63  }
0x18e: {  	p0 =	sne.s32 s3, $0x8980;
	s3 =	sadd.s32 $0x50, s0  }
0x18f: {  	[tilespmem:s18], [sflag:$0x1] =	stream.indirect.gather [hbm4b:s8+s16], $0x40, s3, s16, $0xb8;
	[tilespmem:$0x1B940] =	vst v63  }
0x190: {  	s3 =	sadd.s32 $0xA0, s0  }
0x191: {  	[tilespmem:s19], [sflag:$0x1] =	stream.indirect.gather [hbm4b:s8+s16], $0x40, s3, s16, $0xb8;
	[tilespmem:$0x1B940] =	vst v63  }
0x192: {  	s3 =	sadd.s32 $0xF0, s0  }
0x193: {  	[tilespmem:s20], [sflag:$0x1] =	stream.indirect.gather [hbm4b:s8+s16], $0x40, s3, s16, $0xb8;
	[tilespmem:$0x1B940] =	vst v63  }
0x194: {  	s3 =	sadd.s32 $0x140, s0  }
0x195: {  	[tilespmem:s21], [sflag:$0x1] =	stream.indirect.gather [hbm4b:s8+s16], $0x40, s3, s16, $0xb8;
	[tilespmem:$0x1B940] =	vst v63  }
0x196: {  	s3 =	sadd.s32 $0x190, s0  }
0x197: {  	[tilespmem:s22], [sflag:$0x1] =	stream.indirect.gather [hbm4b:s8+s16], $0x40, s3, s16, $0xb8;
	[tilespmem:$0x1B940] =	vst v63  }
0x198: {  	s3 =	sadd.s32 $0x1E0, s0  }
0x199: {  	[tilespmem:s23], [sflag:$0x1] =	stream.indirect.gather [hbm4b:s8+s16], $0x40, s3, s16, $0xb8;
	[tilespmem:$0x1B940] =	vst v63  }
0x19a: {  	s3 =	sadd.s32 $0x230, s0  }
0x19b: {  	[tilespmem:s24], [sflag:$0x1] =	stream.indirect.gather [hbm4b:s8+s16], $0x40, s3, s16, $0xb8;
	[tilespmem:$0x1B940] =	vst v63  }
0x19c: {  	s3 =	sadd.s32 $0x280, s0  }
0x19d: {  	[tilespmem:s25], [sflag:$0x1] =	stream.indirect.gather [hbm4b:s8+s16], $0x40, s3, s16, $0xb8;
	[tilespmem:$0x1B940] =	vst v63  }
0x19e: {  	s3 =	sadd.s32 $0x2D0, s0  }
0x19f: {  	[tilespmem:s26], [sflag:$0x1] =	stream.indirect.gather [hbm4b:s8+s16], $0x40, s3, s16, $0xb8;
	[tilespmem:$0x1B940] =	vst v63  }
0x1a0: {  	_ =	swait.ge [sflag:s28], $0x1400  }
0x1a1: {  	[sflag:s28] =	ssyncset.done $0x0  }
0x1a2: {  	s3 =	sadd.s32 $0x28A0, s0;
	[sflag:s28] =	ssyncadd.s32 $0xFFFFEC00  }
0x1a3: {  	[spmem:s2] =	stream.indirect.scatter.add.f32 [tilespmem:s17], [sflag:$0x2], $0x40, s3, s16, $0xb8;
	[tilespmem:$0x1B940] =	vst v63  }
0x1a4: {  	_ =	swait.ge [sflag:s28], $0x1400  }
0x1a5: {  	[sflag:s28] =	ssyncset.done $0x0  }
0x1a6: {  	s3 =	sadd.s32 $0x28F0, s0;
	[sflag:s28] =	ssyncadd.s32 $0xFFFFEC00  }
0x1a7: {  	[spmem:s2] =	stream.indirect.scatter.add.f32 [tilespmem:s18], [sflag:$0x2], $0x40, s3, s16, $0xb8;
	[tilespmem:$0x1B940] =	vst v63  }
0x1a8: {  	_ =	swait.ge [sflag:s28], $0x1400  }
0x1a9: {  	[sflag:s28] =	ssyncset.done $0x0  }
0x1aa: {  	s3 =	sadd.s32 $0x2940, s0;
	[sflag:s28] =	ssyncadd.s32 $0xFFFFEC00  }
0x1ab: {  	[spmem:s2] =	stream.indirect.scatter.add.f32 [tilespmem:s19], [sflag:$0x2], $0x40, s3, s16, $0xb8;
	[tilespmem:$0x1B940] =	vst v63  }
0x1ac: {  	_ =	swait.ge [sflag:s28], $0x1400  }
0x1ad: {  	[sflag:s28] =	ssyncset.done $0x0  }
0x1ae: {  	s3 =	sadd.s32 $0x2990, s0;
	[sflag:s28] =	ssyncadd.s32 $0xFFFFEC00  }
0x1af: {  	[spmem:s2] =	stream.indirect.scatter.add.f32 [tilespmem:s20], [sflag:$0x2], $0x40, s3, s16, $0xb8;
	[tilespmem:$0x1B940] =	vst v63  }
0x1b0: {  	_ =	swait.ge [sflag:s28], $0x1400  }
0x1b1: {  	[sflag:s28] =	ssyncset.done $0x0  }
0x1b2: {  	s3 =	sadd.s32 $0x29E0, s0;
	[sflag:s28] =	ssyncadd.s32 $0xFFFFEC00  }
0x1b3: {  	[spmem:s2] =	stream.indirect.scatter.add.f32 [tilespmem:s21], [sflag:$0x2], $0x40, s3, s16, $0xb8;
	[tilespmem:$0x1B940] =	vst v63  }
0x1b4: {  	_ =	swait.ge [sflag:s28], $0x1400  }
0x1b5: {  	[sflag:s28] =	ssyncset.done $0x0  }
0x1b6: {  	s3 =	sadd.s32 $0x2A30, s0;
	[sflag:s28] =	ssyncadd.s32 $0xFFFFEC00  }
0x1b7: {  	[spmem:s2] =	stream.indirect.scatter.add.f32 [tilespmem:s22], [sflag:$0x2], $0x40, s3, s16, $0xb8;
	[tilespmem:$0x1B940] =	vst v63  }
0x1b8: {  	_ =	swait.ge [sflag:s28], $0x1400  }
0x1b9: {  	[sflag:s28] =	ssyncset.done $0x0  }
0x1ba: {  	s3 =	sadd.s32 $0x2A80, s0;
	[sflag:s28] =	ssyncadd.s32 $0xFFFFEC00  }
0x1bb: {  	[spmem:s2] =	stream.indirect.scatter.add.f32 [tilespmem:s23], [sflag:$0x2], $0x40, s3, s16, $0xb8;
	[tilespmem:$0x1B940] =	vst v63  }
0x1bc: {  	_ =	swait.ge [sflag:s28], $0x1400  }
0x1bd: {  	[sflag:s28] =	ssyncset.done $0x0  }
0x1be: {  	s3 =	sadd.s32 $0x2AD0, s0;
	[sflag:s28] =	ssyncadd.s32 $0xFFFFEC00  }
0x1bf: {  	[spmem:s2] =	stream.indirect.scatter.add.f32 [tilespmem:s24], [sflag:$0x2], $0x40, s3, s16, $0xb8;
	[tilespmem:$0x1B940] =	vst v63  }
0x1c0: {  	_ =	swait.ge [sflag:s28], $0x1400  }
0x1c1: {  	[sflag:s28] =	ssyncset.done $0x0  }
0x1c2: {  	s3 =	sadd.s32 $0x2B20, s0;
	[sflag:s28] =	ssyncadd.s32 $0xFFFFEC00  }
0x1c3: {  	[spmem:s2] =	stream.indirect.scatter.add.f32 [tilespmem:s25], [sflag:$0x2], $0x40, s3, s16, $0xb8;
	[tilespmem:$0x1B940] =	vst v63  }
0x1c4: {  	_ =	swait.ge [sflag:s28], $0x1400  }
0x1c5: {  	[sflag:s28] =	ssyncset.done $0x0  }
0x1c6: {  	s0 =	sadd.s32 $0x2B70, s0;
	[sflag:s28] =	ssyncadd.s32 $0xFFFFEC00  }
0x1c7: {  	[spmem:s2] =	stream.indirect.scatter.add.f32 [tilespmem:s26], [sflag:$0x2], $0x40, s0, s16, $0xb8;
	[tilespmem:$0x1B940] =	vst v63  }
0x1c8: {  	_ =	swait.ge [sflag:s29], $0x1400  }
0x1c9: {  	[sflag:s29] =	ssyncset.done $0x0  }
0x1ca: {  	[sflag:s29] =	ssyncadd.s32 $0xFFFFEC00  }
0x1cb: {  	_ =	swait.ge [sflag:s29], $0x1400  }
0x1cc: {  	[sflag:s29] =	ssyncset.done $0x0  }
0x1cd: {  	[sflag:s29] =	ssyncadd.s32 $0xFFFFEC00  }
0x1ce: {  	_ =	swait.ge [sflag:s29], $0x1400  }
0x1cf: {  	[sflag:s29] =	ssyncset.done $0x0  }
0x1d0: {  	[sflag:s29] =	ssyncadd.s32 $0xFFFFEC00  }
0x1d1: {  	_ =	swait.ge [sflag:s29], $0x1400  }
0x1d2: {  	[sflag:s29] =	ssyncset.done $0x0  }
0x1d3: {  	[sflag:s29] =	ssyncadd.s32 $0xFFFFEC00  }
0x1d4: {  	_ =	swait.ge [sflag:s29], $0x1400  }
0x1d5: {  	[sflag:s29] =	ssyncset.done $0x0  }
0x1d6: {  	[sflag:s29] =	ssyncadd.s32 $0xFFFFEC00  }
0x1d7: {  	_ =	swait.ge [sflag:s29], $0x1400  }
0x1d8: {  	[sflag:s29] =	ssyncset.done $0x0  }
0x1d9: {  	[sflag:s29] =	ssyncadd.s32 $0xFFFFEC00  }
0x1da: {  	_ =	swait.ge [sflag:s29], $0x1400  }
0x1db: {  	[sflag:s29] =	ssyncset.done $0x0  }
0x1dc: {  	[sflag:s29] =	ssyncadd.s32 $0xFFFFEC00  }
0x1dd: {  	_ =	swait.ge [sflag:s29], $0x1400  }
0x1de: {  	[sflag:s29] =	ssyncset.done $0x0  }
0x1df: {  	[sflag:s29] =	ssyncadd.s32 $0xFFFFEC00  }
.Ltmp1:
0x1e0: {  	_ =	swait.ge [sflag:s29], $0x1400;
	(pc) =	sbr.rel @p0 .LBB2_4-.Ltmp1, $4  }
0x1e1: {  	[sflag:s29] =	ssyncset.done $0x0  }
0x1e2: {  	[sflag:s29] =	ssyncadd.s32 $0xFFFFEC00  }
0x1e3: {  	_ =	swait.ge [sflag:s29], $0x1400  }
0x1e4: {  	s3 =	smov.u32 s1;
	[sflag:s29] =	ssyncset.done $0x0  }
0x1e5: {  	s0 =	sshra.s32 s31, $0x2;
	[sflag:s29] =	ssyncadd.s32 $0xFFFFEC00  }
0x1e6: {  	[tilespmem:s17], [sflag:$0x1] =	stream.indirect.gather [hbm4b:s8+s16], $0x40, s0, s16, $0xb8;
	[tilespmem:$0x1B940] =	vst v63  }
0x1e7: {  	s1 =	sadd.s32 $0x50, s0  }
0x1e8: {  	[tilespmem:s18], [sflag:$0x1] =	stream.indirect.gather [hbm4b:s8+s16], $0x40, s1, s16, $0xb8;
	[tilespmem:$0x1B940] =	vst v63  }
0x1e9: {  	s31 =	sadd.s32 $0xA0, s0  }
0x1ea: {  	[tilespmem:s19], [sflag:$0x1] =	stream.indirect.gather [hbm4b:s8+s16], $0x40, s31, s16, $0xb8;
	[tilespmem:$0x1B940] =	vst v63  }
0x1eb: {  	s3 =	sadd.s32 $0xF0, s0  }
0x1ec: {  	[tilespmem:s20], [sflag:$0x1] =	stream.indirect.gather [hbm4b:s8+s16], $0x40, s3, s16, $0xb8;
	[tilespmem:$0x1B940] =	vst v63  }
0x1ed: {  	s31 =	sadd.s32 $0x140, s0  }
0x1ee: {  	[tilespmem:s21], [sflag:$0x1] =	stream.indirect.gather [hbm4b:s8+s16], $0x40, s31, s16, $0xb8;
	[tilespmem:$0x1B940] =	vst v63  }
0x1ef: {  	s3 =	sadd.s32 $0x190, s0  }
0x1f0: {  	[tilespmem:s22], [sflag:$0x1] =	stream.indirect.gather [hbm4b:s8+s16], $0x40, s3, s16, $0xb8;
	[tilespmem:$0x1B940] =	vst v63  }
0x1f1: {  	s31 =	sadd.s32 $0x1E0, s0  }
0x1f2: {  	[tilespmem:s23], [sflag:$0x1] =	stream.indirect.gather [hbm4b:s8+s16], $0x40, s31, s16, $0xb8;
	[tilespmem:$0x1B940] =	vst v63  }
0x1f3: {  	s3 =	sadd.s32 $0x230, s0  }
0x1f4: {  	[tilespmem:s24], [sflag:$0x1] =	stream.indirect.gather [hbm4b:s8+s16], $0x40, s3, s16, $0xb8;
	[tilespmem:$0x1B940] =	vst v63  }
0x1f5: {  	s31 =	sadd.s32 $0x280, s0  }
0x1f6: {  	[tilespmem:s25], [sflag:$0x1] =	stream.indirect.gather [hbm4b:s8+s16], $0x40, s31, s16, $0xb8;
	[tilespmem:$0x1B940] =	vst v63  }
0x1f7: {  	s3 =	sadd.s32 $0x2D0, s0  }
0x1f8: {  	[tilespmem:s26], [sflag:$0x1] =	stream.indirect.gather [hbm4b:s8+s16], $0x40, s3, s16, $0xb8;
	[tilespmem:$0x1B940] =	vst v63  }
0x1f9: {  	_ =	swait.ge [sflag:s28], $0x1400  }
0x1fa: {  	[sflag:s28] =	ssyncset.done $0x0  }
0x1fb: {  	s31 =	sadd.s32 $0x28A0, s0;
	[sflag:s28] =	ssyncadd.s32 $0xFFFFEC00  }
0x1fc: {  	[spmem:s2] =	stream.indirect.scatter.add.f32 [tilespmem:s17], [sflag:$0x2], $0x40, s31, s16, $0xb8;
	[tilespmem:$0x1B940] =	vst v63  }
0x1fd: {  	_ =	swait.ge [sflag:s28], $0x1400  }
0x1fe: {  	[sflag:s28] =	ssyncset.done $0x0  }
0x1ff: {  	s3 =	sadd.s32 $0x28F0, s0;
	[sflag:s28] =	ssyncadd.s32 $0xFFFFEC00  }
0x200: {  	[spmem:s2] =	stream.indirect.scatter.add.f32 [tilespmem:s18], [sflag:$0x2], $0x40, s3, s16, $0xb8;
	[tilespmem:$0x1B940] =	vst v63  }
0x201: {  	_ =	swait.ge [sflag:s28], $0x1400  }
0x202: {  	[sflag:s28] =	ssyncset.done $0x0  }
0x203: {  	s31 =	sadd.s32 $0x2940, s0;
	[sflag:s28] =	ssyncadd.s32 $0xFFFFEC00  }
0x204: {  	[spmem:s2] =	stream.indirect.scatter.add.f32 [tilespmem:s19], [sflag:$0x2], $0x40, s31, s16, $0xb8;
	[tilespmem:$0x1B940] =	vst v63  }
0x205: {  	_ =	swait.ge [sflag:s28], $0x1400  }
0x206: {  	[sflag:s28] =	ssyncset.done $0x0  }
0x207: {  	s3 =	sadd.s32 $0x2990, s0;
	[sflag:s28] =	ssyncadd.s32 $0xFFFFEC00  }
0x208: {  	[spmem:s2] =	stream.indirect.scatter.add.f32 [tilespmem:s20], [sflag:$0x2], $0x40, s3, s16, $0xb8;
	[tilespmem:$0x1B940] =	vst v63  }
0x209: {  	_ =	swait.ge [sflag:s28], $0x1400  }
0x20a: {  	[sflag:s28] =	ssyncset.done $0x0  }
0x20b: {  	s31 =	sadd.s32 $0x29E0, s0;
	[sflag:s28] =	ssyncadd.s32 $0xFFFFEC00  }
0x20c: {  	[spmem:s2] =	stream.indirect.scatter.add.f32 [tilespmem:s21], [sflag:$0x2], $0x40, s31, s16, $0xb8;
	[tilespmem:$0x1B940] =	vst v63  }
0x20d: {  	_ =	swait.ge [sflag:s28], $0x1400  }
0x20e: {  	[sflag:s28] =	ssyncset.done $0x0  }
0x20f: {  	s3 =	sadd.s32 $0x2A30, s0;
	[sflag:s28] =	ssyncadd.s32 $0xFFFFEC00  }
0x210: {  	[spmem:s2] =	stream.indirect.scatter.add.f32 [tilespmem:s22], [sflag:$0x2], $0x40, s3, s16, $0xb8;
	[tilespmem:$0x1B940] =	vst v63  }
0x211: {  	_ =	swait.ge [sflag:s28], $0x1400  }
0x212: {  	[sflag:s28] =	ssyncset.done $0x0  }
0x213: {  	s31 =	sadd.s32 $0x2A80, s0;
	[sflag:s28] =	ssyncadd.s32 $0xFFFFEC00  }
0x214: {  	[spmem:s2] =	stream.indirect.scatter.add.f32 [tilespmem:s23], [sflag:$0x2], $0x40, s31, s16, $0xb8;
	[tilespmem:$0x1B940] =	vst v63  }
0x215: {  	_ =	swait.ge [sflag:s28], $0x1400  }
0x216: {  	[sflag:s28] =	ssyncset.done $0x0  }
0x217: {  	s3 =	sadd.s32 $0x2AD0, s0;
	[sflag:s28] =	ssyncadd.s32 $0xFFFFEC00  }
0x218: {  	[spmem:s2] =	stream.indirect.scatter.add.f32 [tilespmem:s24], [sflag:$0x2], $0x40, s3, s16, $0xb8;
	[tilespmem:$0x1B940] =	vst v63  }
0x219: {  	_ =	swait.ge [sflag:s28], $0x1400  }
0x21a: {  	[sflag:s28] =	ssyncset.done $0x0  }
0x21b: {  	s31 =	sadd.s32 $0x2B20, s0;
	[sflag:s28] =	ssyncadd.s32 $0xFFFFEC00  }
0x21c: {  	[spmem:s2] =	stream.indirect.scatter.add.f32 [tilespmem:s25], [sflag:$0x2], $0x40, s31, s16, $0xb8;
	[tilespmem:$0x1B940] =	vst v63  }
0x21d: {  	_ =	swait.ge [sflag:s28], $0x1400  }
0x21e: {  	[sflag:s28] =	ssyncset.done $0x0  }
0x21f: {  	s0 =	sadd.s32 $0x2B70, s0;
	[sflag:s28] =	ssyncadd.s32 $0xFFFFEC00  }
0x220: {  	[spmem:s2] =	stream.indirect.scatter.add.f32 [tilespmem:s26], [sflag:$0x2], $0x40, s0, s16, $0xb8;
	[tilespmem:$0x1B940] =	vst v63  }
0x221: {  	_ =	swait.ge [sflag:s29], $0x1400  }
0x222: {  	[sflag:s29] =	ssyncset.done $0x0  }
0x223: {  	[sflag:s29] =	ssyncadd.s32 $0xFFFFEC00  }
0x224: {  	_ =	swait.ge [sflag:s29], $0x1400  }
0x225: {  	[sflag:s29] =	ssyncset.done $0x0  }
0x226: {  	[sflag:s29] =	ssyncadd.s32 $0xFFFFEC00  }
0x227: {  	_ =	swait.ge [sflag:s29], $0x1400  }
0x228: {  	[sflag:s29] =	ssyncset.done $0x0  }
0x229: {  	[sflag:s29] =	ssyncadd.s32 $0xFFFFEC00  }
0x22a: {  	_ =	swait.ge [sflag:s29], $0x1400  }
0x22b: {  	[sflag:s29] =	ssyncset.done $0x0  }
0x22c: {  	[sflag:s29] =	ssyncadd.s32 $0xFFFFEC00  }
0x22d: {  	_ =	swait.ge [sflag:s29], $0x1400  }
0x22e: {  	[sflag:s29] =	ssyncset.done $0x0  }
0x22f: {  	[sflag:s29] =	ssyncadd.s32 $0xFFFFEC00  }
0x230: {  	_ =	swait.ge [sflag:s29], $0x1400  }
0x231: {  	[sflag:s29] =	ssyncset.done $0x0  }
0x232: {  	[sflag:s29] =	ssyncadd.s32 $0xFFFFEC00  }
0x233: {  	_ =	swait.ge [sflag:s29], $0x1400  }
0x234: {  	[sflag:s29] =	ssyncset.done $0x0  }
0x235: {  	[sflag:s29] =	ssyncadd.s32 $0xFFFFEC00  }
0x236: {  	_ =	swait.ge [sflag:s29], $0x1400  }
0x237: {  	[sflag:s29] =	ssyncset.done $0x0  }
0x238: {  	[sflag:s29] =	ssyncadd.s32 $0xFFFFEC00  }
0x239: {  	_ =	swait.ge [sflag:s29], $0x1400  }
0x23a: {  	[sflag:s29] =	ssyncset.done $0x0  }
0x23b: {  	[sflag:s29] =	ssyncadd.s32 $0xFFFFEC00  }
0x23c: {  	_ =	swait.ge [sflag:s29], $0x1400  }
0x23d: {  	s30 =	sadd.s32 $0x1, s30;
	[sflag:s29] =	ssyncset.done $0x0  }
0x23e: {  	p0 =	sne.s32 s30, s12;
	[sflag:s29] =	ssyncadd.s32 $0xFFFFEC00  }
.Ltmp2:
0x23f: {  	[bflag:$0x0] =	sbarrier.arrive $0xFFFF;
	(pc) =	sbr.rel @p0 .LBB2_1-.Ltmp2, $4  }
0x240: {  	[hbm:s11], [sflag:s5] =	dma.local [spmem:s13], $0x1400  }
0x241: {  	_ =	swait.ge [sflag:s14], $0x1400  }
0x242: {  	[sflag:s14] =	ssyncset.done $0x0  }
0x243: {  	[sflag:s14] =	ssyncadd.s32 $0xFFFFEC00  }
0x244: {  	_ =	sfence.sel $0x180000  }
0x245: {  	[bflag:$0x0] =	sbarrier.arrive $0xFFFF  }
0x246: {  	_ =	strace $0x9000004D  }
0x247: {  	s0 =	stileid.u32;
	[bflag:$0x2] =	sbarrier.arrive $0xFFFF  }
0x248: {  	p0 =	sne.s32 s0, $0x0;
	s0 =	rddreg [dreg:$0x2]  }
0x249: {  	s0 =	sadd.s32 @!p0 $0x100000, s0  }
0x24a: {  	[sflag:s0] =	ssyncadd.tile.s32 @!p0 $0x1;
	_ =	shalt  }
.Lfunc_end2:
_tile_overlayer_lowered:
.L_overlay_start_2:
0x24b: {  	(tag) =	ssettag $0x2  }
0x24c: {  	s0 =	rddreg [dreg:$0x0];
	s2 =	stileid.u32  }
0x24d: {  	s1 =	rddreg [dreg:$0x1];
	p0 =	sne.s32 s2, $0x0  }
0x24e: {  	s3 =	rddreg [dreg:$0x2];
	[bflag:$0x3] =	sbarrier.arrive $0xFFFF;
	s2 =	simm.s32 @!p0 $0x1C03  }
0x24f: {  	[timem:s3], [sflag:s2] =	dma.local @!p0 [hbm:s0], s1  }
0x250: {  	s0 =	simm.s32 @!p0 $0x3  }
0x251: {  	_ =	swait.ge @!p0 [sflag:s0], s1  }
0x252: {  	s1 =	ssub.s32 @!p0 $0x0, s1;
	[sflag:s0] =	ssyncset.done @!p0 $0x0  }
0x253: {  	[sflag:s0] =	ssyncadd.s32 @!p0 s1  }
0x254: {  	[bflag:$0x3] =	sbarrier.arrive $0xFFFF  }
0x255: {  	_ =	shalt  }

// kernel: kernel.9.cloned.1.call-start
scs
__scs_entry_jumppad:
0x0: {  	(pc) =	sbr.rel $0x88, $3  }
0x1: {  	(tag) =	ssettag $0x0;
	lr =	simm.s32 $0x1  }
0x2: {  	[smem:$0x3F99] =	sst lr;
	_ =	strace $0xD0000000  }
0x3: {  	_ = 	snop  }
0x4: {  	_ = 	snop  }
0x5: {  	_ = 	snop  }
0x6: {  	_ = 	snop  }
0x7: {  	_ = 	snop  }
__scs_overlays_trampoline_lowered:
0x8: {  	[smem:$0x3FA8] =	sst s0  }
0x9: {  	[smem:$0x3FA9] =	sst s1  }
0xa: {  	[smem:$0x3FAA] =	sst s2  }
0xb: {  	[smem:$0x3FAB] =	sst s3  }
0xc: {  	[smem:$0x3FAC] =	sst s4  }
0xd: {  	[smem:$0x3FAD] =	sst s5  }
0xe: {  	[smem:$0x3FAE] =	sst s6  }
0xf: {  	[smem:$0x3FAF] =	sst s7  }
0x10: {  	[smem:$0x3FB0] =	sst s8  }
0x11: {  	[smem:$0x3FB1] =	sst s9;
	s0 =	simm.s32 @!p0 $0x0  }
0x12: {  	s1 =	sld [smem:$0x3F97];
	s0 =	simm.s32 @p0 $0x1  }
0x13: {  	[smem:$0x3FB2] =	sst s0;
	s0 =	simm.s32 @!p1 $0x0  }
0x14: {  	s2 =	sld [smem:$0x3F96];
	s0 =	simm.s32 @p1 $0x1  }
0x15: {  	[smem:$0x3FB3] =	sst s0;
	s0 =	simm.s32 @!p2 $0x0  }
0x16: {  	s3 =	sld [smem:$0x3FDB];
	s0 =	simm.s32 @p2 $0x1  }
0x17: {  	s4 =	simm.s32 $0x1BF5;
	[smem:$0x3FB5] =	sst s0  }
0x18: {  	s0 =	sld [smem:$0x3F98];
	_ =	swait.ge [sflag:s4], $0x0  }
0x19: {  	s7 =	sld [smem:$0x3F99]  }
0x1a: {  	s8 =	sadd.s32 $0xFFFFE003, lr  }
0x1b: {  	s9 =	sadd.s32 $0xFFFFFEF7, lr;
	s5 =	simm.s32 $0xFFFFFFFF;
	p2 =	slt.u32 s8, $0xFFFFF086  }
0x1c: {  	p1 =	slt.u32 s9, $0xF7A;
	s5 =	simm.s32 @!p2 $0x0  }
0x1d: {  	s5 =	simm.s32 @p1 $0x1;
	p0 =	seq.s32 s7, s2  }
0x1e: {  	s7 =	smul.u32 @!p0 $0xF7A, s2;
	p2 =	seq.s32 @!p0 s5, $0x0  }
0x1f: {  	s9 =	smul.u32 $0xF7A, s1;
	s8 =	simm.s32 @!p0 $0x1BF5;
	p2 =	por !p2, p0  }
0x20: {  	[sflag:s8] =	ssyncset.s32 @!p0 $0xFFFFF086;
	s6 =	sadd.s32 @!p0 s3, s7;
	s7 =	simm.s32 @!p0 $0x108  }
0x21: {  	s3 =	sadd.s32 s3, s9;
	s6 =	sadd.s32 @!p0 $0x88, s6;
	s7 =	simm.s32 @p2 $0x1082  }
0x22: {  	[simem:s7], [sflag:s8] =	dma.local @!p0 [hbm:s6], $0xF7A  }
0x23: {  	s9 =	sor.u32 $0xD0000000, s2;
	s6 =	simm.s32 $0x108;
	_ =	swait.ge @!p0 [sflag:s8], $0x0  }
0x24: {  	s3 =	sadd.s32 $0x88, s3;
	s6 =	simm.s32 @!p1 $0x1082;
	[sflag:s4] =	ssyncset.s32 $0xFFFFF086  }
0x25: {  	[simem:s6], [sflag:s4] =	dma.local [hbm:s3], $0xF7A  }
0x26: {  	[smem:$0x3F99] =	sst s1;
	(tag) =	ssettag s2;
	_ =	strace s9  }
0x27: {  	s1 =	sld [smem:$0x3FA9]  }
0x28: {  	s2 =	sld [smem:$0x3FAA]  }
0x29: {  	s4 =	sld [smem:$0x3FAC]  }
0x2a: {  	p0 =	seq.s32 s5, $0x0;
	s5 =	sld [smem:$0x3FAD]  }
0x2b: {  	s6 =	sld [smem:$0x3FAE]  }
0x2c: {  	s7 =	sld [smem:$0x3FAF]  }
0x2d: {  	s3 =	simm.s32 $0x108;
	s8 =	sld [smem:$0x3FB0]  }
0x2e: {  	s3 =	simm.s32 @!p0 $0x1082;
	s9 =	sld [smem:$0x3FB1]  }
0x2f: {  	lr =	sadd.s32 s0, s3;
	s0 =	sld [smem:$0x3FA8]  }
0x30: {  	s3 =	sld [smem:$0x3FAB]  }
0x31: {  	[smem:$0x3FB4] =	sst s10  }
0x32: {  	s10 =	sld [smem:$0x3FB2];
	_ =	sdelay $0x3  }
0x33: {  	p0 =	seq.s32 s10, $0x1;
	s10 =	sld [smem:$0x3FB4];
	_ =	sdelay $0x3  }
0x34: {  	[smem:$0x3FB4] =	sst s10  }
0x35: {  	s10 =	sld [smem:$0x3FB3];
	_ =	sdelay $0x3  }
0x36: {  	p1 =	seq.s32 s10, $0x1;
	s10 =	sld [smem:$0x3FB4];
	_ =	sdelay $0x3  }
0x37: {  	[smem:$0x3FB4] =	sst s10  }
0x38: {  	s10 =	sld [smem:$0x3FB5]  }
0x39: {  	_ = 	snop;
	(pc) =	sbr.ind lr, $3  }
0x3a: {  	_ = 	snop  }
0x3b: {  	_ = 	snop  }
0x3c: {  	p2 =	seq.s32 s10, $0x1;
	s10 =	sld [smem:$0x3FB4]  }
0x3d: {  	_ =	shalt  }
0x3e: {  	_ =	shalt  }
0x3f: {  	_ =	shalt  }
0x40: {  	_ =	shalt  }
0x41: {  	_ =	shalt  }
0x42: {  	_ =	shalt  }
0x43: {  	_ =	shalt  }
0x44: {  	_ =	shalt  }
0x45: {  	_ =	shalt  }
0x46: {  	_ =	shalt  }
0x47: {  	_ =	shalt  }
0x48: {  	_ =	shalt  }
0x49: {  	_ =	shalt  }
0x4a: {  	_ =	shalt  }
0x4b: {  	_ =	shalt  }
0x4c: {  	_ =	shalt  }
0x4d: {  	_ =	shalt  }
0x4e: {  	_ =	shalt  }
0x4f: {  	_ =	shalt  }
0x50: {  	_ =	shalt  }
0x51: {  	_ =	shalt  }
0x52: {  	_ =	shalt  }
0x53: {  	_ =	shalt  }
0x54: {  	_ =	shalt  }
0x55: {  	_ =	shalt  }
0x56: {  	_ =	shalt  }
0x57: {  	_ =	shalt  }
0x58: {  	_ =	shalt  }
0x59: {  	_ =	shalt  }
0x5a: {  	_ =	shalt  }
0x5b: {  	_ =	shalt  }
0x5c: {  	_ =	shalt  }
0x5d: {  	_ =	shalt  }
0x5e: {  	_ =	shalt  }
0x5f: {  	_ =	shalt  }
0x60: {  	_ =	shalt  }
0x61: {  	_ =	shalt  }
0x62: {  	_ =	shalt  }
0x63: {  	_ =	shalt  }
0x64: {  	_ =	shalt  }
0x65: {  	_ =	shalt  }
0x66: {  	_ =	shalt  }
0x67: {  	_ =	shalt  }
0x68: {  	_ =	shalt  }
0x69: {  	_ =	shalt  }
0x6a: {  	_ =	shalt  }
0x6b: {  	_ =	shalt  }
0x6c: {  	_ =	shalt  }
0x6d: {  	_ =	shalt  }
0x6e: {  	_ =	shalt  }
0x6f: {  	_ =	shalt  }
0x70: {  	_ =	shalt  }
0x71: {  	_ =	shalt  }
0x72: {  	_ =	shalt  }
0x73: {  	_ =	shalt  }
0x74: {  	_ =	shalt  }
0x75: {  	_ =	shalt  }
0x76: {  	_ =	shalt  }
0x77: {  	_ =	shalt  }
0x78: {  	_ =	shalt  }
0x79: {  	_ =	shalt  }
0x7a: {  	_ =	shalt  }
0x7b: {  	_ =	shalt  }
0x7c: {  	_ =	shalt  }
0x7d: {  	_ =	shalt  }
0x7e: {  	_ =	shalt  }
0x7f: {  	_ =	shalt  }
0x80: {  	_ =	shalt  }
0x81: {  	_ =	shalt  }
0x82: {  	_ =	shalt  }
0x83: {  	_ =	shalt  }
0x84: {  	_ =	shalt  }
0x85: {  	_ =	shalt  }
0x86: {  	_ =	shalt  }
0x87: {  	_ =	shalt  }
.Lfunc_end0:
.L_simem_size_0:
called_computation_lowered:
.L_overlay_start_0:
0x88: {  	s2 =	sld [smem:$0x3FD9]  }
0x89: {  	s3 =	sld [smem:$0x3FFE];
	_ =	sdelay $0x1  }
0x8a: {  	s1 =	srdreg.scid  }
0x8b: {  	s0 =	sand.u32 $0x1, s1  }
0x8c: {  	s17 =	sshll.u32 s0, $0xA;
	s2 =	sadd.s32 s3, s2  }
0x8d: {  	s2 =	sadd.s32 s2, s17  }
0x8e: {  	[smem:$0x3FC0] =	sst s2  }
0x8f: {  	_ = 	snop  }
0x90: {  	s2 =	sld [smem:$0x3FD0];
	(tm) =	ssettm $0x1  }
0x91: {  	s18 =	sld [smem:$0x3FFB];
	_ =	sdelay $0x3  }
0x92: {  	_ =	strace s18  }
0x93: {  	s3 =	sld [smem:$0x3FFC];
	_ =	sdelay $0x3  }
0x94: {  	_ =	strace s3  }
0x95: {  	s3 =	sld [smem:$0x3FFD];
	_ =	sdelay $0x3  }
0x96: {  	_ =	strace s3  }
0x97: {  	_ =	strace $0x8FFFFFFF  }
0x98: {  	s19 =	sld [smem:$0x3FDB];
	_ =	sdelay $0x1  }
0x99: {  	s4 =	simm.s32 $_scs_section_size  }
0x9a: {  	s5 =	simm.s32 $_size__tile_overlayer_lowered;
	s6 =	simm.s32 $_tile_overlayer_lowered  }
0x9b: {  	s22 =	simm.s32 $0x1BFF;
	s21 =	sshll.u32 s6, $0x1;
	s3 =	sadd.s32 s4, s19  }
0x9c: {  	s7 =	simm.s32 $0x0;
	s20 =	sshll.u32 s5, $0x1;
	s5 =	sadd.s32 s21, s3  }
0x9d: {  	[timem:s7], [sflag:s22] =	dma.local [hbm:s5], s20  }
0x9e: {  	_ =	swait.ge [sflag:s22], s20  }
0x9f: {  	s4 =	ssub.s32 $0x0, s20;
	[sflag:s22] =	ssyncset.done $0x0  }
0xa0: {  	[sflag:s22] =	ssyncadd.s32 s4;
	_ =	sdelay $0x1  }
0xa1: {  	s23 =	simm.s32 $0x1B8B  }
0xa2: {  	_ =	swait.ge [sflag:s23], $0x1  }
0xa3: {  	[sflag:s23] =	ssyncset.done $0x0  }
0xa4: {  	s25 =	simm.s32 $0x1B8E;
	s24 =	sld [smem:$0x3FFE];
	[sflag:s23] =	ssyncadd.s32 $0xFFFFFFFF  }
0xa5: {  	s26 =	simm.s32 $execute0_lowered;
	[smem:$0x3FD2] =	sst s25  }
0xa6: {  	s5 =	sshll.u32 s26, $0x1;
	_ =	strace $0x80000046;
	[dreg:$0x1] =	wrdreg $0xFFFFFFFF  }
0xa7: {  	s28 =	simm.s32 $_size_execute0_lowered;
	s3 =	sadd.s32 s3, s5;
	[dreg:$0x0] =	wrdreg $0x0  }
0xa8: {  	s5 =	sshll.u32 s28, $0x1;
	[dreg:$0x2] =	wrdreg s3  }
0xa9: {  	[dreg:$0x3] =	wrdreg s5  }
0xaa: {  	[dreg:$0x4] =	wrdreg $0xC0  }
0xab: {  	_ =	task [dreg:s7], $0x5FFFF  }
0xac: {  	[dreg:$0x1] =	wrdreg $0xFFFFFFFF  }
0xad: {  	[dreg:$0x0] =	wrdreg $0x60  }
0xae: {  	[dreg:$0x2] =	wrdreg s24  }
0xaf: {  	[dreg:$0x3] =	wrdreg s2  }
0xb0: {  	[dreg:$0x4] =	wrdreg $0x2C100  }
0xb1: {  	[dreg:$0x5] =	wrdreg $0x9  }
0xb2: {  	_ =	task.clear_ibuf [dreg:s7], $0x6FFFF;
	_ =	strace $0x90000046  }
0xb3: {  	s29 =	simm.s32 $0x9;
	_ =	strace $0x80000048  }
0xb4: {  	_ =	swait.ge [sflag:s29], $0x1  }
0xb5: {  	[sflag:s29] =	ssyncadd.s32 $0xFFFFFFFF  }
0xb6: {  	_ =	strace $0x90000048  }
0xb7: {  	_ =	sfence  }
0xb8: {  	s30 =	sld [smem:$0x0];
	_ =	sdelay $0x2  }
0xb9: {  	s31 =	sshll.u32 s1, $0xD;
	s1 =	sshrl.u32 s1, $0x2  }
0xba: {  	s3 =	sand.u32 $0x4000, s31;
	s1 =	sadd.s32 s1, s30  }
0xbb: {  	s0 =	sor.u32 s3, s0;
	s1 =	sshll.u32 s1, $0x11  }
0xbc: {  	s0 =	sor.u32 s1, s0  }
0xbd: {  	s0 =	sadd.s32 $0x8F2B, s0  }
0xbe: {  	[sflag:s0] =	ssyncadd.remote.s32 $0x1  }
0xbf: {  	_ =	sfence.sel $0xFFFF  }
0xc0: {  	[dreg:$0x0] =	wrdreg $0xFFFFFFFF;
	(pc) =	sbr.abs _section_cstart, $3  }
0xc1: {  	[dreg:$0x1] =	wrdreg $0xFFFFFFFF  }
0xc2: {  	_ =	task.clear_ibuf [dreg:s7], $0x2FFFF;
	_ =	strace $0x9FFFFFFF  }
0xc3: {  	(tm) =	ssettm $0x7FFFFFFF  }
tec
execute0_lowered:
.L_overlay_start_1:
0x0: {  	(tag) =	ssettag $0x1  }
0x1: {  	s7 =	rddreg [dreg:$0x0]  }
0x2: {  	s2 =	rddreg [dreg:$0x1];
	s1 =	srdreg.scid  }
0x3: {  	s0 =	stileid.u32;
	s3 =	rddreg [dreg:$0x2];
	s4 =	simm.s32 $0x0  }
0x4: {  	s13 =	simm.s32 $0x50;
	s14 =	simm.s32 $0x1;
	s8 =	smul.u32 $0x2800, s0  }
0x5: {  	s6 =	sand.u32 $0x1, s1;
	s1 =	rddreg [dreg:$0x3];
	s9 =	smul.u32 $0x4E20, s0  }
0x6: {  	s15 =	simm.s32 $0x0;
	[smem:$0x7FF] =	sst s4;
	s5 =	smul.u32 $0x28000, s6  }
0x7: {  	s30 =	sshll.u32 s0, $0x6;
	s11 =	smul.u32 $0x2710, s6;
	s6 =	ssub.s32 $0x2, s6  }
0x8: {  	_ =	strace $0x80000047;
	s12 =	sshrl.u32 s6, $0x1;
	s31 =	sadd.s32 s8, s3  }
0x9: {  	s10 =	sadd.s32 s8, s5;
	s5 =	sadd.s32 $0x15C00, s7;
	s9 =	sadd.s32 s11, s9  }
0xa: {  	s29 =	ssub.s32 s6, s12;
	s6 =	sor.u32 $0x1C02, s30;
	s11 =	simm.s32 $0x2  }
0xb: {  	s12 =	simm.s32 $0x2710;
	s10 =	sshrl.u32 s10, $0x3;
	s9 =	sshrl.u32 s9, $0x3  }
0xc: {  	s10 =	sadd.s32 s10, s7;
	s7 =	sadd.s32 s7, s9;
	s9 =	smax.u32 s29, $0x1  }
0xd: {  	s7 =	sadd.s32 $0xBE40, s7;
	s8 =	sadd.s32 $0x16200, s10;
	s10 =	sshrl.u32 s31, $0x3  }
.LBB2_1:
0xe: {  	[spmem:s10], [sflag:s6] =	dma.local [hbm:s5], $0x500  }
0xf: {  	_ =	swait.ge [sflag:s11], $0x500  }
0x10: {  	[sflag:s11] =	ssyncset.done $0x0  }
0x11: {  	[sflag:s11] =	ssyncadd.s32 $0xFFFFFB00  }
0x12: {  	[tilespmem:s12], [sflag:$0x2] =	stream.linear.gather [hbm4b:s2+s4], $0x500, $0x38;
	[tilespmem:$0x5410] =	vst v63  }
0x13: {  	_ =	swait.ge [sflag:s11], $0x500  }
0x14: {  	[sflag:s11] =	ssyncset.done $0x0  }
0x15: {  	[sflag:s11] =	ssyncadd.s32 $0xFFFFFB00  }
0x16: {  	[tilespmem:s4], [sflag:$0x2] =	stream.linear.gather [hbm4b:s7+s4], $0x2710, $0x38;
	[tilespmem:$0x5410] =	vst v63  }
0x17: {  	_ =	swait.ge [sflag:s11], $0x2710  }
0x18: {  	[sflag:s11] =	ssyncset.done $0x0  }
0x19: {  	[sflag:s11] =	ssyncadd.s32 $0xFFFFD8F0  }
0x1a: {  	s16 =	simm.s32 $0x0;
	[bflag:$0x0] =	sbarrier.arrive $0xFFFF  }
0x1b: {  	[spmem:s3] =	stream.indirect.scatter.add.f32 [tilespmem:s12], [sflag:$0x1], $0x10, s16, s13, $0xb8;
	[tilespmem:$0x5410] =	vst v63  }
0x1c: {  	s28 =	simm.s32 $0x50  }
0x1d: {  	[spmem:s3] =	stream.indirect.scatter.add.f32 [tilespmem:s12], [sflag:$0x1], $0x10, s28, s13, $0xb8;
	[tilespmem:$0x5410] =	vst v63  }
0x1e: {  	s29 =	simm.s32 $0xA0  }
0x1f: {  	[spmem:s3] =	stream.indirect.scatter.add.f32 [tilespmem:s12], [sflag:$0x1], $0x10, s29, s13, $0xb8;
	[tilespmem:$0x5410] =	vst v63  }
0x20: {  	s30 =	simm.s32 $0xF0  }
0x21: {  	[spmem:s3] =	stream.indirect.scatter.add.f32 [tilespmem:s12], [sflag:$0x1], $0x10, s30, s13, $0xb8;
	[tilespmem:$0x5410] =	vst v63  }
0x22: {  	s31 =	simm.s32 $0x140  }
0x23: {  	[spmem:s3] =	stream.indirect.scatter.add.f32 [tilespmem:s12], [sflag:$0x1], $0x10, s31, s13, $0xb8;
	[tilespmem:$0x5410] =	vst v63  }
0x24: {  	_ =	swait.ge [sflag:s14], $0x500  }
0x25: {  	[sflag:s14] =	ssyncset.done $0x0  }
0x26: {  	[sflag:s14] =	ssyncadd.s32 $0xFFFFFB00  }
0x27: {  	_ =	swait.ge [sflag:s14], $0x500  }
0x28: {  	[sflag:s14] =	ssyncset.done $0x0  }
0x29: {  	[sflag:s14] =	ssyncadd.s32 $0xFFFFFB00  }
0x2a: {  	_ =	swait.ge [sflag:s14], $0x500  }
0x2b: {  	[sflag:s14] =	ssyncset.done $0x0  }
0x2c: {  	[sflag:s14] =	ssyncadd.s32 $0xFFFFFB00  }
0x2d: {  	_ =	swait.ge [sflag:s14], $0x500  }
0x2e: {  	[sflag:s14] =	ssyncset.done $0x0  }
0x2f: {  	[sflag:s14] =	ssyncadd.s32 $0xFFFFFB00  }
0x30: {  	_ =	swait.ge [sflag:s14], $0x500  }
0x31: {  	s17 =	simm.s32 $0xC80;
	s16 =	simm.s32 $0x640;
	[sflag:s14] =	ssyncset.done $0x0  }
.LBB2_2:
0x32: {  	s18 =	sshra.s32 s16, $0x2  }
0x33: {  	[sflag:s14] =	ssyncadd.s32 $0xFFFFFB00;
	s16 =	smov.u32 s17;
	s19 =	sadd.s32 $0x640, s17  }
0x34: {  	[spmem:s3] =	stream.indirect.scatter.add.f32 [tilespmem:s12], [sflag:$0x1], $0x10, s18, s13, $0xb8;
	[tilespmem:$0x5410] =	vst v63  }
0x35: {  	p0 =	sne.s32 s17, $0x9600;
	s17 =	sadd.s32 $0x50, s18  }
0x36: {  	[spmem:s3] =	stream.indirect.scatter.add.f32 [tilespmem:s12], [sflag:$0x1], $0x10, s17, s13, $0xb8;
	[tilespmem:$0x5410] =	vst v63  }
0x37: {  	s17 =	sadd.s32 $0xA0, s18  }
0x38: {  	[spmem:s3] =	stream.indirect.scatter.add.f32 [tilespmem:s12], [sflag:$0x1], $0x10, s17, s13, $0xb8;
	[tilespmem:$0x5410] =	vst v63  }
0x39: {  	s17 =	sadd.s32 $0xF0, s18  }
0x3a: {  	[spmem:s3] =	stream.indirect.scatter.add.f32 [tilespmem:s12], [sflag:$0x1], $0x10, s17, s13, $0xb8;
	[tilespmem:$0x5410] =	vst v63  }
0x3b: {  	s17 =	sadd.s32 $0x140, s18  }
0x3c: {  	[spmem:s3] =	stream.indirect.scatter.add.f32 [tilespmem:s12], [sflag:$0x1], $0x10, s17, s13, $0xb8;
	[tilespmem:$0x5410] =	vst v63  }
0x3d: {  	_ =	swait.ge [sflag:s14], $0x500  }
0x3e: {  	[sflag:s14] =	ssyncset.done $0x0  }
0x3f: {  	[sflag:s14] =	ssyncadd.s32 $0xFFFFFB00  }
0x40: {  	_ =	swait.ge [sflag:s14], $0x500  }
0x41: {  	[sflag:s14] =	ssyncset.done $0x0  }
0x42: {  	[sflag:s14] =	ssyncadd.s32 $0xFFFFFB00  }
0x43: {  	_ =	swait.ge [sflag:s14], $0x500  }
0x44: {  	[sflag:s14] =	ssyncset.done $0x0  }
0x45: {  	[sflag:s14] =	ssyncadd.s32 $0xFFFFFB00  }
.Ltmp0:
0x46: {  	_ =	swait.ge [sflag:s14], $0x500;
	(pc) =	sbr.rel @p0 .LBB2_2-.Ltmp0, $4  }
0x47: {  	[sflag:s14] =	ssyncset.done $0x0  }
0x48: {  	[sflag:s14] =	ssyncadd.s32 $0xFFFFFB00  }
0x49: {  	_ =	swait.ge [sflag:s14], $0x500  }
0x4a: {  	s17 =	smov.u32 s19;
	[sflag:s14] =	ssyncset.done $0x0  }
0x4b: {  	s16 =	sshra.s32 s16, $0x2;
	[sflag:s14] =	ssyncadd.s32 $0xFFFFFB00  }
0x4c: {  	[spmem:s3] =	stream.indirect.scatter.add.f32 [tilespmem:s12], [sflag:$0x1], $0x10, s16, s13, $0xb8;
	[tilespmem:$0x5410] =	vst v63  }
0x4d: {  	s17 =	sadd.s32 $0x50, s16  }
0x4e: {  	[spmem:s3] =	stream.indirect.scatter.add.f32 [tilespmem:s12], [sflag:$0x1], $0x10, s17, s13, $0xb8;
	[tilespmem:$0x5410] =	vst v63  }
0x4f: {  	s30 =	sadd.s32 $0xA0, s16  }
0x50: {  	[spmem:s3] =	stream.indirect.scatter.add.f32 [tilespmem:s12], [sflag:$0x1], $0x10, s30, s13, $0xb8;
	[tilespmem:$0x5410] =	vst v63  }
0x51: {  	s31 =	sadd.s32 $0xF0, s16  }
0x52: {  	[spmem:s3] =	stream.indirect.scatter.add.f32 [tilespmem:s12], [sflag:$0x1], $0x10, s31, s13, $0xb8;
	[tilespmem:$0x5410] =	vst v63  }
0x53: {  	s16 =	sadd.s32 $0x140, s16  }
0x54: {  	[spmem:s3] =	stream.indirect.scatter.add.f32 [tilespmem:s12], [sflag:$0x1], $0x10, s16, s13, $0xb8;
	[tilespmem:$0x5410] =	vst v63  }
0x55: {  	_ =	swait.ge [sflag:s14], $0x500  }
0x56: {  	[sflag:s14] =	ssyncset.done $0x0  }
0x57: {  	[sflag:s14] =	ssyncadd.s32 $0xFFFFFB00  }
0x58: {  	_ =	swait.ge [sflag:s14], $0x500  }
0x59: {  	[sflag:s14] =	ssyncset.done $0x0  }
0x5a: {  	[sflag:s14] =	ssyncadd.s32 $0xFFFFFB00  }
0x5b: {  	_ =	swait.ge [sflag:s14], $0x500  }
0x5c: {  	[sflag:s14] =	ssyncset.done $0x0  }
0x5d: {  	[sflag:s14] =	ssyncadd.s32 $0xFFFFFB00  }
0x5e: {  	_ =	swait.ge [sflag:s14], $0x500  }
0x5f: {  	[sflag:s14] =	ssyncset.done $0x0  }
0x60: {  	[sflag:s14] =	ssyncadd.s32 $0xFFFFFB00  }
0x61: {  	_ =	swait.ge [sflag:s14], $0x500  }
0x62: {  	s15 =	sadd.s32 $0x1, s15;
	[sflag:s14] =	ssyncset.done $0x0  }
0x63: {  	p0 =	sne.s32 s15, s9;
	[sflag:s14] =	ssyncadd.s32 $0xFFFFFB00  }
.Ltmp1:
0x64: {  	[bflag:$0x0] =	sbarrier.arrive $0xFFFF;
	(pc) =	sbr.rel @p0 .LBB2_1-.Ltmp1, $4  }
0x65: {  	[hbm:s8], [sflag:s6] =	dma.local [spmem:s10], $0x500  }
0x66: {  	_ =	swait.ge [sflag:s11], $0x500  }
0x67: {  	[sflag:s11] =	ssyncset.done $0x0  }
0x68: {  	[sflag:s11] =	ssyncadd.s32 $0xFFFFFB00  }
0x69: {  	_ =	sfence.sel $0x180000  }
0x6a: {  	[bflag:$0x0] =	sbarrier.arrive $0xFFFF  }
0x6b: {  	p0 =	sne.s32 s0, $0x0;
	_ =	strace $0x90000047  }
0x6c: {  	s0 =	sadd.s32 @!p0 $0x100000, s1;
	[bflag:$0x2] =	sbarrier.arrive $0xFFFF  }
0x6d: {  	[sflag:s0] =	ssyncadd.tile.s32 @!p0 $0x1;
	_ =	shalt  }
.Lfunc_end2:
_tile_overlayer_lowered:
.L_overlay_start_2:
0x6e: {  	(tag) =	ssettag $0x2  }
0x6f: {  	s0 =	rddreg [dreg:$0x0];
	s2 =	stileid.u32  }
0x70: {  	s1 =	rddreg [dreg:$0x1];
	p0 =	sne.s32 s2, $0x0  }
0x71: {  	s3 =	rddreg [dreg:$0x2];
	[bflag:$0x3] =	sbarrier.arrive $0xFFFF;
	s2 =	simm.s32 @!p0 $0x1C02  }
0x72: {  	[timem:s3], [sflag:s2] =	dma.local @!p0 [hbm:s0], s1  }
0x73: {  	s0 =	simm.s32 @!p0 $0x2  }
0x74: {  	_ =	swait.ge @!p0 [sflag:s0], s1  }
0x75: {  	s1 =	ssub.s32 @!p0 $0x0, s1;
	[sflag:s0] =	ssyncset.done @!p0 $0x0  }
0x76: {  	[sflag:s0] =	ssyncadd.s32 @!p0 s1  }
0x77: {  	[bflag:$0x3] =	sbarrier.arrive $0xFFFF  }
0x78: {  	_ =	shalt  }

</sc_bundles>
